<compile_context>
chip_gen: v7x
topology: tpu7x:2x2x1
jax: 0.10.2.dev20260603
libtpu: 0.0.44.dev20260713+nightly
codegen_flags: <defaults>
</compile_context>

<pallas_src>
import functools

import jax
import jax.numpy as jnp
from jax import lax
from jax.experimental import pallas as pl
from jax.experimental.pallas import tpu as pltpu
from jax.experimental.pallas import tpu_sc as plsc

N = 10000
E = 320000
D = 128
L = 3
G = 128

NTILES = 16
NCORES = 2
WIN = 128
ROWS_PER_TILE = 632
N_PAD = NTILES * ROWS_PER_TILE
NWIN = 160
E_PAD = NTILES * NWIN * WIN
ICH = 40
NWIN_DEG = 80
E_DEG_PAD = NCORES * NTILES * NWIN_DEG * WIN
DEG_W = 16

BLK = 1000
NBLK = N // BLK

_MM = dict(preferred_element_type=jnp.float32, precision=lax.Precision.HIGHEST)

@functools.cache
def _vec_mesh():
    return plsc.VectorSubcoreMesh(core_axis_name="c", subcore_axis_name="s",
                                  num_cores=NCORES, num_subcores=NTILES)


def _zero_buf(buf, rows, cols):
    zv = jnp.zeros((16,), jnp.float32)

    @pl.loop(0, rows)
    def _(r):
        @pl.loop(0, cols, step=16)
        def _(c):
            buf[r, pl.ds(c, 16)] = zv


def _fill_ones(buf, rows, cols):
    ov = jnp.ones((16,), jnp.float32)

    @pl.loop(0, rows)
    def _(r):
        @pl.loop(0, cols, step=16)
        def _(c):
            buf[r, pl.ds(c, 16)] = ov


def _zero_acc_slice(zbuf, acc, base):
    for k in range(4):
        pltpu.sync_copy(zbuf, acc.at[pl.ds(base + 128 * k, 128)])
    pltpu.sync_copy(zbuf.at[pl.ds(0, ROWS_PER_TILE - 512)],
                    acc.at[pl.ds(base + 512, ROWS_PER_TILE - 512)])


def _writeout_acc_slice(acc, buf, out_hbm, cid, base):
    for k in range(4):
        pltpu.sync_copy(acc.at[pl.ds(base + 128 * k, 128)], buf)
        pltpu.sync_copy(buf, out_hbm.at[cid, pl.ds(base + 128 * k, 128)])
    rem = ROWS_PER_TILE - 512
    pltpu.sync_copy(acc.at[pl.ds(base + 512, rem)], buf.at[pl.ds(0, rem)])
    pltpu.sync_copy(buf.at[pl.ds(0, rem)], out_hbm.at[cid, pl.ds(base + 512, rem)])


@functools.cache
def _make_sc_deg():
    return functools.partial(
        pl.kernel,
        out_type=jax.ShapeDtypeStruct((NCORES, N_PAD, DEG_W), jnp.float32),
        mesh=_vec_mesh(),
        scratch_types=[
            pltpu.VMEM((NWIN_DEG, WIN), jnp.int32),
            pltpu.VMEM((WIN, DEG_W), jnp.float32),
            pltpu.VMEM((128, DEG_W), jnp.float32),
            pltpu.VMEM_SHARED((N_PAD, DEG_W), jnp.float32),
        ],
    )(_sc_deg_body)


def _sc_deg(dstd):
    return _make_sc_deg()(dstd)


def _sc_deg_body(dstd_hbm, out_hbm, dst_v, ones_v, zbuf, acc):
    cid = lax.axis_index("c")
    tid = lax.axis_index("s")
    base = tid * ROWS_PER_TILE
    pltpu.sync_copy(dstd_hbm.at[cid, tid], dst_v)
    _fill_ones(ones_v, WIN, DEG_W)
    _zero_buf(zbuf, 128, DEG_W)
    _zero_acc_slice(zbuf, acc, base)
    plsc.subcore_barrier()

    @pl.loop(0, NWIN_DEG)
    def _(w):
        pltpu.sync_copy(ones_v, acc.at[dst_v.at[w]], add=True)

    plsc.subcore_barrier()
    _writeout_acc_slice(acc, zbuf, out_hbm, cid, base)


@functools.cache
def _make_sc_segsum():
    return functools.partial(
        pl.kernel,
        out_type=jax.ShapeDtypeStruct((NCORES, N_PAD, D), jnp.float32),
        mesh=_vec_mesh(),
        scratch_types=[
            pltpu.VMEM((ICH, WIN), jnp.int32),
            pltpu.VMEM((ICH, WIN), jnp.int32),
            pltpu.VMEM((WIN, D), jnp.float32),
            pltpu.VMEM((WIN, D), jnp.float32),
            pltpu.SemaphoreType.DMA,
            pltpu.SemaphoreType.DMA,
            pltpu.SemaphoreType.DMA,
            pltpu.SemaphoreType.DMA,
            pltpu.VMEM_SHARED((N_PAD, D), jnp.float32),
        ],
    )(_sc_segsum_body)


def _sc_segsum(Y, SWP, srcw, dstw):
    return _make_sc_segsum()(Y, SWP, srcw, dstw)


def _sc_segsum_body(y_hbm, swp_hbm, srcw_hbm, dstw_hbm, out_hbm, src_v, dst_v,
                    bufA, bufB, gsA, gsB, ssA, ssB, acc):
    cid = lax.axis_index("c")
    tid = lax.axis_index("s")
    base = tid * ROWS_PER_TILE
    _zero_buf(bufA, WIN, D)
    _zero_acc_slice(bufA, acc, base)
    plsc.subcore_barrier()

    def _gather(idx_row, buf, sem):
        @pl.when(cid == 0)
        def _():
            pltpu.async_copy(y_hbm.at[idx_row], buf, sem)

        @pl.when(cid == 1)
        def _():
            pltpu.async_copy(swp_hbm.at[idx_row], buf, sem)

    def _gather_wait(buf, sem):
        pltpu.make_async_copy(y_hbm.at[src_v.at[0]], buf, sem).wait()

    def _scatter(buf, idx_row, sem):
        pltpu.async_copy(buf, acc.at[idx_row], sem, add=True)

    def _scatter_wait(buf, sem):
        pltpu.make_async_copy(buf, acc.at[dst_v.at[0]], sem).wait()

    @pl.loop(0, NWIN, step=ICH)
    def _(c0):
        pltpu.sync_copy(srcw_hbm.at[tid, pl.ds(c0, ICH)], src_v)
        pltpu.sync_copy(dstw_hbm.at[tid, pl.ds(c0, ICH)], dst_v)
        _gather(src_v.at[0], bufA, gsA)
        _gather(src_v.at[1], bufB, gsB)

        @pl.loop(2, ICH, step=2)
        def _(w):
            _gather_wait(bufA, gsA)
            _scatter(bufA, dst_v.at[w - 2], ssA)
            _gather_wait(bufB, gsB)
            _scatter(bufB, dst_v.at[w - 1], ssB)
            _scatter_wait(bufA, ssA)
            _gather(src_v.at[w], bufA, gsA)
            _scatter_wait(bufB, ssB)
            _gather(src_v.at[w + 1], bufB, gsB)

        _gather_wait(bufA, gsA)
        _scatter(bufA, dst_v.at[ICH - 2], ssA)
        _gather_wait(bufB, gsB)
        _scatter(bufB, dst_v.at[ICH - 1], ssB)
        _scatter_wait(bufA, ssA)
        _scatter_wait(bufB, ssB)

    plsc.subcore_barrier()
    _writeout_acc_slice(acc, bufA, out_hbm, cid, base)


def _tc0_body(x_ref, s_ref, deg_ref, w1_ref, wg_ref, y_ref, swp_ref, dinv_ref):
    deg = deg_ref[0, :, 0] + deg_ref[1, :, 0] + 1.0
    dinv = jax.lax.rsqrt(deg)[:, None]
    xb = x_ref[...]
    sb = s_ref[...]
    y_ref[...] = (jax.lax.dot_general(xb, w1_ref[:D], (((1,), (0,)), ((), ())), **_MM)
                  + jax.lax.dot_general(sb, w1_ref[D:], (((1,), (0,)), ((), ())), **_MM))
    sw = jax.lax.dot_general(sb, wg_ref[...], (((1,), (0,)), ((), ())), **_MM)
    swp_ref[...] = dinv * sw
    dinv_ref[...] = dinv


def _tc_layer0(x, s, degout, W1_0, Wg_0):
    return pl.pallas_call(
        _tc0_body,
        grid=(NBLK,),
        in_specs=[
            pl.BlockSpec((BLK, D), lambda j: (j, 0)),
            pl.BlockSpec((BLK, D), lambda j: (j, 0)),
            pl.BlockSpec((NCORES, BLK, DEG_W), lambda j: (0, j, 0)),
            pl.BlockSpec((2 * D, D), lambda j: (0, 0)),
            pl.BlockSpec((D, D), lambda j: (0, 0)),
        ],
        out_specs=[
            pl.BlockSpec((BLK, D), lambda j: (j, 0)),
            pl.BlockSpec((BLK, D), lambda j: (j, 0)),
            pl.BlockSpec((BLK, 1), lambda j: (j, 0)),
        ],
        out_shape=[
            jax.ShapeDtypeStruct((N, D), jnp.float32),
            jax.ShapeDtypeStruct((N, D), jnp.float32),
            jax.ShapeDtypeStruct((N, 1), jnp.float32),
        ],
    )(x, s, degout, W1_0, Wg_0)


def _tc_mid_body(y_ref, swp_ref, agg_ref, dinv_ref, w2_ref, bg_ref, w1n_ref,
                 wgn_ref, yn_ref, swpn_ref):
    y = y_ref[...]
    swp = swp_ref[...]
    aggy = agg_ref[0]
    aggs = agg_ref[1]
    dinv = dinv_ref[...]
    h = y + aggy
    h = jnp.where(h >= 0, h, 0.01 * h)
    xn = jax.lax.dot_general(h, w2_ref[...], (((1,), (0,)), ((), ())), **_MM)
    sn = jnp.tanh(dinv * (aggs + swp) + bg_ref[...])
    yn_ref[...] = (jax.lax.dot_general(xn, w1n_ref[:D], (((1,), (0,)), ((), ())), **_MM)
                   + jax.lax.dot_general(sn, w1n_ref[D:], (((1,), (0,)), ((), ())), **_MM))
    swn = jax.lax.dot_general(sn, wgn_ref[...], (((1,), (0,)), ((), ())), **_MM)
    swpn_ref[...] = dinv * swn


def _tc_mid(Y, SWP, agg, dinv, W2_i, bg_i, W1_n, Wg_n):
    return pl.pallas_call(
        _tc_mid_body,
        grid=(NBLK,),
        in_specs=[
            pl.BlockSpec((BLK, D), lambda j: (j, 0)),
            pl.BlockSpec((BLK, D), lambda j: (j, 0)),
            pl.BlockSpec((NCORES, BLK, D), lambda j: (0, j, 0)),
            pl.BlockSpec((BLK, 1), lambda j: (j, 0)),
            pl.BlockSpec((D, D), lambda j: (0, 0)),
            pl.BlockSpec((1, D), lambda j: (0, 0)),
            pl.BlockSpec((2 * D, D), lambda j: (0, 0)),
            pl.BlockSpec((D, D), lambda j: (0, 0)),
        ],
        out_specs=[
            pl.BlockSpec((BLK, D), lambda j: (j, 0)),
            pl.BlockSpec((BLK, D), lambda j: (j, 0)),
        ],
        out_shape=[
            jax.ShapeDtypeStruct((N, D), jnp.float32),
            jax.ShapeDtypeStruct((N, D), jnp.float32),
        ],
    )(Y, SWP, agg, dinv, W2_i, bg_i, W1_n, Wg_n)


def _tc_last_body(y_ref, swp_ref, agg_ref, dinv_ref, w2_ref, bg_ref,
                  x2_ref, s2_ref, s1_ref, ss_ref):
    j = pl.program_id(0)
    y = y_ref[...]
    swp = swp_ref[...]
    h = y + agg_ref[0]
    h = jnp.where(h >= 0, h, 0.01 * h)
    xn = jax.lax.dot_general(h, w2_ref[...], (((1,), (0,)), ((), ())), **_MM)
    sn = jnp.tanh(dinv_ref[...] * (agg_ref[1] + swp) + bg_ref[...])
    x2_ref[...] = xn
    s2_ref[...] = sn
    s1 = jnp.sum(xn, axis=0, keepdims=True)
    ss = jnp.sum(xn * xn, axis=0, keepdims=True)

    @pl.when(j == 0)
    def _():
        s1_ref[...] = s1
        ss_ref[...] = ss

    @pl.when(j != 0)
    def _():
        s1_ref[...] += s1
        ss_ref[...] += ss


def _tc_last(Y, SWP, agg, dinv, W2_i, bg_i):
    return pl.pallas_call(
        _tc_last_body,
        grid=(NBLK,),
        in_specs=[
            pl.BlockSpec((BLK, D), lambda j: (j, 0)),
            pl.BlockSpec((BLK, D), lambda j: (j, 0)),
            pl.BlockSpec((NCORES, BLK, D), lambda j: (0, j, 0)),
            pl.BlockSpec((BLK, 1), lambda j: (j, 0)),
            pl.BlockSpec((D, D), lambda j: (0, 0)),
            pl.BlockSpec((1, D), lambda j: (0, 0)),
        ],
        out_specs=[
            pl.BlockSpec((BLK, D), lambda j: (j, 0)),
            pl.BlockSpec((BLK, D), lambda j: (j, 0)),
            pl.BlockSpec((1, D), lambda j: (0, 0)),
            pl.BlockSpec((1, D), lambda j: (0, 0)),
        ],
        out_shape=[
            jax.ShapeDtypeStruct((N, D), jnp.float32),
            jax.ShapeDtypeStruct((N, D), jnp.float32),
            jax.ShapeDtypeStruct((1, D), jnp.float32),
            jax.ShapeDtypeStruct((1, D), jnp.float32),
        ],
        compiler_params=pltpu.CompilerParams(
            dimension_semantics=("arbitrary",)),
    )(Y, SWP, agg, dinv, W2_i, bg_i)


def _tc_final_body(x2_ref, s2_ref, b_ref, s1_ref, ss_ref, gamma_ref, beta_ref,
                   wh_ref, bh_ref, xl_ref, pooled_ref):
    j = pl.program_id(0)
    mean = s1_ref[...] / N
    var = ss_ref[...] / N - mean * mean
    inv = jax.lax.rsqrt(var + 1e-4)
    xl = (x2_ref[...] - mean) * inv * gamma_ref[...] + beta_ref[...]
    xl_ref[...] = xl
    o = (jax.lax.dot_general(xl, wh_ref[:D], (((1,), (0,)), ((), ())), **_MM)
         + jax.lax.dot_general(s2_ref[...], wh_ref[D:], (((1,), (0,)), ((), ())), **_MM)
         + bh_ref[...])
    gid = jax.lax.broadcasted_iota(jnp.int32, (BLK, G), 1)
    onehot = (b_ref[...] == gid).astype(jnp.float32)
    part = jax.lax.dot_general(onehot, o, (((0,), (0,)), ((), ())), **_MM)

    @pl.when(j == 0)
    def _():
        pooled_ref[...] = part

    @pl.when(j != 0)
    def _():
        pooled_ref[...] += part


def _tc_final(X2, S2, batch, S1, SS, gamma2, beta2, Wh, bh):
    return pl.pallas_call(
        _tc_final_body,
        grid=(NBLK,),
        in_specs=[
            pl.BlockSpec((BLK, D), lambda j: (j, 0)),
            pl.BlockSpec((BLK, D), lambda j: (j, 0)),
            pl.BlockSpec((BLK, 1), lambda j: (j, 0)),
            pl.BlockSpec((1, D), lambda j: (0, 0)),
            pl.BlockSpec((1, D), lambda j: (0, 0)),
            pl.BlockSpec((1, D), lambda j: (0, 0)),
            pl.BlockSpec((1, D), lambda j: (0, 0)),
            pl.BlockSpec((2 * D, D), lambda j: (0, 0)),
            pl.BlockSpec((1, D), lambda j: (0, 0)),
        ],
        out_specs=[
            pl.BlockSpec((BLK, D), lambda j: (j, 0)),
            pl.BlockSpec((G, D), lambda j: (0, 0)),
        ],
        out_shape=[
            jax.ShapeDtypeStruct((N, D), jnp.float32),
            jax.ShapeDtypeStruct((G, D), jnp.float32),
        ],
        compiler_params=pltpu.CompilerParams(
            dimension_semantics=("arbitrary",)),
    )(X2, S2, batch, S1, SS, gamma2, beta2, Wh, bh)


def kernel(x, edge_index, batch, s, W1, W2, gamma, beta, Wg, bg, Wh, bh):
    src = edge_index[0].astype(jnp.int32)
    dst = edge_index[1].astype(jnp.int32)
    srcw = jnp.concatenate(
        [src, jnp.zeros((E_PAD - E,), jnp.int32)]).reshape(NTILES, NWIN, WIN)
    dstw = jnp.concatenate(
        [dst, jnp.full((E_PAD - E,), N_PAD - 1, jnp.int32)]
    ).reshape(NTILES, NWIN, WIN)
    dstd = jnp.concatenate(
        [dst, jnp.full((E_DEG_PAD - E,), N_PAD - 1, jnp.int32)]
    ).reshape(NCORES, NTILES, NWIN_DEG, WIN)

    degout = _sc_deg(dstd)
    Y, SWP, dinv = _tc_layer0(x, s, degout, W1[0], Wg[0])
    X2 = S2 = S1 = SS = None
    for i in range(L):
        agg = _sc_segsum(Y, SWP, srcw, dstw)
        if i < L - 1:
            Y, SWP = _tc_mid(Y, SWP, agg, dinv, W2[i], bg[i].reshape(1, D),
                             W1[i + 1], Wg[i + 1])
        else:
            X2, S2, S1, SS = _tc_last(Y, SWP, agg, dinv, W2[i],
                                      bg[i].reshape(1, D))
    x_local, pooled = _tc_final(X2, S2, batch.astype(jnp.int32).reshape(N, 1),
                                S1, SS, gamma[L - 1].reshape(1, D),
                                beta[L - 1].reshape(1, D), Wh,
                                bh.reshape(1, D))
    return (pooled, x_local)

# --- scband reference (transcript-rebuilt; emitter-appended) ---
"""Pipeline reference for scband-encoder-fedstar-68436008894716 (READ-ONLY COPY).

The authoritative reference and input builder live on the scoring server;
editing this copy changes nothing except your own understanding.
"""

import jax, jax.numpy as jnp
import numpy as np

N = 10000
E = 320000
D = 128
L = 3
G = 128


def setup_inputs(seed: int = 0):
    key = jax.random.key(seed)
    ks = jax.random.split(key, 12)
    x = jax.random.normal(ks[0], (N, D), dtype=jnp.float32)
    s = jax.random.normal(ks[1], (N, D), dtype=jnp.float32)
    edge_index = jax.random.randint(ks[2], (2, E), 0, N)
    batch = jnp.sort(jax.random.randint(ks[3], (N,), 0, G))
    W1 = jax.random.normal(ks[4], (L, 2 * D, D), dtype=jnp.float32) * (1.0 / np.sqrt(2 * D))
    W2 = jax.random.normal(ks[5], (L, D, D), dtype=jnp.float32) * (1.0 / np.sqrt(D))
    gamma = jnp.ones((L, D), dtype=jnp.float32)
    beta = jnp.zeros((L, D), dtype=jnp.float32)
    Wg = jax.random.normal(ks[6], (L, D, D), dtype=jnp.float32) * (1.0 / np.sqrt(D))
    bg = jnp.zeros((L, D), dtype=jnp.float32)
    Wh = jax.random.normal(ks[7], (2 * D, D), dtype=jnp.float32) * (1.0 / np.sqrt(2 * D))
    bh = jnp.zeros((D,), dtype=jnp.float32)
    return {"x": x, "edge_index": edge_index, "batch": batch, "s": s,
            "W1": W1, "W2": W2, "gamma": gamma, "beta": beta,
            "Wg": Wg, "bg": bg, "Wh": Wh, "bh": bh}


def _forward(x, s, W1, W2, gamma, beta, Wg, bg, Wh, bh, src, dst, batch):
    n = x.shape[0]
    self_idx = jnp.arange(n)
    src2 = jnp.concatenate([src, self_idx])
    dst2 = jnp.concatenate([dst, self_idx])
    deg = jnp.zeros((n,), x.dtype).at[dst2].add(1.0)
    dinv = 1.0 / jnp.sqrt(deg)
    norm = (dinv[src2] * dinv[dst2])[:, None]
    x_local = x
    for i in range(L):
        # GINConv on concatenated [x, s] with eps=0: nn((1+eps)*h + sum_j h_j)
        xc = jnp.concatenate([x, s], axis=-1)
        agg = jnp.zeros_like(xc).at[dst].add(xc[src])
        h = xc + agg
        h = jax.nn.leaky_relu(h @ W1[i], 0.01)
        x = h @ W2[i]
        # BatchNorm1d (training-mode batch stats), eps=1e-4
        mean = jnp.mean(x, axis=0)
        var = jnp.mean((x - mean) ** 2, axis=0)
        x_local = (x - mean) / jnp.sqrt(var + 1e-4) * gamma[i] + beta[i]
        # GCNConv on s with self-loops and symmetric normalization
        sw = s @ Wg[i]
        s = jnp.zeros_like(sw).at[dst2].add(norm * sw[src2]) + bg[i]
        s = jnp.tanh(s)
    out = jnp.concatenate([x_local, s], axis=-1) @ Wh + bh
    pooled = jax.ops.segment_sum(out, batch, num_segments=G)
    return (pooled, x_local)


def reference(x, edge_index, batch, s, W1, W2, gamma, beta, Wg, bg, Wh, bh):
    src = edge_index[0]
    dst = edge_index[1]
    return _forward(x, s, W1, W2, gamma, beta, Wg, bg, Wh, bh, src, dst, batch)

if __name__ == "__main__":
    import jax
    _d = setup_inputs()
    print(jax.jit(kernel)(*tuple(_d.values())))

</pallas_src>

<mosaic_0001>
#map = affine_map<(d0, d1) -> (0, 0)>
#map1 = affine_map<(d0, d1) -> (0, 0, 0)>
module attributes {stable_mosaic.version = 14 : i64} {
  func.func @_sc_segsum_body(%arg0: i32, %arg1: i32, %arg2: memref<10000x128xf32, #tpu.memory_space<hbm>>, %arg3: memref<10000x128xf32, #tpu.memory_space<hbm>>, %arg4: memref<16x160x128xi32, #tpu.memory_space<hbm>>, %arg5: memref<16x160x128xi32, #tpu.memory_space<hbm>>, %arg6: memref<2x10112x128xf32, #tpu.memory_space<hbm>>, %arg7: memref<40x128xi32, #tpu.memory_space<vmem>>, %arg8: memref<40x128xi32, #tpu.memory_space<vmem>>, %arg9: memref<128x128xf32, #tpu.memory_space<vmem>>, %arg10: memref<128x128xf32, #tpu.memory_space<vmem>>, %arg11: memref<!tpu.dma_semaphore, #tpu.memory_space<semaphore_mem>>, %arg12: memref<!tpu.dma_semaphore, #tpu.memory_space<semaphore_mem>>, %arg13: memref<!tpu.dma_semaphore, #tpu.memory_space<semaphore_mem>>, %arg14: memref<!tpu.dma_semaphore, #tpu.memory_space<semaphore_mem>>, %arg15: memref<10112x128xf32, #tpu.memory_space<vmem_shared>>) attributes {dimension_semantics = [#tpu.dimension_semantics<core_parallel>, #tpu.dimension_semantics<subcore_parallel>], iteration_bounds = array<i64: 2, 16>, scalar_prefetch = 0 : i64, scratch_operands = 9 : i64, tpu.core_type = #tpu.core_type<sc_vector_subcore>, window_params = [{transform_indices = #map}, {transform_indices = #map}, {transform_indices = #map1}, {transform_indices = #map1}, {transform_indices = #map1}]} {
    %mul3A = arith.constant 632 : i32
    %mul3A_0 = arith.muli %arg1, %mul3A : i32
    %broadcast_in_dim3A = arith.constant 0.000000e+00 : f32
    %broadcast_in_dim3A_1 = vector.broadcast %broadcast_in_dim3A : f32 to vector<16xf32>
    %scan3A = arith.constant 0 : i32
    %scan3A_2 = arith.constant 128 : i32
    %scan3A_3 = arith.addi %scan3A, %scan3A_2 : i32
    %scan3A_4 = arith.constant 1 : i32
    scf.for %scan3A_41 = %scan3A to %scan3A_3 step %scan3A_4  : i32 {
      %mul3A_42 = arith.constant 1 : i32
      %mul3A_43 = arith.muli %scan3A_41, %mul3A_42 : i32
      %add3A_44 = arith.constant 0 : i32
      %add3A_45 = arith.addi %add3A_44, %mul3A_43 : i32
      %scan3A_46 = arith.constant 0 : i32
      %scan3A_47 = arith.constant 8 : i32
      %scan3A_48 = arith.addi %scan3A_46, %scan3A_47 : i32
      %scan3A_49 = arith.constant 1 : i32
      scf.for %scan3A_51 = %scan3A_46 to %scan3A_48 step %scan3A_49  : i32 {
        %mul3A_52 = arith.constant 16 : i32
        %mul3A_53 = arith.muli %scan3A_51, %mul3A_52 : i32
        %add3A_54 = arith.constant 0 : i32
        %add3A_55 = arith.addi %add3A_54, %mul3A_53 : i32
        %swap3A = arith.index_cast %add3A_45 : i32 to index
        %swap3A_56 = arith.index_cast %add3A_55 : i32 to index
        %swap3A_57 = tpu.vector_load %arg9[%swap3A, %swap3A_56] {strides = array<i32>} : memref<128x128xf32, #tpu.memory_space<vmem>>, vector<1x16xf32>,
        %swap3A_58 = vector.shape_cast %swap3A_57 : vector<1x16xf32> to vector<16xf32>
        %swap3A_59 = vector.shape_cast %broadcast_in_dim3A_1 : vector<16xf32> to vector<1x16xf32>
        tpu.vector_store %arg9[%swap3A, %swap3A_56], %swap3A_59 {strides = array<i32>} : memref<128x128xf32, #tpu.memory_space<vmem>>, vector<1x16xf32>,
      }
      %scan3A_50 = arith.constant 8 : i32
    }
    %scan3A_5 = arith.constant 128 : i32
    %add3A = arith.constant 0 : i32
    %add3A_6 = arith.addi %mul3A_0, %add3A : i32
    "tpu.region"() ({
      %run_scoped3A = tpu.sem_alloc : memref<!tpu.dma_semaphore, #tpu.memory_space<semaphore_mem>>
      %dma_start3A = arith.constant 0 : i32
      %dma_start3A_41 = tpu.memref_slice %arg15[%add3A_6, %dma_start3A] : memref<10112x128xf32, #tpu.memory_space<vmem_shared>> -> memref<128x128xf32, #tpu.memory_space<vmem_shared>>
      %dma_start3A_42 = arith.constant 0 : i32
      %dma_start3A_43 = tpu.memref_slice %arg15[%add3A_6, %dma_start3A_42] : memref<10112x128xf32, #tpu.memory_space<vmem_shared>> -> memref<128x128xf32, #tpu.memory_space<vmem_shared>>
      tpu.enqueue_dma source(%arg9 : memref<128x128xf32, #tpu.memory_space<vmem>>) target(%dma_start3A_43 : memref<128x128xf32, #tpu.memory_space<vmem_shared>>) target_semaphore(%run_scoped3A : memref<!tpu.dma_semaphore, #tpu.memory_space<semaphore_mem>>)
      %dma_wait3A = arith.constant 0 : i32
      %dma_wait3A_44 = tpu.memref_slice %arg15[%add3A_6, %dma_wait3A] : memref<10112x128xf32, #tpu.memory_space<vmem_shared>> -> memref<128x128xf32, #tpu.memory_space<vmem_shared>>
      %dma_wait3A_45 = arith.constant 0 : i32
      %dma_wait3A_46 = tpu.memref_slice %arg15[%add3A_6, %dma_wait3A_45] : memref<10112x128xf32, #tpu.memory_space<vmem_shared>> -> memref<128x128xf32, #tpu.memory_space<vmem_shared>>
      tpu.wait_dma2 semaphore(%run_scoped3A : memref<!tpu.dma_semaphore, #tpu.memory_space<semaphore_mem>>) src(%arg9 : memref<128x128xf32, #tpu.memory_space<vmem>>) dst(%dma_wait3A_46 : memref<128x128xf32, #tpu.memory_space<vmem_shared>>)
      tpu.yield
    }) : () -> ()
    %add3A_7 = arith.constant 128 : i32
    %add3A_8 = arith.addi %mul3A_0, %add3A_7 : i32
    "tpu.region"() ({
      %run_scoped3A = tpu.sem_alloc : memref<!tpu.dma_semaphore, #tpu.memory_space<semaphore_mem>>
      %dma_start3A = arith.constant 0 : i32
      %dma_start3A_41 = tpu.memref_slice %arg15[%add3A_8, %dma_start3A] : memref<10112x128xf32, #tpu.memory_space<vmem_shared>> -> memref<128x128xf32, #tpu.memory_space<vmem_shared>>
      %dma_start3A_42 = arith.constant 0 : i32
      %dma_start3A_43 = tpu.memref_slice %arg15[%add3A_8, %dma_start3A_42] : memref<10112x128xf32, #tpu.memory_space<vmem_shared>> -> memref<128x128xf32, #tpu.memory_space<vmem_shared>>
      tpu.enqueue_dma source(%arg9 : memref<128x128xf32, #tpu.memory_space<vmem>>) target(%dma_start3A_43 : memref<128x128xf32, #tpu.memory_space<vmem_shared>>) target_semaphore(%run_scoped3A : memref<!tpu.dma_semaphore, #tpu.memory_space<semaphore_mem>>)
      %dma_wait3A = arith.constant 0 : i32
      %dma_wait3A_44 = tpu.memref_slice %arg15[%add3A_8, %dma_wait3A] : memref<10112x128xf32, #tpu.memory_space<vmem_shared>> -> memref<128x128xf32, #tpu.memory_space<vmem_shared>>
      %dma_wait3A_45 = arith.constant 0 : i32
      %dma_wait3A_46 = tpu.memref_slice %arg15[%add3A_8, %dma_wait3A_45] : memref<10112x128xf32, #tpu.memory_space<vmem_shared>> -> memref<128x128xf32, #tpu.memory_space<vmem_shared>>
      tpu.wait_dma2 semaphore(%run_scoped3A : memref<!tpu.dma_semaphore, #tpu.memory_space<semaphore_mem>>) src(%arg9 : memref<128x128xf32, #tpu.memory_space<vmem>>) dst(%dma_wait3A_46 : memref<128x128xf32, #tpu.memory_space<vmem_shared>>)
      tpu.yield
    }) : () -> ()
    %add3A_9 = arith.constant 256 : i32
    %add3A_10 = arith.addi %mul3A_0, %add3A_9 : i32
    "tpu.region"() ({
      %run_scoped3A = tpu.sem_alloc : memref<!tpu.dma_semaphore, #tpu.memory_space<semaphore_mem>>
      %dma_start3A = arith.constant 0 : i32
      %dma_start3A_41 = tpu.memref_slice %arg15[%add3A_10, %dma_start3A] : memref<10112x128xf32, #tpu.memory_space<vmem_shared>> -> memref<128x128xf32, #tpu.memory_space<vmem_shared>>
      %dma_start3A_42 = arith.constant 0 : i32
      %dma_start3A_43 = tpu.memref_slice %arg15[%add3A_10, %dma_start3A_42] : memref<10112x128xf32, #tpu.memory_space<vmem_shared>> -> memref<128x128xf32, #tpu.memory_space<vmem_shared>>
      tpu.enqueue_dma source(%arg9 : memref<128x128xf32, #tpu.memory_space<vmem>>) target(%dma_start3A_43 : memref<128x128xf32, #tpu.memory_space<vmem_shared>>) target_semaphore(%run_scoped3A : memref<!tpu.dma_semaphore, #tpu.memory_space<semaphore_mem>>)
      %dma_wait3A = arith.constant 0 : i32
      %dma_wait3A_44 = tpu.memref_slice %arg15[%add3A_10, %dma_wait3A] : memref<10112x128xf32, #tpu.memory_space<vmem_shared>> -> memref<128x128xf32, #tpu.memory_space<vmem_shared>>
      %dma_wait3A_45 = arith.constant 0 : i32
      %dma_wait3A_46 = tpu.memref_slice %arg15[%add3A_10, %dma_wait3A_45] : memref<10112x128xf32, #tpu.memory_space<vmem_shared>> -> memref<128x128xf32, #tpu.memory_space<vmem_shared>>
      tpu.wait_dma2 semaphore(%run_scoped3A : memref<!tpu.dma_semaphore, #tpu.memory_space<semaphore_mem>>) src(%arg9 : memref<128x128xf32, #tpu.memory_space<vmem>>) dst(%dma_wait3A_46 : memref<128x128xf32, #tpu.memory_space<vmem_shared>>)
      tpu.yield
    }) : () -> ()
    %add3A_11 = arith.constant 384 : i32
    %add3A_12 = arith.addi %mul3A_0, %add3A_11 : i32
    "tpu.region"() ({
      %run_scoped3A = tpu.sem_alloc : memref<!tpu.dma_semaphore, #tpu.memory_space<semaphore_mem>>
      %dma_start3A = arith.constant 0 : i32
      %dma_start3A_41 = tpu.memref_slice %arg15[%add3A_12, %dma_start3A] : memref<10112x128xf32, #tpu.memory_space<vmem_shared>> -> memref<128x128xf32, #tpu.memory_space<vmem_shared>>
      %dma_start3A_42 = arith.constant 0 : i32
      %dma_start3A_43 = tpu.memref_slice %arg15[%add3A_12, %dma_start3A_42] : memref<10112x128xf32, #tpu.memory_space<vmem_shared>> -> memref<128x128xf32, #tpu.memory_space<vmem_shared>>
      tpu.enqueue_dma source(%arg9 : memref<128x128xf32, #tpu.memory_space<vmem>>) target(%dma_start3A_43 : memref<128x128xf32, #tpu.memory_space<vmem_shared>>) target_semaphore(%run_scoped3A : memref<!tpu.dma_semaphore, #tpu.memory_space<semaphore_mem>>)
      %dma_wait3A = arith.constant 0 : i32
      %dma_wait3A_44 = tpu.memref_slice %arg15[%add3A_12, %dma_wait3A] : memref<10112x128xf32, #tpu.memory_space<vmem_shared>> -> memref<128x128xf32, #tpu.memory_space<vmem_shared>>
      %dma_wait3A_45 = arith.constant 0 : i32
      %dma_wait3A_46 = tpu.memref_slice %arg15[%add3A_12, %dma_wait3A_45] : memref<10112x128xf32, #tpu.memory_space<vmem_shared>> -> memref<128x128xf32, #tpu.memory_space<vmem_shared>>
      tpu.wait_dma2 semaphore(%run_scoped3A : memref<!tpu.dma_semaphore, #tpu.memory_space<semaphore_mem>>) src(%arg9 : memref<128x128xf32, #tpu.memory_space<vmem>>) dst(%dma_wait3A_46 : memref<128x128xf32, #tpu.memory_space<vmem_shared>>)
      tpu.yield
    }) : () -> ()
    %add3A_13 = arith.constant 512 : i32
    %add3A_14 = arith.addi %mul3A_0, %add3A_13 : i32
    "tpu.region"() ({
      %run_scoped3A = tpu.sem_alloc : memref<!tpu.dma_semaphore, #tpu.memory_space<semaphore_mem>>
      %dma_start3A = arith.constant 0 : i32
      %dma_start3A_41 = arith.constant 0 : i32
      %dma_start3A_42 = tpu.memref_slice %arg9[%dma_start3A, %dma_start3A_41] : memref<128x128xf32, #tpu.memory_space<vmem>> -> memref<120x128xf32, #tpu.memory_space<vmem>>
      %dma_start3A_43 = arith.constant 0 : i32
      %dma_start3A_44 = tpu.memref_slice %arg15[%add3A_14, %dma_start3A_43] : memref<10112x128xf32, #tpu.memory_space<vmem_shared>> -> memref<120x128xf32, #tpu.memory_space<vmem_shared>>
      %dma_start3A_45 = arith.constant 0 : i32
      %dma_start3A_46 = tpu.memref_slice %arg15[%add3A_14, %dma_start3A_45] : memref<10112x128xf32, #tpu.memory_space<vmem_shared>> -> memref<120x128xf32, #tpu.memory_space<vmem_shared>>
      %dma_start3A_47 = arith.constant 0 : i32
      %dma_start3A_48 = arith.constant 0 : i32
      %dma_start3A_49 = tpu.memref_slice %arg9[%dma_start3A_47, %dma_start3A_48] : memref<128x128xf32, #tpu.memory_space<vmem>> -> memref<120x128xf32, #tpu.memory_space<vmem>>
      tpu.enqueue_dma source(%dma_start3A_49 : memref<120x128xf32, #tpu.memory_space<vmem>>) target(%dma_start3A_46 : memref<120x128xf32, #tpu.memory_space<vmem_shared>>) target_semaphore(%run_scoped3A : memref<!tpu.dma_semaphore, #tpu.memory_space<semaphore_mem>>)
      %dma_wait3A = arith.constant 0 : i32
      %dma_wait3A_50 = arith.constant 0 : i32
      %dma_wait3A_51 = tpu.memref_slice %arg9[%dma_wait3A, %dma_wait3A_50] : memref<128x128xf32, #tpu.memory_space<vmem>> -> memref<120x128xf32, #tpu.memory_space<vmem>>
      %dma_wait3A_52 = arith.constant 0 : i32
      %dma_wait3A_53 = tpu.memref_slice %arg15[%add3A_14, %dma_wait3A_52] : memref<10112x128xf32, #tpu.memory_space<vmem_shared>> -> memref<120x128xf32, #tpu.memory_space<vmem_shared>>
      %dma_wait3A_54 = arith.constant 0 : i32
      %dma_wait3A_55 = tpu.memref_slice %arg15[%add3A_14, %dma_wait3A_54] : memref<10112x128xf32, #tpu.memory_space<vmem_shared>> -> memref<120x128xf32, #tpu.memory_space<vmem_shared>>
      %dma_wait3A_56 = arith.constant 0 : i32
      %dma_wait3A_57 = arith.constant 0 : i32
      %dma_wait3A_58 = tpu.memref_slice %arg9[%dma_wait3A_56, %dma_wait3A_57] : memref<128x128xf32, #tpu.memory_space<vmem>> -> memref<120x128xf32, #tpu.memory_space<vmem>>
      tpu.wait_dma2 semaphore(%run_scoped3A : memref<!tpu.dma_semaphore, #tpu.memory_space<semaphore_mem>>) src(%dma_wait3A_58 : memref<120x128xf32, #tpu.memory_space<vmem>>) dst(%dma_wait3A_55 : memref<120x128xf32, #tpu.memory_space<vmem_shared>>)
      tpu.yield
    }) : () -> ()
    %barrier3A = arith.constant 0 : index
    tpu.barrier barrier_id(%barrier3A)
    %scan3A_15 = arith.constant 0 : i32
    %scan3A_16 = arith.constant 4 : i32
    %scan3A_17 = arith.addi %scan3A_15, %scan3A_16 : i32
    %scan3A_18 = arith.constant 1 : i32
    scf.for %scan3A_41 = %scan3A_15 to %scan3A_17 step %scan3A_18  : i32 {
      %mul3A_42 = arith.constant 40 : i32
      %mul3A_43 = arith.muli %scan3A_41, %mul3A_42 : i32
      %add3A_44 = arith.constant 0 : i32
      %add3A_45 = arith.addi %add3A_44, %mul3A_43 : i32
      "tpu.region"() ({
        %run_scoped3A = tpu.sem_alloc : memref<!tpu.dma_semaphore, #tpu.memory_space<semaphore_mem>>
        %dma_start3A_112 = arith.constant 0 : i32
        %dma_start3A_113 = tpu.memref_slice %arg4[%arg1, %add3A_45, %dma_start3A_112] : memref<16x160x128xi32, #tpu.memory_space<hbm>> -> memref<1x40x128xi32, #tpu.memory_space<hbm>>
        %dma_start3A_114 = tpu.memref_squeeze %dma_start3A_113 : memref<1x40x128xi32, #tpu.memory_space<hbm>> -> memref<40x128xi32, #tpu.memory_space<hbm>>
        %dma_start3A_115 = arith.constant 0 : i32
        %dma_start3A_116 = tpu.memref_slice %arg4[%arg1, %add3A_45, %dma_start3A_115] : memref<16x160x128xi32, #tpu.memory_space<hbm>> -> memref<1x40x128xi32, #tpu.memory_space<hbm>>
        %dma_start3A_117 = tpu.memref_squeeze %dma_start3A_116 : memref<1x40x128xi32, #tpu.memory_space<hbm>> -> memref<40x128xi32, #tpu.memory_space<hbm>>
        tpu.enqueue_dma source(%dma_start3A_117 : memref<40x128xi32, #tpu.memory_space<hbm>>) target(%arg7 : memref<40x128xi32, #tpu.memory_space<vmem>>) target_semaphore(%run_scoped3A : memref<!tpu.dma_semaphore, #tpu.memory_space<semaphore_mem>>)
        %dma_wait3A_118 = arith.constant 0 : i32
        %dma_wait3A_119 = tpu.memref_slice %arg4[%arg1, %add3A_45, %dma_wait3A_118] : memref<16x160x128xi32, #tpu.memory_space<hbm>> -> memref<1x40x128xi32, #tpu.memory_space<hbm>>
        %dma_wait3A_120 = tpu.memref_squeeze %dma_wait3A_119 : memref<1x40x128xi32, #tpu.memory_space<hbm>> -> memref<40x128xi32, #tpu.memory_space<hbm>>
        %dma_wait3A_121 = arith.constant 0 : i32
        %dma_wait3A_122 = tpu.memref_slice %arg4[%arg1, %add3A_45, %dma_wait3A_121] : memref<16x160x128xi32, #tpu.memory_space<hbm>> -> memref<1x40x128xi32, #tpu.memory_space<hbm>>
        %dma_wait3A_123 = tpu.memref_squeeze %dma_wait3A_122 : memref<1x40x128xi32, #tpu.memory_space<hbm>> -> memref<40x128xi32, #tpu.memory_space<hbm>>
        tpu.wait_dma2 semaphore(%run_scoped3A : memref<!tpu.dma_semaphore, #tpu.memory_space<semaphore_mem>>) src(%dma_wait3A_123 : memref<40x128xi32, #tpu.memory_space<hbm>>) dst(%arg7 : memref<40x128xi32, #tpu.memory_space<vmem>>)
        tpu.yield
      }) : () -> ()
      "tpu.region"() ({
        %run_scoped3A = tpu.sem_alloc : memref<!tpu.dma_semaphore, #tpu.memory_space<semaphore_mem>>
        %dma_start3A_112 = arith.constant 0 : i32
        %dma_start3A_113 = tpu.memref_slice %arg5[%arg1, %add3A_45, %dma_start3A_112] : memref<16x160x128xi32, #tpu.memory_space<hbm>> -> memref<1x40x128xi32, #tpu.memory_space<hbm>>
        %dma_start3A_114 = tpu.memref_squeeze %dma_start3A_113 : memref<1x40x128xi32, #tpu.memory_space<hbm>> -> memref<40x128xi32, #tpu.memory_space<hbm>>
        %dma_start3A_115 = arith.constant 0 : i32
        %dma_start3A_116 = tpu.memref_slice %arg5[%arg1, %add3A_45, %dma_start3A_115] : memref<16x160x128xi32, #tpu.memory_space<hbm>> -> memref<1x40x128xi32, #tpu.memory_space<hbm>>
        %dma_start3A_117 = tpu.memref_squeeze %dma_start3A_116 : memref<1x40x128xi32, #tpu.memory_space<hbm>> -> memref<40x128xi32, #tpu.memory_space<hbm>>
        tpu.enqueue_dma source(%dma_start3A_117 : memref<40x128xi32, #tpu.memory_space<hbm>>) target(%arg8 : memref<40x128xi32, #tpu.memory_space<vmem>>) target_semaphore(%run_scoped3A : memref<!tpu.dma_semaphore, #tpu.memory_space<semaphore_mem>>)
        %dma_wait3A_118 = arith.constant 0 : i32
        %dma_wait3A_119 = tpu.memref_slice %arg5[%arg1, %add3A_45, %dma_wait3A_118] : memref<16x160x128xi32, #tpu.memory_space<hbm>> -> memref<1x40x128xi32, #tpu.memory_space<hbm>>
        %dma_wait3A_120 = tpu.memref_squeeze %dma_wait3A_119 : memref<1x40x128xi32, #tpu.memory_space<hbm>> -> memref<40x128xi32, #tpu.memory_space<hbm>>
        %dma_wait3A_121 = arith.constant 0 : i32
        %dma_wait3A_122 = tpu.memref_slice %arg5[%arg1, %add3A_45, %dma_wait3A_121] : memref<16x160x128xi32, #tpu.memory_space<hbm>> -> memref<1x40x128xi32, #tpu.memory_space<hbm>>
        %dma_wait3A_123 = tpu.memref_squeeze %dma_wait3A_122 : memref<1x40x128xi32, #tpu.memory_space<hbm>> -> memref<40x128xi32, #tpu.memory_space<hbm>>
        tpu.wait_dma2 semaphore(%run_scoped3A : memref<!tpu.dma_semaphore, #tpu.memory_space<semaphore_mem>>) src(%dma_wait3A_123 : memref<40x128xi32, #tpu.memory_space<hbm>>) dst(%arg8 : memref<40x128xi32, #tpu.memory_space<vmem>>)
        tpu.yield
      }) : () -> ()
      %eq3A = arith.constant 0 : i32
      %eq3A_46 = arith.cmpi eq, %arg0, %eq3A : i32
      %convert_element_type3A = arith.extui %eq3A_46 : i1 to i32
      %cond3A = arith.constant 0 : i32
      %cond3A_47 = arith.constant 0 : i32
      %cond3A_48 = arith.cmpi ne, %convert_element_type3A, %cond3A_47 : i32
      scf.if %cond3A_48 {
        %dma_start3A_112 = arith.constant 0 : i32
        %dma_start3A_113 = tpu.memref_slice %arg7[%cond3A, %dma_start3A_112] : memref<40x128xi32, #tpu.memory_space<vmem>> -> memref<1x128xi32, #tpu.memory_space<vmem>>
        %dma_start3A_114 = tpu.memref_squeeze %dma_start3A_113 : memref<1x128xi32, #tpu.memory_space<vmem>> -> memref<128xi32, #tpu.memory_space<vmem>>
        %dma_start3A_115 = arith.constant 0 : i32
        %dma_start3A_116 = arith.constant 0 : i32
        %dma_start3A_117 = tpu.memref_slice %arg2[%dma_start3A_115, %dma_start3A_116] : memref<10000x128xf32, #tpu.memory_space<hbm>> -> memref<10000x128xf32, #tpu.memory_space<hbm>>
        tpu.enqueue_indirect_dma source(%dma_start3A_117 : memref<10000x128xf32, #tpu.memory_space<hbm>>) target(%arg9 : memref<128x128xf32, #tpu.memory_space<vmem>>) offsets(%dma_start3A_114 : memref<128xi32, #tpu.memory_space<vmem>>) semaphore(%arg11 : memref<!tpu.dma_semaphore, #tpu.memory_space<semaphore_mem>>)
      } else {
      }
      %eq3A_49 = arith.constant 1 : i32
      %eq3A_50 = arith.cmpi eq, %arg0, %eq3A_49 : i32
      %convert_element_type3A_51 = arith.extui %eq3A_50 : i1 to i32
      %cond3A_52 = arith.constant 0 : i32
      %cond3A_53 = arith.constant 0 : i32
      %cond3A_54 = arith.cmpi ne, %convert_element_type3A_51, %cond3A_53 : i32
      scf.if %cond3A_54 {
        %dma_start3A_112 = arith.constant 0 : i32
        %dma_start3A_113 = tpu.memref_slice %arg7[%cond3A_52, %dma_start3A_112] : memref<40x128xi32, #tpu.memory_space<vmem>> -> memref<1x128xi32, #tpu.memory_space<vmem>>
        %dma_start3A_114 = tpu.memref_squeeze %dma_start3A_113 : memref<1x128xi32, #tpu.memory_space<vmem>> -> memref<128xi32, #tpu.memory_space<vmem>>
        %dma_start3A_115 = arith.constant 0 : i32
        %dma_start3A_116 = arith.constant 0 : i32
        %dma_start3A_117 = tpu.memref_slice %arg3[%dma_start3A_115, %dma_start3A_116] : memref<10000x128xf32, #tpu.memory_space<hbm>> -> memref<10000x128xf32, #tpu.memory_space<hbm>>
        tpu.enqueue_indirect_dma source(%dma_start3A_117 : memref<10000x128xf32, #tpu.memory_space<hbm>>) target(%arg9 : memref<128x128xf32, #tpu.memory_space<vmem>>) offsets(%dma_start3A_114 : memref<128xi32, #tpu.memory_space<vmem>>) semaphore(%arg11 : memref<!tpu.dma_semaphore, #tpu.memory_space<semaphore_mem>>)
      } else {
      }
      %eq3A_55 = arith.constant 0 : i32
      %eq3A_56 = arith.cmpi eq, %arg0, %eq3A_55 : i32
      %convert_element_type3A_57 = arith.extui %eq3A_56 : i1 to i32
      %cond3A_58 = arith.constant 1 : i32
      %cond3A_59 = arith.constant 0 : i32
      %cond3A_60 = arith.cmpi ne, %convert_element_type3A_57, %cond3A_59 : i32
      scf.if %cond3A_60 {
        %dma_start3A_112 = arith.constant 0 : i32
        %dma_start3A_113 = tpu.memref_slice %arg7[%cond3A_58, %dma_start3A_112] : memref<40x128xi32, #tpu.memory_space<vmem>> -> memref<1x128xi32, #tpu.memory_space<vmem>>
        %dma_start3A_114 = tpu.memref_squeeze %dma_start3A_113 : memref<1x128xi32, #tpu.memory_space<vmem>> -> memref<128xi32, #tpu.memory_space<vmem>>
        %dma_start3A_115 = arith.constant 0 : i32
        %dma_start3A_116 = arith.constant 0 : i32
        %dma_start3A_117 = tpu.memref_slice %arg2[%dma_start3A_115, %dma_start3A_116] : memref<10000x128xf32, #tpu.memory_space<hbm>> -> memref<10000x128xf32, #tpu.memory_space<hbm>>
        tpu.enqueue_indirect_dma source(%dma_start3A_117 : memref<10000x128xf32, #tpu.memory_space<hbm>>) target(%arg10 : memref<128x128xf32, #tpu.memory_space<vmem>>) offsets(%dma_start3A_114 : memref<128xi32, #tpu.memory_space<vmem>>) semaphore(%arg12 : memref<!tpu.dma_semaphore, #tpu.memory_space<semaphore_mem>>)
      } else {
      }
      %eq3A_61 = arith.constant 1 : i32
      %eq3A_62 = arith.cmpi eq, %arg0, %eq3A_61 : i32
      %convert_element_type3A_63 = arith.extui %eq3A_62 : i1 to i32
      %cond3A_64 = arith.constant 1 : i32
      %cond3A_65 = arith.constant 0 : i32
      %cond3A_66 = arith.cmpi ne, %convert_element_type3A_63, %cond3A_65 : i32
      scf.if %cond3A_66 {
        %dma_start3A_112 = arith.constant 0 : i32
        %dma_start3A_113 = tpu.memref_slice %arg7[%cond3A_64, %dma_start3A_112] : memref<40x128xi32, #tpu.memory_space<vmem>> -> memref<1x128xi32, #tpu.memory_space<vmem>>
        %dma_start3A_114 = tpu.memref_squeeze %dma_start3A_113 : memref<1x128xi32, #tpu.memory_space<vmem>> -> memref<128xi32, #tpu.memory_space<vmem>>
        %dma_start3A_115 = arith.constant 0 : i32
        %dma_start3A_116 = arith.constant 0 : i32
        %dma_start3A_117 = tpu.memref_slice %arg3[%dma_start3A_115, %dma_start3A_116] : memref<10000x128xf32, #tpu.memory_space<hbm>> -> memref<10000x128xf32, #tpu.memory_space<hbm>>
        tpu.enqueue_indirect_dma source(%dma_start3A_117 : memref<10000x128xf32, #tpu.memory_space<hbm>>) target(%arg10 : memref<128x128xf32, #tpu.memory_space<vmem>>) offsets(%dma_start3A_114 : memref<128xi32, #tpu.memory_space<vmem>>) semaphore(%arg12 : memref<!tpu.dma_semaphore, #tpu.memory_space<semaphore_mem>>)
      } else {
      }
      %scan3A_67 = arith.constant 0 : i32
      %scan3A_68 = arith.constant 19 : i32
      %scan3A_69 = arith.addi %scan3A_67, %scan3A_68 : i32
      %scan3A_70 = arith.constant 1 : i32
      scf.for %scan3A_112 = %scan3A_67 to %scan3A_69 step %scan3A_70  : i32 {
        %mul3A_113 = arith.constant 2 : i32
        %mul3A_114 = arith.muli %scan3A_112, %mul3A_113 : i32
        %add3A_115 = arith.constant 2 : i32
        %add3A_116 = arith.addi %add3A_115, %mul3A_114 : i32
        %dma_wait3A_117 = arith.constant 0 : i32
        %dma_wait3A_118 = arith.constant 0 : i32
        %dma_wait3A_119 = tpu.memref_slice %arg7[%dma_wait3A_117, %dma_wait3A_118] : memref<40x128xi32, #tpu.memory_space<vmem>> -> memref<1x128xi32, #tpu.memory_space<vmem>>
        %dma_wait3A_120 = tpu.memref_squeeze %dma_wait3A_119 : memref<1x128xi32, #tpu.memory_space<vmem>> -> memref<128xi32, #tpu.memory_space<vmem>>
        %dma_wait3A_121 = arith.constant 0 : i32
        %dma_wait3A_122 = arith.constant 0 : i32
        %dma_wait3A_123 = tpu.memref_slice %arg2[%dma_wait3A_121, %dma_wait3A_122] : memref<10000x128xf32, #tpu.memory_space<hbm>> -> memref<10000x128xf32, #tpu.memory_space<hbm>>
        tpu.wait_indirect_dma semaphore(%arg11 : memref<!tpu.dma_semaphore, #tpu.memory_space<semaphore_mem>>) src(%dma_wait3A_123 : memref<10000x128xf32, #tpu.memory_space<hbm>>) dst(%arg9 : memref<128x128xf32, #tpu.memory_space<vmem>>)
        %sub3A = arith.constant 2 : i32
        %sub3A_124 = arith.subi %add3A_116, %sub3A : i32
        %dma_start3A_125 = arith.constant 0 : i32
        %dma_start3A_126 = tpu.memref_slice %arg8[%sub3A_124, %dma_start3A_125] : memref<40x128xi32, #tpu.memory_space<vmem>> -> memref<1x128xi32, #tpu.memory_space<vmem>>
        %dma_start3A_127 = tpu.memref_squeeze %dma_start3A_126 : memref<1x128xi32, #tpu.memory_space<vmem>> -> memref<128xi32, #tpu.memory_space<vmem>>
        %dma_start3A_128 = arith.constant 0 : i32
        %dma_start3A_129 = arith.constant 0 : i32
        %dma_start3A_130 = tpu.memref_slice %arg15[%dma_start3A_128, %dma_start3A_129] : memref<10112x128xf32, #tpu.memory_space<vmem_shared>> -> memref<10112x128xf32, #tpu.memory_space<vmem_shared>>
        tpu.enqueue_indirect_dma source(%arg9 : memref<128x128xf32, #tpu.memory_space<vmem>>) target(%dma_start3A_130 : memref<10112x128xf32, #tpu.memory_space<vmem_shared>>) offsets(%dma_start3A_127 : memref<128xi32, #tpu.memory_space<vmem>>) semaphore(%arg13 : memref<!tpu.dma_semaphore, #tpu.memory_space<semaphore_mem>>) {add = true}
        %dma_wait3A_131 = arith.constant 0 : i32
        %dma_wait3A_132 = arith.constant 0 : i32
        %dma_wait3A_133 = tpu.memref_slice %arg7[%dma_wait3A_131, %dma_wait3A_132] : memref<40x128xi32, #tpu.memory_space<vmem>> -> memref<1x128xi32, #tpu.memory_space<vmem>>
        %dma_wait3A_134 = tpu.memref_squeeze %dma_wait3A_133 : memref<1x128xi32, #tpu.memory_space<vmem>> -> memref<128xi32, #tpu.memory_space<vmem>>
        %dma_wait3A_135 = arith.constant 0 : i32
        %dma_wait3A_136 = arith.constant 0 : i32
        %dma_wait3A_137 = tpu.memref_slice %arg2[%dma_wait3A_135, %dma_wait3A_136] : memref<10000x128xf32, #tpu.memory_space<hbm>> -> memref<10000x128xf32, #tpu.memory_space<hbm>>
        tpu.wait_indirect_dma semaphore(%arg12 : memref<!tpu.dma_semaphore, #tpu.memory_space<semaphore_mem>>) src(%dma_wait3A_137 : memref<10000x128xf32, #tpu.memory_space<hbm>>) dst(%arg10 : memref<128x128xf32, #tpu.memory_space<vmem>>)
        %sub3A_138 = arith.constant 1 : i32
        %sub3A_139 = arith.subi %add3A_116, %sub3A_138 : i32
        %dma_start3A_140 = arith.constant 0 : i32
        %dma_start3A_141 = tpu.memref_slice %arg8[%sub3A_139, %dma_start3A_140] : memref<40x128xi32, #tpu.memory_space<vmem>> -> memref<1x128xi32, #tpu.memory_space<vmem>>
        %dma_start3A_142 = tpu.memref_squeeze %dma_start3A_141 : memref<1x128xi32, #tpu.memory_space<vmem>> -> memref<128xi32, #tpu.memory_space<vmem>>
        %dma_start3A_143 = arith.constant 0 : i32
        %dma_start3A_144 = arith.constant 0 : i32
        %dma_start3A_145 = tpu.memref_slice %arg15[%dma_start3A_143, %dma_start3A_144] : memref<10112x128xf32, #tpu.memory_space<vmem_shared>> -> memref<10112x128xf32, #tpu.memory_space<vmem_shared>>
        tpu.enqueue_indirect_dma source(%arg10 : memref<128x128xf32, #tpu.memory_space<vmem>>) target(%dma_start3A_145 : memref<10112x128xf32, #tpu.memory_space<vmem_shared>>) offsets(%dma_start3A_142 : memref<128xi32, #tpu.memory_space<vmem>>) semaphore(%arg14 : memref<!tpu.dma_semaphore, #tpu.memory_space<semaphore_mem>>) {add = true}
        %dma_wait3A_146 = arith.constant 0 : i32
        %dma_wait3A_147 = arith.constant 0 : i32
        %dma_wait3A_148 = tpu.memref_slice %arg8[%dma_wait3A_146, %dma_wait3A_147] : memref<40x128xi32, #tpu.memory_space<vmem>> -> memref<1x128xi32, #tpu.memory_space<vmem>>
        %dma_wait3A_149 = tpu.memref_squeeze %dma_wait3A_148 : memref<1x128xi32, #tpu.memory_space<vmem>> -> memref<128xi32, #tpu.memory_space<vmem>>
        %dma_wait3A_150 = arith.constant 0 : i32
        %dma_wait3A_151 = arith.constant 0 : i32
        %dma_wait3A_152 = tpu.memref_slice %arg15[%dma_wait3A_150, %dma_wait3A_151] : memref<10112x128xf32, #tpu.memory_space<vmem_shared>> -> memref<10112x128xf32, #tpu.memory_space<vmem_shared>>
        tpu.wait_indirect_dma semaphore(%arg13 : memref<!tpu.dma_semaphore, #tpu.memory_space<semaphore_mem>>) src(%arg9 : memref<128x128xf32, #tpu.memory_space<vmem>>) dst(%dma_wait3A_152 : memref<10112x128xf32, #tpu.memory_space<vmem_shared>>)
        %eq3A_153 = arith.constant 0 : i32
        %eq3A_154 = arith.cmpi eq, %arg0, %eq3A_153 : i32
        %convert_element_type3A_155 = arith.extui %eq3A_154 : i1 to i32
        %cond3A_156 = arith.constant 0 : i32
        %cond3A_157 = arith.cmpi ne, %convert_element_type3A_155, %cond3A_156 : i32
        scf.if %cond3A_157 {
          %dma_start3A_182 = arith.constant 0 : i32
          %dma_start3A_183 = tpu.memref_slice %arg7[%add3A_116, %dma_start3A_182] : memref<40x128xi32, #tpu.memory_space<vmem>> -> memref<1x128xi32, #tpu.memory_space<vmem>>
          %dma_start3A_184 = tpu.memref_squeeze %dma_start3A_183 : memref<1x128xi32, #tpu.memory_space<vmem>> -> memref<128xi32, #tpu.memory_space<vmem>>
          %dma_start3A_185 = arith.constant 0 : i32
          %dma_start3A_186 = arith.constant 0 : i32
          %dma_start3A_187 = tpu.memref_slice %arg2[%dma_start3A_185, %dma_start3A_186] : memref<10000x128xf32, #tpu.memory_space<hbm>> -> memref<10000x128xf32, #tpu.memory_space<hbm>>
          tpu.enqueue_indirect_dma source(%dma_start3A_187 : memref<10000x128xf32, #tpu.memory_space<hbm>>) target(%arg9 : memref<128x128xf32, #tpu.memory_space<vmem>>) offsets(%dma_start3A_184 : memref<128xi32, #tpu.memory_space<vmem>>) semaphore(%arg11 : memref<!tpu.dma_semaphore, #tpu.memory_space<semaphore_mem>>)
        } else {
        }
        %eq3A_158 = arith.constant 1 : i32
        %eq3A_159 = arith.cmpi eq, %arg0, %eq3A_158 : i32
        %convert_element_type3A_160 = arith.extui %eq3A_159 : i1 to i32
        %cond3A_161 = arith.constant 0 : i32
        %cond3A_162 = arith.cmpi ne, %convert_element_type3A_160, %cond3A_161 : i32
        scf.if %cond3A_162 {
          %dma_start3A_182 = arith.constant 0 : i32
          %dma_start3A_183 = tpu.memref_slice %arg7[%add3A_116, %dma_start3A_182] : memref<40x128xi32, #tpu.memory_space<vmem>> -> memref<1x128xi32, #tpu.memory_space<vmem>>
          %dma_start3A_184 = tpu.memref_squeeze %dma_start3A_183 : memref<1x128xi32, #tpu.memory_space<vmem>> -> memref<128xi32, #tpu.memory_space<vmem>>
          %dma_start3A_185 = arith.constant 0 : i32
          %dma_start3A_186 = arith.constant 0 : i32
          %dma_start3A_187 = tpu.memref_slice %arg3[%dma_start3A_185, %dma_start3A_186] : memref<10000x128xf32, #tpu.memory_space<hbm>> -> memref<10000x128xf32, #tpu.memory_space<hbm>>
          tpu.enqueue_indirect_dma source(%dma_start3A_187 : memref<10000x128xf32, #tpu.memory_space<hbm>>) target(%arg9 : memref<128x128xf32, #tpu.memory_space<vmem>>) offsets(%dma_start3A_184 : memref<128xi32, #tpu.memory_space<vmem>>) semaphore(%arg11 : memref<!tpu.dma_semaphore, #tpu.memory_space<semaphore_mem>>)
        } else {
        }
        %dma_wait3A_163 = arith.constant 0 : i32
        %dma_wait3A_164 = arith.constant 0 : i32
        %dma_wait3A_165 = tpu.memref_slice %arg8[%dma_wait3A_163, %dma_wait3A_164] : memref<40x128xi32, #tpu.memory_space<vmem>> -> memref<1x128xi32, #tpu.memory_space<vmem>>
        %dma_wait3A_166 = tpu.memref_squeeze %dma_wait3A_165 : memref<1x128xi32, #tpu.memory_space<vmem>> -> memref<128xi32, #tpu.memory_space<vmem>>
        %dma_wait3A_167 = arith.constant 0 : i32
        %dma_wait3A_168 = arith.constant 0 : i32
        %dma_wait3A_169 = tpu.memref_slice %arg15[%dma_wait3A_167, %dma_wait3A_168] : memref<10112x128xf32, #tpu.memory_space<vmem_shared>> -> memref<10112x128xf32, #tpu.memory_space<vmem_shared>>
        tpu.wait_indirect_dma semaphore(%arg14 : memref<!tpu.dma_semaphore, #tpu.memory_space<semaphore_mem>>) src(%arg10 : memref<128x128xf32, #tpu.memory_space<vmem>>) dst(%dma_wait3A_169 : memref<10112x128xf32, #tpu.memory_space<vmem_shared>>)
        %add3A_170 = arith.constant 1 : i32
        %add3A_171 = arith.addi %add3A_116, %add3A_170 : i32
        %eq3A_172 = arith.constant 0 : i32
        %eq3A_173 = arith.cmpi eq, %arg0, %eq3A_172 : i32
        %convert_element_type3A_174 = arith.extui %eq3A_173 : i1 to i32
        %cond3A_175 = arith.constant 0 : i32
        %cond3A_176 = arith.cmpi ne, %convert_element_type3A_174, %cond3A_175 : i32
        scf.if %cond3A_176 {
          %dma_start3A_182 = arith.constant 0 : i32
          %dma_start3A_183 = tpu.memref_slice %arg7[%add3A_171, %dma_start3A_182] : memref<40x128xi32, #tpu.memory_space<vmem>> -> memref<1x128xi32, #tpu.memory_space<vmem>>
          %dma_start3A_184 = tpu.memref_squeeze %dma_start3A_183 : memref<1x128xi32, #tpu.memory_space<vmem>> -> memref<128xi32, #tpu.memory_space<vmem>>
          %dma_start3A_185 = arith.constant 0 : i32
          %dma_start3A_186 = arith.constant 0 : i32
          %dma_start3A_187 = tpu.memref_slice %arg2[%dma_start3A_185, %dma_start3A_186] : memref<10000x128xf32, #tpu.memory_space<hbm>> -> memref<10000x128xf32, #tpu.memory_space<hbm>>
          tpu.enqueue_indirect_dma source(%dma_start3A_187 : memref<10000x128xf32, #tpu.memory_space<hbm>>) target(%arg10 : memref<128x128xf32, #tpu.memory_space<vmem>>) offsets(%dma_start3A_184 : memref<128xi32, #tpu.memory_space<vmem>>) semaphore(%arg12 : memref<!tpu.dma_semaphore, #tpu.memory_space<semaphore_mem>>)
        } else {
        }
        %eq3A_177 = arith.constant 1 : i32
        %eq3A_178 = arith.cmpi eq, %arg0, %eq3A_177 : i32
        %convert_element_type3A_179 = arith.extui %eq3A_178 : i1 to i32
        %cond3A_180 = arith.constant 0 : i32
        %cond3A_181 = arith.cmpi ne, %convert_element_type3A_179, %cond3A_180 : i32
        scf.if %cond3A_181 {
          %dma_start3A_182 = arith.constant 0 : i32
          %dma_start3A_183 = tpu.memref_slice %arg7[%add3A_171, %dma_start3A_182] : memref<40x128xi32, #tpu.memory_space<vmem>> -> memref<1x128xi32, #tpu.memory_space<vmem>>
          %dma_start3A_184 = tpu.memref_squeeze %dma_start3A_183 : memref<1x128xi32, #tpu.memory_space<vmem>> -> memref<128xi32, #tpu.memory_space<vmem>>
          %dma_start3A_185 = arith.constant 0 : i32
          %dma_start3A_186 = arith.constant 0 : i32
          %dma_start3A_187 = tpu.memref_slice %arg3[%dma_start3A_185, %dma_start3A_186] : memref<10000x128xf32, #tpu.memory_space<hbm>> -> memref<10000x128xf32, #tpu.memory_space<hbm>>
          tpu.enqueue_indirect_dma source(%dma_start3A_187 : memref<10000x128xf32, #tpu.memory_space<hbm>>) target(%arg10 : memref<128x128xf32, #tpu.memory_space<vmem>>) offsets(%dma_start3A_184 : memref<128xi32, #tpu.memory_space<vmem>>) semaphore(%arg12 : memref<!tpu.dma_semaphore, #tpu.memory_space<semaphore_mem>>)
        } else {
        }
      }
      %scan3A_71 = arith.constant 19 : i32
      %dma_wait3A = arith.constant 0 : i32
      %dma_wait3A_72 = arith.constant 0 : i32
      %dma_wait3A_73 = tpu.memref_slice %arg7[%dma_wait3A, %dma_wait3A_72] : memref<40x128xi32, #tpu.memory_space<vmem>> -> memref<1x128xi32, #tpu.memory_space<vmem>>
      %dma_wait3A_74 = tpu.memref_squeeze %dma_wait3A_73 : memref<1x128xi32, #tpu.memory_space<vmem>> -> memref<128xi32, #tpu.memory_space<vmem>>
      %dma_wait3A_75 = arith.constant 0 : i32
      %dma_wait3A_76 = arith.constant 0 : i32
      %dma_wait3A_77 = tpu.memref_slice %arg2[%dma_wait3A_75, %dma_wait3A_76] : memref<10000x128xf32, #tpu.memory_space<hbm>> -> memref<10000x128xf32, #tpu.memory_space<hbm>>
      tpu.wait_indirect_dma semaphore(%arg11 : memref<!tpu.dma_semaphore, #tpu.memory_space<semaphore_mem>>) src(%dma_wait3A_77 : memref<10000x128xf32, #tpu.memory_space<hbm>>) dst(%arg9 : memref<128x128xf32, #tpu.memory_space<vmem>>)
      %dma_start3A = arith.constant 38 : i32
      %dma_start3A_78 = arith.constant 0 : i32
      %dma_start3A_79 = tpu.memref_slice %arg8[%dma_start3A, %dma_start3A_78] : memref<40x128xi32, #tpu.memory_space<vmem>> -> memref<1x128xi32, #tpu.memory_space<vmem>>
      %dma_start3A_80 = tpu.memref_squeeze %dma_start3A_79 : memref<1x128xi32, #tpu.memory_space<vmem>> -> memref<128xi32, #tpu.memory_space<vmem>>
      %dma_start3A_81 = arith.constant 0 : i32
      %dma_start3A_82 = arith.constant 0 : i32
      %dma_start3A_83 = tpu.memref_slice %arg15[%dma_start3A_81, %dma_start3A_82] : memref<10112x128xf32, #tpu.memory_space<vmem_shared>> -> memref<10112x128xf32, #tpu.memory_space<vmem_shared>>
      tpu.enqueue_indirect_dma source(%arg9 : memref<128x128xf32, #tpu.memory_space<vmem>>) target(%dma_start3A_83 : memref<10112x128xf32, #tpu.memory_space<vmem_shared>>) offsets(%dma_start3A_80 : memref<128xi32, #tpu.memory_space<vmem>>) semaphore(%arg13 : memref<!tpu.dma_semaphore, #tpu.memory_space<semaphore_mem>>) {add = true}
      %dma_wait3A_84 = arith.constant 0 : i32
      %dma_wait3A_85 = arith.constant 0 : i32
      %dma_wait3A_86 = tpu.memref_slice %arg7[%dma_wait3A_84, %dma_wait3A_85] : memref<40x128xi32, #tpu.memory_space<vmem>> -> memref<1x128xi32, #tpu.memory_space<vmem>>
      %dma_wait3A_87 = tpu.memref_squeeze %dma_wait3A_86 : memref<1x128xi32, #tpu.memory_space<vmem>> -> memref<128xi32, #tpu.memory_space<vmem>>
      %dma_wait3A_88 = arith.constant 0 : i32
      %dma_wait3A_89 = arith.constant 0 : i32
      %dma_wait3A_90 = tpu.memref_slice %arg2[%dma_wait3A_88, %dma_wait3A_89] : memref<10000x128xf32, #tpu.memory_space<hbm>> -> memref<10000x128xf32, #tpu.memory_space<hbm>>
      tpu.wait_indirect_dma semaphore(%arg12 : memref<!tpu.dma_semaphore, #tpu.memory_space<semaphore_mem>>) src(%dma_wait3A_90 : memref<10000x128xf32, #tpu.memory_space<hbm>>) dst(%arg10 : memref<128x128xf32, #tpu.memory_space<vmem>>)
      %dma_start3A_91 = arith.constant 39 : i32
      %dma_start3A_92 = arith.constant 0 : i32
      %dma_start3A_93 = tpu.memref_slice %arg8[%dma_start3A_91, %dma_start3A_92] : memref<40x128xi32, #tpu.memory_space<vmem>> -> memref<1x128xi32, #tpu.memory_space<vmem>>
      %dma_start3A_94 = tpu.memref_squeeze %dma_start3A_93 : memref<1x128xi32, #tpu.memory_space<vmem>> -> memref<128xi32, #tpu.memory_space<vmem>>
      %dma_start3A_95 = arith.constant 0 : i32
      %dma_start3A_96 = arith.constant 0 : i32
      %dma_start3A_97 = tpu.memref_slice %arg15[%dma_start3A_95, %dma_start3A_96] : memref<10112x128xf32, #tpu.memory_space<vmem_shared>> -> memref<10112x128xf32, #tpu.memory_space<vmem_shared>>
      tpu.enqueue_indirect_dma source(%arg10 : memref<128x128xf32, #tpu.memory_space<vmem>>) target(%dma_start3A_97 : memref<10112x128xf32, #tpu.memory_space<vmem_shared>>) offsets(%dma_start3A_94 : memref<128xi32, #tpu.memory_space<vmem>>) semaphore(%arg14 : memref<!tpu.dma_semaphore, #tpu.memory_space<semaphore_mem>>) {add = true}
      %dma_wait3A_98 = arith.constant 0 : i32
      %dma_wait3A_99 = arith.constant 0 : i32
      %dma_wait3A_100 = tpu.memref_slice %arg8[%dma_wait3A_98, %dma_wait3A_99] : memref<40x128xi32, #tpu.memory_space<vmem>> -> memref<1x128xi32, #tpu.memory_space<vmem>>
      %dma_wait3A_101 = tpu.memref_squeeze %dma_wait3A_100 : memref<1x128xi32, #tpu.memory_space<vmem>> -> memref<128xi32, #tpu.memory_space<vmem>>
      %dma_wait3A_102 = arith.constant 0 : i32
      %dma_wait3A_103 = arith.constant 0 : i32
      %dma_wait3A_104 = tpu.memref_slice %arg15[%dma_wait3A_102, %dma_wait3A_103] : memref<10112x128xf32, #tpu.memory_space<vmem_shared>> -> memref<10112x128xf32, #tpu.memory_space<vmem_shared>>
      tpu.wait_indirect_dma semaphore(%arg13 : memref<!tpu.dma_semaphore, #tpu.memory_space<semaphore_mem>>) src(%arg9 : memref<128x128xf32, #tpu.memory_space<vmem>>) dst(%dma_wait3A_104 : memref<10112x128xf32, #tpu.memory_space<vmem_shared>>)
      %dma_wait3A_105 = arith.constant 0 : i32
      %dma_wait3A_106 = arith.constant 0 : i32
      %dma_wait3A_107 = tpu.memref_slice %arg8[%dma_wait3A_105, %dma_wait3A_106] : memref<40x128xi32, #tpu.memory_space<vmem>> -> memref<1x128xi32, #tpu.memory_space<vmem>>
      %dma_wait3A_108 = tpu.memref_squeeze %dma_wait3A_107 : memref<1x128xi32, #tpu.memory_space<vmem>> -> memref<128xi32, #tpu.memory_space<vmem>>
      %dma_wait3A_109 = arith.constant 0 : i32
      %dma_wait3A_110 = arith.constant 0 : i32
      %dma_wait3A_111 = tpu.memref_slice %arg15[%dma_wait3A_109, %dma_wait3A_110] : memref<10112x128xf32, #tpu.memory_space<vmem_shared>> -> memref<10112x128xf32, #tpu.memory_space<vmem_shared>>
      tpu.wait_indirect_dma semaphore(%arg14 : memref<!tpu.dma_semaphore, #tpu.memory_space<semaphore_mem>>) src(%arg10 : memref<128x128xf32, #tpu.memory_space<vmem>>) dst(%dma_wait3A_111 : memref<10112x128xf32, #tpu.memory_space<vmem_shared>>)
    }
    %scan3A_19 = arith.constant 4 : i32
    %barrier3A_20 = arith.constant 0 : index
    tpu.barrier barrier_id(%barrier3A_20)
    %add3A_21 = arith.constant 0 : i32
    %add3A_22 = arith.addi %mul3A_0, %add3A_21 : i32
    "tpu.region"() ({
      %run_scoped3A = tpu.sem_alloc : memref<!tpu.dma_semaphore, #tpu.memory_space<semaphore_mem>>
      %dma_start3A = arith.constant 0 : i32
      %dma_start3A_41 = tpu.memref_slice %arg15[%add3A_22, %dma_start3A] : memref<10112x128xf32, #tpu.memory_space<vmem_shared>> -> memref<128x128xf32, #tpu.memory_space<vmem_shared>>
      %dma_start3A_42 = arith.constant 0 : i32
      %dma_start3A_43 = tpu.memref_slice %arg15[%add3A_22, %dma_start3A_42] : memref<10112x128xf32, #tpu.memory_space<vmem_shared>> -> memref<128x128xf32, #tpu.memory_space<vmem_shared>>
      tpu.enqueue_dma source(%dma_start3A_43 : memref<128x128xf32, #tpu.memory_space<vmem_shared>>) target(%arg9 : memref<128x128xf32, #tpu.memory_space<vmem>>) target_semaphore(%run_scoped3A : memref<!tpu.dma_semaphore, #tpu.memory_space<semaphore_mem>>)
      %dma_wait3A = arith.constant 0 : i32
      %dma_wait3A_44 = tpu.memref_slice %arg15[%add3A_22, %dma_wait3A] : memref<10112x128xf32, #tpu.memory_space<vmem_shared>> -> memref<128x128xf32, #tpu.memory_space<vmem_shared>>
      %dma_wait3A_45 = arith.constant 0 : i32
      %dma_wait3A_46 = tpu.memref_slice %arg15[%add3A_22, %dma_wait3A_45] : memref<10112x128xf32, #tpu.memory_space<vmem_shared>> -> memref<128x128xf32, #tpu.memory_space<vmem_shared>>
      tpu.wait_dma2 semaphore(%run_scoped3A : memref<!tpu.dma_semaphore, #tpu.memory_space<semaphore_mem>>) src(%dma_wait3A_46 : memref<128x128xf32, #tpu.memory_space<vmem_shared>>) dst(%arg9 : memref<128x128xf32, #tpu.memory_space<vmem>>)
      tpu.yield
    }) : () -> ()
    %add3A_23 = arith.constant 0 : i32
    %add3A_24 = arith.addi %mul3A_0, %add3A_23 : i32
    "tpu.region"() ({
      %run_scoped3A = tpu.sem_alloc : memref<!tpu.dma_semaphore, #tpu.memory_space<semaphore_mem>>
      %dma_start3A = arith.constant 0 : i32
      %dma_start3A_41 = tpu.memref_slice %arg6[%arg0, %add3A_24, %dma_start3A] : memref<2x10112x128xf32, #tpu.memory_space<hbm>> -> memref<1x128x128xf32, #tpu.memory_space<hbm>>
      %dma_start3A_42 = tpu.memref_squeeze %dma_start3A_41 : memref<1x128x128xf32, #tpu.memory_space<hbm>> -> memref<128x128xf32, #tpu.memory_space<hbm>>
      %dma_start3A_43 = arith.constant 0 : i32
      %dma_start3A_44 = tpu.memref_slice %arg6[%arg0, %add3A_24, %dma_start3A_43] : memref<2x10112x128xf32, #tpu.memory_space<hbm>> -> memref<1x128x128xf32, #tpu.memory_space<hbm>>
      %dma_start3A_45 = tpu.memref_squeeze %dma_start3A_44 : memref<1x128x128xf32, #tpu.memory_space<hbm>> -> memref<128x128xf32, #tpu.memory_space<hbm>>
      tpu.enqueue_dma source(%arg9 : memref<128x128xf32, #tpu.memory_space<vmem>>) target(%dma_start3A_45 : memref<128x128xf32, #tpu.memory_space<hbm>>) target_semaphore(%run_scoped3A : memref<!tpu.dma_semaphore, #tpu.memory_space<semaphore_mem>>)
      %dma_wait3A = arith.constant 0 : i32
      %dma_wait3A_46 = tpu.memref_slice %arg6[%arg0, %add3A_24, %dma_wait3A] : memref<2x10112x128xf32, #tpu.memory_space<hbm>> -> memref<1x128x128xf32, #tpu.memory_space<hbm>>
      %dma_wait3A_47 = tpu.memref_squeeze %dma_wait3A_46 : memref<1x128x128xf32, #tpu.memory_space<hbm>> -> memref<128x128xf32, #tpu.memory_space<hbm>>
      %dma_wait3A_48 = arith.constant 0 : i32
      %dma_wait3A_49 = tpu.memref_slice %arg6[%arg0, %add3A_24, %dma_wait3A_48] : memref<2x10112x128xf32, #tpu.memory_space<hbm>> -> memref<1x128x128xf32, #tpu.memory_space<hbm>>
      %dma_wait3A_50 = tpu.memref_squeeze %dma_wait3A_49 : memref<1x128x128xf32, #tpu.memory_space<hbm>> -> memref<128x128xf32, #tpu.memory_space<hbm>>
      tpu.wait_dma2 semaphore(%run_scoped3A : memref<!tpu.dma_semaphore, #tpu.memory_space<semaphore_mem>>) src(%arg9 : memref<128x128xf32, #tpu.memory_space<vmem>>) dst(%dma_wait3A_50 : memref<128x128xf32, #tpu.memory_space<hbm>>)
      tpu.yield
    }) : () -> ()
    %add3A_25 = arith.constant 128 : i32
    %add3A_26 = arith.addi %mul3A_0, %add3A_25 : i32
    "tpu.region"() ({
      %run_scoped3A = tpu.sem_alloc : memref<!tpu.dma_semaphore, #tpu.memory_space<semaphore_mem>>
      %dma_start3A = arith.constant 0 : i32
      %dma_start3A_41 = tpu.memref_slice %arg15[%add3A_26, %dma_start3A] : memref<10112x128xf32, #tpu.memory_space<vmem_shared>> -> memref<128x128xf32, #tpu.memory_space<vmem_shared>>
      %dma_start3A_42 = arith.constant 0 : i32
      %dma_start3A_43 = tpu.memref_slice %arg15[%add3A_26, %dma_start3A_42] : memref<10112x128xf32, #tpu.memory_space<vmem_shared>> -> memref<128x128xf32, #tpu.memory_space<vmem_shared>>
      tpu.enqueue_dma source(%dma_start3A_43 : memref<128x128xf32, #tpu.memory_space<vmem_shared>>) target(%arg9 : memref<128x128xf32, #tpu.memory_space<vmem>>) target_semaphore(%run_scoped3A : memref<!tpu.dma_semaphore, #tpu.memory_space<semaphore_mem>>)
      %dma_wait3A = arith.constant 0 : i32
      %dma_wait3A_44 = tpu.memref_slice %arg15[%add3A_26, %dma_wait3A] : memref<10112x128xf32, #tpu.memory_space<vmem_shared>> -> memref<128x128xf32, #tpu.memory_space<vmem_shared>>
      %dma_wait3A_45 = arith.constant 0 : i32
      %dma_wait3A_46 = tpu.memref_slice %arg15[%add3A_26, %dma_wait3A_45] : memref<10112x128xf32, #tpu.memory_space<vmem_shared>> -> memref<128x128xf32, #tpu.memory_space<vmem_shared>>
      tpu.wait_dma2 semaphore(%run_scoped3A : memref<!tpu.dma_semaphore, #tpu.memory_space<semaphore_mem>>) src(%dma_wait3A_46 : memref<128x128xf32, #tpu.memory_space<vmem_shared>>) dst(%arg9 : memref<128x128xf32, #tpu.memory_space<vmem>>)
      tpu.yield
    }) : () -> ()
    %add3A_27 = arith.constant 128 : i32
    %add3A_28 = arith.addi %mul3A_0, %add3A_27 : i32
    "tpu.region"() ({
      %run_scoped3A = tpu.sem_alloc : memref<!tpu.dma_semaphore, #tpu.memory_space<semaphore_mem>>
      %dma_start3A = arith.constant 0 : i32
      %dma_start3A_41 = tpu.memref_slice %arg6[%arg0, %add3A_28, %dma_start3A] : memref<2x10112x128xf32, #tpu.memory_space<hbm>> -> memref<1x128x128xf32, #tpu.memory_space<hbm>>
      %dma_start3A_42 = tpu.memref_squeeze %dma_start3A_41 : memref<1x128x128xf32, #tpu.memory_space<hbm>> -> memref<128x128xf32, #tpu.memory_space<hbm>>
      %dma_start3A_43 = arith.constant 0 : i32
      %dma_start3A_44 = tpu.memref_slice %arg6[%arg0, %add3A_28, %dma_start3A_43] : memref<2x10112x128xf32, #tpu.memory_space<hbm>> -> memref<1x128x128xf32, #tpu.memory_space<hbm>>
      %dma_start3A_45 = tpu.memref_squeeze %dma_start3A_44 : memref<1x128x128xf32, #tpu.memory_space<hbm>> -> memref<128x128xf32, #tpu.memory_space<hbm>>
      tpu.enqueue_dma source(%arg9 : memref<128x128xf32, #tpu.memory_space<vmem>>) target(%dma_start3A_45 : memref<128x128xf32, #tpu.memory_space<hbm>>) target_semaphore(%run_scoped3A : memref<!tpu.dma_semaphore, #tpu.memory_space<semaphore_mem>>)
      %dma_wait3A = arith.constant 0 : i32
      %dma_wait3A_46 = tpu.memref_slice %arg6[%arg0, %add3A_28, %dma_wait3A] : memref<2x10112x128xf32, #tpu.memory_space<hbm>> -> memref<1x128x128xf32, #tpu.memory_space<hbm>>
      %dma_wait3A_47 = tpu.memref_squeeze %dma_wait3A_46 : memref<1x128x128xf32, #tpu.memory_space<hbm>> -> memref<128x128xf32, #tpu.memory_space<hbm>>
      %dma_wait3A_48 = arith.constant 0 : i32
      %dma_wait3A_49 = tpu.memref_slice %arg6[%arg0, %add3A_28, %dma_wait3A_48] : memref<2x10112x128xf32, #tpu.memory_space<hbm>> -> memref<1x128x128xf32, #tpu.memory_space<hbm>>
      %dma_wait3A_50 = tpu.memref_squeeze %dma_wait3A_49 : memref<1x128x128xf32, #tpu.memory_space<hbm>> -> memref<128x128xf32, #tpu.memory_space<hbm>>
      tpu.wait_dma2 semaphore(%run_scoped3A : memref<!tpu.dma_semaphore, #tpu.memory_space<semaphore_mem>>) src(%arg9 : memref<128x128xf32, #tpu.memory_space<vmem>>) dst(%dma_wait3A_50 : memref<128x128xf32, #tpu.memory_space<hbm>>)
      tpu.yield
    }) : () -> ()
    %add3A_29 = arith.constant 256 : i32
    %add3A_30 = arith.addi %mul3A_0, %add3A_29 : i32
    "tpu.region"() ({
      %run_scoped3A = tpu.sem_alloc : memref<!tpu.dma_semaphore, #tpu.memory_space<semaphore_mem>>
      %dma_start3A = arith.constant 0 : i32
      %dma_start3A_41 = tpu.memref_slice %arg15[%add3A_30, %dma_start3A] : memref<10112x128xf32, #tpu.memory_space<vmem_shared>> -> memref<128x128xf32, #tpu.memory_space<vmem_shared>>
      %dma_start3A_42 = arith.constant 0 : i32
      %dma_start3A_43 = tpu.memref_slice %arg15[%add3A_30, %dma_start3A_42] : memref<10112x128xf32, #tpu.memory_space<vmem_shared>> -> memref<128x128xf32, #tpu.memory_space<vmem_shared>>
      tpu.enqueue_dma source(%dma_start3A_43 : memref<128x128xf32, #tpu.memory_space<vmem_shared>>) target(%arg9 : memref<128x128xf32, #tpu.memory_space<vmem>>) target_semaphore(%run_scoped3A : memref<!tpu.dma_semaphore, #tpu.memory_space<semaphore_mem>>)
      %dma_wait3A = arith.constant 0 : i32
      %dma_wait3A_44 = tpu.memref_slice %arg15[%add3A_30, %dma_wait3A] : memref<10112x128xf32, #tpu.memory_space<vmem_shared>> -> memref<128x128xf32, #tpu.memory_space<vmem_shared>>
      %dma_wait3A_45 = arith.constant 0 : i32
      %dma_wait3A_46 = tpu.memref_slice %arg15[%add3A_30, %dma_wait3A_45] : memref<10112x128xf32, #tpu.memory_space<vmem_shared>> -> memref<128x128xf32, #tpu.memory_space<vmem_shared>>
      tpu.wait_dma2 semaphore(%run_scoped3A : memref<!tpu.dma_semaphore, #tpu.memory_space<semaphore_mem>>) src(%dma_wait3A_46 : memref<128x128xf32, #tpu.memory_space<vmem_shared>>) dst(%arg9 : memref<128x128xf32, #tpu.memory_space<vmem>>)
      tpu.yield
    }) : () -> ()
    %add3A_31 = arith.constant 256 : i32
    %add3A_32 = arith.addi %mul3A_0, %add3A_31 : i32
    "tpu.region"() ({
      %run_scoped3A = tpu.sem_alloc : memref<!tpu.dma_semaphore, #tpu.memory_space<semaphore_mem>>
      %dma_start3A = arith.constant 0 : i32
      %dma_start3A_41 = tpu.memref_slice %arg6[%arg0, %add3A_32, %dma_start3A] : memref<2x10112x128xf32, #tpu.memory_space<hbm>> -> memref<1x128x128xf32, #tpu.memory_space<hbm>>
      %dma_start3A_42 = tpu.memref_squeeze %dma_start3A_41 : memref<1x128x128xf32, #tpu.memory_space<hbm>> -> memref<128x128xf32, #tpu.memory_space<hbm>>
      %dma_start3A_43 = arith.constant 0 : i32
      %dma_start3A_44 = tpu.memref_slice %arg6[%arg0, %add3A_32, %dma_start3A_43] : memref<2x10112x128xf32, #tpu.memory_space<hbm>> -> memref<1x128x128xf32, #tpu.memory_space<hbm>>
      %dma_start3A_45 = tpu.memref_squeeze %dma_start3A_44 : memref<1x128x128xf32, #tpu.memory_space<hbm>> -> memref<128x128xf32, #tpu.memory_space<hbm>>
      tpu.enqueue_dma source(%arg9 : memref<128x128xf32, #tpu.memory_space<vmem>>) target(%dma_start3A_45 : memref<128x128xf32, #tpu.memory_space<hbm>>) target_semaphore(%run_scoped3A : memref<!tpu.dma_semaphore, #tpu.memory_space<semaphore_mem>>)
      %dma_wait3A = arith.constant 0 : i32
      %dma_wait3A_46 = tpu.memref_slice %arg6[%arg0, %add3A_32, %dma_wait3A] : memref<2x10112x128xf32, #tpu.memory_space<hbm>> -> memref<1x128x128xf32, #tpu.memory_space<hbm>>
      %dma_wait3A_47 = tpu.memref_squeeze %dma_wait3A_46 : memref<1x128x128xf32, #tpu.memory_space<hbm>> -> memref<128x128xf32, #tpu.memory_space<hbm>>
      %dma_wait3A_48 = arith.constant 0 : i32
      %dma_wait3A_49 = tpu.memref_slice %arg6[%arg0, %add3A_32, %dma_wait3A_48] : memref<2x10112x128xf32, #tpu.memory_space<hbm>> -> memref<1x128x128xf32, #tpu.memory_space<hbm>>
      %dma_wait3A_50 = tpu.memref_squeeze %dma_wait3A_49 : memref<1x128x128xf32, #tpu.memory_space<hbm>> -> memref<128x128xf32, #tpu.memory_space<hbm>>
      tpu.wait_dma2 semaphore(%run_scoped3A : memref<!tpu.dma_semaphore, #tpu.memory_space<semaphore_mem>>) src(%arg9 : memref<128x128xf32, #tpu.memory_space<vmem>>) dst(%dma_wait3A_50 : memref<128x128xf32, #tpu.memory_space<hbm>>)
      tpu.yield
    }) : () -> ()
    %add3A_33 = arith.constant 384 : i32
    %add3A_34 = arith.addi %mul3A_0, %add3A_33 : i32
    "tpu.region"() ({
      %run_scoped3A = tpu.sem_alloc : memref<!tpu.dma_semaphore, #tpu.memory_space<semaphore_mem>>
      %dma_start3A = arith.constant 0 : i32
      %dma_start3A_41 = tpu.memref_slice %arg15[%add3A_34, %dma_start3A] : memref<10112x128xf32, #tpu.memory_space<vmem_shared>> -> memref<128x128xf32, #tpu.memory_space<vmem_shared>>
      %dma_start3A_42 = arith.constant 0 : i32
      %dma_start3A_43 = tpu.memref_slice %arg15[%add3A_34, %dma_start3A_42] : memref<10112x128xf32, #tpu.memory_space<vmem_shared>> -> memref<128x128xf32, #tpu.memory_space<vmem_shared>>
      tpu.enqueue_dma source(%dma_start3A_43 : memref<128x128xf32, #tpu.memory_space<vmem_shared>>) target(%arg9 : memref<128x128xf32, #tpu.memory_space<vmem>>) target_semaphore(%run_scoped3A : memref<!tpu.dma_semaphore, #tpu.memory_space<semaphore_mem>>)
      %dma_wait3A = arith.constant 0 : i32
      %dma_wait3A_44 = tpu.memref_slice %arg15[%add3A_34, %dma_wait3A] : memref<10112x128xf32, #tpu.memory_space<vmem_shared>> -> memref<128x128xf32, #tpu.memory_space<vmem_shared>>
      %dma_wait3A_45 = arith.constant 0 : i32
      %dma_wait3A_46 = tpu.memref_slice %arg15[%add3A_34, %dma_wait3A_45] : memref<10112x128xf32, #tpu.memory_space<vmem_shared>> -> memref<128x128xf32, #tpu.memory_space<vmem_shared>>
      tpu.wait_dma2 semaphore(%run_scoped3A : memref<!tpu.dma_semaphore, #tpu.memory_space<semaphore_mem>>) src(%dma_wait3A_46 : memref<128x128xf32, #tpu.memory_space<vmem_shared>>) dst(%arg9 : memref<128x128xf32, #tpu.memory_space<vmem>>)
      tpu.yield
    }) : () -> ()
    %add3A_35 = arith.constant 384 : i32
    %add3A_36 = arith.addi %mul3A_0, %add3A_35 : i32
    "tpu.region"() ({
      %run_scoped3A = tpu.sem_alloc : memref<!tpu.dma_semaphore, #tpu.memory_space<semaphore_mem>>
      %dma_start3A = arith.constant 0 : i32
      %dma_start3A_41 = tpu.memref_slice %arg6[%arg0, %add3A_36, %dma_start3A] : memref<2x10112x128xf32, #tpu.memory_space<hbm>> -> memref<1x128x128xf32, #tpu.memory_space<hbm>>
      %dma_start3A_42 = tpu.memref_squeeze %dma_start3A_41 : memref<1x128x128xf32, #tpu.memory_space<hbm>> -> memref<128x128xf32, #tpu.memory_space<hbm>>
      %dma_start3A_43 = arith.constant 0 : i32
      %dma_start3A_44 = tpu.memref_slice %arg6[%arg0, %add3A_36, %dma_start3A_43] : memref<2x10112x128xf32, #tpu.memory_space<hbm>> -> memref<1x128x128xf32, #tpu.memory_space<hbm>>
      %dma_start3A_45 = tpu.memref_squeeze %dma_start3A_44 : memref<1x128x128xf32, #tpu.memory_space<hbm>> -> memref<128x128xf32, #tpu.memory_space<hbm>>
      tpu.enqueue_dma source(%arg9 : memref<128x128xf32, #tpu.memory_space<vmem>>) target(%dma_start3A_45 : memref<128x128xf32, #tpu.memory_space<hbm>>) target_semaphore(%run_scoped3A : memref<!tpu.dma_semaphore, #tpu.memory_space<semaphore_mem>>)
      %dma_wait3A = arith.constant 0 : i32
      %dma_wait3A_46 = tpu.memref_slice %arg6[%arg0, %add3A_36, %dma_wait3A] : memref<2x10112x128xf32, #tpu.memory_space<hbm>> -> memref<1x128x128xf32, #tpu.memory_space<hbm>>
      %dma_wait3A_47 = tpu.memref_squeeze %dma_wait3A_46 : memref<1x128x128xf32, #tpu.memory_space<hbm>> -> memref<128x128xf32, #tpu.memory_space<hbm>>
      %dma_wait3A_48 = arith.constant 0 : i32
      %dma_wait3A_49 = tpu.memref_slice %arg6[%arg0, %add3A_36, %dma_wait3A_48] : memref<2x10112x128xf32, #tpu.memory_space<hbm>> -> memref<1x128x128xf32, #tpu.memory_space<hbm>>
      %dma_wait3A_50 = tpu.memref_squeeze %dma_wait3A_49 : memref<1x128x128xf32, #tpu.memory_space<hbm>> -> memref<128x128xf32, #tpu.memory_space<hbm>>
      tpu.wait_dma2 semaphore(%run_scoped3A : memref<!tpu.dma_semaphore, #tpu.memory_space<semaphore_mem>>) src(%arg9 : memref<128x128xf32, #tpu.memory_space<vmem>>) dst(%dma_wait3A_50 : memref<128x128xf32, #tpu.memory_space<hbm>>)
      tpu.yield
    }) : () -> ()
    %add3A_37 = arith.constant 512 : i32
    %add3A_38 = arith.addi %mul3A_0, %add3A_37 : i32
    "tpu.region"() ({
      %run_scoped3A = tpu.sem_alloc : memref<!tpu.dma_semaphore, #tpu.memory_space<semaphore_mem>>
      %dma_start3A = arith.constant 0 : i32
      %dma_start3A_41 = arith.constant 0 : i32
      %dma_start3A_42 = tpu.memref_slice %arg9[%dma_start3A, %dma_start3A_41] : memref<128x128xf32, #tpu.memory_space<vmem>> -> memref<120x128xf32, #tpu.memory_space<vmem>>
      %dma_start3A_43 = arith.constant 0 : i32
      %dma_start3A_44 = tpu.memref_slice %arg15[%add3A_38, %dma_start3A_43] : memref<10112x128xf32, #tpu.memory_space<vmem_shared>> -> memref<120x128xf32, #tpu.memory_space<vmem_shared>>
      %dma_start3A_45 = arith.constant 0 : i32
      %dma_start3A_46 = arith.constant 0 : i32
      %dma_start3A_47 = tpu.memref_slice %arg9[%dma_start3A_45, %dma_start3A_46] : memref<128x128xf32, #tpu.memory_space<vmem>> -> memref<120x128xf32, #tpu.memory_space<vmem>>
      %dma_start3A_48 = arith.constant 0 : i32
      %dma_start3A_49 = tpu.memref_slice %arg15[%add3A_38, %dma_start3A_48] : memref<10112x128xf32, #tpu.memory_space<vmem_shared>> -> memref<120x128xf32, #tpu.memory_space<vmem_shared>>
      tpu.enqueue_dma source(%dma_start3A_49 : memref<120x128xf32, #tpu.memory_space<vmem_shared>>) target(%dma_start3A_47 : memref<120x128xf32, #tpu.memory_space<vmem>>) target_semaphore(%run_scoped3A : memref<!tpu.dma_semaphore, #tpu.memory_space<semaphore_mem>>)
      %dma_wait3A = arith.constant 0 : i32
      %dma_wait3A_50 = arith.constant 0 : i32
      %dma_wait3A_51 = tpu.memref_slice %arg9[%dma_wait3A, %dma_wait3A_50] : memref<128x128xf32, #tpu.memory_space<vmem>> -> memref<120x128xf32, #tpu.memory_space<vmem>>
      %dma_wait3A_52 = arith.constant 0 : i32
      %dma_wait3A_53 = tpu.memref_slice %arg15[%add3A_38, %dma_wait3A_52] : memref<10112x128xf32, #tpu.memory_space<vmem_shared>> -> memref<120x128xf32, #tpu.memory_space<vmem_shared>>
      %dma_wait3A_54 = arith.constant 0 : i32
      %dma_wait3A_55 = arith.constant 0 : i32
      %dma_wait3A_56 = tpu.memref_slice %arg9[%dma_wait3A_54, %dma_wait3A_55] : memref<128x128xf32, #tpu.memory_space<vmem>> -> memref<120x128xf32, #tpu.memory_space<vmem>>
      %dma_wait3A_57 = arith.constant 0 : i32
      %dma_wait3A_58 = tpu.memref_slice %arg15[%add3A_38, %dma_wait3A_57] : memref<10112x128xf32, #tpu.memory_space<vmem_shared>> -> memref<120x128xf32, #tpu.memory_space<vmem_shared>>
      tpu.wait_dma2 semaphore(%run_scoped3A : memref<!tpu.dma_semaphore, #tpu.memory_space<semaphore_mem>>) src(%dma_wait3A_58 : memref<120x128xf32, #tpu.memory_space<vmem_shared>>) dst(%dma_wait3A_56 : memref<120x128xf32, #tpu.memory_space<vmem>>)
      tpu.yield
    }) : () -> ()
    %add3A_39 = arith.constant 512 : i32
    %add3A_40 = arith.addi %mul3A_0, %add3A_39 : i32
    "tpu.region"() ({
      %run_scoped3A = tpu.sem_alloc : memref<!tpu.dma_semaphore, #tpu.memory_space<semaphore_mem>>
      %dma_start3A = arith.constant 0 : i32
      %dma_start3A_41 = arith.constant 0 : i32
      %dma_start3A_42 = tpu.memref_slice %arg9[%dma_start3A, %dma_start3A_41] : memref<128x128xf32, #tpu.memory_space<vmem>> -> memref<120x128xf32, #tpu.memory_space<vmem>>
      %dma_start3A_43 = arith.constant 0 : i32
      %dma_start3A_44 = tpu.memref_slice %arg6[%arg0, %add3A_40, %dma_start3A_43] : memref<2x10112x128xf32, #tpu.memory_space<hbm>> -> memref<1x120x128xf32, #tpu.memory_space<hbm>>
      %dma_start3A_45 = tpu.memref_squeeze %dma_start3A_44 : memref<1x120x128xf32, #tpu.memory_space<hbm>> -> memref<120x128xf32, #tpu.memory_space<hbm>>
      %dma_start3A_46 = arith.constant 0 : i32
      %dma_start3A_47 = tpu.memref_slice %arg6[%arg0, %add3A_40, %dma_start3A_46] : memref<2x10112x128xf32, #tpu.memory_space<hbm>> -> memref<1x120x128xf32, #tpu.memory_space<hbm>>
      %dma_start3A_48 = tpu.memref_squeeze %dma_start3A_47 : memref<1x120x128xf32, #tpu.memory_space<hbm>> -> memref<120x128xf32, #tpu.memory_space<hbm>>
      %dma_start3A_49 = arith.constant 0 : i32
      %dma_start3A_50 = arith.constant 0 : i32
      %dma_start3A_51 = tpu.memref_slice %arg9[%dma_start3A_49, %dma_start3A_50] : memref<128x128xf32, #tpu.memory_space<vmem>> -> memref<120x128xf32, #tpu.memory_space<vmem>>
      tpu.enqueue_dma source(%dma_start3A_51 : memref<120x128xf32, #tpu.memory_space<vmem>>) target(%dma_start3A_48 : memref<120x128xf32, #tpu.memory_space<hbm>>) target_semaphore(%run_scoped3A : memref<!tpu.dma_semaphore, #tpu.memory_space<semaphore_mem>>)
      %dma_wait3A = arith.constant 0 : i32
      %dma_wait3A_52 = arith.constant 0 : i32
      %dma_wait3A_53 = tpu.memref_slice %arg9[%dma_wait3A, %dma_wait3A_52] : memref<128x128xf32, #tpu.memory_space<vmem>> -> memref<120x128xf32, #tpu.memory_space<vmem>>
      %dma_wait3A_54 = arith.constant 0 : i32
      %dma_wait3A_55 = tpu.memref_slice %arg6[%arg0, %add3A_40, %dma_wait3A_54] : memref<2x10112x128xf32, #tpu.memory_space<hbm>> -> memref<1x120x128xf32, #tpu.memory_space<hbm>>
      %dma_wait3A_56 = tpu.memref_squeeze %dma_wait3A_55 : memref<1x120x128xf32, #tpu.memory_space<hbm>> -> memref<120x128xf32, #tpu.memory_space<hbm>>
      %dma_wait3A_57 = arith.constant 0 : i32
      %dma_wait3A_58 = tpu.memref_slice %arg6[%arg0, %add3A_40, %dma_wait3A_57] : memref<2x10112x128xf32, #tpu.memory_space<hbm>> -> memref<1x120x128xf32, #tpu.memory_space<hbm>>
      %dma_wait3A_59 = tpu.memref_squeeze %dma_wait3A_58 : memref<1x120x128xf32, #tpu.memory_space<hbm>> -> memref<120x128xf32, #tpu.memory_space<hbm>>
      %dma_wait3A_60 = arith.constant 0 : i32
      %dma_wait3A_61 = arith.constant 0 : i32
      %dma_wait3A_62 = tpu.memref_slice %arg9[%dma_wait3A_60, %dma_wait3A_61] : memref<128x128xf32, #tpu.memory_space<vmem>> -> memref<120x128xf32, #tpu.memory_space<vmem>>
      tpu.wait_dma2 semaphore(%run_scoped3A : memref<!tpu.dma_semaphore, #tpu.memory_space<semaphore_mem>>) src(%dma_wait3A_62 : memref<120x128xf32, #tpu.memory_space<vmem>>) dst(%dma_wait3A_59 : memref<120x128xf32, #tpu.memory_space<hbm>>)
      tpu.yield
    }) : () -> ()
    return
  }
}

#map = affine_map<(d0, d1) -> (0, 0, 0, 0)>
#map1 = affine_map<(d0, d1) -> (0, 0, 0)>
module attributes {stable_mosaic.version = 14 : i64} {
  func.func @_sc_deg_body(%arg0: i32, %arg1: i32, %arg2: memref<2x16x80x128xi32, #tpu.memory_space<hbm>>, %arg3: memref<2x10112x16xf32, #tpu.memory_space<hbm>>, %arg4: memref<80x128xi32, #tpu.memory_space<vmem>>, %arg5: memref<128x16xf32, #tpu.memory_space<vmem>>, %arg6: memref<128x16xf32, #tpu.memory_space<vmem>>, %arg7: memref<10112x16xf32, #tpu.memory_space<vmem_shared>>) attributes {dimension_semantics = [#tpu.dimension_semantics<core_parallel>, #tpu.dimension_semantics<subcore_parallel>], iteration_bounds = array<i64: 2, 16>, scalar_prefetch = 0 : i64, scratch_operands = 4 : i64, tpu.core_type = #tpu.core_type<sc_vector_subcore>, window_params = [{transform_indices = #map}, {transform_indices = #map1}]} {
    %mul3A = arith.constant 632 : i32
    %mul3A_0 = arith.muli %arg1, %mul3A : i32
    "tpu.region"() ({
      %run_scoped3A = tpu.sem_alloc : memref<!tpu.dma_semaphore, #tpu.memory_space<semaphore_mem>>
      %dma_start3A = arith.constant 0 : i32
      %dma_start3A_48 = arith.constant 0 : i32
      %dma_start3A_49 = tpu.memref_slice %arg2[%arg0, %arg1, %dma_start3A, %dma_start3A_48] : memref<2x16x80x128xi32, #tpu.memory_space<hbm>> -> memref<1x1x80x128xi32, #tpu.memory_space<hbm>>
      %dma_start3A_50 = tpu.memref_squeeze %dma_start3A_49 : memref<1x1x80x128xi32, #tpu.memory_space<hbm>> -> memref<80x128xi32, #tpu.memory_space<hbm>>
      %dma_start3A_51 = arith.constant 0 : i32
      %dma_start3A_52 = arith.constant 0 : i32
      %dma_start3A_53 = tpu.memref_slice %arg2[%arg0, %arg1, %dma_start3A_51, %dma_start3A_52] : memref<2x16x80x128xi32, #tpu.memory_space<hbm>> -> memref<1x1x80x128xi32, #tpu.memory_space<hbm>>
      %dma_start3A_54 = tpu.memref_squeeze %dma_start3A_53 : memref<1x1x80x128xi32, #tpu.memory_space<hbm>> -> memref<80x128xi32, #tpu.memory_space<hbm>>
      tpu.enqueue_dma source(%dma_start3A_54 : memref<80x128xi32, #tpu.memory_space<hbm>>) target(%arg4 : memref<80x128xi32, #tpu.memory_space<vmem>>) target_semaphore(%run_scoped3A : memref<!tpu.dma_semaphore, #tpu.memory_space<semaphore_mem>>)
      %dma_wait3A = arith.constant 0 : i32
      %dma_wait3A_55 = arith.constant 0 : i32
      %dma_wait3A_56 = tpu.memref_slice %arg2[%arg0, %arg1, %dma_wait3A, %dma_wait3A_55] : memref<2x16x80x128xi32, #tpu.memory_space<hbm>> -> memref<1x1x80x128xi32, #tpu.memory_space<hbm>>
      %dma_wait3A_57 = tpu.memref_squeeze %dma_wait3A_56 : memref<1x1x80x128xi32, #tpu.memory_space<hbm>> -> memref<80x128xi32, #tpu.memory_space<hbm>>
      %dma_wait3A_58 = arith.constant 0 : i32
      %dma_wait3A_59 = arith.constant 0 : i32
      %dma_wait3A_60 = tpu.memref_slice %arg2[%arg0, %arg1, %dma_wait3A_58, %dma_wait3A_59] : memref<2x16x80x128xi32, #tpu.memory_space<hbm>> -> memref<1x1x80x128xi32, #tpu.memory_space<hbm>>
      %dma_wait3A_61 = tpu.memref_squeeze %dma_wait3A_60 : memref<1x1x80x128xi32, #tpu.memory_space<hbm>> -> memref<80x128xi32, #tpu.memory_space<hbm>>
      tpu.wait_dma2 semaphore(%run_scoped3A : memref<!tpu.dma_semaphore, #tpu.memory_space<semaphore_mem>>) src(%dma_wait3A_61 : memref<80x128xi32, #tpu.memory_space<hbm>>) dst(%arg4 : memref<80x128xi32, #tpu.memory_space<vmem>>)
      tpu.yield
    }) : () -> ()
    %broadcast_in_dim3A = arith.constant 1.000000e+00 : f32
    %broadcast_in_dim3A_1 = vector.broadcast %broadcast_in_dim3A : f32 to vector<16xf32>
    %scan3A = arith.constant 0 : i32
    %scan3A_2 = arith.constant 128 : i32
    %scan3A_3 = arith.addi %scan3A, %scan3A_2 : i32
    %scan3A_4 = arith.constant 1 : i32
    scf.for %scan3A_48 = %scan3A to %scan3A_3 step %scan3A_4  : i32 {
      %mul3A_49 = arith.constant 1 : i32
      %mul3A_50 = arith.muli %scan3A_48, %mul3A_49 : i32
      %add3A_51 = arith.constant 0 : i32
      %add3A_52 = arith.addi %add3A_51, %mul3A_50 : i32
      %scan3A_53 = arith.constant 0 : i32
      %mul3A_54 = arith.constant 16 : i32
      %mul3A_55 = arith.muli %scan3A_53, %mul3A_54 : i32
      %add3A_56 = arith.constant 0 : i32
      %add3A_57 = arith.addi %add3A_56, %mul3A_55 : i32
      %swap3A = arith.index_cast %add3A_52 : i32 to index
      %swap3A_58 = arith.index_cast %add3A_57 : i32 to index
      %swap3A_59 = tpu.vector_load %arg5[%swap3A, %swap3A_58] {strides = array<i32>} : memref<128x16xf32, #tpu.memory_space<vmem>>, vector<1x16xf32>,
      %swap3A_60 = vector.shape_cast %swap3A_59 : vector<1x16xf32> to vector<16xf32>
      %swap3A_61 = vector.shape_cast %broadcast_in_dim3A_1 : vector<16xf32> to vector<1x16xf32>
      tpu.vector_store %arg5[%swap3A, %swap3A_58], %swap3A_61 {strides = array<i32>} : memref<128x16xf32, #tpu.memory_space<vmem>>, vector<1x16xf32>,
      %scan3A_62 = arith.constant 1 : i32
    }
    %scan3A_5 = arith.constant 128 : i32
    %broadcast_in_dim3A_6 = arith.constant 0.000000e+00 : f32
    %broadcast_in_dim3A_7 = vector.broadcast %broadcast_in_dim3A_6 : f32 to vector<16xf32>
    %scan3A_8 = arith.constant 0 : i32
    %scan3A_9 = arith.constant 128 : i32
    %scan3A_10 = arith.addi %scan3A_8, %scan3A_9 : i32
    %scan3A_11 = arith.constant 1 : i32
    scf.for %scan3A_48 = %scan3A_8 to %scan3A_10 step %scan3A_11  : i32 {
      %mul3A_49 = arith.constant 1 : i32
      %mul3A_50 = arith.muli %scan3A_48, %mul3A_49 : i32
      %add3A_51 = arith.constant 0 : i32
      %add3A_52 = arith.addi %add3A_51, %mul3A_50 : i32
      %scan3A_53 = arith.constant 0 : i32
      %mul3A_54 = arith.constant 16 : i32
      %mul3A_55 = arith.muli %scan3A_53, %mul3A_54 : i32
      %add3A_56 = arith.constant 0 : i32
      %add3A_57 = arith.addi %add3A_56, %mul3A_55 : i32
      %swap3A = arith.index_cast %add3A_52 : i32 to index
      %swap3A_58 = arith.index_cast %add3A_57 : i32 to index
      %swap3A_59 = tpu.vector_load %arg6[%swap3A, %swap3A_58] {strides = array<i32>} : memref<128x16xf32, #tpu.memory_space<vmem>>, vector<1x16xf32>,
      %swap3A_60 = vector.shape_cast %swap3A_59 : vector<1x16xf32> to vector<16xf32>
      %swap3A_61 = vector.shape_cast %broadcast_in_dim3A_7 : vector<16xf32> to vector<1x16xf32>
      tpu.vector_store %arg6[%swap3A, %swap3A_58], %swap3A_61 {strides = array<i32>} : memref<128x16xf32, #tpu.memory_space<vmem>>, vector<1x16xf32>,
      %scan3A_62 = arith.constant 1 : i32
    }
    %scan3A_12 = arith.constant 128 : i32
    %add3A = arith.constant 0 : i32
    %add3A_13 = arith.addi %mul3A_0, %add3A : i32
    "tpu.region"() ({
      %run_scoped3A = tpu.sem_alloc : memref<!tpu.dma_semaphore, #tpu.memory_space<semaphore_mem>>
      %dma_start3A = arith.constant 0 : i32
      %dma_start3A_48 = tpu.memref_slice %arg7[%add3A_13, %dma_start3A] : memref<10112x16xf32, #tpu.memory_space<vmem_shared>> -> memref<128x16xf32, #tpu.memory_space<vmem_shared>>
      %dma_start3A_49 = arith.constant 0 : i32
      %dma_start3A_50 = tpu.memref_slice %arg7[%add3A_13, %dma_start3A_49] : memref<10112x16xf32, #tpu.memory_space<vmem_shared>> -> memref<128x16xf32, #tpu.memory_space<vmem_shared>>
      tpu.enqueue_dma source(%arg6 : memref<128x16xf32, #tpu.memory_space<vmem>>) target(%dma_start3A_50 : memref<128x16xf32, #tpu.memory_space<vmem_shared>>) target_semaphore(%run_scoped3A : memref<!tpu.dma_semaphore, #tpu.memory_space<semaphore_mem>>)
      %dma_wait3A = arith.constant 0 : i32
      %dma_wait3A_51 = tpu.memref_slice %arg7[%add3A_13, %dma_wait3A] : memref<10112x16xf32, #tpu.memory_space<vmem_shared>> -> memref<128x16xf32, #tpu.memory_space<vmem_shared>>
      %dma_wait3A_52 = arith.constant 0 : i32
      %dma_wait3A_53 = tpu.memref_slice %arg7[%add3A_13, %dma_wait3A_52] : memref<10112x16xf32, #tpu.memory_space<vmem_shared>> -> memref<128x16xf32, #tpu.memory_space<vmem_shared>>
      tpu.wait_dma2 semaphore(%run_scoped3A : memref<!tpu.dma_semaphore, #tpu.memory_space<semaphore_mem>>) src(%arg6 : memref<128x16xf32, #tpu.memory_space<vmem>>) dst(%dma_wait3A_53 : memref<128x16xf32, #tpu.memory_space<vmem_shared>>)
      tpu.yield
    }) : () -> ()
    %add3A_14 = arith.constant 128 : i32
    %add3A_15 = arith.addi %mul3A_0, %add3A_14 : i32
    "tpu.region"() ({
      %run_scoped3A = tpu.sem_alloc : memref<!tpu.dma_semaphore, #tpu.memory_space<semaphore_mem>>
      %dma_start3A = arith.constant 0 : i32
      %dma_start3A_48 = tpu.memref_slice %arg7[%add3A_15, %dma_start3A] : memref<10112x16xf32, #tpu.memory_space<vmem_shared>> -> memref<128x16xf32, #tpu.memory_space<vmem_shared>>
      %dma_start3A_49 = arith.constant 0 : i32
      %dma_start3A_50 = tpu.memref_slice %arg7[%add3A_15, %dma_start3A_49] : memref<10112x16xf32, #tpu.memory_space<vmem_shared>> -> memref<128x16xf32, #tpu.memory_space<vmem_shared>>
      tpu.enqueue_dma source(%arg6 : memref<128x16xf32, #tpu.memory_space<vmem>>) target(%dma_start3A_50 : memref<128x16xf32, #tpu.memory_space<vmem_shared>>) target_semaphore(%run_scoped3A : memref<!tpu.dma_semaphore, #tpu.memory_space<semaphore_mem>>)
      %dma_wait3A = arith.constant 0 : i32
      %dma_wait3A_51 = tpu.memref_slice %arg7[%add3A_15, %dma_wait3A] : memref<10112x16xf32, #tpu.memory_space<vmem_shared>> -> memref<128x16xf32, #tpu.memory_space<vmem_shared>>
      %dma_wait3A_52 = arith.constant 0 : i32
      %dma_wait3A_53 = tpu.memref_slice %arg7[%add3A_15, %dma_wait3A_52] : memref<10112x16xf32, #tpu.memory_space<vmem_shared>> -> memref<128x16xf32, #tpu.memory_space<vmem_shared>>
      tpu.wait_dma2 semaphore(%run_scoped3A : memref<!tpu.dma_semaphore, #tpu.memory_space<semaphore_mem>>) src(%arg6 : memref<128x16xf32, #tpu.memory_space<vmem>>) dst(%dma_wait3A_53 : memref<128x16xf32, #tpu.memory_space<vmem_shared>>)
      tpu.yield
    }) : () -> ()
    %add3A_16 = arith.constant 256 : i32
    %add3A_17 = arith.addi %mul3A_0, %add3A_16 : i32
    "tpu.region"() ({
      %run_scoped3A = tpu.sem_alloc : memref<!tpu.dma_semaphore, #tpu.memory_space<semaphore_mem>>
      %dma_start3A = arith.constant 0 : i32
      %dma_start3A_48 = tpu.memref_slice %arg7[%add3A_17, %dma_start3A] : memref<10112x16xf32, #tpu.memory_space<vmem_shared>> -> memref<128x16xf32, #tpu.memory_space<vmem_shared>>
      %dma_start3A_49 = arith.constant 0 : i32
      %dma_start3A_50 = tpu.memref_slice %arg7[%add3A_17, %dma_start3A_49] : memref<10112x16xf32, #tpu.memory_space<vmem_shared>> -> memref<128x16xf32, #tpu.memory_space<vmem_shared>>
      tpu.enqueue_dma source(%arg6 : memref<128x16xf32, #tpu.memory_space<vmem>>) target(%dma_start3A_50 : memref<128x16xf32, #tpu.memory_space<vmem_shared>>) target_semaphore(%run_scoped3A : memref<!tpu.dma_semaphore, #tpu.memory_space<semaphore_mem>>)
      %dma_wait3A = arith.constant 0 : i32
      %dma_wait3A_51 = tpu.memref_slice %arg7[%add3A_17, %dma_wait3A] : memref<10112x16xf32, #tpu.memory_space<vmem_shared>> -> memref<128x16xf32, #tpu.memory_space<vmem_shared>>
      %dma_wait3A_52 = arith.constant 0 : i32
      %dma_wait3A_53 = tpu.memref_slice %arg7[%add3A_17, %dma_wait3A_52] : memref<10112x16xf32, #tpu.memory_space<vmem_shared>> -> memref<128x16xf32, #tpu.memory_space<vmem_shared>>
      tpu.wait_dma2 semaphore(%run_scoped3A : memref<!tpu.dma_semaphore, #tpu.memory_space<semaphore_mem>>) src(%arg6 : memref<128x16xf32, #tpu.memory_space<vmem>>) dst(%dma_wait3A_53 : memref<128x16xf32, #tpu.memory_space<vmem_shared>>)
      tpu.yield
    }) : () -> ()
    %add3A_18 = arith.constant 384 : i32
    %add3A_19 = arith.addi %mul3A_0, %add3A_18 : i32
    "tpu.region"() ({
      %run_scoped3A = tpu.sem_alloc : memref<!tpu.dma_semaphore, #tpu.memory_space<semaphore_mem>>
      %dma_start3A = arith.constant 0 : i32
      %dma_start3A_48 = tpu.memref_slice %arg7[%add3A_19, %dma_start3A] : memref<10112x16xf32, #tpu.memory_space<vmem_shared>> -> memref<128x16xf32, #tpu.memory_space<vmem_shared>>
      %dma_start3A_49 = arith.constant 0 : i32
      %dma_start3A_50 = tpu.memref_slice %arg7[%add3A_19, %dma_start3A_49] : memref<10112x16xf32, #tpu.memory_space<vmem_shared>> -> memref<128x16xf32, #tpu.memory_space<vmem_shared>>
      tpu.enqueue_dma source(%arg6 : memref<128x16xf32, #tpu.memory_space<vmem>>) target(%dma_start3A_50 : memref<128x16xf32, #tpu.memory_space<vmem_shared>>) target_semaphore(%run_scoped3A : memref<!tpu.dma_semaphore, #tpu.memory_space<semaphore_mem>>)
      %dma_wait3A = arith.constant 0 : i32
      %dma_wait3A_51 = tpu.memref_slice %arg7[%add3A_19, %dma_wait3A] : memref<10112x16xf32, #tpu.memory_space<vmem_shared>> -> memref<128x16xf32, #tpu.memory_space<vmem_shared>>
      %dma_wait3A_52 = arith.constant 0 : i32
      %dma_wait3A_53 = tpu.memref_slice %arg7[%add3A_19, %dma_wait3A_52] : memref<10112x16xf32, #tpu.memory_space<vmem_shared>> -> memref<128x16xf32, #tpu.memory_space<vmem_shared>>
      tpu.wait_dma2 semaphore(%run_scoped3A : memref<!tpu.dma_semaphore, #tpu.memory_space<semaphore_mem>>) src(%arg6 : memref<128x16xf32, #tpu.memory_space<vmem>>) dst(%dma_wait3A_53 : memref<128x16xf32, #tpu.memory_space<vmem_shared>>)
      tpu.yield
    }) : () -> ()
    %add3A_20 = arith.constant 512 : i32
    %add3A_21 = arith.addi %mul3A_0, %add3A_20 : i32
    "tpu.region"() ({
      %run_scoped3A = tpu.sem_alloc : memref<!tpu.dma_semaphore, #tpu.memory_space<semaphore_mem>>
      %dma_start3A = arith.constant 0 : i32
      %dma_start3A_48 = arith.constant 0 : i32
      %dma_start3A_49 = tpu.memref_slice %arg6[%dma_start3A, %dma_start3A_48] : memref<128x16xf32, #tpu.memory_space<vmem>> -> memref<120x16xf32, #tpu.memory_space<vmem>>
      %dma_start3A_50 = arith.constant 0 : i32
      %dma_start3A_51 = tpu.memref_slice %arg7[%add3A_21, %dma_start3A_50] : memref<10112x16xf32, #tpu.memory_space<vmem_shared>> -> memref<120x16xf32, #tpu.memory_space<vmem_shared>>
      %dma_start3A_52 = arith.constant 0 : i32
      %dma_start3A_53 = tpu.memref_slice %arg7[%add3A_21, %dma_start3A_52] : memref<10112x16xf32, #tpu.memory_space<vmem_shared>> -> memref<120x16xf32, #tpu.memory_space<vmem_shared>>
      %dma_start3A_54 = arith.constant 0 : i32
      %dma_start3A_55 = arith.constant 0 : i32
      %dma_start3A_56 = tpu.memref_slice %arg6[%dma_start3A_54, %dma_start3A_55] : memref<128x16xf32, #tpu.memory_space<vmem>> -> memref<120x16xf32, #tpu.memory_space<vmem>>
      tpu.enqueue_dma source(%dma_start3A_56 : memref<120x16xf32, #tpu.memory_space<vmem>>) target(%dma_start3A_53 : memref<120x16xf32, #tpu.memory_space<vmem_shared>>) target_semaphore(%run_scoped3A : memref<!tpu.dma_semaphore, #tpu.memory_space<semaphore_mem>>)
      %dma_wait3A = arith.constant 0 : i32
      %dma_wait3A_57 = arith.constant 0 : i32
      %dma_wait3A_58 = tpu.memref_slice %arg6[%dma_wait3A, %dma_wait3A_57] : memref<128x16xf32, #tpu.memory_space<vmem>> -> memref<120x16xf32, #tpu.memory_space<vmem>>
      %dma_wait3A_59 = arith.constant 0 : i32
      %dma_wait3A_60 = tpu.memref_slice %arg7[%add3A_21, %dma_wait3A_59] : memref<10112x16xf32, #tpu.memory_space<vmem_shared>> -> memref<120x16xf32, #tpu.memory_space<vmem_shared>>
      %dma_wait3A_61 = arith.constant 0 : i32
      %dma_wait3A_62 = tpu.memref_slice %arg7[%add3A_21, %dma_wait3A_61] : memref<10112x16xf32, #tpu.memory_space<vmem_shared>> -> memref<120x16xf32, #tpu.memory_space<vmem_shared>>
      %dma_wait3A_63 = arith.constant 0 : i32
      %dma_wait3A_64 = arith.constant 0 : i32
      %dma_wait3A_65 = tpu.memref_slice %arg6[%dma_wait3A_63, %dma_wait3A_64] : memref<128x16xf32, #tpu.memory_space<vmem>> -> memref<120x16xf32, #tpu.memory_space<vmem>>
      tpu.wait_dma2 semaphore(%run_scoped3A : memref<!tpu.dma_semaphore, #tpu.memory_space<semaphore_mem>>) src(%dma_wait3A_65 : memref<120x16xf32, #tpu.memory_space<vmem>>) dst(%dma_wait3A_62 : memref<120x16xf32, #tpu.memory_space<vmem_shared>>)
      tpu.yield
    }) : () -> ()
    %barrier3A = arith.constant 0 : index
    tpu.barrier barrier_id(%barrier3A)
    %scan3A_22 = arith.constant 0 : i32
    %scan3A_23 = arith.constant 80 : i32
    %scan3A_24 = arith.addi %scan3A_22, %scan3A_23 : i32
    %scan3A_25 = arith.constant 1 : i32
    scf.for %scan3A_48 = %scan3A_22 to %scan3A_24 step %scan3A_25  : i32 {
      %mul3A_49 = arith.constant 1 : i32
      %mul3A_50 = arith.muli %scan3A_48, %mul3A_49 : i32
      %add3A_51 = arith.constant 0 : i32
      %add3A_52 = arith.addi %add3A_51, %mul3A_50 : i32
      "tpu.region"() ({
        %run_scoped3A = tpu.sem_alloc : memref<!tpu.dma_semaphore, #tpu.memory_space<semaphore_mem>>
        %dma_start3A = arith.constant 0 : i32
        %dma_start3A_53 = tpu.memref_slice %arg4[%add3A_52, %dma_start3A] : memref<80x128xi32, #tpu.memory_space<vmem>> -> memref<1x128xi32, #tpu.memory_space<vmem>>
        %dma_start3A_54 = tpu.memref_squeeze %dma_start3A_53 : memref<1x128xi32, #tpu.memory_space<vmem>> -> memref<128xi32, #tpu.memory_space<vmem>>
        %dma_start3A_55 = arith.constant 0 : i32
        %dma_start3A_56 = arith.constant 0 : i32
        %dma_start3A_57 = tpu.memref_slice %arg7[%dma_start3A_55, %dma_start3A_56] : memref<10112x16xf32, #tpu.memory_space<vmem_shared>> -> memref<10112x16xf32, #tpu.memory_space<vmem_shared>>
        tpu.enqueue_indirect_dma source(%arg5 : memref<128x16xf32, #tpu.memory_space<vmem>>) target(%dma_start3A_57 : memref<10112x16xf32, #tpu.memory_space<vmem_shared>>) offsets(%dma_start3A_54 : memref<128xi32, #tpu.memory_space<vmem>>) semaphore(%run_scoped3A : memref<!tpu.dma_semaphore, #tpu.memory_space<semaphore_mem>>) {add = true}
        %dma_wait3A = arith.constant 0 : i32
        %dma_wait3A_58 = tpu.memref_slice %arg4[%add3A_52, %dma_wait3A] : memref<80x128xi32, #tpu.memory_space<vmem>> -> memref<1x128xi32, #tpu.memory_space<vmem>>
        %dma_wait3A_59 = tpu.memref_squeeze %dma_wait3A_58 : memref<1x128xi32, #tpu.memory_space<vmem>> -> memref<128xi32, #tpu.memory_space<vmem>>
        %dma_wait3A_60 = arith.constant 0 : i32
        %dma_wait3A_61 = arith.constant 0 : i32
        %dma_wait3A_62 = tpu.memref_slice %arg7[%dma_wait3A_60, %dma_wait3A_61] : memref<10112x16xf32, #tpu.memory_space<vmem_shared>> -> memref<10112x16xf32, #tpu.memory_space<vmem_shared>>
        tpu.wait_indirect_dma semaphore(%run_scoped3A : memref<!tpu.dma_semaphore, #tpu.memory_space<semaphore_mem>>) src(%arg5 : memref<128x16xf32, #tpu.memory_space<vmem>>) dst(%dma_wait3A_62 : memref<10112x16xf32, #tpu.memory_space<vmem_shared>>)
        tpu.yield
      }) : () -> ()
    }
    %scan3A_26 = arith.constant 80 : i32
    %barrier3A_27 = arith.constant 0 : index
    tpu.barrier barrier_id(%barrier3A_27)
    %add3A_28 = arith.constant 0 : i32
    %add3A_29 = arith.addi %mul3A_0, %add3A_28 : i32
    "tpu.region"() ({
      %run_scoped3A = tpu.sem_alloc : memref<!tpu.dma_semaphore, #tpu.memory_space<semaphore_mem>>
      %dma_start3A = arith.constant 0 : i32
      %dma_start3A_48 = tpu.memref_slice %arg7[%add3A_29, %dma_start3A] : memref<10112x16xf32, #tpu.memory_space<vmem_shared>> -> memref<128x16xf32, #tpu.memory_space<vmem_shared>>
      %dma_start3A_49 = arith.constant 0 : i32
      %dma_start3A_50 = tpu.memref_slice %arg7[%add3A_29, %dma_start3A_49] : memref<10112x16xf32, #tpu.memory_space<vmem_shared>> -> memref<128x16xf32, #tpu.memory_space<vmem_shared>>
      tpu.enqueue_dma source(%dma_start3A_50 : memref<128x16xf32, #tpu.memory_space<vmem_shared>>) target(%arg6 : memref<128x16xf32, #tpu.memory_space<vmem>>) target_semaphore(%run_scoped3A : memref<!tpu.dma_semaphore, #tpu.memory_space<semaphore_mem>>)
      %dma_wait3A = arith.constant 0 : i32
      %dma_wait3A_51 = tpu.memref_slice %arg7[%add3A_29, %dma_wait3A] : memref<10112x16xf32, #tpu.memory_space<vmem_shared>> -> memref<128x16xf32, #tpu.memory_space<vmem_shared>>
      %dma_wait3A_52 = arith.constant 0 : i32
      %dma_wait3A_53 = tpu.memref_slice %arg7[%add3A_29, %dma_wait3A_52] : memref<10112x16xf32, #tpu.memory_space<vmem_shared>> -> memref<128x16xf32, #tpu.memory_space<vmem_shared>>
      tpu.wait_dma2 semaphore(%run_scoped3A : memref<!tpu.dma_semaphore, #tpu.memory_space<semaphore_mem>>) src(%dma_wait3A_53 : memref<128x16xf32, #tpu.memory_space<vmem_shared>>) dst(%arg6 : memref<128x16xf32, #tpu.memory_space<vmem>>)
      tpu.yield
    }) : () -> ()
    %add3A_30 = arith.constant 0 : i32
    %add3A_31 = arith.addi %mul3A_0, %add3A_30 : i32
    "tpu.region"() ({
      %run_scoped3A = tpu.sem_alloc : memref<!tpu.dma_semaphore, #tpu.memory_space<semaphore_mem>>
      %dma_start3A = arith.constant 0 : i32
      %dma_start3A_48 = tpu.memref_slice %arg3[%arg0, %add3A_31, %dma_start3A] : memref<2x10112x16xf32, #tpu.memory_space<hbm>> -> memref<1x128x16xf32, #tpu.memory_space<hbm>>
      %dma_start3A_49 = tpu.memref_squeeze %dma_start3A_48 : memref<1x128x16xf32, #tpu.memory_space<hbm>> -> memref<128x16xf32, #tpu.memory_space<hbm>>
      %dma_start3A_50 = arith.constant 0 : i32
      %dma_start3A_51 = tpu.memref_slice %arg3[%arg0, %add3A_31, %dma_start3A_50] : memref<2x10112x16xf32, #tpu.memory_space<hbm>> -> memref<1x128x16xf32, #tpu.memory_space<hbm>>
      %dma_start3A_52 = tpu.memref_squeeze %dma_start3A_51 : memref<1x128x16xf32, #tpu.memory_space<hbm>> -> memref<128x16xf32, #tpu.memory_space<hbm>>
      tpu.enqueue_dma source(%arg6 : memref<128x16xf32, #tpu.memory_space<vmem>>) target(%dma_start3A_52 : memref<128x16xf32, #tpu.memory_space<hbm>>) target_semaphore(%run_scoped3A : memref<!tpu.dma_semaphore, #tpu.memory_space<semaphore_mem>>)
      %dma_wait3A = arith.constant 0 : i32
      %dma_wait3A_53 = tpu.memref_slice %arg3[%arg0, %add3A_31, %dma_wait3A] : memref<2x10112x16xf32, #tpu.memory_space<hbm>> -> memref<1x128x16xf32, #tpu.memory_space<hbm>>
      %dma_wait3A_54 = tpu.memref_squeeze %dma_wait3A_53 : memref<1x128x16xf32, #tpu.memory_space<hbm>> -> memref<128x16xf32, #tpu.memory_space<hbm>>
      %dma_wait3A_55 = arith.constant 0 : i32
      %dma_wait3A_56 = tpu.memref_slice %arg3[%arg0, %add3A_31, %dma_wait3A_55] : memref<2x10112x16xf32, #tpu.memory_space<hbm>> -> memref<1x128x16xf32, #tpu.memory_space<hbm>>
      %dma_wait3A_57 = tpu.memref_squeeze %dma_wait3A_56 : memref<1x128x16xf32, #tpu.memory_space<hbm>> -> memref<128x16xf32, #tpu.memory_space<hbm>>
      tpu.wait_dma2 semaphore(%run_scoped3A : memref<!tpu.dma_semaphore, #tpu.memory_space<semaphore_mem>>) src(%arg6 : memref<128x16xf32, #tpu.memory_space<vmem>>) dst(%dma_wait3A_57 : memref<128x16xf32, #tpu.memory_space<hbm>>)
      tpu.yield
    }) : () -> ()
    %add3A_32 = arith.constant 128 : i32
    %add3A_33 = arith.addi %mul3A_0, %add3A_32 : i32
    "tpu.region"() ({
      %run_scoped3A = tpu.sem_alloc : memref<!tpu.dma_semaphore, #tpu.memory_space<semaphore_mem>>
      %dma_start3A = arith.constant 0 : i32
      %dma_start3A_48 = tpu.memref_slice %arg7[%add3A_33, %dma_start3A] : memref<10112x16xf32, #tpu.memory_space<vmem_shared>> -> memref<128x16xf32, #tpu.memory_space<vmem_shared>>
      %dma_start3A_49 = arith.constant 0 : i32
      %dma_start3A_50 = tpu.memref_slice %arg7[%add3A_33, %dma_start3A_49] : memref<10112x16xf32, #tpu.memory_space<vmem_shared>> -> memref<128x16xf32, #tpu.memory_space<vmem_shared>>
      tpu.enqueue_dma source(%dma_start3A_50 : memref<128x16xf32, #tpu.memory_space<vmem_shared>>) target(%arg6 : memref<128x16xf32, #tpu.memory_space<vmem>>) target_semaphore(%run_scoped3A : memref<!tpu.dma_semaphore, #tpu.memory_space<semaphore_mem>>)
      %dma_wait3A = arith.constant 0 : i32
      %dma_wait3A_51 = tpu.memref_slice %arg7[%add3A_33, %dma_wait3A] : memref<10112x16xf32, #tpu.memory_space<vmem_shared>> -> memref<128x16xf32, #tpu.memory_space<vmem_shared>>
      %dma_wait3A_52 = arith.constant 0 : i32
      %dma_wait3A_53 = tpu.memref_slice %arg7[%add3A_33, %dma_wait3A_52] : memref<10112x16xf32, #tpu.memory_space<vmem_shared>> -> memref<128x16xf32, #tpu.memory_space<vmem_shared>>
      tpu.wait_dma2 semaphore(%run_scoped3A : memref<!tpu.dma_semaphore, #tpu.memory_space<semaphore_mem>>) src(%dma_wait3A_53 : memref<128x16xf32, #tpu.memory_space<vmem_shared>>) dst(%arg6 : memref<128x16xf32, #tpu.memory_space<vmem>>)
      tpu.yield
    }) : () -> ()
    %add3A_34 = arith.constant 128 : i32
    %add3A_35 = arith.addi %mul3A_0, %add3A_34 : i32
    "tpu.region"() ({
      %run_scoped3A = tpu.sem_alloc : memref<!tpu.dma_semaphore, #tpu.memory_space<semaphore_mem>>
      %dma_start3A = arith.constant 0 : i32
      %dma_start3A_48 = tpu.memref_slice %arg3[%arg0, %add3A_35, %dma_start3A] : memref<2x10112x16xf32, #tpu.memory_space<hbm>> -> memref<1x128x16xf32, #tpu.memory_space<hbm>>
      %dma_start3A_49 = tpu.memref_squeeze %dma_start3A_48 : memref<1x128x16xf32, #tpu.memory_space<hbm>> -> memref<128x16xf32, #tpu.memory_space<hbm>>
      %dma_start3A_50 = arith.constant 0 : i32
      %dma_start3A_51 = tpu.memref_slice %arg3[%arg0, %add3A_35, %dma_start3A_50] : memref<2x10112x16xf32, #tpu.memory_space<hbm>> -> memref<1x128x16xf32, #tpu.memory_space<hbm>>
      %dma_start3A_52 = tpu.memref_squeeze %dma_start3A_51 : memref<1x128x16xf32, #tpu.memory_space<hbm>> -> memref<128x16xf32, #tpu.memory_space<hbm>>
      tpu.enqueue_dma source(%arg6 : memref<128x16xf32, #tpu.memory_space<vmem>>) target(%dma_start3A_52 : memref<128x16xf32, #tpu.memory_space<hbm>>) target_semaphore(%run_scoped3A : memref<!tpu.dma_semaphore, #tpu.memory_space<semaphore_mem>>)
      %dma_wait3A = arith.constant 0 : i32
      %dma_wait3A_53 = tpu.memref_slice %arg3[%arg0, %add3A_35, %dma_wait3A] : memref<2x10112x16xf32, #tpu.memory_space<hbm>> -> memref<1x128x16xf32, #tpu.memory_space<hbm>>
      %dma_wait3A_54 = tpu.memref_squeeze %dma_wait3A_53 : memref<1x128x16xf32, #tpu.memory_space<hbm>> -> memref<128x16xf32, #tpu.memory_space<hbm>>
      %dma_wait3A_55 = arith.constant 0 : i32
      %dma_wait3A_56 = tpu.memref_slice %arg3[%arg0, %add3A_35, %dma_wait3A_55] : memref<2x10112x16xf32, #tpu.memory_space<hbm>> -> memref<1x128x16xf32, #tpu.memory_space<hbm>>
      %dma_wait3A_57 = tpu.memref_squeeze %dma_wait3A_56 : memref<1x128x16xf32, #tpu.memory_space<hbm>> -> memref<128x16xf32, #tpu.memory_space<hbm>>
      tpu.wait_dma2 semaphore(%run_scoped3A : memref<!tpu.dma_semaphore, #tpu.memory_space<semaphore_mem>>) src(%arg6 : memref<128x16xf32, #tpu.memory_space<vmem>>) dst(%dma_wait3A_57 : memref<128x16xf32, #tpu.memory_space<hbm>>)
      tpu.yield
    }) : () -> ()
    %add3A_36 = arith.constant 256 : i32
    %add3A_37 = arith.addi %mul3A_0, %add3A_36 : i32
    "tpu.region"() ({
      %run_scoped3A = tpu.sem_alloc : memref<!tpu.dma_semaphore, #tpu.memory_space<semaphore_mem>>
      %dma_start3A = arith.constant 0 : i32
      %dma_start3A_48 = tpu.memref_slice %arg7[%add3A_37, %dma_start3A] : memref<10112x16xf32, #tpu.memory_space<vmem_shared>> -> memref<128x16xf32, #tpu.memory_space<vmem_shared>>
      %dma_start3A_49 = arith.constant 0 : i32
      %dma_start3A_50 = tpu.memref_slice %arg7[%add3A_37, %dma_start3A_49] : memref<10112x16xf32, #tpu.memory_space<vmem_shared>> -> memref<128x16xf32, #tpu.memory_space<vmem_shared>>
      tpu.enqueue_dma source(%dma_start3A_50 : memref<128x16xf32, #tpu.memory_space<vmem_shared>>) target(%arg6 : memref<128x16xf32, #tpu.memory_space<vmem>>) target_semaphore(%run_scoped3A : memref<!tpu.dma_semaphore, #tpu.memory_space<semaphore_mem>>)
      %dma_wait3A = arith.constant 0 : i32
      %dma_wait3A_51 = tpu.memref_slice %arg7[%add3A_37, %dma_wait3A] : memref<10112x16xf32, #tpu.memory_space<vmem_shared>> -> memref<128x16xf32, #tpu.memory_space<vmem_shared>>
      %dma_wait3A_52 = arith.constant 0 : i32
      %dma_wait3A_53 = tpu.memref_slice %arg7[%add3A_37, %dma_wait3A_52] : memref<10112x16xf32, #tpu.memory_space<vmem_shared>> -> memref<128x16xf32, #tpu.memory_space<vmem_shared>>
      tpu.wait_dma2 semaphore(%run_scoped3A : memref<!tpu.dma_semaphore, #tpu.memory_space<semaphore_mem>>) src(%dma_wait3A_53 : memref<128x16xf32, #tpu.memory_space<vmem_shared>>) dst(%arg6 : memref<128x16xf32, #tpu.memory_space<vmem>>)
      tpu.yield
    }) : () -> ()
    %add3A_38 = arith.constant 256 : i32
    %add3A_39 = arith.addi %mul3A_0, %add3A_38 : i32
    "tpu.region"() ({
      %run_scoped3A = tpu.sem_alloc : memref<!tpu.dma_semaphore, #tpu.memory_space<semaphore_mem>>
      %dma_start3A = arith.constant 0 : i32
      %dma_start3A_48 = tpu.memref_slice %arg3[%arg0, %add3A_39, %dma_start3A] : memref<2x10112x16xf32, #tpu.memory_space<hbm>> -> memref<1x128x16xf32, #tpu.memory_space<hbm>>
      %dma_start3A_49 = tpu.memref_squeeze %dma_start3A_48 : memref<1x128x16xf32, #tpu.memory_space<hbm>> -> memref<128x16xf32, #tpu.memory_space<hbm>>
      %dma_start3A_50 = arith.constant 0 : i32
      %dma_start3A_51 = tpu.memref_slice %arg3[%arg0, %add3A_39, %dma_start3A_50] : memref<2x10112x16xf32, #tpu.memory_space<hbm>> -> memref<1x128x16xf32, #tpu.memory_space<hbm>>
      %dma_start3A_52 = tpu.memref_squeeze %dma_start3A_51 : memref<1x128x16xf32, #tpu.memory_space<hbm>> -> memref<128x16xf32, #tpu.memory_space<hbm>>
      tpu.enqueue_dma source(%arg6 : memref<128x16xf32, #tpu.memory_space<vmem>>) target(%dma_start3A_52 : memref<128x16xf32, #tpu.memory_space<hbm>>) target_semaphore(%run_scoped3A : memref<!tpu.dma_semaphore, #tpu.memory_space<semaphore_mem>>)
      %dma_wait3A = arith.constant 0 : i32
      %dma_wait3A_53 = tpu.memref_slice %arg3[%arg0, %add3A_39, %dma_wait3A] : memref<2x10112x16xf32, #tpu.memory_space<hbm>> -> memref<1x128x16xf32, #tpu.memory_space<hbm>>
      %dma_wait3A_54 = tpu.memref_squeeze %dma_wait3A_53 : memref<1x128x16xf32, #tpu.memory_space<hbm>> -> memref<128x16xf32, #tpu.memory_space<hbm>>
      %dma_wait3A_55 = arith.constant 0 : i32
      %dma_wait3A_56 = tpu.memref_slice %arg3[%arg0, %add3A_39, %dma_wait3A_55] : memref<2x10112x16xf32, #tpu.memory_space<hbm>> -> memref<1x128x16xf32, #tpu.memory_space<hbm>>
      %dma_wait3A_57 = tpu.memref_squeeze %dma_wait3A_56 : memref<1x128x16xf32, #tpu.memory_space<hbm>> -> memref<128x16xf32, #tpu.memory_space<hbm>>
      tpu.wait_dma2 semaphore(%run_scoped3A : memref<!tpu.dma_semaphore, #tpu.memory_space<semaphore_mem>>) src(%arg6 : memref<128x16xf32, #tpu.memory_space<vmem>>) dst(%dma_wait3A_57 : memref<128x16xf32, #tpu.memory_space<hbm>>)
      tpu.yield
    }) : () -> ()
    %add3A_40 = arith.constant 384 : i32
    %add3A_41 = arith.addi %mul3A_0, %add3A_40 : i32
    "tpu.region"() ({
      %run_scoped3A = tpu.sem_alloc : memref<!tpu.dma_semaphore, #tpu.memory_space<semaphore_mem>>
      %dma_start3A = arith.constant 0 : i32
      %dma_start3A_48 = tpu.memref_slice %arg7[%add3A_41, %dma_start3A] : memref<10112x16xf32, #tpu.memory_space<vmem_shared>> -> memref<128x16xf32, #tpu.memory_space<vmem_shared>>
      %dma_start3A_49 = arith.constant 0 : i32
      %dma_start3A_50 = tpu.memref_slice %arg7[%add3A_41, %dma_start3A_49] : memref<10112x16xf32, #tpu.memory_space<vmem_shared>> -> memref<128x16xf32, #tpu.memory_space<vmem_shared>>
      tpu.enqueue_dma source(%dma_start3A_50 : memref<128x16xf32, #tpu.memory_space<vmem_shared>>) target(%arg6 : memref<128x16xf32, #tpu.memory_space<vmem>>) target_semaphore(%run_scoped3A : memref<!tpu.dma_semaphore, #tpu.memory_space<semaphore_mem>>)
      %dma_wait3A = arith.constant 0 : i32
      %dma_wait3A_51 = tpu.memref_slice %arg7[%add3A_41, %dma_wait3A] : memref<10112x16xf32, #tpu.memory_space<vmem_shared>> -> memref<128x16xf32, #tpu.memory_space<vmem_shared>>
      %dma_wait3A_52 = arith.constant 0 : i32
      %dma_wait3A_53 = tpu.memref_slice %arg7[%add3A_41, %dma_wait3A_52] : memref<10112x16xf32, #tpu.memory_space<vmem_shared>> -> memref<128x16xf32, #tpu.memory_space<vmem_shared>>
      tpu.wait_dma2 semaphore(%run_scoped3A : memref<!tpu.dma_semaphore, #tpu.memory_space<semaphore_mem>>) src(%dma_wait3A_53 : memref<128x16xf32, #tpu.memory_space<vmem_shared>>) dst(%arg6 : memref<128x16xf32, #tpu.memory_space<vmem>>)
      tpu.yield
    }) : () -> ()
    %add3A_42 = arith.constant 384 : i32
    %add3A_43 = arith.addi %mul3A_0, %add3A_42 : i32
    "tpu.region"() ({
      %run_scoped3A = tpu.sem_alloc : memref<!tpu.dma_semaphore, #tpu.memory_space<semaphore_mem>>
      %dma_start3A = arith.constant 0 : i32
      %dma_start3A_48 = tpu.memref_slice %arg3[%arg0, %add3A_43, %dma_start3A] : memref<2x10112x16xf32, #tpu.memory_space<hbm>> -> memref<1x128x16xf32, #tpu.memory_space<hbm>>
      %dma_start3A_49 = tpu.memref_squeeze %dma_start3A_48 : memref<1x128x16xf32, #tpu.memory_space<hbm>> -> memref<128x16xf32, #tpu.memory_space<hbm>>
      %dma_start3A_50 = arith.constant 0 : i32
      %dma_start3A_51 = tpu.memref_slice %arg3[%arg0, %add3A_43, %dma_start3A_50] : memref<2x10112x16xf32, #tpu.memory_space<hbm>> -> memref<1x128x16xf32, #tpu.memory_space<hbm>>
      %dma_start3A_52 = tpu.memref_squeeze %dma_start3A_51 : memref<1x128x16xf32, #tpu.memory_space<hbm>> -> memref<128x16xf32, #tpu.memory_space<hbm>>
      tpu.enqueue_dma source(%arg6 : memref<128x16xf32, #tpu.memory_space<vmem>>) target(%dma_start3A_52 : memref<128x16xf32, #tpu.memory_space<hbm>>) target_semaphore(%run_scoped3A : memref<!tpu.dma_semaphore, #tpu.memory_space<semaphore_mem>>)
      %dma_wait3A = arith.constant 0 : i32
      %dma_wait3A_53 = tpu.memref_slice %arg3[%arg0, %add3A_43, %dma_wait3A] : memref<2x10112x16xf32, #tpu.memory_space<hbm>> -> memref<1x128x16xf32, #tpu.memory_space<hbm>>
      %dma_wait3A_54 = tpu.memref_squeeze %dma_wait3A_53 : memref<1x128x16xf32, #tpu.memory_space<hbm>> -> memref<128x16xf32, #tpu.memory_space<hbm>>
      %dma_wait3A_55 = arith.constant 0 : i32
      %dma_wait3A_56 = tpu.memref_slice %arg3[%arg0, %add3A_43, %dma_wait3A_55] : memref<2x10112x16xf32, #tpu.memory_space<hbm>> -> memref<1x128x16xf32, #tpu.memory_space<hbm>>
      %dma_wait3A_57 = tpu.memref_squeeze %dma_wait3A_56 : memref<1x128x16xf32, #tpu.memory_space<hbm>> -> memref<128x16xf32, #tpu.memory_space<hbm>>
      tpu.wait_dma2 semaphore(%run_scoped3A : memref<!tpu.dma_semaphore, #tpu.memory_space<semaphore_mem>>) src(%arg6 : memref<128x16xf32, #tpu.memory_space<vmem>>) dst(%dma_wait3A_57 : memref<128x16xf32, #tpu.memory_space<hbm>>)
      tpu.yield
    }) : () -> ()
    %add3A_44 = arith.constant 512 : i32
    %add3A_45 = arith.addi %mul3A_0, %add3A_44 : i32
    "tpu.region"() ({
      %run_scoped3A = tpu.sem_alloc : memref<!tpu.dma_semaphore, #tpu.memory_space<semaphore_mem>>
      %dma_start3A = arith.constant 0 : i32
      %dma_start3A_48 = arith.constant 0 : i32
      %dma_start3A_49 = tpu.memref_slice %arg6[%dma_start3A, %dma_start3A_48] : memref<128x16xf32, #tpu.memory_space<vmem>> -> memref<120x16xf32, #tpu.memory_space<vmem>>
      %dma_start3A_50 = arith.constant 0 : i32
      %dma_start3A_51 = tpu.memref_slice %arg7[%add3A_45, %dma_start3A_50] : memref<10112x16xf32, #tpu.memory_space<vmem_shared>> -> memref<120x16xf32, #tpu.memory_space<vmem_shared>>
      %dma_start3A_52 = arith.constant 0 : i32
      %dma_start3A_53 = arith.constant 0 : i32
      %dma_start3A_54 = tpu.memref_slice %arg6[%dma_start3A_52, %dma_start3A_53] : memref<128x16xf32, #tpu.memory_space<vmem>> -> memref<120x16xf32, #tpu.memory_space<vmem>>
      %dma_start3A_55 = arith.constant 0 : i32
      %dma_start3A_56 = tpu.memref_slice %arg7[%add3A_45, %dma_start3A_55] : memref<10112x16xf32, #tpu.memory_space<vmem_shared>> -> memref<120x16xf32, #tpu.memory_space<vmem_shared>>
      tpu.enqueue_dma source(%dma_start3A_56 : memref<120x16xf32, #tpu.memory_space<vmem_shared>>) target(%dma_start3A_54 : memref<120x16xf32, #tpu.memory_space<vmem>>) target_semaphore(%run_scoped3A : memref<!tpu.dma_semaphore, #tpu.memory_space<semaphore_mem>>)
      %dma_wait3A = arith.constant 0 : i32
      %dma_wait3A_57 = arith.constant 0 : i32
      %dma_wait3A_58 = tpu.memref_slice %arg6[%dma_wait3A, %dma_wait3A_57] : memref<128x16xf32, #tpu.memory_space<vmem>> -> memref<120x16xf32, #tpu.memory_space<vmem>>
      %dma_wait3A_59 = arith.constant 0 : i32
      %dma_wait3A_60 = tpu.memref_slice %arg7[%add3A_45, %dma_wait3A_59] : memref<10112x16xf32, #tpu.memory_space<vmem_shared>> -> memref<120x16xf32, #tpu.memory_space<vmem_shared>>
      %dma_wait3A_61 = arith.constant 0 : i32
      %dma_wait3A_62 = arith.constant 0 : i32
      %dma_wait3A_63 = tpu.memref_slice %arg6[%dma_wait3A_61, %dma_wait3A_62] : memref<128x16xf32, #tpu.memory_space<vmem>> -> memref<120x16xf32, #tpu.memory_space<vmem>>
      %dma_wait3A_64 = arith.constant 0 : i32
      %dma_wait3A_65 = tpu.memref_slice %arg7[%add3A_45, %dma_wait3A_64] : memref<10112x16xf32, #tpu.memory_space<vmem_shared>> -> memref<120x16xf32, #tpu.memory_space<vmem_shared>>
      tpu.wait_dma2 semaphore(%run_scoped3A : memref<!tpu.dma_semaphore, #tpu.memory_space<semaphore_mem>>) src(%dma_wait3A_65 : memref<120x16xf32, #tpu.memory_space<vmem_shared>>) dst(%dma_wait3A_63 : memref<120x16xf32, #tpu.memory_space<vmem>>)
      tpu.yield
    }) : () -> ()
    %add3A_46 = arith.constant 512 : i32
    %add3A_47 = arith.addi %mul3A_0, %add3A_46 : i32
    "tpu.region"() ({
      %run_scoped3A = tpu.sem_alloc : memref<!tpu.dma_semaphore, #tpu.memory_space<semaphore_mem>>
      %dma_start3A = arith.constant 0 : i32
      %dma_start3A_48 = arith.constant 0 : i32
      %dma_start3A_49 = tpu.memref_slice %arg6[%dma_start3A, %dma_start3A_48] : memref<128x16xf32, #tpu.memory_space<vmem>> -> memref<120x16xf32, #tpu.memory_space<vmem>>
      %dma_start3A_50 = arith.constant 0 : i32
      %dma_start3A_51 = tpu.memref_slice %arg3[%arg0, %add3A_47, %dma_start3A_50] : memref<2x10112x16xf32, #tpu.memory_space<hbm>> -> memref<1x120x16xf32, #tpu.memory_space<hbm>>
      %dma_start3A_52 = tpu.memref_squeeze %dma_start3A_51 : memref<1x120x16xf32, #tpu.memory_space<hbm>> -> memref<120x16xf32, #tpu.memory_space<hbm>>
      %dma_start3A_53 = arith.constant 0 : i32
      %dma_start3A_54 = tpu.memref_slice %arg3[%arg0, %add3A_47, %dma_start3A_53] : memref<2x10112x16xf32, #tpu.memory_space<hbm>> -> memref<1x120x16xf32, #tpu.memory_space<hbm>>
      %dma_start3A_55 = tpu.memref_squeeze %dma_start3A_54 : memref<1x120x16xf32, #tpu.memory_space<hbm>> -> memref<120x16xf32, #tpu.memory_space<hbm>>
      %dma_start3A_56 = arith.constant 0 : i32
      %dma_start3A_57 = arith.constant 0 : i32
      %dma_start3A_58 = tpu.memref_slice %arg6[%dma_start3A_56, %dma_start3A_57] : memref<128x16xf32, #tpu.memory_space<vmem>> -> memref<120x16xf32, #tpu.memory_space<vmem>>
      tpu.enqueue_dma source(%dma_start3A_58 : memref<120x16xf32, #tpu.memory_space<vmem>>) target(%dma_start3A_55 : memref<120x16xf32, #tpu.memory_space<hbm>>) target_semaphore(%run_scoped3A : memref<!tpu.dma_semaphore, #tpu.memory_space<semaphore_mem>>)
      %dma_wait3A = arith.constant 0 : i32
      %dma_wait3A_59 = arith.constant 0 : i32
      %dma_wait3A_60 = tpu.memref_slice %arg6[%dma_wait3A, %dma_wait3A_59] : memref<128x16xf32, #tpu.memory_space<vmem>> -> memref<120x16xf32, #tpu.memory_space<vmem>>
      %dma_wait3A_61 = arith.constant 0 : i32
      %dma_wait3A_62 = tpu.memref_slice %arg3[%arg0, %add3A_47, %dma_wait3A_61] : memref<2x10112x16xf32, #tpu.memory_space<hbm>> -> memref<1x120x16xf32, #tpu.memory_space<hbm>>
      %dma_wait3A_63 = tpu.memref_squeeze %dma_wait3A_62 : memref<1x120x16xf32, #tpu.memory_space<hbm>> -> memref<120x16xf32, #tpu.memory_space<hbm>>
      %dma_wait3A_64 = arith.constant 0 : i32
      %dma_wait3A_65 = tpu.memref_slice %arg3[%arg0, %add3A_47, %dma_wait3A_64] : memref<2x10112x16xf32, #tpu.memory_space<hbm>> -> memref<1x120x16xf32, #tpu.memory_space<hbm>>
      %dma_wait3A_66 = tpu.memref_squeeze %dma_wait3A_65 : memref<1x120x16xf32, #tpu.memory_space<hbm>> -> memref<120x16xf32, #tpu.memory_space<hbm>>
      %dma_wait3A_67 = arith.constant 0 : i32
      %dma_wait3A_68 = arith.constant 0 : i32
      %dma_wait3A_69 = tpu.memref_slice %arg6[%dma_wait3A_67, %dma_wait3A_68] : memref<128x16xf32, #tpu.memory_space<vmem>> -> memref<120x16xf32, #tpu.memory_space<vmem>>
      tpu.wait_dma2 semaphore(%run_scoped3A : memref<!tpu.dma_semaphore, #tpu.memory_space<semaphore_mem>>) src(%dma_wait3A_69 : memref<120x16xf32, #tpu.memory_space<vmem>>) dst(%dma_wait3A_66 : memref<120x16xf32, #tpu.memory_space<hbm>>)
      tpu.yield
    }) : () -> ()
    return
  }
}

#map = affine_map<(d0, d1) -> (0, 0)>
#map1 = affine_map<(d0, d1) -> (0, 0, 0)>
module attributes {stable_mosaic.version = 14 : i64} {
  func.func @_sc_segsum_body(%arg0: i32, %arg1: i32, %arg2: memref<10000x128xf32, #tpu.memory_space<hbm>>, %arg3: memref<10000x128xf32, #tpu.memory_space<hbm>>, %arg4: memref<16x160x128xi32, #tpu.memory_space<hbm>>, %arg5: memref<16x160x128xi32, #tpu.memory_space<hbm>>, %arg6: memref<2x10112x128xf32, #tpu.memory_space<hbm>>, %arg7: memref<40x128xi32, #tpu.memory_space<vmem>>, %arg8: memref<40x128xi32, #tpu.memory_space<vmem>>, %arg9: memref<128x128xf32, #tpu.memory_space<vmem>>, %arg10: memref<128x128xf32, #tpu.memory_space<vmem>>, %arg11: memref<!tpu.dma_semaphore, #tpu.memory_space<semaphore_mem>>, %arg12: memref<!tpu.dma_semaphore, #tpu.memory_space<semaphore_mem>>, %arg13: memref<!tpu.dma_semaphore, #tpu.memory_space<semaphore_mem>>, %arg14: memref<!tpu.dma_semaphore, #tpu.memory_space<semaphore_mem>>, %arg15: memref<10112x128xf32, #tpu.memory_space<vmem_shared>>) attributes {dimension_semantics = [#tpu.dimension_semantics<core_parallel>, #tpu.dimension_semantics<subcore_parallel>], iteration_bounds = array<i64: 2, 16>, scalar_prefetch = 0 : i64, scratch_operands = 9 : i64, tpu.core_type = #tpu.core_type<sc_vector_subcore>, window_params = [{transform_indices = #map}, {transform_indices = #map}, {transform_indices = #map1}, {transform_indices = #map1}, {transform_indices = #map1}]} {
    %mul3A = arith.constant 632 : i32
    %mul3A_0 = arith.muli %arg1, %mul3A : i32
    %broadcast_in_dim3A = arith.constant 0.000000e+00 : f32
    %broadcast_in_dim3A_1 = vector.broadcast %broadcast_in_dim3A : f32 to vector<16xf32>
    %scan3A = arith.constant 0 : i32
    %scan3A_2 = arith.constant 128 : i32
    %scan3A_3 = arith.addi %scan3A, %scan3A_2 : i32
    %scan3A_4 = arith.constant 1 : i32
    scf.for %scan3A_41 = %scan3A to %scan3A_3 step %scan3A_4  : i32 {
      %mul3A_42 = arith.constant 1 : i32
      %mul3A_43 = arith.muli %scan3A_41, %mul3A_42 : i32
      %add3A_44 = arith.constant 0 : i32
      %add3A_45 = arith.addi %add3A_44, %mul3A_43 : i32
      %scan3A_46 = arith.constant 0 : i32
      %scan3A_47 = arith.constant 8 : i32
      %scan3A_48 = arith.addi %scan3A_46, %scan3A_47 : i32
      %scan3A_49 = arith.constant 1 : i32
      scf.for %scan3A_51 = %scan3A_46 to %scan3A_48 step %scan3A_49  : i32 {
        %mul3A_52 = arith.constant 16 : i32
        %mul3A_53 = arith.muli %scan3A_51, %mul3A_52 : i32
        %add3A_54 = arith.constant 0 : i32
        %add3A_55 = arith.addi %add3A_54, %mul3A_53 : i32
        %swap3A = arith.index_cast %add3A_45 : i32 to index
        %swap3A_56 = arith.index_cast %add3A_55 : i32 to index
        %swap3A_57 = tpu.vector_load %arg9[%swap3A, %swap3A_56] {strides = array<i32>} : memref<128x128xf32, #tpu.memory_space<vmem>>, vector<1x16xf32>,
        %swap3A_58 = vector.shape_cast %swap3A_57 : vector<1x16xf32> to vector<16xf32>
        %swap3A_59 = vector.shape_cast %broadcast_in_dim3A_1 : vector<16xf32> to vector<1x16xf32>
        tpu.vector_store %arg9[%swap3A, %swap3A_56], %swap3A_59 {strides = array<i32>} : memref<128x128xf32, #tpu.memory_space<vmem>>, vector<1x16xf32>,
      }
      %scan3A_50 = arith.constant 8 : i32
    }
    %scan3A_5 = arith.constant 128 : i32
    %add3A = arith.constant 0 : i32
    %add3A_6 = arith.addi %mul3A_0, %add3A : i32
    "tpu.region"() ({
      %run_scoped3A = tpu.sem_alloc : memref<!tpu.dma_semaphore, #tpu.memory_space<semaphore_mem>>
      %dma_start3A = arith.constant 0 : i32
      %dma_start3A_41 = tpu.memref_slice %arg15[%add3A_6, %dma_start3A] : memref<10112x128xf32, #tpu.memory_space<vmem_shared>> -> memref<128x128xf32, #tpu.memory_space<vmem_shared>>
      %dma_start3A_42 = arith.constant 0 : i32
      %dma_start3A_43 = tpu.memref_slice %arg15[%add3A_6, %dma_start3A_42] : memref<10112x128xf32, #tpu.memory_space<vmem_shared>> -> memref<128x128xf32, #tpu.memory_space<vmem_shared>>
      tpu.enqueue_dma source(%arg9 : memref<128x128xf32, #tpu.memory_space<vmem>>) target(%dma_start3A_43 : memref<128x128xf32, #tpu.memory_space<vmem_shared>>) target_semaphore(%run_scoped3A : memref<!tpu.dma_semaphore, #tpu.memory_space<semaphore_mem>>)
      %dma_wait3A = arith.constant 0 : i32
      %dma_wait3A_44 = tpu.memref_slice %arg15[%add3A_6, %dma_wait3A] : memref<10112x128xf32, #tpu.memory_space<vmem_shared>> -> memref<128x128xf32, #tpu.memory_space<vmem_shared>>
      %dma_wait3A_45 = arith.constant 0 : i32
      %dma_wait3A_46 = tpu.memref_slice %arg15[%add3A_6, %dma_wait3A_45] : memref<10112x128xf32, #tpu.memory_space<vmem_shared>> -> memref<128x128xf32, #tpu.memory_space<vmem_shared>>
      tpu.wait_dma2 semaphore(%run_scoped3A : memref<!tpu.dma_semaphore, #tpu.memory_space<semaphore_mem>>) src(%arg9 : memref<128x128xf32, #tpu.memory_space<vmem>>) dst(%dma_wait3A_46 : memref<128x128xf32, #tpu.memory_space<vmem_shared>>)
      tpu.yield
    }) : () -> ()
    %add3A_7 = arith.constant 128 : i32
    %add3A_8 = arith.addi %mul3A_0, %add3A_7 : i32
    "tpu.region"() ({
      %run_scoped3A = tpu.sem_alloc : memref<!tpu.dma_semaphore, #tpu.memory_space<semaphore_mem>>
      %dma_start3A = arith.constant 0 : i32
      %dma_start3A_41 = tpu.memref_slice %arg15[%add3A_8, %dma_start3A] : memref<10112x128xf32, #tpu.memory_space<vmem_shared>> -> memref<128x128xf32, #tpu.memory_space<vmem_shared>>
      %dma_start3A_42 = arith.constant 0 : i32
      %dma_start3A_43 = tpu.memref_slice %arg15[%add3A_8, %dma_start3A_42] : memref<10112x128xf32, #tpu.memory_space<vmem_shared>> -> memref<128x128xf32, #tpu.memory_space<vmem_shared>>
      tpu.enqueue_dma source(%arg9 : memref<128x128xf32, #tpu.memory_space<vmem>>) target(%dma_start3A_43 : memref<128x128xf32, #tpu.memory_space<vmem_shared>>) target_semaphore(%run_scoped3A : memref<!tpu.dma_semaphore, #tpu.memory_space<semaphore_mem>>)
      %dma_wait3A = arith.constant 0 : i32
      %dma_wait3A_44 = tpu.memref_slice %arg15[%add3A_8, %dma_wait3A] : memref<10112x128xf32, #tpu.memory_space<vmem_shared>> -> memref<128x128xf32, #tpu.memory_space<vmem_shared>>
      %dma_wait3A_45 = arith.constant 0 : i32
      %dma_wait3A_46 = tpu.memref_slice %arg15[%add3A_8, %dma_wait3A_45] : memref<10112x128xf32, #tpu.memory_space<vmem_shared>> -> memref<128x128xf32, #tpu.memory_space<vmem_shared>>
      tpu.wait_dma2 semaphore(%run_scoped3A : memref<!tpu.dma_semaphore, #tpu.memory_space<semaphore_mem>>) src(%arg9 : memref<128x128xf32, #tpu.memory_space<vmem>>) dst(%dma_wait3A_46 : memref<128x128xf32, #tpu.memory_space<vmem_shared>>)
      tpu.yield
    }) : () -> ()
    %add3A_9 = arith.constant 256 : i32
    %add3A_10 = arith.addi %mul3A_0, %add3A_9 : i32
    "tpu.region"() ({
      %run_scoped3A = tpu.sem_alloc : memref<!tpu.dma_semaphore, #tpu.memory_space<semaphore_mem>>
      %dma_start3A = arith.constant 0 : i32
      %dma_start3A_41 = tpu.memref_slice %arg15[%add3A_10, %dma_start3A] : memref<10112x128xf32, #tpu.memory_space<vmem_shared>> -> memref<128x128xf32, #tpu.memory_space<vmem_shared>>
      %dma_start3A_42 = arith.constant 0 : i32
      %dma_start3A_43 = tpu.memref_slice %arg15[%add3A_10, %dma_start3A_42] : memref<10112x128xf32, #tpu.memory_space<vmem_shared>> -> memref<128x128xf32, #tpu.memory_space<vmem_shared>>
      tpu.enqueue_dma source(%arg9 : memref<128x128xf32, #tpu.memory_space<vmem>>) target(%dma_start3A_43 : memref<128x128xf32, #tpu.memory_space<vmem_shared>>) target_semaphore(%run_scoped3A : memref<!tpu.dma_semaphore, #tpu.memory_space<semaphore_mem>>)
      %dma_wait3A = arith.constant 0 : i32
      %dma_wait3A_44 = tpu.memref_slice %arg15[%add3A_10, %dma_wait3A] : memref<10112x128xf32, #tpu.memory_space<vmem_shared>> -> memref<128x128xf32, #tpu.memory_space<vmem_shared>>
      %dma_wait3A_45 = arith.constant 0 : i32
      %dma_wait3A_46 = tpu.memref_slice %arg15[%add3A_10, %dma_wait3A_45] : memref<10112x128xf32, #tpu.memory_space<vmem_shared>> -> memref<128x128xf32, #tpu.memory_space<vmem_shared>>
      tpu.wait_dma2 semaphore(%run_scoped3A : memref<!tpu.dma_semaphore, #tpu.memory_space<semaphore_mem>>) src(%arg9 : memref<128x128xf32, #tpu.memory_space<vmem>>) dst(%dma_wait3A_46 : memref<128x128xf32, #tpu.memory_space<vmem_shared>>)
      tpu.yield
    }) : () -> ()
    %add3A_11 = arith.constant 384 : i32
    %add3A_12 = arith.addi %mul3A_0, %add3A_11 : i32
    "tpu.region"() ({
      %run_scoped3A = tpu.sem_alloc : memref<!tpu.dma_semaphore, #tpu.memory_space<semaphore_mem>>
      %dma_start3A = arith.constant 0 : i32
      %dma_start3A_41 = tpu.memref_slice %arg15[%add3A_12, %dma_start3A] : memref<10112x128xf32, #tpu.memory_space<vmem_shared>> -> memref<128x128xf32, #tpu.memory_space<vmem_shared>>
      %dma_start3A_42 = arith.constant 0 : i32
      %dma_start3A_43 = tpu.memref_slice %arg15[%add3A_12, %dma_start3A_42] : memref<10112x128xf32, #tpu.memory_space<vmem_shared>> -> memref<128x128xf32, #tpu.memory_space<vmem_shared>>
      tpu.enqueue_dma source(%arg9 : memref<128x128xf32, #tpu.memory_space<vmem>>) target(%dma_start3A_43 : memref<128x128xf32, #tpu.memory_space<vmem_shared>>) target_semaphore(%run_scoped3A : memref<!tpu.dma_semaphore, #tpu.memory_space<semaphore_mem>>)
      %dma_wait3A = arith.constant 0 : i32
      %dma_wait3A_44 = tpu.memref_slice %arg15[%add3A_12, %dma_wait3A] : memref<10112x128xf32, #tpu.memory_space<vmem_shared>> -> memref<128x128xf32, #tpu.memory_space<vmem_shared>>
      %dma_wait3A_45 = arith.constant 0 : i32
      %dma_wait3A_46 = tpu.memref_slice %arg15[%add3A_12, %dma_wait3A_45] : memref<10112x128xf32, #tpu.memory_space<vmem_shared>> -> memref<128x128xf32, #tpu.memory_space<vmem_shared>>
      tpu.wait_dma2 semaphore(%run_scoped3A : memref<!tpu.dma_semaphore, #tpu.memory_space<semaphore_mem>>) src(%arg9 : memref<128x128xf32, #tpu.memory_space<vmem>>) dst(%dma_wait3A_46 : memref<128x128xf32, #tpu.memory_space<vmem_shared>>)
      tpu.yield
    }) : () -> ()
    %add3A_13 = arith.constant 512 : i32
    %add3A_14 = arith.addi %mul3A_0, %add3A_13 : i32
    "tpu.region"() ({
      %run_scoped3A = tpu.sem_alloc : memref<!tpu.dma_semaphore, #tpu.memory_space<semaphore_mem>>
      %dma_start3A = arith.constant 0 : i32
      %dma_start3A_41 = arith.constant 0 : i32
      %dma_start3A_42 = tpu.memref_slice %arg9[%dma_start3A, %dma_start3A_41] : memref<128x128xf32, #tpu.memory_space<vmem>> -> memref<120x128xf32, #tpu.memory_space<vmem>>
      %dma_start3A_43 = arith.constant 0 : i32
      %dma_start3A_44 = tpu.memref_slice %arg15[%add3A_14, %dma_start3A_43] : memref<10112x128xf32, #tpu.memory_space<vmem_shared>> -> memref<120x128xf32, #tpu.memory_space<vmem_shared>>
      %dma_start3A_45 = arith.constant 0 : i32
      %dma_start3A_46 = tpu.memref_slice %arg15[%add3A_14, %dma_start3A_45] : memref<10112x128xf32, #tpu.memory_space<vmem_shared>> -> memref<120x128xf32, #tpu.memory_space<vmem_shared>>
      %dma_start3A_47 = arith.constant 0 : i32
      %dma_start3A_48 = arith.constant 0 : i32
      %dma_start3A_49 = tpu.memref_slice %arg9[%dma_start3A_47, %dma_start3A_48] : memref<128x128xf32, #tpu.memory_space<vmem>> -> memref<120x128xf32, #tpu.memory_space<vmem>>
      tpu.enqueue_dma source(%dma_start3A_49 : memref<120x128xf32, #tpu.memory_space<vmem>>) target(%dma_start3A_46 : memref<120x128xf32, #tpu.memory_space<vmem_shared>>) target_semaphore(%run_scoped3A : memref<!tpu.dma_semaphore, #tpu.memory_space<semaphore_mem>>)
      %dma_wait3A = arith.constant 0 : i32
      %dma_wait3A_50 = arith.constant 0 : i32
      %dma_wait3A_51 = tpu.memref_slice %arg9[%dma_wait3A, %dma_wait3A_50] : memref<128x128xf32, #tpu.memory_space<vmem>> -> memref<120x128xf32, #tpu.memory_space<vmem>>
      %dma_wait3A_52 = arith.constant 0 : i32
      %dma_wait3A_53 = tpu.memref_slice %arg15[%add3A_14, %dma_wait3A_52] : memref<10112x128xf32, #tpu.memory_space<vmem_shared>> -> memref<120x128xf32, #tpu.memory_space<vmem_shared>>
      %dma_wait3A_54 = arith.constant 0 : i32
      %dma_wait3A_55 = tpu.memref_slice %arg15[%add3A_14, %dma_wait3A_54] : memref<10112x128xf32, #tpu.memory_space<vmem_shared>> -> memref<120x128xf32, #tpu.memory_space<vmem_shared>>
      %dma_wait3A_56 = arith.constant 0 : i32
      %dma_wait3A_57 = arith.constant 0 : i32
      %dma_wait3A_58 = tpu.memref_slice %arg9[%dma_wait3A_56, %dma_wait3A_57] : memref<128x128xf32, #tpu.memory_space<vmem>> -> memref<120x128xf32, #tpu.memory_space<vmem>>
      tpu.wait_dma2 semaphore(%run_scoped3A : memref<!tpu.dma_semaphore, #tpu.memory_space<semaphore_mem>>) src(%dma_wait3A_58 : memref<120x128xf32, #tpu.memory_space<vmem>>) dst(%dma_wait3A_55 : memref<120x128xf32, #tpu.memory_space<vmem_shared>>)
      tpu.yield
    }) : () -> ()
    %barrier3A = arith.constant 0 : index
    tpu.barrier barrier_id(%barrier3A)
    %scan3A_15 = arith.constant 0 : i32
    %scan3A_16 = arith.constant 4 : i32
    %scan3A_17 = arith.addi %scan3A_15, %scan3A_16 : i32
    %scan3A_18 = arith.constant 1 : i32
    scf.for %scan3A_41 = %scan3A_15 to %scan3A_17 step %scan3A_18  : i32 {
      %mul3A_42 = arith.constant 40 : i32
      %mul3A_43 = arith.muli %scan3A_41, %mul3A_42 : i32
      %add3A_44 = arith.constant 0 : i32
      %add3A_45 = arith.addi %add3A_44, %mul3A_43 : i32
      "tpu.region"() ({
        %run_scoped3A = tpu.sem_alloc : memref<!tpu.dma_semaphore, #tpu.memory_space<semaphore_mem>>
        %dma_start3A_112 = arith.constant 0 : i32
        %dma_start3A_113 = tpu.memref_slice %arg4[%arg1, %add3A_45, %dma_start3A_112] : memref<16x160x128xi32, #tpu.memory_space<hbm>> -> memref<1x40x128xi32, #tpu.memory_space<hbm>>
        %dma_start3A_114 = tpu.memref_squeeze %dma_start3A_113 : memref<1x40x128xi32, #tpu.memory_space<hbm>> -> memref<40x128xi32, #tpu.memory_space<hbm>>
        %dma_start3A_115 = arith.constant 0 : i32
        %dma_start3A_116 = tpu.memref_slice %arg4[%arg1, %add3A_45, %dma_start3A_115] : memref<16x160x128xi32, #tpu.memory_space<hbm>> -> memref<1x40x128xi32, #tpu.memory_space<hbm>>
        %dma_start3A_117 = tpu.memref_squeeze %dma_start3A_116 : memref<1x40x128xi32, #tpu.memory_space<hbm>> -> memref<40x128xi32, #tpu.memory_space<hbm>>
        tpu.enqueue_dma source(%dma_start3A_117 : memref<40x128xi32, #tpu.memory_space<hbm>>) target(%arg7 : memref<40x128xi32, #tpu.memory_space<vmem>>) target_semaphore(%run_scoped3A : memref<!tpu.dma_semaphore, #tpu.memory_space<semaphore_mem>>)
        %dma_wait3A_118 = arith.constant 0 : i32
        %dma_wait3A_119 = tpu.memref_slice %arg4[%arg1, %add3A_45, %dma_wait3A_118] : memref<16x160x128xi32, #tpu.memory_space<hbm>> -> memref<1x40x128xi32, #tpu.memory_space<hbm>>
        %dma_wait3A_120 = tpu.memref_squeeze %dma_wait3A_119 : memref<1x40x128xi32, #tpu.memory_space<hbm>> -> memref<40x128xi32, #tpu.memory_space<hbm>>
        %dma_wait3A_121 = arith.constant 0 : i32
        %dma_wait3A_122 = tpu.memref_slice %arg4[%arg1, %add3A_45, %dma_wait3A_121] : memref<16x160x128xi32, #tpu.memory_space<hbm>> -> memref<1x40x128xi32, #tpu.memory_space<hbm>>
        %dma_wait3A_123 = tpu.memref_squeeze %dma_wait3A_122 : memref<1x40x128xi32, #tpu.memory_space<hbm>> -> memref<40x128xi32, #tpu.memory_space<hbm>>
        tpu.wait_dma2 semaphore(%run_scoped3A : memref<!tpu.dma_semaphore, #tpu.memory_space<semaphore_mem>>) src(%dma_wait3A_123 : memref<40x128xi32, #tpu.memory_space<hbm>>) dst(%arg7 : memref<40x128xi32, #tpu.memory_space<vmem>>)
        tpu.yield
      }) : () -> ()
      "tpu.region"() ({
        %run_scoped3A = tpu.sem_alloc : memref<!tpu.dma_semaphore, #tpu.memory_space<semaphore_mem>>
        %dma_start3A_112 = arith.constant 0 : i32
        %dma_start3A_113 = tpu.memref_slice %arg5[%arg1, %add3A_45, %dma_start3A_112] : memref<16x160x128xi32, #tpu.memory_space<hbm>> -> memref<1x40x128xi32, #tpu.memory_space<hbm>>
        %dma_start3A_114 = tpu.memref_squeeze %dma_start3A_113 : memref<1x40x128xi32, #tpu.memory_space<hbm>> -> memref<40x128xi32, #tpu.memory_space<hbm>>
        %dma_start3A_115 = arith.constant 0 : i32
        %dma_start3A_116 = tpu.memref_slice %arg5[%arg1, %add3A_45, %dma_start3A_115] : memref<16x160x128xi32, #tpu.memory_space<hbm>> -> memref<1x40x128xi32, #tpu.memory_space<hbm>>
        %dma_start3A_117 = tpu.memref_squeeze %dma_start3A_116 : memref<1x40x128xi32, #tpu.memory_space<hbm>> -> memref<40x128xi32, #tpu.memory_space<hbm>>
        tpu.enqueue_dma source(%dma_start3A_117 : memref<40x128xi32, #tpu.memory_space<hbm>>) target(%arg8 : memref<40x128xi32, #tpu.memory_space<vmem>>) target_semaphore(%run_scoped3A : memref<!tpu.dma_semaphore, #tpu.memory_space<semaphore_mem>>)
        %dma_wait3A_118 = arith.constant 0 : i32
        %dma_wait3A_119 = tpu.memref_slice %arg5[%arg1, %add3A_45, %dma_wait3A_118] : memref<16x160x128xi32, #tpu.memory_space<hbm>> -> memref<1x40x128xi32, #tpu.memory_space<hbm>>
        %dma_wait3A_120 = tpu.memref_squeeze %dma_wait3A_119 : memref<1x40x128xi32, #tpu.memory_space<hbm>> -> memref<40x128xi32, #tpu.memory_space<hbm>>
        %dma_wait3A_121 = arith.constant 0 : i32
        %dma_wait3A_122 = tpu.memref_slice %arg5[%arg1, %add3A_45, %dma_wait3A_121] : memref<16x160x128xi32, #tpu.memory_space<hbm>> -> memref<1x40x128xi32, #tpu.memory_space<hbm>>
        %dma_wait3A_123 = tpu.memref_squeeze %dma_wait3A_122 : memref<1x40x128xi32, #tpu.memory_space<hbm>> -> memref<40x128xi32, #tpu.memory_space<hbm>>
        tpu.wait_dma2 semaphore(%run_scoped3A : memref<!tpu.dma_semaphore, #tpu.memory_space<semaphore_mem>>) src(%dma_wait3A_123 : memref<40x128xi32, #tpu.memory_space<hbm>>) dst(%arg8 : memref<40x128xi32, #tpu.memory_space<vmem>>)
        tpu.yield
      }) : () -> ()
      %eq3A = arith.constant 0 : i32
      %eq3A_46 = arith.cmpi eq, %arg0, %eq3A : i32
      %convert_element_type3A = arith.extui %eq3A_46 : i1 to i32
      %cond3A = arith.constant 0 : i32
      %cond3A_47 = arith.constant 0 : i32
      %cond3A_48 = arith.cmpi ne, %convert_element_type3A, %cond3A_47 : i32
      scf.if %cond3A_48 {
        %dma_start3A_112 = arith.constant 0 : i32
        %dma_start3A_113 = tpu.memref_slice %arg7[%cond3A, %dma_start3A_112] : memref<40x128xi32, #tpu.memory_space<vmem>> -> memref<1x128xi32, #tpu.memory_space<vmem>>
        %dma_start3A_114 = tpu.memref_squeeze %dma_start3A_113 : memref<1x128xi32, #tpu.memory_space<vmem>> -> memref<128xi32, #tpu.memory_space<vmem>>
        %dma_start3A_115 = arith.constant 0 : i32
        %dma_start3A_116 = arith.constant 0 : i32
        %dma_start3A_117 = tpu.memref_slice %arg2[%dma_start3A_115, %dma_start3A_116] : memref<10000x128xf32, #tpu.memory_space<hbm>> -> memref<10000x128xf32, #tpu.memory_space<hbm>>
        tpu.enqueue_indirect_dma source(%dma_start3A_117 : memref<10000x128xf32, #tpu.memory_space<hbm>>) target(%arg9 : memref<128x128xf32, #tpu.memory_space<vmem>>) offsets(%dma_start3A_114 : memref<128xi32, #tpu.memory_space<vmem>>) semaphore(%arg11 : memref<!tpu.dma_semaphore, #tpu.memory_space<semaphore_mem>>)
      } else {
      }
      %eq3A_49 = arith.constant 1 : i32
      %eq3A_50 = arith.cmpi eq, %arg0, %eq3A_49 : i32
      %convert_element_type3A_51 = arith.extui %eq3A_50 : i1 to i32
      %cond3A_52 = arith.constant 0 : i32
      %cond3A_53 = arith.constant 0 : i32
      %cond3A_54 = arith.cmpi ne, %convert_element_type3A_51, %cond3A_53 : i32
      scf.if %cond3A_54 {
        %dma_start3A_112 = arith.constant 0 : i32
        %dma_start3A_113 = tpu.memref_slice %arg7[%cond3A_52, %dma_start3A_112] : memref<40x128xi32, #tpu.memory_space<vmem>> -> memref<1x128xi32, #tpu.memory_space<vmem>>
        %dma_start3A_114 = tpu.memref_squeeze %dma_start3A_113 : memref<1x128xi32, #tpu.memory_space<vmem>> -> memref<128xi32, #tpu.memory_space<vmem>>
        %dma_start3A_115 = arith.constant 0 : i32
        %dma_start3A_116 = arith.constant 0 : i32
        %dma_start3A_117 = tpu.memref_slice %arg3[%dma_start3A_115, %dma_start3A_116] : memref<10000x128xf32, #tpu.memory_space<hbm>> -> memref<10000x128xf32, #tpu.memory_space<hbm>>
        tpu.enqueue_indirect_dma source(%dma_start3A_117 : memref<10000x128xf32, #tpu.memory_space<hbm>>) target(%arg9 : memref<128x128xf32, #tpu.memory_space<vmem>>) offsets(%dma_start3A_114 : memref<128xi32, #tpu.memory_space<vmem>>) semaphore(%arg11 : memref<!tpu.dma_semaphore, #tpu.memory_space<semaphore_mem>>)
      } else {
      }
      %eq3A_55 = arith.constant 0 : i32
      %eq3A_56 = arith.cmpi eq, %arg0, %eq3A_55 : i32
      %convert_element_type3A_57 = arith.extui %eq3A_56 : i1 to i32
      %cond3A_58 = arith.constant 1 : i32
      %cond3A_59 = arith.constant 0 : i32
      %cond3A_60 = arith.cmpi ne, %convert_element_type3A_57, %cond3A_59 : i32
      scf.if %cond3A_60 {
        %dma_start3A_112 = arith.constant 0 : i32
        %dma_start3A_113 = tpu.memref_slice %arg7[%cond3A_58, %dma_start3A_112] : memref<40x128xi32, #tpu.memory_space<vmem>> -> memref<1x128xi32, #tpu.memory_space<vmem>>
        %dma_start3A_114 = tpu.memref_squeeze %dma_start3A_113 : memref<1x128xi32, #tpu.memory_space<vmem>> -> memref<128xi32, #tpu.memory_space<vmem>>
        %dma_start3A_115 = arith.constant 0 : i32
        %dma_start3A_116 = arith.constant 0 : i32
        %dma_start3A_117 = tpu.memref_slice %arg2[%dma_start3A_115, %dma_start3A_116] : memref<10000x128xf32, #tpu.memory_space<hbm>> -> memref<10000x128xf32, #tpu.memory_space<hbm>>
        tpu.enqueue_indirect_dma source(%dma_start3A_117 : memref<10000x128xf32, #tpu.memory_space<hbm>>) target(%arg10 : memref<128x128xf32, #tpu.memory_space<vmem>>) offsets(%dma_start3A_114 : memref<128xi32, #tpu.memory_space<vmem>>) semaphore(%arg12 : memref<!tpu.dma_semaphore, #tpu.memory_space<semaphore_mem>>)
      } else {
      }
      %eq3A_61 = arith.constant 1 : i32
      %eq3A_62 = arith.cmpi eq, %arg0, %eq3A_61 : i32
      %convert_element_type3A_63 = arith.extui %eq3A_62 : i1 to i32
      %cond3A_64 = arith.constant 1 : i32
      %cond3A_65 = arith.constant 0 : i32
      %cond3A_66 = arith.cmpi ne, %convert_element_type3A_63, %cond3A_65 : i32
      scf.if %cond3A_66 {
        %dma_start3A_112 = arith.constant 0 : i32
        %dma_start3A_113 = tpu.memref_slice %arg7[%cond3A_64, %dma_start3A_112] : memref<40x128xi32, #tpu.memory_space<vmem>> -> memref<1x128xi32, #tpu.memory_space<vmem>>
        %dma_start3A_114 = tpu.memref_squeeze %dma_start3A_113 : memref<1x128xi32, #tpu.memory_space<vmem>> -> memref<128xi32, #tpu.memory_space<vmem>>
        %dma_start3A_115 = arith.constant 0 : i32
        %dma_start3A_116 = arith.constant 0 : i32
        %dma_start3A_117 = tpu.memref_slice %arg3[%dma_start3A_115, %dma_start3A_116] : memref<10000x128xf32, #tpu.memory_space<hbm>> -> memref<10000x128xf32, #tpu.memory_space<hbm>>
        tpu.enqueue_indirect_dma source(%dma_start3A_117 : memref<10000x128xf32, #tpu.memory_space<hbm>>) target(%arg10 : memref<128x128xf32, #tpu.memory_space<vmem>>) offsets(%dma_start3A_114 : memref<128xi32, #tpu.memory_space<vmem>>) semaphore(%arg12 : memref<!tpu.dma_semaphore, #tpu.memory_space<semaphore_mem>>)
      } else {
      }
      %scan3A_67 = arith.constant 0 : i32
      %scan3A_68 = arith.constant 19 : i32
      %scan3A_69 = arith.addi %scan3A_67, %scan3A_68 : i32
      %scan3A_70 = arith.constant 1 : i32
      scf.for %scan3A_112 = %scan3A_67 to %scan3A_69 step %scan3A_70  : i32 {
        %mul3A_113 = arith.constant 2 : i32
        %mul3A_114 = arith.muli %scan3A_112, %mul3A_113 : i32
        %add3A_115 = arith.constant 2 : i32
        %add3A_116 = arith.addi %add3A_115, %mul3A_114 : i32
        %dma_wait3A_117 = arith.constant 0 : i32
        %dma_wait3A_118 = arith.constant 0 : i32
        %dma_wait3A_119 = tpu.memref_slice %arg7[%dma_wait3A_117, %dma_wait3A_118] : memref<40x128xi32, #tpu.memory_space<vmem>> -> memref<1x128xi32, #tpu.memory_space<vmem>>
        %dma_wait3A_120 = tpu.memref_squeeze %dma_wait3A_119 : memref<1x128xi32, #tpu.memory_space<vmem>> -> memref<128xi32, #tpu.memory_space<vmem>>
        %dma_wait3A_121 = arith.constant 0 : i32
        %dma_wait3A_122 = arith.constant 0 : i32
        %dma_wait3A_123 = tpu.memref_slice %arg2[%dma_wait3A_121, %dma_wait3A_122] : memref<10000x128xf32, #tpu.memory_space<hbm>> -> memref<10000x128xf32, #tpu.memory_space<hbm>>
        tpu.wait_indirect_dma semaphore(%arg11 : memref<!tpu.dma_semaphore, #tpu.memory_space<semaphore_mem>>) src(%dma_wait3A_123 : memref<10000x128xf32, #tpu.memory_space<hbm>>) dst(%arg9 : memref<128x128xf32, #tpu.memory_space<vmem>>)
        %sub3A = arith.constant 2 : i32
        %sub3A_124 = arith.subi %add3A_116, %sub3A : i32
        %dma_start3A_125 = arith.constant 0 : i32
        %dma_start3A_126 = tpu.memref_slice %arg8[%sub3A_124, %dma_start3A_125] : memref<40x128xi32, #tpu.memory_space<vmem>> -> memref<1x128xi32, #tpu.memory_space<vmem>>
        %dma_start3A_127 = tpu.memref_squeeze %dma_start3A_126 : memref<1x128xi32, #tpu.memory_space<vmem>> -> memref<128xi32, #tpu.memory_space<vmem>>
        %dma_start3A_128 = arith.constant 0 : i32
        %dma_start3A_129 = arith.constant 0 : i32
        %dma_start3A_130 = tpu.memref_slice %arg15[%dma_start3A_128, %dma_start3A_129] : memref<10112x128xf32, #tpu.memory_space<vmem_shared>> -> memref<10112x128xf32, #tpu.memory_space<vmem_shared>>
        tpu.enqueue_indirect_dma source(%arg9 : memref<128x128xf32, #tpu.memory_space<vmem>>) target(%dma_start3A_130 : memref<10112x128xf32, #tpu.memory_space<vmem_shared>>) offsets(%dma_start3A_127 : memref<128xi32, #tpu.memory_space<vmem>>) semaphore(%arg13 : memref<!tpu.dma_semaphore, #tpu.memory_space<semaphore_mem>>) {add = true}
        %dma_wait3A_131 = arith.constant 0 : i32
        %dma_wait3A_132 = arith.constant 0 : i32
        %dma_wait3A_133 = tpu.memref_slice %arg7[%dma_wait3A_131, %dma_wait3A_132] : memref<40x128xi32, #tpu.memory_space<vmem>> -> memref<1x128xi32, #tpu.memory_space<vmem>>
        %dma_wait3A_134 = tpu.memref_squeeze %dma_wait3A_133 : memref<1x128xi32, #tpu.memory_space<vmem>> -> memref<128xi32, #tpu.memory_space<vmem>>
        %dma_wait3A_135 = arith.constant 0 : i32
        %dma_wait3A_136 = arith.constant 0 : i32
        %dma_wait3A_137 = tpu.memref_slice %arg2[%dma_wait3A_135, %dma_wait3A_136] : memref<10000x128xf32, #tpu.memory_space<hbm>> -> memref<10000x128xf32, #tpu.memory_space<hbm>>
        tpu.wait_indirect_dma semaphore(%arg12 : memref<!tpu.dma_semaphore, #tpu.memory_space<semaphore_mem>>) src(%dma_wait3A_137 : memref<10000x128xf32, #tpu.memory_space<hbm>>) dst(%arg10 : memref<128x128xf32, #tpu.memory_space<vmem>>)
        %sub3A_138 = arith.constant 1 : i32
        %sub3A_139 = arith.subi %add3A_116, %sub3A_138 : i32
        %dma_start3A_140 = arith.constant 0 : i32
        %dma_start3A_141 = tpu.memref_slice %arg8[%sub3A_139, %dma_start3A_140] : memref<40x128xi32, #tpu.memory_space<vmem>> -> memref<1x128xi32, #tpu.memory_space<vmem>>
        %dma_start3A_142 = tpu.memref_squeeze %dma_start3A_141 : memref<1x128xi32, #tpu.memory_space<vmem>> -> memref<128xi32, #tpu.memory_space<vmem>>
        %dma_start3A_143 = arith.constant 0 : i32
        %dma_start3A_144 = arith.constant 0 : i32
        %dma_start3A_145 = tpu.memref_slice %arg15[%dma_start3A_143, %dma_start3A_144] : memref<10112x128xf32, #tpu.memory_space<vmem_shared>> -> memref<10112x128xf32, #tpu.memory_space<vmem_shared>>
        tpu.enqueue_indirect_dma source(%arg10 : memref<128x128xf32, #tpu.memory_space<vmem>>) target(%dma_start3A_145 : memref<10112x128xf32, #tpu.memory_space<vmem_shared>>) offsets(%dma_start3A_142 : memref<128xi32, #tpu.memory_space<vmem>>) semaphore(%arg14 : memref<!tpu.dma_semaphore, #tpu.memory_space<semaphore_mem>>) {add = true}
        %dma_wait3A_146 = arith.constant 0 : i32
        %dma_wait3A_147 = arith.constant 0 : i32
        %dma_wait3A_148 = tpu.memref_slice %arg8[%dma_wait3A_146, %dma_wait3A_147] : memref<40x128xi32, #tpu.memory_space<vmem>> -> memref<1x128xi32, #tpu.memory_space<vmem>>
        %dma_wait3A_149 = tpu.memref_squeeze %dma_wait3A_148 : memref<1x128xi32, #tpu.memory_space<vmem>> -> memref<128xi32, #tpu.memory_space<vmem>>
        %dma_wait3A_150 = arith.constant 0 : i32
        %dma_wait3A_151 = arith.constant 0 : i32
        %dma_wait3A_152 = tpu.memref_slice %arg15[%dma_wait3A_150, %dma_wait3A_151] : memref<10112x128xf32, #tpu.memory_space<vmem_shared>> -> memref<10112x128xf32, #tpu.memory_space<vmem_shared>>
        tpu.wait_indirect_dma semaphore(%arg13 : memref<!tpu.dma_semaphore, #tpu.memory_space<semaphore_mem>>) src(%arg9 : memref<128x128xf32, #tpu.memory_space<vmem>>) dst(%dma_wait3A_152 : memref<10112x128xf32, #tpu.memory_space<vmem_shared>>)
        %eq3A_153 = arith.constant 0 : i32
        %eq3A_154 = arith.cmpi eq, %arg0, %eq3A_153 : i32
        %convert_element_type3A_155 = arith.extui %eq3A_154 : i1 to i32
        %cond3A_156 = arith.constant 0 : i32
        %cond3A_157 = arith.cmpi ne, %convert_element_type3A_155, %cond3A_156 : i32
        scf.if %cond3A_157 {
          %dma_start3A_182 = arith.constant 0 : i32
          %dma_start3A_183 = tpu.memref_slice %arg7[%add3A_116, %dma_start3A_182] : memref<40x128xi32, #tpu.memory_space<vmem>> -> memref<1x128xi32, #tpu.memory_space<vmem>>
          %dma_start3A_184 = tpu.memref_squeeze %dma_start3A_183 : memref<1x128xi32, #tpu.memory_space<vmem>> -> memref<128xi32, #tpu.memory_space<vmem>>
          %dma_start3A_185 = arith.constant 0 : i32
          %dma_start3A_186 = arith.constant 0 : i32
          %dma_start3A_187 = tpu.memref_slice %arg2[%dma_start3A_185, %dma_start3A_186] : memref<10000x128xf32, #tpu.memory_space<hbm>> -> memref<10000x128xf32, #tpu.memory_space<hbm>>
          tpu.enqueue_indirect_dma source(%dma_start3A_187 : memref<10000x128xf32, #tpu.memory_space<hbm>>) target(%arg9 : memref<128x128xf32, #tpu.memory_space<vmem>>) offsets(%dma_start3A_184 : memref<128xi32, #tpu.memory_space<vmem>>) semaphore(%arg11 : memref<!tpu.dma_semaphore, #tpu.memory_space<semaphore_mem>>)
        } else {
        }
        %eq3A_158 = arith.constant 1 : i32
        %eq3A_159 = arith.cmpi eq, %arg0, %eq3A_158 : i32
        %convert_element_type3A_160 = arith.extui %eq3A_159 : i1 to i32
        %cond3A_161 = arith.constant 0 : i32
        %cond3A_162 = arith.cmpi ne, %convert_element_type3A_160, %cond3A_161 : i32
        scf.if %cond3A_162 {
          %dma_start3A_182 = arith.constant 0 : i32
          %dma_start3A_183 = tpu.memref_slice %arg7[%add3A_116, %dma_start3A_182] : memref<40x128xi32, #tpu.memory_space<vmem>> -> memref<1x128xi32, #tpu.memory_space<vmem>>
          %dma_start3A_184 = tpu.memref_squeeze %dma_start3A_183 : memref<1x128xi32, #tpu.memory_space<vmem>> -> memref<128xi32, #tpu.memory_space<vmem>>
          %dma_start3A_185 = arith.constant 0 : i32
          %dma_start3A_186 = arith.constant 0 : i32
          %dma_start3A_187 = tpu.memref_slice %arg3[%dma_start3A_185, %dma_start3A_186] : memref<10000x128xf32, #tpu.memory_space<hbm>> -> memref<10000x128xf32, #tpu.memory_space<hbm>>
          tpu.enqueue_indirect_dma source(%dma_start3A_187 : memref<10000x128xf32, #tpu.memory_space<hbm>>) target(%arg9 : memref<128x128xf32, #tpu.memory_space<vmem>>) offsets(%dma_start3A_184 : memref<128xi32, #tpu.memory_space<vmem>>) semaphore(%arg11 : memref<!tpu.dma_semaphore, #tpu.memory_space<semaphore_mem>>)
        } else {
        }
        %dma_wait3A_163 = arith.constant 0 : i32
        %dma_wait3A_164 = arith.constant 0 : i32
        %dma_wait3A_165 = tpu.memref_slice %arg8[%dma_wait3A_163, %dma_wait3A_164] : memref<40x128xi32, #tpu.memory_space<vmem>> -> memref<1x128xi32, #tpu.memory_space<vmem>>
        %dma_wait3A_166 = tpu.memref_squeeze %dma_wait3A_165 : memref<1x128xi32, #tpu.memory_space<vmem>> -> memref<128xi32, #tpu.memory_space<vmem>>
        %dma_wait3A_167 = arith.constant 0 : i32
        %dma_wait3A_168 = arith.constant 0 : i32
        %dma_wait3A_169 = tpu.memref_slice %arg15[%dma_wait3A_167, %dma_wait3A_168] : memref<10112x128xf32, #tpu.memory_space<vmem_shared>> -> memref<10112x128xf32, #tpu.memory_space<vmem_shared>>
        tpu.wait_indirect_dma semaphore(%arg14 : memref<!tpu.dma_semaphore, #tpu.memory_space<semaphore_mem>>) src(%arg10 : memref<128x128xf32, #tpu.memory_space<vmem>>) dst(%dma_wait3A_169 : memref<10112x128xf32, #tpu.memory_space<vmem_shared>>)
        %add3A_170 = arith.constant 1 : i32
        %add3A_171 = arith.addi %add3A_116, %add3A_170 : i32
        %eq3A_172 = arith.constant 0 : i32
        %eq3A_173 = arith.cmpi eq, %arg0, %eq3A_172 : i32
        %convert_element_type3A_174 = arith.extui %eq3A_173 : i1 to i32
        %cond3A_175 = arith.constant 0 : i32
        %cond3A_176 = arith.cmpi ne, %convert_element_type3A_174, %cond3A_175 : i32
        scf.if %cond3A_176 {
          %dma_start3A_182 = arith.constant 0 : i32
          %dma_start3A_183 = tpu.memref_slice %arg7[%add3A_171, %dma_start3A_182] : memref<40x128xi32, #tpu.memory_space<vmem>> -> memref<1x128xi32, #tpu.memory_space<vmem>>
          %dma_start3A_184 = tpu.memref_squeeze %dma_start3A_183 : memref<1x128xi32, #tpu.memory_space<vmem>> -> memref<128xi32, #tpu.memory_space<vmem>>
          %dma_start3A_185 = arith.constant 0 : i32
          %dma_start3A_186 = arith.constant 0 : i32
          %dma_start3A_187 = tpu.memref_slice %arg2[%dma_start3A_185, %dma_start3A_186] : memref<10000x128xf32, #tpu.memory_space<hbm>> -> memref<10000x128xf32, #tpu.memory_space<hbm>>
          tpu.enqueue_indirect_dma source(%dma_start3A_187 : memref<10000x128xf32, #tpu.memory_space<hbm>>) target(%arg10 : memref<128x128xf32, #tpu.memory_space<vmem>>) offsets(%dma_start3A_184 : memref<128xi32, #tpu.memory_space<vmem>>) semaphore(%arg12 : memref<!tpu.dma_semaphore, #tpu.memory_space<semaphore_mem>>)
        } else {
        }
        %eq3A_177 = arith.constant 1 : i32
        %eq3A_178 = arith.cmpi eq, %arg0, %eq3A_177 : i32
        %convert_element_type3A_179 = arith.extui %eq3A_178 : i1 to i32
        %cond3A_180 = arith.constant 0 : i32
        %cond3A_181 = arith.cmpi ne, %convert_element_type3A_179, %cond3A_180 : i32
        scf.if %cond3A_181 {
          %dma_start3A_182 = arith.constant 0 : i32
          %dma_start3A_183 = tpu.memref_slice %arg7[%add3A_171, %dma_start3A_182] : memref<40x128xi32, #tpu.memory_space<vmem>> -> memref<1x128xi32, #tpu.memory_space<vmem>>
          %dma_start3A_184 = tpu.memref_squeeze %dma_start3A_183 : memref<1x128xi32, #tpu.memory_space<vmem>> -> memref<128xi32, #tpu.memory_space<vmem>>
          %dma_start3A_185 = arith.constant 0 : i32
          %dma_start3A_186 = arith.constant 0 : i32
          %dma_start3A_187 = tpu.memref_slice %arg3[%dma_start3A_185, %dma_start3A_186] : memref<10000x128xf32, #tpu.memory_space<hbm>> -> memref<10000x128xf32, #tpu.memory_space<hbm>>
          tpu.enqueue_indirect_dma source(%dma_start3A_187 : memref<10000x128xf32, #tpu.memory_space<hbm>>) target(%arg10 : memref<128x128xf32, #tpu.memory_space<vmem>>) offsets(%dma_start3A_184 : memref<128xi32, #tpu.memory_space<vmem>>) semaphore(%arg12 : memref<!tpu.dma_semaphore, #tpu.memory_space<semaphore_mem>>)
        } else {
        }
      }
      %scan3A_71 = arith.constant 19 : i32
      %dma_wait3A = arith.constant 0 : i32
      %dma_wait3A_72 = arith.constant 0 : i32
      %dma_wait3A_73 = tpu.memref_slice %arg7[%dma_wait3A, %dma_wait3A_72] : memref<40x128xi32, #tpu.memory_space<vmem>> -> memref<1x128xi32, #tpu.memory_space<vmem>>
      %dma_wait3A_74 = tpu.memref_squeeze %dma_wait3A_73 : memref<1x128xi32, #tpu.memory_space<vmem>> -> memref<128xi32, #tpu.memory_space<vmem>>
      %dma_wait3A_75 = arith.constant 0 : i32
      %dma_wait3A_76 = arith.constant 0 : i32
      %dma_wait3A_77 = tpu.memref_slice %arg2[%dma_wait3A_75, %dma_wait3A_76] : memref<10000x128xf32, #tpu.memory_space<hbm>> -> memref<10000x128xf32, #tpu.memory_space<hbm>>
      tpu.wait_indirect_dma semaphore(%arg11 : memref<!tpu.dma_semaphore, #tpu.memory_space<semaphore_mem>>) src(%dma_wait3A_77 : memref<10000x128xf32, #tpu.memory_space<hbm>>) dst(%arg9 : memref<128x128xf32, #tpu.memory_space<vmem>>)
      %dma_start3A = arith.constant 38 : i32
      %dma_start3A_78 = arith.constant 0 : i32
      %dma_start3A_79 = tpu.memref_slice %arg8[%dma_start3A, %dma_start3A_78] : memref<40x128xi32, #tpu.memory_space<vmem>> -> memref<1x128xi32, #tpu.memory_space<vmem>>
      %dma_start3A_80 = tpu.memref_squeeze %dma_start3A_79 : memref<1x128xi32, #tpu.memory_space<vmem>> -> memref<128xi32, #tpu.memory_space<vmem>>
      %dma_start3A_81 = arith.constant 0 : i32
      %dma_start3A_82 = arith.constant 0 : i32
      %dma_start3A_83 = tpu.memref_slice %arg15[%dma_start3A_81, %dma_start3A_82] : memref<10112x128xf32, #tpu.memory_space<vmem_shared>> -> memref<10112x128xf32, #tpu.memory_space<vmem_shared>>
      tpu.enqueue_indirect_dma source(%arg9 : memref<128x128xf32, #tpu.memory_space<vmem>>) target(%dma_start3A_83 : memref<10112x128xf32, #tpu.memory_space<vmem_shared>>) offsets(%dma_start3A_80 : memref<128xi32, #tpu.memory_space<vmem>>) semaphore(%arg13 : memref<!tpu.dma_semaphore, #tpu.memory_space<semaphore_mem>>) {add = true}
      %dma_wait3A_84 = arith.constant 0 : i32
      %dma_wait3A_85 = arith.constant 0 : i32
      %dma_wait3A_86 = tpu.memref_slice %arg7[%dma_wait3A_84, %dma_wait3A_85] : memref<40x128xi32, #tpu.memory_space<vmem>> -> memref<1x128xi32, #tpu.memory_space<vmem>>
      %dma_wait3A_87 = tpu.memref_squeeze %dma_wait3A_86 : memref<1x128xi32, #tpu.memory_space<vmem>> -> memref<128xi32, #tpu.memory_space<vmem>>
      %dma_wait3A_88 = arith.constant 0 : i32
      %dma_wait3A_89 = arith.constant 0 : i32
      %dma_wait3A_90 = tpu.memref_slice %arg2[%dma_wait3A_88, %dma_wait3A_89] : memref<10000x128xf32, #tpu.memory_space<hbm>> -> memref<10000x128xf32, #tpu.memory_space<hbm>>
      tpu.wait_indirect_dma semaphore(%arg12 : memref<!tpu.dma_semaphore, #tpu.memory_space<semaphore_mem>>) src(%dma_wait3A_90 : memref<10000x128xf32, #tpu.memory_space<hbm>>) dst(%arg10 : memref<128x128xf32, #tpu.memory_space<vmem>>)
      %dma_start3A_91 = arith.constant 39 : i32
      %dma_start3A_92 = arith.constant 0 : i32
      %dma_start3A_93 = tpu.memref_slice %arg8[%dma_start3A_91, %dma_start3A_92] : memref<40x128xi32, #tpu.memory_space<vmem>> -> memref<1x128xi32, #tpu.memory_space<vmem>>
      %dma_start3A_94 = tpu.memref_squeeze %dma_start3A_93 : memref<1x128xi32, #tpu.memory_space<vmem>> -> memref<128xi32, #tpu.memory_space<vmem>>
      %dma_start3A_95 = arith.constant 0 : i32
      %dma_start3A_96 = arith.constant 0 : i32
      %dma_start3A_97 = tpu.memref_slice %arg15[%dma_start3A_95, %dma_start3A_96] : memref<10112x128xf32, #tpu.memory_space<vmem_shared>> -> memref<10112x128xf32, #tpu.memory_space<vmem_shared>>
      tpu.enqueue_indirect_dma source(%arg10 : memref<128x128xf32, #tpu.memory_space<vmem>>) target(%dma_start3A_97 : memref<10112x128xf32, #tpu.memory_space<vmem_shared>>) offsets(%dma_start3A_94 : memref<128xi32, #tpu.memory_space<vmem>>) semaphore(%arg14 : memref<!tpu.dma_semaphore, #tpu.memory_space<semaphore_mem>>) {add = true}
      %dma_wait3A_98 = arith.constant 0 : i32
      %dma_wait3A_99 = arith.constant 0 : i32
      %dma_wait3A_100 = tpu.memref_slice %arg8[%dma_wait3A_98, %dma_wait3A_99] : memref<40x128xi32, #tpu.memory_space<vmem>> -> memref<1x128xi32, #tpu.memory_space<vmem>>
      %dma_wait3A_101 = tpu.memref_squeeze %dma_wait3A_100 : memref<1x128xi32, #tpu.memory_space<vmem>> -> memref<128xi32, #tpu.memory_space<vmem>>
      %dma_wait3A_102 = arith.constant 0 : i32
      %dma_wait3A_103 = arith.constant 0 : i32
      %dma_wait3A_104 = tpu.memref_slice %arg15[%dma_wait3A_102, %dma_wait3A_103] : memref<10112x128xf32, #tpu.memory_space<vmem_shared>> -> memref<10112x128xf32, #tpu.memory_space<vmem_shared>>
      tpu.wait_indirect_dma semaphore(%arg13 : memref<!tpu.dma_semaphore, #tpu.memory_space<semaphore_mem>>) src(%arg9 : memref<128x128xf32, #tpu.memory_space<vmem>>) dst(%dma_wait3A_104 : memref<10112x128xf32, #tpu.memory_space<vmem_shared>>)
      %dma_wait3A_105 = arith.constant 0 : i32
      %dma_wait3A_106 = arith.constant 0 : i32
      %dma_wait3A_107 = tpu.memref_slice %arg8[%dma_wait3A_105, %dma_wait3A_106] : memref<40x128xi32, #tpu.memory_space<vmem>> -> memref<1x128xi32, #tpu.memory_space<vmem>>
      %dma_wait3A_108 = tpu.memref_squeeze %dma_wait3A_107 : memref<1x128xi32, #tpu.memory_space<vmem>> -> memref<128xi32, #tpu.memory_space<vmem>>
      %dma_wait3A_109 = arith.constant 0 : i32
      %dma_wait3A_110 = arith.constant 0 : i32
      %dma_wait3A_111 = tpu.memref_slice %arg15[%dma_wait3A_109, %dma_wait3A_110] : memref<10112x128xf32, #tpu.memory_space<vmem_shared>> -> memref<10112x128xf32, #tpu.memory_space<vmem_shared>>
      tpu.wait_indirect_dma semaphore(%arg14 : memref<!tpu.dma_semaphore, #tpu.memory_space<semaphore_mem>>) src(%arg10 : memref<128x128xf32, #tpu.memory_space<vmem>>) dst(%dma_wait3A_111 : memref<10112x128xf32, #tpu.memory_space<vmem_shared>>)
    }
    %scan3A_19 = arith.constant 4 : i32
    %barrier3A_20 = arith.constant 0 : index
    tpu.barrier barrier_id(%barrier3A_20)
    %add3A_21 = arith.constant 0 : i32
    %add3A_22 = arith.addi %mul3A_0, %add3A_21 : i32
    "tpu.region"() ({
      %run_scoped3A = tpu.sem_alloc : memref<!tpu.dma_semaphore, #tpu.memory_space<semaphore_mem>>
      %dma_start3A = arith.constant 0 : i32
      %dma_start3A_41 = tpu.memref_slice %arg15[%add3A_22, %dma_start3A] : memref<10112x128xf32, #tpu.memory_space<vmem_shared>> -> memref<128x128xf32, #tpu.memory_space<vmem_shared>>
      %dma_start3A_42 = arith.constant 0 : i32
      %dma_start3A_43 = tpu.memref_slice %arg15[%add3A_22, %dma_start3A_42] : memref<10112x128xf32, #tpu.memory_space<vmem_shared>> -> memref<128x128xf32, #tpu.memory_space<vmem_shared>>
      tpu.enqueue_dma source(%dma_start3A_43 : memref<128x128xf32, #tpu.memory_space<vmem_shared>>) target(%arg9 : memref<128x128xf32, #tpu.memory_space<vmem>>) target_semaphore(%run_scoped3A : memref<!tpu.dma_semaphore, #tpu.memory_space<semaphore_mem>>)
      %dma_wait3A = arith.constant 0 : i32
      %dma_wait3A_44 = tpu.memref_slice %arg15[%add3A_22, %dma_wait3A] : memref<10112x128xf32, #tpu.memory_space<vmem_shared>> -> memref<128x128xf32, #tpu.memory_space<vmem_shared>>
      %dma_wait3A_45 = arith.constant 0 : i32
      %dma_wait3A_46 = tpu.memref_slice %arg15[%add3A_22, %dma_wait3A_45] : memref<10112x128xf32, #tpu.memory_space<vmem_shared>> -> memref<128x128xf32, #tpu.memory_space<vmem_shared>>
      tpu.wait_dma2 semaphore(%run_scoped3A : memref<!tpu.dma_semaphore, #tpu.memory_space<semaphore_mem>>) src(%dma_wait3A_46 : memref<128x128xf32, #tpu.memory_space<vmem_shared>>) dst(%arg9 : memref<128x128xf32, #tpu.memory_space<vmem>>)
      tpu.yield
    }) : () -> ()
    %add3A_23 = arith.constant 0 : i32
    %add3A_24 = arith.addi %mul3A_0, %add3A_23 : i32
    "tpu.region"() ({
      %run_scoped3A = tpu.sem_alloc : memref<!tpu.dma_semaphore, #tpu.memory_space<semaphore_mem>>
      %dma_start3A = arith.constant 0 : i32
      %dma_start3A_41 = tpu.memref_slice %arg6[%arg0, %add3A_24, %dma_start3A] : memref<2x10112x128xf32, #tpu.memory_space<hbm>> -> memref<1x128x128xf32, #tpu.memory_space<hbm>>
      %dma_start3A_42 = tpu.memref_squeeze %dma_start3A_41 : memref<1x128x128xf32, #tpu.memory_space<hbm>> -> memref<128x128xf32, #tpu.memory_space<hbm>>
      %dma_start3A_43 = arith.constant 0 : i32
      %dma_start3A_44 = tpu.memref_slice %arg6[%arg0, %add3A_24, %dma_start3A_43] : memref<2x10112x128xf32, #tpu.memory_space<hbm>> -> memref<1x128x128xf32, #tpu.memory_space<hbm>>
      %dma_start3A_45 = tpu.memref_squeeze %dma_start3A_44 : memref<1x128x128xf32, #tpu.memory_space<hbm>> -> memref<128x128xf32, #tpu.memory_space<hbm>>
      tpu.enqueue_dma source(%arg9 : memref<128x128xf32, #tpu.memory_space<vmem>>) target(%dma_start3A_45 : memref<128x128xf32, #tpu.memory_space<hbm>>) target_semaphore(%run_scoped3A : memref<!tpu.dma_semaphore, #tpu.memory_space<semaphore_mem>>)
      %dma_wait3A = arith.constant 0 : i32
      %dma_wait3A_46 = tpu.memref_slice %arg6[%arg0, %add3A_24, %dma_wait3A] : memref<2x10112x128xf32, #tpu.memory_space<hbm>> -> memref<1x128x128xf32, #tpu.memory_space<hbm>>
      %dma_wait3A_47 = tpu.memref_squeeze %dma_wait3A_46 : memref<1x128x128xf32, #tpu.memory_space<hbm>> -> memref<128x128xf32, #tpu.memory_space<hbm>>
      %dma_wait3A_48 = arith.constant 0 : i32
      %dma_wait3A_49 = tpu.memref_slice %arg6[%arg0, %add3A_24, %dma_wait3A_48] : memref<2x10112x128xf32, #tpu.memory_space<hbm>> -> memref<1x128x128xf32, #tpu.memory_space<hbm>>
      %dma_wait3A_50 = tpu.memref_squeeze %dma_wait3A_49 : memref<1x128x128xf32, #tpu.memory_space<hbm>> -> memref<128x128xf32, #tpu.memory_space<hbm>>
      tpu.wait_dma2 semaphore(%run_scoped3A : memref<!tpu.dma_semaphore, #tpu.memory_space<semaphore_mem>>) src(%arg9 : memref<128x128xf32, #tpu.memory_space<vmem>>) dst(%dma_wait3A_50 : memref<128x128xf32, #tpu.memory_space<hbm>>)
      tpu.yield
    }) : () -> ()
    %add3A_25 = arith.constant 128 : i32
    %add3A_26 = arith.addi %mul3A_0, %add3A_25 : i32
    "tpu.region"() ({
      %run_scoped3A = tpu.sem_alloc : memref<!tpu.dma_semaphore, #tpu.memory_space<semaphore_mem>>
      %dma_start3A = arith.constant 0 : i32
      %dma_start3A_41 = tpu.memref_slice %arg15[%add3A_26, %dma_start3A] : memref<10112x128xf32, #tpu.memory_space<vmem_shared>> -> memref<128x128xf32, #tpu.memory_space<vmem_shared>>
      %dma_start3A_42 = arith.constant 0 : i32
      %dma_start3A_43 = tpu.memref_slice %arg15[%add3A_26, %dma_start3A_42] : memref<10112x128xf32, #tpu.memory_space<vmem_shared>> -> memref<128x128xf32, #tpu.memory_space<vmem_shared>>
      tpu.enqueue_dma source(%dma_start3A_43 : memref<128x128xf32, #tpu.memory_space<vmem_shared>>) target(%arg9 : memref<128x128xf32, #tpu.memory_space<vmem>>) target_semaphore(%run_scoped3A : memref<!tpu.dma_semaphore, #tpu.memory_space<semaphore_mem>>)
      %dma_wait3A = arith.constant 0 : i32
      %dma_wait3A_44 = tpu.memref_slice %arg15[%add3A_26, %dma_wait3A] : memref<10112x128xf32, #tpu.memory_space<vmem_shared>> -> memref<128x128xf32, #tpu.memory_space<vmem_shared>>
      %dma_wait3A_45 = arith.constant 0 : i32
      %dma_wait3A_46 = tpu.memref_slice %arg15[%add3A_26, %dma_wait3A_45] : memref<10112x128xf32, #tpu.memory_space<vmem_shared>> -> memref<128x128xf32, #tpu.memory_space<vmem_shared>>
      tpu.wait_dma2 semaphore(%run_scoped3A : memref<!tpu.dma_semaphore, #tpu.memory_space<semaphore_mem>>) src(%dma_wait3A_46 : memref<128x128xf32, #tpu.memory_space<vmem_shared>>) dst(%arg9 : memref<128x128xf32, #tpu.memory_space<vmem>>)
      tpu.yield
    }) : () -> ()
    %add3A_27 = arith.constant 128 : i32
    %add3A_28 = arith.addi %mul3A_0, %add3A_27 : i32
    "tpu.region"() ({
      %run_scoped3A = tpu.sem_alloc : memref<!tpu.dma_semaphore, #tpu.memory_space<semaphore_mem>>
      %dma_start3A = arith.constant 0 : i32
      %dma_start3A_41 = tpu.memref_slice %arg6[%arg0, %add3A_28, %dma_start3A] : memref<2x10112x128xf32, #tpu.memory_space<hbm>> -> memref<1x128x128xf32, #tpu.memory_space<hbm>>
      %dma_start3A_42 = tpu.memref_squeeze %dma_start3A_41 : memref<1x128x128xf32, #tpu.memory_space<hbm>> -> memref<128x128xf32, #tpu.memory_space<hbm>>
      %dma_start3A_43 = arith.constant 0 : i32
      %dma_start3A_44 = tpu.memref_slice %arg6[%arg0, %add3A_28, %dma_start3A_43] : memref<2x10112x128xf32, #tpu.memory_space<hbm>> -> memref<1x128x128xf32, #tpu.memory_space<hbm>>
      %dma_start3A_45 = tpu.memref_squeeze %dma_start3A_44 : memref<1x128x128xf32, #tpu.memory_space<hbm>> -> memref<128x128xf32, #tpu.memory_space<hbm>>
      tpu.enqueue_dma source(%arg9 : memref<128x128xf32, #tpu.memory_space<vmem>>) target(%dma_start3A_45 : memref<128x128xf32, #tpu.memory_space<hbm>>) target_semaphore(%run_scoped3A : memref<!tpu.dma_semaphore, #tpu.memory_space<semaphore_mem>>)
      %dma_wait3A = arith.constant 0 : i32
      %dma_wait3A_46 = tpu.memref_slice %arg6[%arg0, %add3A_28, %dma_wait3A] : memref<2x10112x128xf32, #tpu.memory_space<hbm>> -> memref<1x128x128xf32, #tpu.memory_space<hbm>>
      %dma_wait3A_47 = tpu.memref_squeeze %dma_wait3A_46 : memref<1x128x128xf32, #tpu.memory_space<hbm>> -> memref<128x128xf32, #tpu.memory_space<hbm>>
      %dma_wait3A_48 = arith.constant 0 : i32
      %dma_wait3A_49 = tpu.memref_slice %arg6[%arg0, %add3A_28, %dma_wait3A_48] : memref<2x10112x128xf32, #tpu.memory_space<hbm>> -> memref<1x128x128xf32, #tpu.memory_space<hbm>>
      %dma_wait3A_50 = tpu.memref_squeeze %dma_wait3A_49 : memref<1x128x128xf32, #tpu.memory_space<hbm>> -> memref<128x128xf32, #tpu.memory_space<hbm>>
      tpu.wait_dma2 semaphore(%run_scoped3A : memref<!tpu.dma_semaphore, #tpu.memory_space<semaphore_mem>>) src(%arg9 : memref<128x128xf32, #tpu.memory_space<vmem>>) dst(%dma_wait3A_50 : memref<128x128xf32, #tpu.memory_space<hbm>>)
      tpu.yield
    }) : () -> ()
    %add3A_29 = arith.constant 256 : i32
    %add3A_30 = arith.addi %mul3A_0, %add3A_29 : i32
    "tpu.region"() ({
      %run_scoped3A = tpu.sem_alloc : memref<!tpu.dma_semaphore, #tpu.memory_space<semaphore_mem>>
      %dma_start3A = arith.constant 0 : i32
      %dma_start3A_41 = tpu.memref_slice %arg15[%add3A_30, %dma_start3A] : memref<10112x128xf32, #tpu.memory_space<vmem_shared>> -> memref<128x128xf32, #tpu.memory_space<vmem_shared>>
      %dma_start3A_42 = arith.constant 0 : i32
      %dma_start3A_43 = tpu.memref_slice %arg15[%add3A_30, %dma_start3A_42] : memref<10112x128xf32, #tpu.memory_space<vmem_shared>> -> memref<128x128xf32, #tpu.memory_space<vmem_shared>>
      tpu.enqueue_dma source(%dma_start3A_43 : memref<128x128xf32, #tpu.memory_space<vmem_shared>>) target(%arg9 : memref<128x128xf32, #tpu.memory_space<vmem>>) target_semaphore(%run_scoped3A : memref<!tpu.dma_semaphore, #tpu.memory_space<semaphore_mem>>)
      %dma_wait3A = arith.constant 0 : i32
      %dma_wait3A_44 = tpu.memref_slice %arg15[%add3A_30, %dma_wait3A] : memref<10112x128xf32, #tpu.memory_space<vmem_shared>> -> memref<128x128xf32, #tpu.memory_space<vmem_shared>>
      %dma_wait3A_45 = arith.constant 0 : i32
      %dma_wait3A_46 = tpu.memref_slice %arg15[%add3A_30, %dma_wait3A_45] : memref<10112x128xf32, #tpu.memory_space<vmem_shared>> -> memref<128x128xf32, #tpu.memory_space<vmem_shared>>
      tpu.wait_dma2 semaphore(%run_scoped3A : memref<!tpu.dma_semaphore, #tpu.memory_space<semaphore_mem>>) src(%dma_wait3A_46 : memref<128x128xf32, #tpu.memory_space<vmem_shared>>) dst(%arg9 : memref<128x128xf32, #tpu.memory_space<vmem>>)
      tpu.yield
    }) : () -> ()
    %add3A_31 = arith.constant 256 : i32
    %add3A_32 = arith.addi %mul3A_0, %add3A_31 : i32
    "tpu.region"() ({
      %run_scoped3A = tpu.sem_alloc : memref<!tpu.dma_semaphore, #tpu.memory_space<semaphore_mem>>
      %dma_start3A = arith.constant 0 : i32
      %dma_start3A_41 = tpu.memref_slice %arg6[%arg0, %add3A_32, %dma_start3A] : memref<2x10112x128xf32, #tpu.memory_space<hbm>> -> memref<1x128x128xf32, #tpu.memory_space<hbm>>
      %dma_start3A_42 = tpu.memref_squeeze %dma_start3A_41 : memref<1x128x128xf32, #tpu.memory_space<hbm>> -> memref<128x128xf32, #tpu.memory_space<hbm>>
      %dma_start3A_43 = arith.constant 0 : i32
      %dma_start3A_44 = tpu.memref_slice %arg6[%arg0, %add3A_32, %dma_start3A_43] : memref<2x10112x128xf32, #tpu.memory_space<hbm>> -> memref<1x128x128xf32, #tpu.memory_space<hbm>>
      %dma_start3A_45 = tpu.memref_squeeze %dma_start3A_44 : memref<1x128x128xf32, #tpu.memory_space<hbm>> -> memref<128x128xf32, #tpu.memory_space<hbm>>
      tpu.enqueue_dma source(%arg9 : memref<128x128xf32, #tpu.memory_space<vmem>>) target(%dma_start3A_45 : memref<128x128xf32, #tpu.memory_space<hbm>>) target_semaphore(%run_scoped3A : memref<!tpu.dma_semaphore, #tpu.memory_space<semaphore_mem>>)
      %dma_wait3A = arith.constant 0 : i32
      %dma_wait3A_46 = tpu.memref_slice %arg6[%arg0, %add3A_32, %dma_wait3A] : memref<2x10112x128xf32, #tpu.memory_space<hbm>> -> memref<1x128x128xf32, #tpu.memory_space<hbm>>
      %dma_wait3A_47 = tpu.memref_squeeze %dma_wait3A_46 : memref<1x128x128xf32, #tpu.memory_space<hbm>> -> memref<128x128xf32, #tpu.memory_space<hbm>>
      %dma_wait3A_48 = arith.constant 0 : i32
      %dma_wait3A_49 = tpu.memref_slice %arg6[%arg0, %add3A_32, %dma_wait3A_48] : memref<2x10112x128xf32, #tpu.memory_space<hbm>> -> memref<1x128x128xf32, #tpu.memory_space<hbm>>
      %dma_wait3A_50 = tpu.memref_squeeze %dma_wait3A_49 : memref<1x128x128xf32, #tpu.memory_space<hbm>> -> memref<128x128xf32, #tpu.memory_space<hbm>>
      tpu.wait_dma2 semaphore(%run_scoped3A : memref<!tpu.dma_semaphore, #tpu.memory_space<semaphore_mem>>) src(%arg9 : memref<128x128xf32, #tpu.memory_space<vmem>>) dst(%dma_wait3A_50 : memref<128x128xf32, #tpu.memory_space<hbm>>)
      tpu.yield
    }) : () -> ()
    %add3A_33 = arith.constant 384 : i32
    %add3A_34 = arith.addi %mul3A_0, %add3A_33 : i32
    "tpu.region"() ({
      %run_scoped3A = tpu.sem_alloc : memref<!tpu.dma_semaphore, #tpu.memory_space<semaphore_mem>>
      %dma_start3A = arith.constant 0 : i32
      %dma_start3A_41 = tpu.memref_slice %arg15[%add3A_34, %dma_start3A] : memref<10112x128xf32, #tpu.memory_space<vmem_shared>> -> memref<128x128xf32, #tpu.memory_space<vmem_shared>>
      %dma_start3A_42 = arith.constant 0 : i32
      %dma_start3A_43 = tpu.memref_slice %arg15[%add3A_34, %dma_start3A_42] : memref<10112x128xf32, #tpu.memory_space<vmem_shared>> -> memref<128x128xf32, #tpu.memory_space<vmem_shared>>
      tpu.enqueue_dma source(%dma_start3A_43 : memref<128x128xf32, #tpu.memory_space<vmem_shared>>) target(%arg9 : memref<128x128xf32, #tpu.memory_space<vmem>>) target_semaphore(%run_scoped3A : memref<!tpu.dma_semaphore, #tpu.memory_space<semaphore_mem>>)
      %dma_wait3A = arith.constant 0 : i32
      %dma_wait3A_44 = tpu.memref_slice %arg15[%add3A_34, %dma_wait3A] : memref<10112x128xf32, #tpu.memory_space<vmem_shared>> -> memref<128x128xf32, #tpu.memory_space<vmem_shared>>
      %dma_wait3A_45 = arith.constant 0 : i32
      %dma_wait3A_46 = tpu.memref_slice %arg15[%add3A_34, %dma_wait3A_45] : memref<10112x128xf32, #tpu.memory_space<vmem_shared>> -> memref<128x128xf32, #tpu.memory_space<vmem_shared>>
      tpu.wait_dma2 semaphore(%run_scoped3A : memref<!tpu.dma_semaphore, #tpu.memory_space<semaphore_mem>>) src(%dma_wait3A_46 : memref<128x128xf32, #tpu.memory_space<vmem_shared>>) dst(%arg9 : memref<128x128xf32, #tpu.memory_space<vmem>>)
      tpu.yield
    }) : () -> ()
    %add3A_35 = arith.constant 384 : i32
    %add3A_36 = arith.addi %mul3A_0, %add3A_35 : i32
    "tpu.region"() ({
      %run_scoped3A = tpu.sem_alloc : memref<!tpu.dma_semaphore, #tpu.memory_space<semaphore_mem>>
      %dma_start3A = arith.constant 0 : i32
      %dma_start3A_41 = tpu.memref_slice %arg6[%arg0, %add3A_36, %dma_start3A] : memref<2x10112x128xf32, #tpu.memory_space<hbm>> -> memref<1x128x128xf32, #tpu.memory_space<hbm>>
      %dma_start3A_42 = tpu.memref_squeeze %dma_start3A_41 : memref<1x128x128xf32, #tpu.memory_space<hbm>> -> memref<128x128xf32, #tpu.memory_space<hbm>>
      %dma_start3A_43 = arith.constant 0 : i32
      %dma_start3A_44 = tpu.memref_slice %arg6[%arg0, %add3A_36, %dma_start3A_43] : memref<2x10112x128xf32, #tpu.memory_space<hbm>> -> memref<1x128x128xf32, #tpu.memory_space<hbm>>
      %dma_start3A_45 = tpu.memref_squeeze %dma_start3A_44 : memref<1x128x128xf32, #tpu.memory_space<hbm>> -> memref<128x128xf32, #tpu.memory_space<hbm>>
      tpu.enqueue_dma source(%arg9 : memref<128x128xf32, #tpu.memory_space<vmem>>) target(%dma_start3A_45 : memref<128x128xf32, #tpu.memory_space<hbm>>) target_semaphore(%run_scoped3A : memref<!tpu.dma_semaphore, #tpu.memory_space<semaphore_mem>>)
      %dma_wait3A = arith.constant 0 : i32
      %dma_wait3A_46 = tpu.memref_slice %arg6[%arg0, %add3A_36, %dma_wait3A] : memref<2x10112x128xf32, #tpu.memory_space<hbm>> -> memref<1x128x128xf32, #tpu.memory_space<hbm>>
      %dma_wait3A_47 = tpu.memref_squeeze %dma_wait3A_46 : memref<1x128x128xf32, #tpu.memory_space<hbm>> -> memref<128x128xf32, #tpu.memory_space<hbm>>
      %dma_wait3A_48 = arith.constant 0 : i32
      %dma_wait3A_49 = tpu.memref_slice %arg6[%arg0, %add3A_36, %dma_wait3A_48] : memref<2x10112x128xf32, #tpu.memory_space<hbm>> -> memref<1x128x128xf32, #tpu.memory_space<hbm>>
      %dma_wait3A_50 = tpu.memref_squeeze %dma_wait3A_49 : memref<1x128x128xf32, #tpu.memory_space<hbm>> -> memref<128x128xf32, #tpu.memory_space<hbm>>
      tpu.wait_dma2 semaphore(%run_scoped3A : memref<!tpu.dma_semaphore, #tpu.memory_space<semaphore_mem>>) src(%arg9 : memref<128x128xf32, #tpu.memory_space<vmem>>) dst(%dma_wait3A_50 : memref<128x128xf32, #tpu.memory_space<hbm>>)
      tpu.yield
    }) : () -> ()
    %add3A_37 = arith.constant 512 : i32
    %add3A_38 = arith.addi %mul3A_0, %add3A_37 : i32
    "tpu.region"() ({
      %run_scoped3A = tpu.sem_alloc : memref<!tpu.dma_semaphore, #tpu.memory_space<semaphore_mem>>
      %dma_start3A = arith.constant 0 : i32
      %dma_start3A_41 = arith.constant 0 : i32
      %dma_start3A_42 = tpu.memref_slice %arg9[%dma_start3A, %dma_start3A_41] : memref<128x128xf32, #tpu.memory_space<vmem>> -> memref<120x128xf32, #tpu.memory_space<vmem>>
      %dma_start3A_43 = arith.constant 0 : i32
      %dma_start3A_44 = tpu.memref_slice %arg15[%add3A_38, %dma_start3A_43] : memref<10112x128xf32, #tpu.memory_space<vmem_shared>> -> memref<120x128xf32, #tpu.memory_space<vmem_shared>>
      %dma_start3A_45 = arith.constant 0 : i32
      %dma_start3A_46 = arith.constant 0 : i32
      %dma_start3A_47 = tpu.memref_slice %arg9[%dma_start3A_45, %dma_start3A_46] : memref<128x128xf32, #tpu.memory_space<vmem>> -> memref<120x128xf32, #tpu.memory_space<vmem>>
      %dma_start3A_48 = arith.constant 0 : i32
      %dma_start3A_49 = tpu.memref_slice %arg15[%add3A_38, %dma_start3A_48] : memref<10112x128xf32, #tpu.memory_space<vmem_shared>> -> memref<120x128xf32, #tpu.memory_space<vmem_shared>>
      tpu.enqueue_dma source(%dma_start3A_49 : memref<120x128xf32, #tpu.memory_space<vmem_shared>>) target(%dma_start3A_47 : memref<120x128xf32, #tpu.memory_space<vmem>>) target_semaphore(%run_scoped3A : memref<!tpu.dma_semaphore, #tpu.memory_space<semaphore_mem>>)
      %dma_wait3A = arith.constant 0 : i32
      %dma_wait3A_50 = arith.constant 0 : i32
      %dma_wait3A_51 = tpu.memref_slice %arg9[%dma_wait3A, %dma_wait3A_50] : memref<128x128xf32, #tpu.memory_space<vmem>> -> memref<120x128xf32, #tpu.memory_space<vmem>>
      %dma_wait3A_52 = arith.constant 0 : i32
      %dma_wait3A_53 = tpu.memref_slice %arg15[%add3A_38, %dma_wait3A_52] : memref<10112x128xf32, #tpu.memory_space<vmem_shared>> -> memref<120x128xf32, #tpu.memory_space<vmem_shared>>
      %dma_wait3A_54 = arith.constant 0 : i32
      %dma_wait3A_55 = arith.constant 0 : i32
      %dma_wait3A_56 = tpu.memref_slice %arg9[%dma_wait3A_54, %dma_wait3A_55] : memref<128x128xf32, #tpu.memory_space<vmem>> -> memref<120x128xf32, #tpu.memory_space<vmem>>
      %dma_wait3A_57 = arith.constant 0 : i32
      %dma_wait3A_58 = tpu.memref_slice %arg15[%add3A_38, %dma_wait3A_57] : memref<10112x128xf32, #tpu.memory_space<vmem_shared>> -> memref<120x128xf32, #tpu.memory_space<vmem_shared>>
      tpu.wait_dma2 semaphore(%run_scoped3A : memref<!tpu.dma_semaphore, #tpu.memory_space<semaphore_mem>>) src(%dma_wait3A_58 : memref<120x128xf32, #tpu.memory_space<vmem_shared>>) dst(%dma_wait3A_56 : memref<120x128xf32, #tpu.memory_space<vmem>>)
      tpu.yield
    }) : () -> ()
    %add3A_39 = arith.constant 512 : i32
    %add3A_40 = arith.addi %mul3A_0, %add3A_39 : i32
    "tpu.region"() ({
      %run_scoped3A = tpu.sem_alloc : memref<!tpu.dma_semaphore, #tpu.memory_space<semaphore_mem>>
      %dma_start3A = arith.constant 0 : i32
      %dma_start3A_41 = arith.constant 0 : i32
      %dma_start3A_42 = tpu.memref_slice %arg9[%dma_start3A, %dma_start3A_41] : memref<128x128xf32, #tpu.memory_space<vmem>> -> memref<120x128xf32, #tpu.memory_space<vmem>>
      %dma_start3A_43 = arith.constant 0 : i32
      %dma_start3A_44 = tpu.memref_slice %arg6[%arg0, %add3A_40, %dma_start3A_43] : memref<2x10112x128xf32, #tpu.memory_space<hbm>> -> memref<1x120x128xf32, #tpu.memory_space<hbm>>
      %dma_start3A_45 = tpu.memref_squeeze %dma_start3A_44 : memref<1x120x128xf32, #tpu.memory_space<hbm>> -> memref<120x128xf32, #tpu.memory_space<hbm>>
      %dma_start3A_46 = arith.constant 0 : i32
      %dma_start3A_47 = tpu.memref_slice %arg6[%arg0, %add3A_40, %dma_start3A_46] : memref<2x10112x128xf32, #tpu.memory_space<hbm>> -> memref<1x120x128xf32, #tpu.memory_space<hbm>>
      %dma_start3A_48 = tpu.memref_squeeze %dma_start3A_47 : memref<1x120x128xf32, #tpu.memory_space<hbm>> -> memref<120x128xf32, #tpu.memory_space<hbm>>
      %dma_start3A_49 = arith.constant 0 : i32
      %dma_start3A_50 = arith.constant 0 : i32
      %dma_start3A_51 = tpu.memref_slice %arg9[%dma_start3A_49, %dma_start3A_50] : memref<128x128xf32, #tpu.memory_space<vmem>> -> memref<120x128xf32, #tpu.memory_space<vmem>>
      tpu.enqueue_dma source(%dma_start3A_51 : memref<120x128xf32, #tpu.memory_space<vmem>>) target(%dma_start3A_48 : memref<120x128xf32, #tpu.memory_space<hbm>>) target_semaphore(%run_scoped3A : memref<!tpu.dma_semaphore, #tpu.memory_space<semaphore_mem>>)
      %dma_wait3A = arith.constant 0 : i32
      %dma_wait3A_52 = arith.constant 0 : i32
      %dma_wait3A_53 = tpu.memref_slice %arg9[%dma_wait3A, %dma_wait3A_52] : memref<128x128xf32, #tpu.memory_space<vmem>> -> memref<120x128xf32, #tpu.memory_space<vmem>>
      %dma_wait3A_54 = arith.constant 0 : i32
      %dma_wait3A_55 = tpu.memref_slice %arg6[%arg0, %add3A_40, %dma_wait3A_54] : memref<2x10112x128xf32, #tpu.memory_space<hbm>> -> memref<1x120x128xf32, #tpu.memory_space<hbm>>
      %dma_wait3A_56 = tpu.memref_squeeze %dma_wait3A_55 : memref<1x120x128xf32, #tpu.memory_space<hbm>> -> memref<120x128xf32, #tpu.memory_space<hbm>>
      %dma_wait3A_57 = arith.constant 0 : i32
      %dma_wait3A_58 = tpu.memref_slice %arg6[%arg0, %add3A_40, %dma_wait3A_57] : memref<2x10112x128xf32, #tpu.memory_space<hbm>> -> memref<1x120x128xf32, #tpu.memory_space<hbm>>
      %dma_wait3A_59 = tpu.memref_squeeze %dma_wait3A_58 : memref<1x120x128xf32, #tpu.memory_space<hbm>> -> memref<120x128xf32, #tpu.memory_space<hbm>>
      %dma_wait3A_60 = arith.constant 0 : i32
      %dma_wait3A_61 = arith.constant 0 : i32
      %dma_wait3A_62 = tpu.memref_slice %arg9[%dma_wait3A_60, %dma_wait3A_61] : memref<128x128xf32, #tpu.memory_space<vmem>> -> memref<120x128xf32, #tpu.memory_space<vmem>>
      tpu.wait_dma2 semaphore(%run_scoped3A : memref<!tpu.dma_semaphore, #tpu.memory_space<semaphore_mem>>) src(%dma_wait3A_62 : memref<120x128xf32, #tpu.memory_space<vmem>>) dst(%dma_wait3A_59 : memref<120x128xf32, #tpu.memory_space<hbm>>)
      tpu.yield
    }) : () -> ()
    return
  }
}

#map = affine_map<(d0, d1) -> (0, 0)>
#map1 = affine_map<(d0, d1) -> (0, 0, 0)>
module attributes {stable_mosaic.version = 14 : i64} {
  func.func @_sc_segsum_body(%arg0: i32, %arg1: i32, %arg2: memref<10000x128xf32, #tpu.memory_space<hbm>>, %arg3: memref<10000x128xf32, #tpu.memory_space<hbm>>, %arg4: memref<16x160x128xi32, #tpu.memory_space<hbm>>, %arg5: memref<16x160x128xi32, #tpu.memory_space<hbm>>, %arg6: memref<2x10112x128xf32, #tpu.memory_space<hbm>>, %arg7: memref<40x128xi32, #tpu.memory_space<vmem>>, %arg8: memref<40x128xi32, #tpu.memory_space<vmem>>, %arg9: memref<128x128xf32, #tpu.memory_space<vmem>>, %arg10: memref<128x128xf32, #tpu.memory_space<vmem>>, %arg11: memref<!tpu.dma_semaphore, #tpu.memory_space<semaphore_mem>>, %arg12: memref<!tpu.dma_semaphore, #tpu.memory_space<semaphore_mem>>, %arg13: memref<!tpu.dma_semaphore, #tpu.memory_space<semaphore_mem>>, %arg14: memref<!tpu.dma_semaphore, #tpu.memory_space<semaphore_mem>>, %arg15: memref<10112x128xf32, #tpu.memory_space<vmem_shared>>) attributes {dimension_semantics = [#tpu.dimension_semantics<core_parallel>, #tpu.dimension_semantics<subcore_parallel>], iteration_bounds = array<i64: 2, 16>, scalar_prefetch = 0 : i64, scratch_operands = 9 : i64, tpu.core_type = #tpu.core_type<sc_vector_subcore>, window_params = [{transform_indices = #map}, {transform_indices = #map}, {transform_indices = #map1}, {transform_indices = #map1}, {transform_indices = #map1}]} {
    %mul3A = arith.constant 632 : i32
    %mul3A_0 = arith.muli %arg1, %mul3A : i32
    %broadcast_in_dim3A = arith.constant 0.000000e+00 : f32
    %broadcast_in_dim3A_1 = vector.broadcast %broadcast_in_dim3A : f32 to vector<16xf32>
    %scan3A = arith.constant 0 : i32
    %scan3A_2 = arith.constant 128 : i32
    %scan3A_3 = arith.addi %scan3A, %scan3A_2 : i32
    %scan3A_4 = arith.constant 1 : i32
    scf.for %scan3A_41 = %scan3A to %scan3A_3 step %scan3A_4  : i32 {
      %mul3A_42 = arith.constant 1 : i32
      %mul3A_43 = arith.muli %scan3A_41, %mul3A_42 : i32
      %add3A_44 = arith.constant 0 : i32
      %add3A_45 = arith.addi %add3A_44, %mul3A_43 : i32
      %scan3A_46 = arith.constant 0 : i32
      %scan3A_47 = arith.constant 8 : i32
      %scan3A_48 = arith.addi %scan3A_46, %scan3A_47 : i32
      %scan3A_49 = arith.constant 1 : i32
      scf.for %scan3A_51 = %scan3A_46 to %scan3A_48 step %scan3A_49  : i32 {
        %mul3A_52 = arith.constant 16 : i32
        %mul3A_53 = arith.muli %scan3A_51, %mul3A_52 : i32
        %add3A_54 = arith.constant 0 : i32
        %add3A_55 = arith.addi %add3A_54, %mul3A_53 : i32
        %swap3A = arith.index_cast %add3A_45 : i32 to index
        %swap3A_56 = arith.index_cast %add3A_55 : i32 to index
        %swap3A_57 = tpu.vector_load %arg9[%swap3A, %swap3A_56] {strides = array<i32>} : memref<128x128xf32, #tpu.memory_space<vmem>>, vector<1x16xf32>,
        %swap3A_58 = vector.shape_cast %swap3A_57 : vector<1x16xf32> to vector<16xf32>
        %swap3A_59 = vector.shape_cast %broadcast_in_dim3A_1 : vector<16xf32> to vector<1x16xf32>
        tpu.vector_store %arg9[%swap3A, %swap3A_56], %swap3A_59 {strides = array<i32>} : memref<128x128xf32, #tpu.memory_space<vmem>>, vector<1x16xf32>,
      }
      %scan3A_50 = arith.constant 8 : i32
    }
    %scan3A_5 = arith.constant 128 : i32
    %add3A = arith.constant 0 : i32
    %add3A_6 = arith.addi %mul3A_0, %add3A : i32
    "tpu.region"() ({
      %run_scoped3A = tpu.sem_alloc : memref<!tpu.dma_semaphore, #tpu.memory_space<semaphore_mem>>
      %dma_start3A = arith.constant 0 : i32
      %dma_start3A_41 = tpu.memref_slice %arg15[%add3A_6, %dma_start3A] : memref<10112x128xf32, #tpu.memory_space<vmem_shared>> -> memref<128x128xf32, #tpu.memory_space<vmem_shared>>
      %dma_start3A_42 = arith.constant 0 : i32
      %dma_start3A_43 = tpu.memref_slice %arg15[%add3A_6, %dma_start3A_42] : memref<10112x128xf32, #tpu.memory_space<vmem_shared>> -> memref<128x128xf32, #tpu.memory_space<vmem_shared>>
      tpu.enqueue_dma source(%arg9 : memref<128x128xf32, #tpu.memory_space<vmem>>) target(%dma_start3A_43 : memref<128x128xf32, #tpu.memory_space<vmem_shared>>) target_semaphore(%run_scoped3A : memref<!tpu.dma_semaphore, #tpu.memory_space<semaphore_mem>>)
      %dma_wait3A = arith.constant 0 : i32
      %dma_wait3A_44 = tpu.memref_slice %arg15[%add3A_6, %dma_wait3A] : memref<10112x128xf32, #tpu.memory_space<vmem_shared>> -> memref<128x128xf32, #tpu.memory_space<vmem_shared>>
      %dma_wait3A_45 = arith.constant 0 : i32
      %dma_wait3A_46 = tpu.memref_slice %arg15[%add3A_6, %dma_wait3A_45] : memref<10112x128xf32, #tpu.memory_space<vmem_shared>> -> memref<128x128xf32, #tpu.memory_space<vmem_shared>>
      tpu.wait_dma2 semaphore(%run_scoped3A : memref<!tpu.dma_semaphore, #tpu.memory_space<semaphore_mem>>) src(%arg9 : memref<128x128xf32, #tpu.memory_space<vmem>>) dst(%dma_wait3A_46 : memref<128x128xf32, #tpu.memory_space<vmem_shared>>)
      tpu.yield
    }) : () -> ()
    %add3A_7 = arith.constant 128 : i32
    %add3A_8 = arith.addi %mul3A_0, %add3A_7 : i32
    "tpu.region"() ({
      %run_scoped3A = tpu.sem_alloc : memref<!tpu.dma_semaphore, #tpu.memory_space<semaphore_mem>>
      %dma_start3A = arith.constant 0 : i32
      %dma_start3A_41 = tpu.memref_slice %arg15[%add3A_8, %dma_start3A] : memref<10112x128xf32, #tpu.memory_space<vmem_shared>> -> memref<128x128xf32, #tpu.memory_space<vmem_shared>>
      %dma_start3A_42 = arith.constant 0 : i32
      %dma_start3A_43 = tpu.memref_slice %arg15[%add3A_8, %dma_start3A_42] : memref<10112x128xf32, #tpu.memory_space<vmem_shared>> -> memref<128x128xf32, #tpu.memory_space<vmem_shared>>
      tpu.enqueue_dma source(%arg9 : memref<128x128xf32, #tpu.memory_space<vmem>>) target(%dma_start3A_43 : memref<128x128xf32, #tpu.memory_space<vmem_shared>>) target_semaphore(%run_scoped3A : memref<!tpu.dma_semaphore, #tpu.memory_space<semaphore_mem>>)
      %dma_wait3A = arith.constant 0 : i32
      %dma_wait3A_44 = tpu.memref_slice %arg15[%add3A_8, %dma_wait3A] : memref<10112x128xf32, #tpu.memory_space<vmem_shared>> -> memref<128x128xf32, #tpu.memory_space<vmem_shared>>
      %dma_wait3A_45 = arith.constant 0 : i32
      %dma_wait3A_46 = tpu.memref_slice %arg15[%add3A_8, %dma_wait3A_45] : memref<10112x128xf32, #tpu.memory_space<vmem_shared>> -> memref<128x128xf32, #tpu.memory_space<vmem_shared>>
      tpu.wait_dma2 semaphore(%run_scoped3A : memref<!tpu.dma_semaphore, #tpu.memory_space<semaphore_mem>>) src(%arg9 : memref<128x128xf32, #tpu.memory_space<vmem>>) dst(%dma_wait3A_46 : memref<128x128xf32, #tpu.memory_space<vmem_shared>>)
      tpu.yield
    }) : () -> ()
    %add3A_9 = arith.constant 256 : i32
    %add3A_10 = arith.addi %mul3A_0, %add3A_9 : i32
    "tpu.region"() ({
      %run_scoped3A = tpu.sem_alloc : memref<!tpu.dma_semaphore, #tpu.memory_space<semaphore_mem>>
      %dma_start3A = arith.constant 0 : i32
      %dma_start3A_41 = tpu.memref_slice %arg15[%add3A_10, %dma_start3A] : memref<10112x128xf32, #tpu.memory_space<vmem_shared>> -> memref<128x128xf32, #tpu.memory_space<vmem_shared>>
      %dma_start3A_42 = arith.constant 0 : i32
      %dma_start3A_43 = tpu.memref_slice %arg15[%add3A_10, %dma_start3A_42] : memref<10112x128xf32, #tpu.memory_space<vmem_shared>> -> memref<128x128xf32, #tpu.memory_space<vmem_shared>>
      tpu.enqueue_dma source(%arg9 : memref<128x128xf32, #tpu.memory_space<vmem>>) target(%dma_start3A_43 : memref<128x128xf32, #tpu.memory_space<vmem_shared>>) target_semaphore(%run_scoped3A : memref<!tpu.dma_semaphore, #tpu.memory_space<semaphore_mem>>)
      %dma_wait3A = arith.constant 0 : i32
      %dma_wait3A_44 = tpu.memref_slice %arg15[%add3A_10, %dma_wait3A] : memref<10112x128xf32, #tpu.memory_space<vmem_shared>> -> memref<128x128xf32, #tpu.memory_space<vmem_shared>>
      %dma_wait3A_45 = arith.constant 0 : i32
      %dma_wait3A_46 = tpu.memref_slice %arg15[%add3A_10, %dma_wait3A_45] : memref<10112x128xf32, #tpu.memory_space<vmem_shared>> -> memref<128x128xf32, #tpu.memory_space<vmem_shared>>
      tpu.wait_dma2 semaphore(%run_scoped3A : memref<!tpu.dma_semaphore, #tpu.memory_space<semaphore_mem>>) src(%arg9 : memref<128x128xf32, #tpu.memory_space<vmem>>) dst(%dma_wait3A_46 : memref<128x128xf32, #tpu.memory_space<vmem_shared>>)
      tpu.yield
    }) : () -> ()
    %add3A_11 = arith.constant 384 : i32
    %add3A_12 = arith.addi %mul3A_0, %add3A_11 : i32
    "tpu.region"() ({
      %run_scoped3A = tpu.sem_alloc : memref<!tpu.dma_semaphore, #tpu.memory_space<semaphore_mem>>
      %dma_start3A = arith.constant 0 : i32
      %dma_start3A_41 = tpu.memref_slice %arg15[%add3A_12, %dma_start3A] : memref<10112x128xf32, #tpu.memory_space<vmem_shared>> -> memref<128x128xf32, #tpu.memory_space<vmem_shared>>
      %dma_start3A_42 = arith.constant 0 : i32
      %dma_start3A_43 = tpu.memref_slice %arg15[%add3A_12, %dma_start3A_42] : memref<10112x128xf32, #tpu.memory_space<vmem_shared>> -> memref<128x128xf32, #tpu.memory_space<vmem_shared>>
      tpu.enqueue_dma source(%arg9 : memref<128x128xf32, #tpu.memory_space<vmem>>) target(%dma_start3A_43 : memref<128x128xf32, #tpu.memory_space<vmem_shared>>) target_semaphore(%run_scoped3A : memref<!tpu.dma_semaphore, #tpu.memory_space<semaphore_mem>>)
      %dma_wait3A = arith.constant 0 : i32
      %dma_wait3A_44 = tpu.memref_slice %arg15[%add3A_12, %dma_wait3A] : memref<10112x128xf32, #tpu.memory_space<vmem_shared>> -> memref<128x128xf32, #tpu.memory_space<vmem_shared>>
      %dma_wait3A_45 = arith.constant 0 : i32
      %dma_wait3A_46 = tpu.memref_slice %arg15[%add3A_12, %dma_wait3A_45] : memref<10112x128xf32, #tpu.memory_space<vmem_shared>> -> memref<128x128xf32, #tpu.memory_space<vmem_shared>>
      tpu.wait_dma2 semaphore(%run_scoped3A : memref<!tpu.dma_semaphore, #tpu.memory_space<semaphore_mem>>) src(%arg9 : memref<128x128xf32, #tpu.memory_space<vmem>>) dst(%dma_wait3A_46 : memref<128x128xf32, #tpu.memory_space<vmem_shared>>)
      tpu.yield
    }) : () -> ()
    %add3A_13 = arith.constant 512 : i32
    %add3A_14 = arith.addi %mul3A_0, %add3A_13 : i32
    "tpu.region"() ({
      %run_scoped3A = tpu.sem_alloc : memref<!tpu.dma_semaphore, #tpu.memory_space<semaphore_mem>>
      %dma_start3A = arith.constant 0 : i32
      %dma_start3A_41 = arith.constant 0 : i32
      %dma_start3A_42 = tpu.memref_slice %arg9[%dma_start3A, %dma_start3A_41] : memref<128x128xf32, #tpu.memory_space<vmem>> -> memref<120x128xf32, #tpu.memory_space<vmem>>
      %dma_start3A_43 = arith.constant 0 : i32
      %dma_start3A_44 = tpu.memref_slice %arg15[%add3A_14, %dma_start3A_43] : memref<10112x128xf32, #tpu.memory_space<vmem_shared>> -> memref<120x128xf32, #tpu.memory_space<vmem_shared>>
      %dma_start3A_45 = arith.constant 0 : i32
      %dma_start3A_46 = tpu.memref_slice %arg15[%add3A_14, %dma_start3A_45] : memref<10112x128xf32, #tpu.memory_space<vmem_shared>> -> memref<120x128xf32, #tpu.memory_space<vmem_shared>>
      %dma_start3A_47 = arith.constant 0 : i32
      %dma_start3A_48 = arith.constant 0 : i32
      %dma_start3A_49 = tpu.memref_slice %arg9[%dma_start3A_47, %dma_start3A_48] : memref<128x128xf32, #tpu.memory_space<vmem>> -> memref<120x128xf32, #tpu.memory_space<vmem>>
      tpu.enqueue_dma source(%dma_start3A_49 : memref<120x128xf32, #tpu.memory_space<vmem>>) target(%dma_start3A_46 : memref<120x128xf32, #tpu.memory_space<vmem_shared>>) target_semaphore(%run_scoped3A : memref<!tpu.dma_semaphore, #tpu.memory_space<semaphore_mem>>)
      %dma_wait3A = arith.constant 0 : i32
      %dma_wait3A_50 = arith.constant 0 : i32
      %dma_wait3A_51 = tpu.memref_slice %arg9[%dma_wait3A, %dma_wait3A_50] : memref<128x128xf32, #tpu.memory_space<vmem>> -> memref<120x128xf32, #tpu.memory_space<vmem>>
      %dma_wait3A_52 = arith.constant 0 : i32
      %dma_wait3A_53 = tpu.memref_slice %arg15[%add3A_14, %dma_wait3A_52] : memref<10112x128xf32, #tpu.memory_space<vmem_shared>> -> memref<120x128xf32, #tpu.memory_space<vmem_shared>>
      %dma_wait3A_54 = arith.constant 0 : i32
      %dma_wait3A_55 = tpu.memref_slice %arg15[%add3A_14, %dma_wait3A_54] : memref<10112x128xf32, #tpu.memory_space<vmem_shared>> -> memref<120x128xf32, #tpu.memory_space<vmem_shared>>
      %dma_wait3A_56 = arith.constant 0 : i32
      %dma_wait3A_57 = arith.constant 0 : i32
      %dma_wait3A_58 = tpu.memref_slice %arg9[%dma_wait3A_56, %dma_wait3A_57] : memref<128x128xf32, #tpu.memory_space<vmem>> -> memref<120x128xf32, #tpu.memory_space<vmem>>
      tpu.wait_dma2 semaphore(%run_scoped3A : memref<!tpu.dma_semaphore, #tpu.memory_space<semaphore_mem>>) src(%dma_wait3A_58 : memref<120x128xf32, #tpu.memory_space<vmem>>) dst(%dma_wait3A_55 : memref<120x128xf32, #tpu.memory_space<vmem_shared>>)
      tpu.yield
    }) : () -> ()
    %barrier3A = arith.constant 0 : index
    tpu.barrier barrier_id(%barrier3A)
    %scan3A_15 = arith.constant 0 : i32
    %scan3A_16 = arith.constant 4 : i32
    %scan3A_17 = arith.addi %scan3A_15, %scan3A_16 : i32
    %scan3A_18 = arith.constant 1 : i32
    scf.for %scan3A_41 = %scan3A_15 to %scan3A_17 step %scan3A_18  : i32 {
      %mul3A_42 = arith.constant 40 : i32
      %mul3A_43 = arith.muli %scan3A_41, %mul3A_42 : i32
      %add3A_44 = arith.constant 0 : i32
      %add3A_45 = arith.addi %add3A_44, %mul3A_43 : i32
      "tpu.region"() ({
        %run_scoped3A = tpu.sem_alloc : memref<!tpu.dma_semaphore, #tpu.memory_space<semaphore_mem>>
        %dma_start3A_112 = arith.constant 0 : i32
        %dma_start3A_113 = tpu.memref_slice %arg4[%arg1, %add3A_45, %dma_start3A_112] : memref<16x160x128xi32, #tpu.memory_space<hbm>> -> memref<1x40x128xi32, #tpu.memory_space<hbm>>
        %dma_start3A_114 = tpu.memref_squeeze %dma_start3A_113 : memref<1x40x128xi32, #tpu.memory_space<hbm>> -> memref<40x128xi32, #tpu.memory_space<hbm>>
        %dma_start3A_115 = arith.constant 0 : i32
        %dma_start3A_116 = tpu.memref_slice %arg4[%arg1, %add3A_45, %dma_start3A_115] : memref<16x160x128xi32, #tpu.memory_space<hbm>> -> memref<1x40x128xi32, #tpu.memory_space<hbm>>
        %dma_start3A_117 = tpu.memref_squeeze %dma_start3A_116 : memref<1x40x128xi32, #tpu.memory_space<hbm>> -> memref<40x128xi32, #tpu.memory_space<hbm>>
        tpu.enqueue_dma source(%dma_start3A_117 : memref<40x128xi32, #tpu.memory_space<hbm>>) target(%arg7 : memref<40x128xi32, #tpu.memory_space<vmem>>) target_semaphore(%run_scoped3A : memref<!tpu.dma_semaphore, #tpu.memory_space<semaphore_mem>>)
        %dma_wait3A_118 = arith.constant 0 : i32
        %dma_wait3A_119 = tpu.memref_slice %arg4[%arg1, %add3A_45, %dma_wait3A_118] : memref<16x160x128xi32, #tpu.memory_space<hbm>> -> memref<1x40x128xi32, #tpu.memory_space<hbm>>
        %dma_wait3A_120 = tpu.memref_squeeze %dma_wait3A_119 : memref<1x40x128xi32, #tpu.memory_space<hbm>> -> memref<40x128xi32, #tpu.memory_space<hbm>>
        %dma_wait3A_121 = arith.constant 0 : i32
        %dma_wait3A_122 = tpu.memref_slice %arg4[%arg1, %add3A_45, %dma_wait3A_121] : memref<16x160x128xi32, #tpu.memory_space<hbm>> -> memref<1x40x128xi32, #tpu.memory_space<hbm>>
        %dma_wait3A_123 = tpu.memref_squeeze %dma_wait3A_122 : memref<1x40x128xi32, #tpu.memory_space<hbm>> -> memref<40x128xi32, #tpu.memory_space<hbm>>
        tpu.wait_dma2 semaphore(%run_scoped3A : memref<!tpu.dma_semaphore, #tpu.memory_space<semaphore_mem>>) src(%dma_wait3A_123 : memref<40x128xi32, #tpu.memory_space<hbm>>) dst(%arg7 : memref<40x128xi32, #tpu.memory_space<vmem>>)
        tpu.yield
      }) : () -> ()
      "tpu.region"() ({
        %run_scoped3A = tpu.sem_alloc : memref<!tpu.dma_semaphore, #tpu.memory_space<semaphore_mem>>
        %dma_start3A_112 = arith.constant 0 : i32
        %dma_start3A_113 = tpu.memref_slice %arg5[%arg1, %add3A_45, %dma_start3A_112] : memref<16x160x128xi32, #tpu.memory_space<hbm>> -> memref<1x40x128xi32, #tpu.memory_space<hbm>>
        %dma_start3A_114 = tpu.memref_squeeze %dma_start3A_113 : memref<1x40x128xi32, #tpu.memory_space<hbm>> -> memref<40x128xi32, #tpu.memory_space<hbm>>
        %dma_start3A_115 = arith.constant 0 : i32
        %dma_start3A_116 = tpu.memref_slice %arg5[%arg1, %add3A_45, %dma_start3A_115] : memref<16x160x128xi32, #tpu.memory_space<hbm>> -> memref<1x40x128xi32, #tpu.memory_space<hbm>>
        %dma_start3A_117 = tpu.memref_squeeze %dma_start3A_116 : memref<1x40x128xi32, #tpu.memory_space<hbm>> -> memref<40x128xi32, #tpu.memory_space<hbm>>
        tpu.enqueue_dma source(%dma_start3A_117 : memref<40x128xi32, #tpu.memory_space<hbm>>) target(%arg8 : memref<40x128xi32, #tpu.memory_space<vmem>>) target_semaphore(%run_scoped3A : memref<!tpu.dma_semaphore, #tpu.memory_space<semaphore_mem>>)
        %dma_wait3A_118 = arith.constant 0 : i32
        %dma_wait3A_119 = tpu.memref_slice %arg5[%arg1, %add3A_45, %dma_wait3A_118] : memref<16x160x128xi32, #tpu.memory_space<hbm>> -> memref<1x40x128xi32, #tpu.memory_space<hbm>>
        %dma_wait3A_120 = tpu.memref_squeeze %dma_wait3A_119 : memref<1x40x128xi32, #tpu.memory_space<hbm>> -> memref<40x128xi32, #tpu.memory_space<hbm>>
        %dma_wait3A_121 = arith.constant 0 : i32
        %dma_wait3A_122 = tpu.memref_slice %arg5[%arg1, %add3A_45, %dma_wait3A_121] : memref<16x160x128xi32, #tpu.memory_space<hbm>> -> memref<1x40x128xi32, #tpu.memory_space<hbm>>
        %dma_wait3A_123 = tpu.memref_squeeze %dma_wait3A_122 : memref<1x40x128xi32, #tpu.memory_space<hbm>> -> memref<40x128xi32, #tpu.memory_space<hbm>>
        tpu.wait_dma2 semaphore(%run_scoped3A : memref<!tpu.dma_semaphore, #tpu.memory_space<semaphore_mem>>) src(%dma_wait3A_123 : memref<40x128xi32, #tpu.memory_space<hbm>>) dst(%arg8 : memref<40x128xi32, #tpu.memory_space<vmem>>)
        tpu.yield
      }) : () -> ()
      %eq3A = arith.constant 0 : i32
      %eq3A_46 = arith.cmpi eq, %arg0, %eq3A : i32
      %convert_element_type3A = arith.extui %eq3A_46 : i1 to i32
      %cond3A = arith.constant 0 : i32
      %cond3A_47 = arith.constant 0 : i32
      %cond3A_48 = arith.cmpi ne, %convert_element_type3A, %cond3A_47 : i32
      scf.if %cond3A_48 {
        %dma_start3A_112 = arith.constant 0 : i32
        %dma_start3A_113 = tpu.memref_slice %arg7[%cond3A, %dma_start3A_112] : memref<40x128xi32, #tpu.memory_space<vmem>> -> memref<1x128xi32, #tpu.memory_space<vmem>>
        %dma_start3A_114 = tpu.memref_squeeze %dma_start3A_113 : memref<1x128xi32, #tpu.memory_space<vmem>> -> memref<128xi32, #tpu.memory_space<vmem>>
        %dma_start3A_115 = arith.constant 0 : i32
        %dma_start3A_116 = arith.constant 0 : i32
        %dma_start3A_117 = tpu.memref_slice %arg2[%dma_start3A_115, %dma_start3A_116] : memref<10000x128xf32, #tpu.memory_space<hbm>> -> memref<10000x128xf32, #tpu.memory_space<hbm>>
        tpu.enqueue_indirect_dma source(%dma_start3A_117 : memref<10000x128xf32, #tpu.memory_space<hbm>>) target(%arg9 : memref<128x128xf32, #tpu.memory_space<vmem>>) offsets(%dma_start3A_114 : memref<128xi32, #tpu.memory_space<vmem>>) semaphore(%arg11 : memref<!tpu.dma_semaphore, #tpu.memory_space<semaphore_mem>>)
      } else {
      }
      %eq3A_49 = arith.constant 1 : i32
      %eq3A_50 = arith.cmpi eq, %arg0, %eq3A_49 : i32
      %convert_element_type3A_51 = arith.extui %eq3A_50 : i1 to i32
      %cond3A_52 = arith.constant 0 : i32
      %cond3A_53 = arith.constant 0 : i32
      %cond3A_54 = arith.cmpi ne, %convert_element_type3A_51, %cond3A_53 : i32
      scf.if %cond3A_54 {
        %dma_start3A_112 = arith.constant 0 : i32
        %dma_start3A_113 = tpu.memref_slice %arg7[%cond3A_52, %dma_start3A_112] : memref<40x128xi32, #tpu.memory_space<vmem>> -> memref<1x128xi32, #tpu.memory_space<vmem>>
        %dma_start3A_114 = tpu.memref_squeeze %dma_start3A_113 : memref<1x128xi32, #tpu.memory_space<vmem>> -> memref<128xi32, #tpu.memory_space<vmem>>
        %dma_start3A_115 = arith.constant 0 : i32
        %dma_start3A_116 = arith.constant 0 : i32
        %dma_start3A_117 = tpu.memref_slice %arg3[%dma_start3A_115, %dma_start3A_116] : memref<10000x128xf32, #tpu.memory_space<hbm>> -> memref<10000x128xf32, #tpu.memory_space<hbm>>
        tpu.enqueue_indirect_dma source(%dma_start3A_117 : memref<10000x128xf32, #tpu.memory_space<hbm>>) target(%arg9 : memref<128x128xf32, #tpu.memory_space<vmem>>) offsets(%dma_start3A_114 : memref<128xi32, #tpu.memory_space<vmem>>) semaphore(%arg11 : memref<!tpu.dma_semaphore, #tpu.memory_space<semaphore_mem>>)
      } else {
      }
      %eq3A_55 = arith.constant 0 : i32
      %eq3A_56 = arith.cmpi eq, %arg0, %eq3A_55 : i32
      %convert_element_type3A_57 = arith.extui %eq3A_56 : i1 to i32
      %cond3A_58 = arith.constant 1 : i32
      %cond3A_59 = arith.constant 0 : i32
      %cond3A_60 = arith.cmpi ne, %convert_element_type3A_57, %cond3A_59 : i32
      scf.if %cond3A_60 {
        %dma_start3A_112 = arith.constant 0 : i32
        %dma_start3A_113 = tpu.memref_slice %arg7[%cond3A_58, %dma_start3A_112] : memref<40x128xi32, #tpu.memory_space<vmem>> -> memref<1x128xi32, #tpu.memory_space<vmem>>
        %dma_start3A_114 = tpu.memref_squeeze %dma_start3A_113 : memref<1x128xi32, #tpu.memory_space<vmem>> -> memref<128xi32, #tpu.memory_space<vmem>>
        %dma_start3A_115 = arith.constant 0 : i32
        %dma_start3A_116 = arith.constant 0 : i32
        %dma_start3A_117 = tpu.memref_slice %arg2[%dma_start3A_115, %dma_start3A_116] : memref<10000x128xf32, #tpu.memory_space<hbm>> -> memref<10000x128xf32, #tpu.memory_space<hbm>>
        tpu.enqueue_indirect_dma source(%dma_start3A_117 : memref<10000x128xf32, #tpu.memory_space<hbm>>) target(%arg10 : memref<128x128xf32, #tpu.memory_space<vmem>>) offsets(%dma_start3A_114 : memref<128xi32, #tpu.memory_space<vmem>>) semaphore(%arg12 : memref<!tpu.dma_semaphore, #tpu.memory_space<semaphore_mem>>)
      } else {
      }
      %eq3A_61 = arith.constant 1 : i32
      %eq3A_62 = arith.cmpi eq, %arg0, %eq3A_61 : i32
      %convert_element_type3A_63 = arith.extui %eq3A_62 : i1 to i32
      %cond3A_64 = arith.constant 1 : i32
      %cond3A_65 = arith.constant 0 : i32
      %cond3A_66 = arith.cmpi ne, %convert_element_type3A_63, %cond3A_65 : i32
      scf.if %cond3A_66 {
        %dma_start3A_112 = arith.constant 0 : i32
        %dma_start3A_113 = tpu.memref_slice %arg7[%cond3A_64, %dma_start3A_112] : memref<40x128xi32, #tpu.memory_space<vmem>> -> memref<1x128xi32, #tpu.memory_space<vmem>>
        %dma_start3A_114 = tpu.memref_squeeze %dma_start3A_113 : memref<1x128xi32, #tpu.memory_space<vmem>> -> memref<128xi32, #tpu.memory_space<vmem>>
        %dma_start3A_115 = arith.constant 0 : i32
        %dma_start3A_116 = arith.constant 0 : i32
        %dma_start3A_117 = tpu.memref_slice %arg3[%dma_start3A_115, %dma_start3A_116] : memref<10000x128xf32, #tpu.memory_space<hbm>> -> memref<10000x128xf32, #tpu.memory_space<hbm>>
        tpu.enqueue_indirect_dma source(%dma_start3A_117 : memref<10000x128xf32, #tpu.memory_space<hbm>>) target(%arg10 : memref<128x128xf32, #tpu.memory_space<vmem>>) offsets(%dma_start3A_114 : memref<128xi32, #tpu.memory_space<vmem>>) semaphore(%arg12 : memref<!tpu.dma_semaphore, #tpu.memory_space<semaphore_mem>>)
      } else {
      }
      %scan3A_67 = arith.constant 0 : i32
      %scan3A_68 = arith.constant 19 : i32
      %scan3A_69 = arith.addi %scan3A_67, %scan3A_68 : i32
      %scan3A_70 = arith.constant 1 : i32
      scf.for %scan3A_112 = %scan3A_67 to %scan3A_69 step %scan3A_70  : i32 {
        %mul3A_113 = arith.constant 2 : i32
        %mul3A_114 = arith.muli %scan3A_112, %mul3A_113 : i32
        %add3A_115 = arith.constant 2 : i32
        %add3A_116 = arith.addi %add3A_115, %mul3A_114 : i32
        %dma_wait3A_117 = arith.constant 0 : i32
        %dma_wait3A_118 = arith.constant 0 : i32
        %dma_wait3A_119 = tpu.memref_slice %arg7[%dma_wait3A_117, %dma_wait3A_118] : memref<40x128xi32, #tpu.memory_space<vmem>> -> memref<1x128xi32, #tpu.memory_space<vmem>>
        %dma_wait3A_120 = tpu.memref_squeeze %dma_wait3A_119 : memref<1x128xi32, #tpu.memory_space<vmem>> -> memref<128xi32, #tpu.memory_space<vmem>>
        %dma_wait3A_121 = arith.constant 0 : i32
        %dma_wait3A_122 = arith.constant 0 : i32
        %dma_wait3A_123 = tpu.memref_slice %arg2[%dma_wait3A_121, %dma_wait3A_122] : memref<10000x128xf32, #tpu.memory_space<hbm>> -> memref<10000x128xf32, #tpu.memory_space<hbm>>
        tpu.wait_indirect_dma semaphore(%arg11 : memref<!tpu.dma_semaphore, #tpu.memory_space<semaphore_mem>>) src(%dma_wait3A_123 : memref<10000x128xf32, #tpu.memory_space<hbm>>) dst(%arg9 : memref<128x128xf32, #tpu.memory_space<vmem>>)
        %sub3A = arith.constant 2 : i32
        %sub3A_124 = arith.subi %add3A_116, %sub3A : i32
        %dma_start3A_125 = arith.constant 0 : i32
        %dma_start3A_126 = tpu.memref_slice %arg8[%sub3A_124, %dma_start3A_125] : memref<40x128xi32, #tpu.memory_space<vmem>> -> memref<1x128xi32, #tpu.memory_space<vmem>>
        %dma_start3A_127 = tpu.memref_squeeze %dma_start3A_126 : memref<1x128xi32, #tpu.memory_space<vmem>> -> memref<128xi32, #tpu.memory_space<vmem>>
        %dma_start3A_128 = arith.constant 0 : i32
        %dma_start3A_129 = arith.constant 0 : i32
        %dma_start3A_130 = tpu.memref_slice %arg15[%dma_start3A_128, %dma_start3A_129] : memref<10112x128xf32, #tpu.memory_space<vmem_shared>> -> memref<10112x128xf32, #tpu.memory_space<vmem_shared>>
        tpu.enqueue_indirect_dma source(%arg9 : memref<128x128xf32, #tpu.memory_space<vmem>>) target(%dma_start3A_130 : memref<10112x128xf32, #tpu.memory_space<vmem_shared>>) offsets(%dma_start3A_127 : memref<128xi32, #tpu.memory_space<vmem>>) semaphore(%arg13 : memref<!tpu.dma_semaphore, #tpu.memory_space<semaphore_mem>>) {add = true}
        %dma_wait3A_131 = arith.constant 0 : i32
        %dma_wait3A_132 = arith.constant 0 : i32
        %dma_wait3A_133 = tpu.memref_slice %arg7[%dma_wait3A_131, %dma_wait3A_132] : memref<40x128xi32, #tpu.memory_space<vmem>> -> memref<1x128xi32, #tpu.memory_space<vmem>>
        %dma_wait3A_134 = tpu.memref_squeeze %dma_wait3A_133 : memref<1x128xi32, #tpu.memory_space<vmem>> -> memref<128xi32, #tpu.memory_space<vmem>>
        %dma_wait3A_135 = arith.constant 0 : i32
        %dma_wait3A_136 = arith.constant 0 : i32
        %dma_wait3A_137 = tpu.memref_slice %arg2[%dma_wait3A_135, %dma_wait3A_136] : memref<10000x128xf32, #tpu.memory_space<hbm>> -> memref<10000x128xf32, #tpu.memory_space<hbm>>
        tpu.wait_indirect_dma semaphore(%arg12 : memref<!tpu.dma_semaphore, #tpu.memory_space<semaphore_mem>>) src(%dma_wait3A_137 : memref<10000x128xf32, #tpu.memory_space<hbm>>) dst(%arg10 : memref<128x128xf32, #tpu.memory_space<vmem>>)
        %sub3A_138 = arith.constant 1 : i32
        %sub3A_139 = arith.subi %add3A_116, %sub3A_138 : i32
        %dma_start3A_140 = arith.constant 0 : i32
        %dma_start3A_141 = tpu.memref_slice %arg8[%sub3A_139, %dma_start3A_140] : memref<40x128xi32, #tpu.memory_space<vmem>> -> memref<1x128xi32, #tpu.memory_space<vmem>>
        %dma_start3A_142 = tpu.memref_squeeze %dma_start3A_141 : memref<1x128xi32, #tpu.memory_space<vmem>> -> memref<128xi32, #tpu.memory_space<vmem>>
        %dma_start3A_143 = arith.constant 0 : i32
        %dma_start3A_144 = arith.constant 0 : i32
        %dma_start3A_145 = tpu.memref_slice %arg15[%dma_start3A_143, %dma_start3A_144] : memref<10112x128xf32, #tpu.memory_space<vmem_shared>> -> memref<10112x128xf32, #tpu.memory_space<vmem_shared>>
        tpu.enqueue_indirect_dma source(%arg10 : memref<128x128xf32, #tpu.memory_space<vmem>>) target(%dma_start3A_145 : memref<10112x128xf32, #tpu.memory_space<vmem_shared>>) offsets(%dma_start3A_142 : memref<128xi32, #tpu.memory_space<vmem>>) semaphore(%arg14 : memref<!tpu.dma_semaphore, #tpu.memory_space<semaphore_mem>>) {add = true}
        %dma_wait3A_146 = arith.constant 0 : i32
        %dma_wait3A_147 = arith.constant 0 : i32
        %dma_wait3A_148 = tpu.memref_slice %arg8[%dma_wait3A_146, %dma_wait3A_147] : memref<40x128xi32, #tpu.memory_space<vmem>> -> memref<1x128xi32, #tpu.memory_space<vmem>>
        %dma_wait3A_149 = tpu.memref_squeeze %dma_wait3A_148 : memref<1x128xi32, #tpu.memory_space<vmem>> -> memref<128xi32, #tpu.memory_space<vmem>>
        %dma_wait3A_150 = arith.constant 0 : i32
        %dma_wait3A_151 = arith.constant 0 : i32
        %dma_wait3A_152 = tpu.memref_slice %arg15[%dma_wait3A_150, %dma_wait3A_151] : memref<10112x128xf32, #tpu.memory_space<vmem_shared>> -> memref<10112x128xf32, #tpu.memory_space<vmem_shared>>
        tpu.wait_indirect_dma semaphore(%arg13 : memref<!tpu.dma_semaphore, #tpu.memory_space<semaphore_mem>>) src(%arg9 : memref<128x128xf32, #tpu.memory_space<vmem>>) dst(%dma_wait3A_152 : memref<10112x128xf32, #tpu.memory_space<vmem_shared>>)
        %eq3A_153 = arith.constant 0 : i32
        %eq3A_154 = arith.cmpi eq, %arg0, %eq3A_153 : i32
        %convert_element_type3A_155 = arith.extui %eq3A_154 : i1 to i32
        %cond3A_156 = arith.constant 0 : i32
        %cond3A_157 = arith.cmpi ne, %convert_element_type3A_155, %cond3A_156 : i32
        scf.if %cond3A_157 {
          %dma_start3A_182 = arith.constant 0 : i32
          %dma_start3A_183 = tpu.memref_slice %arg7[%add3A_116, %dma_start3A_182] : memref<40x128xi32, #tpu.memory_space<vmem>> -> memref<1x128xi32, #tpu.memory_space<vmem>>
          %dma_start3A_184 = tpu.memref_squeeze %dma_start3A_183 : memref<1x128xi32, #tpu.memory_space<vmem>> -> memref<128xi32, #tpu.memory_space<vmem>>
          %dma_start3A_185 = arith.constant 0 : i32
          %dma_start3A_186 = arith.constant 0 : i32
          %dma_start3A_187 = tpu.memref_slice %arg2[%dma_start3A_185, %dma_start3A_186] : memref<10000x128xf32, #tpu.memory_space<hbm>> -> memref<10000x128xf32, #tpu.memory_space<hbm>>
          tpu.enqueue_indirect_dma source(%dma_start3A_187 : memref<10000x128xf32, #tpu.memory_space<hbm>>) target(%arg9 : memref<128x128xf32, #tpu.memory_space<vmem>>) offsets(%dma_start3A_184 : memref<128xi32, #tpu.memory_space<vmem>>) semaphore(%arg11 : memref<!tpu.dma_semaphore, #tpu.memory_space<semaphore_mem>>)
        } else {
        }
        %eq3A_158 = arith.constant 1 : i32
        %eq3A_159 = arith.cmpi eq, %arg0, %eq3A_158 : i32
        %convert_element_type3A_160 = arith.extui %eq3A_159 : i1 to i32
        %cond3A_161 = arith.constant 0 : i32
        %cond3A_162 = arith.cmpi ne, %convert_element_type3A_160, %cond3A_161 : i32
        scf.if %cond3A_162 {
          %dma_start3A_182 = arith.constant 0 : i32
          %dma_start3A_183 = tpu.memref_slice %arg7[%add3A_116, %dma_start3A_182] : memref<40x128xi32, #tpu.memory_space<vmem>> -> memref<1x128xi32, #tpu.memory_space<vmem>>
          %dma_start3A_184 = tpu.memref_squeeze %dma_start3A_183 : memref<1x128xi32, #tpu.memory_space<vmem>> -> memref<128xi32, #tpu.memory_space<vmem>>
          %dma_start3A_185 = arith.constant 0 : i32
          %dma_start3A_186 = arith.constant 0 : i32
          %dma_start3A_187 = tpu.memref_slice %arg3[%dma_start3A_185, %dma_start3A_186] : memref<10000x128xf32, #tpu.memory_space<hbm>> -> memref<10000x128xf32, #tpu.memory_space<hbm>>
          tpu.enqueue_indirect_dma source(%dma_start3A_187 : memref<10000x128xf32, #tpu.memory_space<hbm>>) target(%arg9 : memref<128x128xf32, #tpu.memory_space<vmem>>) offsets(%dma_start3A_184 : memref<128xi32, #tpu.memory_space<vmem>>) semaphore(%arg11 : memref<!tpu.dma_semaphore, #tpu.memory_space<semaphore_mem>>)
        } else {
        }
        %dma_wait3A_163 = arith.constant 0 : i32
        %dma_wait3A_164 = arith.constant 0 : i32
        %dma_wait3A_165 = tpu.memref_slice %arg8[%dma_wait3A_163, %dma_wait3A_164] : memref<40x128xi32, #tpu.memory_space<vmem>> -> memref<1x128xi32, #tpu.memory_space<vmem>>
        %dma_wait3A_166 = tpu.memref_squeeze %dma_wait3A_165 : memref<1x128xi32, #tpu.memory_space<vmem>> -> memref<128xi32, #tpu.memory_space<vmem>>
        %dma_wait3A_167 = arith.constant 0 : i32
        %dma_wait3A_168 = arith.constant 0 : i32
        %dma_wait3A_169 = tpu.memref_slice %arg15[%dma_wait3A_167, %dma_wait3A_168] : memref<10112x128xf32, #tpu.memory_space<vmem_shared>> -> memref<10112x128xf32, #tpu.memory_space<vmem_shared>>
        tpu.wait_indirect_dma semaphore(%arg14 : memref<!tpu.dma_semaphore, #tpu.memory_space<semaphore_mem>>) src(%arg10 : memref<128x128xf32, #tpu.memory_space<vmem>>) dst(%dma_wait3A_169 : memref<10112x128xf32, #tpu.memory_space<vmem_shared>>)
        %add3A_170 = arith.constant 1 : i32
        %add3A_171 = arith.addi %add3A_116, %add3A_170 : i32
        %eq3A_172 = arith.constant 0 : i32
        %eq3A_173 = arith.cmpi eq, %arg0, %eq3A_172 : i32
        %convert_element_type3A_174 = arith.extui %eq3A_173 : i1 to i32
        %cond3A_175 = arith.constant 0 : i32
        %cond3A_176 = arith.cmpi ne, %convert_element_type3A_174, %cond3A_175 : i32
        scf.if %cond3A_176 {
          %dma_start3A_182 = arith.constant 0 : i32
          %dma_start3A_183 = tpu.memref_slice %arg7[%add3A_171, %dma_start3A_182] : memref<40x128xi32, #tpu.memory_space<vmem>> -> memref<1x128xi32, #tpu.memory_space<vmem>>
          %dma_start3A_184 = tpu.memref_squeeze %dma_start3A_183 : memref<1x128xi32, #tpu.memory_space<vmem>> -> memref<128xi32, #tpu.memory_space<vmem>>
          %dma_start3A_185 = arith.constant 0 : i32
          %dma_start3A_186 = arith.constant 0 : i32
          %dma_start3A_187 = tpu.memref_slice %arg2[%dma_start3A_185, %dma_start3A_186] : memref<10000x128xf32, #tpu.memory_space<hbm>> -> memref<10000x128xf32, #tpu.memory_space<hbm>>
          tpu.enqueue_indirect_dma source(%dma_start3A_187 : memref<10000x128xf32, #tpu.memory_space<hbm>>) target(%arg10 : memref<128x128xf32, #tpu.memory_space<vmem>>) offsets(%dma_start3A_184 : memref<128xi32, #tpu.memory_space<vmem>>) semaphore(%arg12 : memref<!tpu.dma_semaphore, #tpu.memory_space<semaphore_mem>>)
        } else {
        }
        %eq3A_177 = arith.constant 1 : i32
        %eq3A_178 = arith.cmpi eq, %arg0, %eq3A_177 : i32
        %convert_element_type3A_179 = arith.extui %eq3A_178 : i1 to i32
        %cond3A_180 = arith.constant 0 : i32
        %cond3A_181 = arith.cmpi ne, %convert_element_type3A_179, %cond3A_180 : i32
        scf.if %cond3A_181 {
          %dma_start3A_182 = arith.constant 0 : i32
          %dma_start3A_183 = tpu.memref_slice %arg7[%add3A_171, %dma_start3A_182] : memref<40x128xi32, #tpu.memory_space<vmem>> -> memref<1x128xi32, #tpu.memory_space<vmem>>
          %dma_start3A_184 = tpu.memref_squeeze %dma_start3A_183 : memref<1x128xi32, #tpu.memory_space<vmem>> -> memref<128xi32, #tpu.memory_space<vmem>>
          %dma_start3A_185 = arith.constant 0 : i32
          %dma_start3A_186 = arith.constant 0 : i32
          %dma_start3A_187 = tpu.memref_slice %arg3[%dma_start3A_185, %dma_start3A_186] : memref<10000x128xf32, #tpu.memory_space<hbm>> -> memref<10000x128xf32, #tpu.memory_space<hbm>>
          tpu.enqueue_indirect_dma source(%dma_start3A_187 : memref<10000x128xf32, #tpu.memory_space<hbm>>) target(%arg10 : memref<128x128xf32, #tpu.memory_space<vmem>>) offsets(%dma_start3A_184 : memref<128xi32, #tpu.memory_space<vmem>>) semaphore(%arg12 : memref<!tpu.dma_semaphore, #tpu.memory_space<semaphore_mem>>)
        } else {
        }
      }
      %scan3A_71 = arith.constant 19 : i32
      %dma_wait3A = arith.constant 0 : i32
      %dma_wait3A_72 = arith.constant 0 : i32
      %dma_wait3A_73 = tpu.memref_slice %arg7[%dma_wait3A, %dma_wait3A_72] : memref<40x128xi32, #tpu.memory_space<vmem>> -> memref<1x128xi32, #tpu.memory_space<vmem>>
      %dma_wait3A_74 = tpu.memref_squeeze %dma_wait3A_73 : memref<1x128xi32, #tpu.memory_space<vmem>> -> memref<128xi32, #tpu.memory_space<vmem>>
      %dma_wait3A_75 = arith.constant 0 : i32
      %dma_wait3A_76 = arith.constant 0 : i32
      %dma_wait3A_77 = tpu.memref_slice %arg2[%dma_wait3A_75, %dma_wait3A_76] : memref<10000x128xf32, #tpu.memory_space<hbm>> -> memref<10000x128xf32, #tpu.memory_space<hbm>>
      tpu.wait_indirect_dma semaphore(%arg11 : memref<!tpu.dma_semaphore, #tpu.memory_space<semaphore_mem>>) src(%dma_wait3A_77 : memref<10000x128xf32, #tpu.memory_space<hbm>>) dst(%arg9 : memref<128x128xf32, #tpu.memory_space<vmem>>)
      %dma_start3A = arith.constant 38 : i32
      %dma_start3A_78 = arith.constant 0 : i32
      %dma_start3A_79 = tpu.memref_slice %arg8[%dma_start3A, %dma_start3A_78] : memref<40x128xi32, #tpu.memory_space<vmem>> -> memref<1x128xi32, #tpu.memory_space<vmem>>
      %dma_start3A_80 = tpu.memref_squeeze %dma_start3A_79 : memref<1x128xi32, #tpu.memory_space<vmem>> -> memref<128xi32, #tpu.memory_space<vmem>>
      %dma_start3A_81 = arith.constant 0 : i32
      %dma_start3A_82 = arith.constant 0 : i32
      %dma_start3A_83 = tpu.memref_slice %arg15[%dma_start3A_81, %dma_start3A_82] : memref<10112x128xf32, #tpu.memory_space<vmem_shared>> -> memref<10112x128xf32, #tpu.memory_space<vmem_shared>>
      tpu.enqueue_indirect_dma source(%arg9 : memref<128x128xf32, #tpu.memory_space<vmem>>) target(%dma_start3A_83 : memref<10112x128xf32, #tpu.memory_space<vmem_shared>>) offsets(%dma_start3A_80 : memref<128xi32, #tpu.memory_space<vmem>>) semaphore(%arg13 : memref<!tpu.dma_semaphore, #tpu.memory_space<semaphore_mem>>) {add = true}
      %dma_wait3A_84 = arith.constant 0 : i32
      %dma_wait3A_85 = arith.constant 0 : i32
      %dma_wait3A_86 = tpu.memref_slice %arg7[%dma_wait3A_84, %dma_wait3A_85] : memref<40x128xi32, #tpu.memory_space<vmem>> -> memref<1x128xi32, #tpu.memory_space<vmem>>
      %dma_wait3A_87 = tpu.memref_squeeze %dma_wait3A_86 : memref<1x128xi32, #tpu.memory_space<vmem>> -> memref<128xi32, #tpu.memory_space<vmem>>
      %dma_wait3A_88 = arith.constant 0 : i32
      %dma_wait3A_89 = arith.constant 0 : i32
      %dma_wait3A_90 = tpu.memref_slice %arg2[%dma_wait3A_88, %dma_wait3A_89] : memref<10000x128xf32, #tpu.memory_space<hbm>> -> memref<10000x128xf32, #tpu.memory_space<hbm>>
      tpu.wait_indirect_dma semaphore(%arg12 : memref<!tpu.dma_semaphore, #tpu.memory_space<semaphore_mem>>) src(%dma_wait3A_90 : memref<10000x128xf32, #tpu.memory_space<hbm>>) dst(%arg10 : memref<128x128xf32, #tpu.memory_space<vmem>>)
      %dma_start3A_91 = arith.constant 39 : i32
      %dma_start3A_92 = arith.constant 0 : i32
      %dma_start3A_93 = tpu.memref_slice %arg8[%dma_start3A_91, %dma_start3A_92] : memref<40x128xi32, #tpu.memory_space<vmem>> -> memref<1x128xi32, #tpu.memory_space<vmem>>
      %dma_start3A_94 = tpu.memref_squeeze %dma_start3A_93 : memref<1x128xi32, #tpu.memory_space<vmem>> -> memref<128xi32, #tpu.memory_space<vmem>>
      %dma_start3A_95 = arith.constant 0 : i32
      %dma_start3A_96 = arith.constant 0 : i32
      %dma_start3A_97 = tpu.memref_slice %arg15[%dma_start3A_95, %dma_start3A_96] : memref<10112x128xf32, #tpu.memory_space<vmem_shared>> -> memref<10112x128xf32, #tpu.memory_space<vmem_shared>>
      tpu.enqueue_indirect_dma source(%arg10 : memref<128x128xf32, #tpu.memory_space<vmem>>) target(%dma_start3A_97 : memref<10112x128xf32, #tpu.memory_space<vmem_shared>>) offsets(%dma_start3A_94 : memref<128xi32, #tpu.memory_space<vmem>>) semaphore(%arg14 : memref<!tpu.dma_semaphore, #tpu.memory_space<semaphore_mem>>) {add = true}
      %dma_wait3A_98 = arith.constant 0 : i32
      %dma_wait3A_99 = arith.constant 0 : i32
      %dma_wait3A_100 = tpu.memref_slice %arg8[%dma_wait3A_98, %dma_wait3A_99] : memref<40x128xi32, #tpu.memory_space<vmem>> -> memref<1x128xi32, #tpu.memory_space<vmem>>
      %dma_wait3A_101 = tpu.memref_squeeze %dma_wait3A_100 : memref<1x128xi32, #tpu.memory_space<vmem>> -> memref<128xi32, #tpu.memory_space<vmem>>
      %dma_wait3A_102 = arith.constant 0 : i32
      %dma_wait3A_103 = arith.constant 0 : i32
      %dma_wait3A_104 = tpu.memref_slice %arg15[%dma_wait3A_102, %dma_wait3A_103] : memref<10112x128xf32, #tpu.memory_space<vmem_shared>> -> memref<10112x128xf32, #tpu.memory_space<vmem_shared>>
      tpu.wait_indirect_dma semaphore(%arg13 : memref<!tpu.dma_semaphore, #tpu.memory_space<semaphore_mem>>) src(%arg9 : memref<128x128xf32, #tpu.memory_space<vmem>>) dst(%dma_wait3A_104 : memref<10112x128xf32, #tpu.memory_space<vmem_shared>>)
      %dma_wait3A_105 = arith.constant 0 : i32
      %dma_wait3A_106 = arith.constant 0 : i32
      %dma_wait3A_107 = tpu.memref_slice %arg8[%dma_wait3A_105, %dma_wait3A_106] : memref<40x128xi32, #tpu.memory_space<vmem>> -> memref<1x128xi32, #tpu.memory_space<vmem>>
      %dma_wait3A_108 = tpu.memref_squeeze %dma_wait3A_107 : memref<1x128xi32, #tpu.memory_space<vmem>> -> memref<128xi32, #tpu.memory_space<vmem>>
      %dma_wait3A_109 = arith.constant 0 : i32
      %dma_wait3A_110 = arith.constant 0 : i32
      %dma_wait3A_111 = tpu.memref_slice %arg15[%dma_wait3A_109, %dma_wait3A_110] : memref<10112x128xf32, #tpu.memory_space<vmem_shared>> -> memref<10112x128xf32, #tpu.memory_space<vmem_shared>>
      tpu.wait_indirect_dma semaphore(%arg14 : memref<!tpu.dma_semaphore, #tpu.memory_space<semaphore_mem>>) src(%arg10 : memref<128x128xf32, #tpu.memory_space<vmem>>) dst(%dma_wait3A_111 : memref<10112x128xf32, #tpu.memory_space<vmem_shared>>)
    }
    %scan3A_19 = arith.constant 4 : i32
    %barrier3A_20 = arith.constant 0 : index
    tpu.barrier barrier_id(%barrier3A_20)
    %add3A_21 = arith.constant 0 : i32
    %add3A_22 = arith.addi %mul3A_0, %add3A_21 : i32
    "tpu.region"() ({
      %run_scoped3A = tpu.sem_alloc : memref<!tpu.dma_semaphore, #tpu.memory_space<semaphore_mem>>
      %dma_start3A = arith.constant 0 : i32
      %dma_start3A_41 = tpu.memref_slice %arg15[%add3A_22, %dma_start3A] : memref<10112x128xf32, #tpu.memory_space<vmem_shared>> -> memref<128x128xf32, #tpu.memory_space<vmem_shared>>
      %dma_start3A_42 = arith.constant 0 : i32
      %dma_start3A_43 = tpu.memref_slice %arg15[%add3A_22, %dma_start3A_42] : memref<10112x128xf32, #tpu.memory_space<vmem_shared>> -> memref<128x128xf32, #tpu.memory_space<vmem_shared>>
      tpu.enqueue_dma source(%dma_start3A_43 : memref<128x128xf32, #tpu.memory_space<vmem_shared>>) target(%arg9 : memref<128x128xf32, #tpu.memory_space<vmem>>) target_semaphore(%run_scoped3A : memref<!tpu.dma_semaphore, #tpu.memory_space<semaphore_mem>>)
      %dma_wait3A = arith.constant 0 : i32
      %dma_wait3A_44 = tpu.memref_slice %arg15[%add3A_22, %dma_wait3A] : memref<10112x128xf32, #tpu.memory_space<vmem_shared>> -> memref<128x128xf32, #tpu.memory_space<vmem_shared>>
      %dma_wait3A_45 = arith.constant 0 : i32
      %dma_wait3A_46 = tpu.memref_slice %arg15[%add3A_22, %dma_wait3A_45] : memref<10112x128xf32, #tpu.memory_space<vmem_shared>> -> memref<128x128xf32, #tpu.memory_space<vmem_shared>>
      tpu.wait_dma2 semaphore(%run_scoped3A : memref<!tpu.dma_semaphore, #tpu.memory_space<semaphore_mem>>) src(%dma_wait3A_46 : memref<128x128xf32, #tpu.memory_space<vmem_shared>>) dst(%arg9 : memref<128x128xf32, #tpu.memory_space<vmem>>)
      tpu.yield
    }) : () -> ()
    %add3A_23 = arith.constant 0 : i32
    %add3A_24 = arith.addi %mul3A_0, %add3A_23 : i32
    "tpu.region"() ({
      %run_scoped3A = tpu.sem_alloc : memref<!tpu.dma_semaphore, #tpu.memory_space<semaphore_mem>>
      %dma_start3A = arith.constant 0 : i32
      %dma_start3A_41 = tpu.memref_slice %arg6[%arg0, %add3A_24, %dma_start3A] : memref<2x10112x128xf32, #tpu.memory_space<hbm>> -> memref<1x128x128xf32, #tpu.memory_space<hbm>>
      %dma_start3A_42 = tpu.memref_squeeze %dma_start3A_41 : memref<1x128x128xf32, #tpu.memory_space<hbm>> -> memref<128x128xf32, #tpu.memory_space<hbm>>
      %dma_start3A_43 = arith.constant 0 : i32
      %dma_start3A_44 = tpu.memref_slice %arg6[%arg0, %add3A_24, %dma_start3A_43] : memref<2x10112x128xf32, #tpu.memory_space<hbm>> -> memref<1x128x128xf32, #tpu.memory_space<hbm>>
      %dma_start3A_45 = tpu.memref_squeeze %dma_start3A_44 : memref<1x128x128xf32, #tpu.memory_space<hbm>> -> memref<128x128xf32, #tpu.memory_space<hbm>>
      tpu.enqueue_dma source(%arg9 : memref<128x128xf32, #tpu.memory_space<vmem>>) target(%dma_start3A_45 : memref<128x128xf32, #tpu.memory_space<hbm>>) target_semaphore(%run_scoped3A : memref<!tpu.dma_semaphore, #tpu.memory_space<semaphore_mem>>)
      %dma_wait3A = arith.constant 0 : i32
      %dma_wait3A_46 = tpu.memref_slice %arg6[%arg0, %add3A_24, %dma_wait3A] : memref<2x10112x128xf32, #tpu.memory_space<hbm>> -> memref<1x128x128xf32, #tpu.memory_space<hbm>>
      %dma_wait3A_47 = tpu.memref_squeeze %dma_wait3A_46 : memref<1x128x128xf32, #tpu.memory_space<hbm>> -> memref<128x128xf32, #tpu.memory_space<hbm>>
      %dma_wait3A_48 = arith.constant 0 : i32
      %dma_wait3A_49 = tpu.memref_slice %arg6[%arg0, %add3A_24, %dma_wait3A_48] : memref<2x10112x128xf32, #tpu.memory_space<hbm>> -> memref<1x128x128xf32, #tpu.memory_space<hbm>>
      %dma_wait3A_50 = tpu.memref_squeeze %dma_wait3A_49 : memref<1x128x128xf32, #tpu.memory_space<hbm>> -> memref<128x128xf32, #tpu.memory_space<hbm>>
      tpu.wait_dma2 semaphore(%run_scoped3A : memref<!tpu.dma_semaphore, #tpu.memory_space<semaphore_mem>>) src(%arg9 : memref<128x128xf32, #tpu.memory_space<vmem>>) dst(%dma_wait3A_50 : memref<128x128xf32, #tpu.memory_space<hbm>>)
      tpu.yield
    }) : () -> ()
    %add3A_25 = arith.constant 128 : i32
    %add3A_26 = arith.addi %mul3A_0, %add3A_25 : i32
    "tpu.region"() ({
      %run_scoped3A = tpu.sem_alloc : memref<!tpu.dma_semaphore, #tpu.memory_space<semaphore_mem>>
      %dma_start3A = arith.constant 0 : i32
      %dma_start3A_41 = tpu.memref_slice %arg15[%add3A_26, %dma_start3A] : memref<10112x128xf32, #tpu.memory_space<vmem_shared>> -> memref<128x128xf32, #tpu.memory_space<vmem_shared>>
      %dma_start3A_42 = arith.constant 0 : i32
      %dma_start3A_43 = tpu.memref_slice %arg15[%add3A_26, %dma_start3A_42] : memref<10112x128xf32, #tpu.memory_space<vmem_shared>> -> memref<128x128xf32, #tpu.memory_space<vmem_shared>>
      tpu.enqueue_dma source(%dma_start3A_43 : memref<128x128xf32, #tpu.memory_space<vmem_shared>>) target(%arg9 : memref<128x128xf32, #tpu.memory_space<vmem>>) target_semaphore(%run_scoped3A : memref<!tpu.dma_semaphore, #tpu.memory_space<semaphore_mem>>)
      %dma_wait3A = arith.constant 0 : i32
      %dma_wait3A_44 = tpu.memref_slice %arg15[%add3A_26, %dma_wait3A] : memref<10112x128xf32, #tpu.memory_space<vmem_shared>> -> memref<128x128xf32, #tpu.memory_space<vmem_shared>>
      %dma_wait3A_45 = arith.constant 0 : i32
      %dma_wait3A_46 = tpu.memref_slice %arg15[%add3A_26, %dma_wait3A_45] : memref<10112x128xf32, #tpu.memory_space<vmem_shared>> -> memref<128x128xf32, #tpu.memory_space<vmem_shared>>
      tpu.wait_dma2 semaphore(%run_scoped3A : memref<!tpu.dma_semaphore, #tpu.memory_space<semaphore_mem>>) src(%dma_wait3A_46 : memref<128x128xf32, #tpu.memory_space<vmem_shared>>) dst(%arg9 : memref<128x128xf32, #tpu.memory_space<vmem>>)
      tpu.yield
    }) : () -> ()
    %add3A_27 = arith.constant 128 : i32
    %add3A_28 = arith.addi %mul3A_0, %add3A_27 : i32
    "tpu.region"() ({
      %run_scoped3A = tpu.sem_alloc : memref<!tpu.dma_semaphore, #tpu.memory_space<semaphore_mem>>
      %dma_start3A = arith.constant 0 : i32
      %dma_start3A_41 = tpu.memref_slice %arg6[%arg0, %add3A_28, %dma_start3A] : memref<2x10112x128xf32, #tpu.memory_space<hbm>> -> memref<1x128x128xf32, #tpu.memory_space<hbm>>
      %dma_start3A_42 = tpu.memref_squeeze %dma_start3A_41 : memref<1x128x128xf32, #tpu.memory_space<hbm>> -> memref<128x128xf32, #tpu.memory_space<hbm>>
      %dma_start3A_43 = arith.constant 0 : i32
      %dma_start3A_44 = tpu.memref_slice %arg6[%arg0, %add3A_28, %dma_start3A_43] : memref<2x10112x128xf32, #tpu.memory_space<hbm>> -> memref<1x128x128xf32, #tpu.memory_space<hbm>>
      %dma_start3A_45 = tpu.memref_squeeze %dma_start3A_44 : memref<1x128x128xf32, #tpu.memory_space<hbm>> -> memref<128x128xf32, #tpu.memory_space<hbm>>
      tpu.enqueue_dma source(%arg9 : memref<128x128xf32, #tpu.memory_space<vmem>>) target(%dma_start3A_45 : memref<128x128xf32, #tpu.memory_space<hbm>>) target_semaphore(%run_scoped3A : memref<!tpu.dma_semaphore, #tpu.memory_space<semaphore_mem>>)
      %dma_wait3A = arith.constant 0 : i32
      %dma_wait3A_46 = tpu.memref_slice %arg6[%arg0, %add3A_28, %dma_wait3A] : memref<2x10112x128xf32, #tpu.memory_space<hbm>> -> memref<1x128x128xf32, #tpu.memory_space<hbm>>
      %dma_wait3A_47 = tpu.memref_squeeze %dma_wait3A_46 : memref<1x128x128xf32, #tpu.memory_space<hbm>> -> memref<128x128xf32, #tpu.memory_space<hbm>>
      %dma_wait3A_48 = arith.constant 0 : i32
      %dma_wait3A_49 = tpu.memref_slice %arg6[%arg0, %add3A_28, %dma_wait3A_48] : memref<2x10112x128xf32, #tpu.memory_space<hbm>> -> memref<1x128x128xf32, #tpu.memory_space<hbm>>
      %dma_wait3A_50 = tpu.memref_squeeze %dma_wait3A_49 : memref<1x128x128xf32, #tpu.memory_space<hbm>> -> memref<128x128xf32, #tpu.memory_space<hbm>>
      tpu.wait_dma2 semaphore(%run_scoped3A : memref<!tpu.dma_semaphore, #tpu.memory_space<semaphore_mem>>) src(%arg9 : memref<128x128xf32, #tpu.memory_space<vmem>>) dst(%dma_wait3A_50 : memref<128x128xf32, #tpu.memory_space<hbm>>)
      tpu.yield
    }) : () -> ()
    %add3A_29 = arith.constant 256 : i32
    %add3A_30 = arith.addi %mul3A_0, %add3A_29 : i32
    "tpu.region"() ({
      %run_scoped3A = tpu.sem_alloc : memref<!tpu.dma_semaphore, #tpu.memory_space<semaphore_mem>>
      %dma_start3A = arith.constant 0 : i32
      %dma_start3A_41 = tpu.memref_slice %arg15[%add3A_30, %dma_start3A] : memref<10112x128xf32, #tpu.memory_space<vmem_shared>> -> memref<128x128xf32, #tpu.memory_space<vmem_shared>>
      %dma_start3A_42 = arith.constant 0 : i32
      %dma_start3A_43 = tpu.memref_slice %arg15[%add3A_30, %dma_start3A_42] : memref<10112x128xf32, #tpu.memory_space<vmem_shared>> -> memref<128x128xf32, #tpu.memory_space<vmem_shared>>
      tpu.enqueue_dma source(%dma_start3A_43 : memref<128x128xf32, #tpu.memory_space<vmem_shared>>) target(%arg9 : memref<128x128xf32, #tpu.memory_space<vmem>>) target_semaphore(%run_scoped3A : memref<!tpu.dma_semaphore, #tpu.memory_space<semaphore_mem>>)
      %dma_wait3A = arith.constant 0 : i32
      %dma_wait3A_44 = tpu.memref_slice %arg15[%add3A_30, %dma_wait3A] : memref<10112x128xf32, #tpu.memory_space<vmem_shared>> -> memref<128x128xf32, #tpu.memory_space<vmem_shared>>
      %dma_wait3A_45 = arith.constant 0 : i32
      %dma_wait3A_46 = tpu.memref_slice %arg15[%add3A_30, %dma_wait3A_45] : memref<10112x128xf32, #tpu.memory_space<vmem_shared>> -> memref<128x128xf32, #tpu.memory_space<vmem_shared>>
      tpu.wait_dma2 semaphore(%run_scoped3A : memref<!tpu.dma_semaphore, #tpu.memory_space<semaphore_mem>>) src(%dma_wait3A_46 : memref<128x128xf32, #tpu.memory_space<vmem_shared>>) dst(%arg9 : memref<128x128xf32, #tpu.memory_space<vmem>>)
      tpu.yield
    }) : () -> ()
    %add3A_31 = arith.constant 256 : i32
    %add3A_32 = arith.addi %mul3A_0, %add3A_31 : i32
    "tpu.region"() ({
      %run_scoped3A = tpu.sem_alloc : memref<!tpu.dma_semaphore, #tpu.memory_space<semaphore_mem>>
      %dma_start3A = arith.constant 0 : i32
      %dma_start3A_41 = tpu.memref_slice %arg6[%arg0, %add3A_32, %dma_start3A] : memref<2x10112x128xf32, #tpu.memory_space<hbm>> -> memref<1x128x128xf32, #tpu.memory_space<hbm>>
      %dma_start3A_42 = tpu.memref_squeeze %dma_start3A_41 : memref<1x128x128xf32, #tpu.memory_space<hbm>> -> memref<128x128xf32, #tpu.memory_space<hbm>>
      %dma_start3A_43 = arith.constant 0 : i32
      %dma_start3A_44 = tpu.memref_slice %arg6[%arg0, %add3A_32, %dma_start3A_43] : memref<2x10112x128xf32, #tpu.memory_space<hbm>> -> memref<1x128x128xf32, #tpu.memory_space<hbm>>
      %dma_start3A_45 = tpu.memref_squeeze %dma_start3A_44 : memref<1x128x128xf32, #tpu.memory_space<hbm>> -> memref<128x128xf32, #tpu.memory_space<hbm>>
      tpu.enqueue_dma source(%arg9 : memref<128x128xf32, #tpu.memory_space<vmem>>) target(%dma_start3A_45 : memref<128x128xf32, #tpu.memory_space<hbm>>) target_semaphore(%run_scoped3A : memref<!tpu.dma_semaphore, #tpu.memory_space<semaphore_mem>>)
      %dma_wait3A = arith.constant 0 : i32
      %dma_wait3A_46 = tpu.memref_slice %arg6[%arg0, %add3A_32, %dma_wait3A] : memref<2x10112x128xf32, #tpu.memory_space<hbm>> -> memref<1x128x128xf32, #tpu.memory_space<hbm>>
      %dma_wait3A_47 = tpu.memref_squeeze %dma_wait3A_46 : memref<1x128x128xf32, #tpu.memory_space<hbm>> -> memref<128x128xf32, #tpu.memory_space<hbm>>
      %dma_wait3A_48 = arith.constant 0 : i32
      %dma_wait3A_49 = tpu.memref_slice %arg6[%arg0, %add3A_32, %dma_wait3A_48] : memref<2x10112x128xf32, #tpu.memory_space<hbm>> -> memref<1x128x128xf32, #tpu.memory_space<hbm>>
      %dma_wait3A_50 = tpu.memref_squeeze %dma_wait3A_49 : memref<1x128x128xf32, #tpu.memory_space<hbm>> -> memref<128x128xf32, #tpu.memory_space<hbm>>
      tpu.wait_dma2 semaphore(%run_scoped3A : memref<!tpu.dma_semaphore, #tpu.memory_space<semaphore_mem>>) src(%arg9 : memref<128x128xf32, #tpu.memory_space<vmem>>) dst(%dma_wait3A_50 : memref<128x128xf32, #tpu.memory_space<hbm>>)
      tpu.yield
    }) : () -> ()
    %add3A_33 = arith.constant 384 : i32
    %add3A_34 = arith.addi %mul3A_0, %add3A_33 : i32
    "tpu.region"() ({
      %run_scoped3A = tpu.sem_alloc : memref<!tpu.dma_semaphore, #tpu.memory_space<semaphore_mem>>
      %dma_start3A = arith.constant 0 : i32
      %dma_start3A_41 = tpu.memref_slice %arg15[%add3A_34, %dma_start3A] : memref<10112x128xf32, #tpu.memory_space<vmem_shared>> -> memref<128x128xf32, #tpu.memory_space<vmem_shared>>
      %dma_start3A_42 = arith.constant 0 : i32
      %dma_start3A_43 = tpu.memref_slice %arg15[%add3A_34, %dma_start3A_42] : memref<10112x128xf32, #tpu.memory_space<vmem_shared>> -> memref<128x128xf32, #tpu.memory_space<vmem_shared>>
      tpu.enqueue_dma source(%dma_start3A_43 : memref<128x128xf32, #tpu.memory_space<vmem_shared>>) target(%arg9 : memref<128x128xf32, #tpu.memory_space<vmem>>) target_semaphore(%run_scoped3A : memref<!tpu.dma_semaphore, #tpu.memory_space<semaphore_mem>>)
      %dma_wait3A = arith.constant 0 : i32
      %dma_wait3A_44 = tpu.memref_slice %arg15[%add3A_34, %dma_wait3A] : memref<10112x128xf32, #tpu.memory_space<vmem_shared>> -> memref<128x128xf32, #tpu.memory_space<vmem_shared>>
      %dma_wait3A_45 = arith.constant 0 : i32
      %dma_wait3A_46 = tpu.memref_slice %arg15[%add3A_34, %dma_wait3A_45] : memref<10112x128xf32, #tpu.memory_space<vmem_shared>> -> memref<128x128xf32, #tpu.memory_space<vmem_shared>>
      tpu.wait_dma2 semaphore(%run_scoped3A : memref<!tpu.dma_semaphore, #tpu.memory_space<semaphore_mem>>) src(%dma_wait3A_46 : memref<128x128xf32, #tpu.memory_space<vmem_shared>>) dst(%arg9 : memref<128x128xf32, #tpu.memory_space<vmem>>)
      tpu.yield
    }) : () -> ()
    %add3A_35 = arith.constant 384 : i32
    %add3A_36 = arith.addi %mul3A_0, %add3A_35 : i32
    "tpu.region"() ({
      %run_scoped3A = tpu.sem_alloc : memref<!tpu.dma_semaphore, #tpu.memory_space<semaphore_mem>>
      %dma_start3A = arith.constant 0 : i32
      %dma_start3A_41 = tpu.memref_slice %arg6[%arg0, %add3A_36, %dma_start3A] : memref<2x10112x128xf32, #tpu.memory_space<hbm>> -> memref<1x128x128xf32, #tpu.memory_space<hbm>>
      %dma_start3A_42 = tpu.memref_squeeze %dma_start3A_41 : memref<1x128x128xf32, #tpu.memory_space<hbm>> -> memref<128x128xf32, #tpu.memory_space<hbm>>
      %dma_start3A_43 = arith.constant 0 : i32
      %dma_start3A_44 = tpu.memref_slice %arg6[%arg0, %add3A_36, %dma_start3A_43] : memref<2x10112x128xf32, #tpu.memory_space<hbm>> -> memref<1x128x128xf32, #tpu.memory_space<hbm>>
      %dma_start3A_45 = tpu.memref_squeeze %dma_start3A_44 : memref<1x128x128xf32, #tpu.memory_space<hbm>> -> memref<128x128xf32, #tpu.memory_space<hbm>>
      tpu.enqueue_dma source(%arg9 : memref<128x128xf32, #tpu.memory_space<vmem>>) target(%dma_start3A_45 : memref<128x128xf32, #tpu.memory_space<hbm>>) target_semaphore(%run_scoped3A : memref<!tpu.dma_semaphore, #tpu.memory_space<semaphore_mem>>)
      %dma_wait3A = arith.constant 0 : i32
      %dma_wait3A_46 = tpu.memref_slice %arg6[%arg0, %add3A_36, %dma_wait3A] : memref<2x10112x128xf32, #tpu.memory_space<hbm>> -> memref<1x128x128xf32, #tpu.memory_space<hbm>>
      %dma_wait3A_47 = tpu.memref_squeeze %dma_wait3A_46 : memref<1x128x128xf32, #tpu.memory_space<hbm>> -> memref<128x128xf32, #tpu.memory_space<hbm>>
      %dma_wait3A_48 = arith.constant 0 : i32
      %dma_wait3A_49 = tpu.memref_slice %arg6[%arg0, %add3A_36, %dma_wait3A_48] : memref<2x10112x128xf32, #tpu.memory_space<hbm>> -> memref<1x128x128xf32, #tpu.memory_space<hbm>>
      %dma_wait3A_50 = tpu.memref_squeeze %dma_wait3A_49 : memref<1x128x128xf32, #tpu.memory_space<hbm>> -> memref<128x128xf32, #tpu.memory_space<hbm>>
      tpu.wait_dma2 semaphore(%run_scoped3A : memref<!tpu.dma_semaphore, #tpu.memory_space<semaphore_mem>>) src(%arg9 : memref<128x128xf32, #tpu.memory_space<vmem>>) dst(%dma_wait3A_50 : memref<128x128xf32, #tpu.memory_space<hbm>>)
      tpu.yield
    }) : () -> ()
    %add3A_37 = arith.constant 512 : i32
    %add3A_38 = arith.addi %mul3A_0, %add3A_37 : i32
    "tpu.region"() ({
      %run_scoped3A = tpu.sem_alloc : memref<!tpu.dma_semaphore, #tpu.memory_space<semaphore_mem>>
      %dma_start3A = arith.constant 0 : i32
      %dma_start3A_41 = arith.constant 0 : i32
      %dma_start3A_42 = tpu.memref_slice %arg9[%dma_start3A, %dma_start3A_41] : memref<128x128xf32, #tpu.memory_space<vmem>> -> memref<120x128xf32, #tpu.memory_space<vmem>>
      %dma_start3A_43 = arith.constant 0 : i32
      %dma_start3A_44 = tpu.memref_slice %arg15[%add3A_38, %dma_start3A_43] : memref<10112x128xf32, #tpu.memory_space<vmem_shared>> -> memref<120x128xf32, #tpu.memory_space<vmem_shared>>
      %dma_start3A_45 = arith.constant 0 : i32
      %dma_start3A_46 = arith.constant 0 : i32
      %dma_start3A_47 = tpu.memref_slice %arg9[%dma_start3A_45, %dma_start3A_46] : memref<128x128xf32, #tpu.memory_space<vmem>> -> memref<120x128xf32, #tpu.memory_space<vmem>>
      %dma_start3A_48 = arith.constant 0 : i32
      %dma_start3A_49 = tpu.memref_slice %arg15[%add3A_38, %dma_start3A_48] : memref<10112x128xf32, #tpu.memory_space<vmem_shared>> -> memref<120x128xf32, #tpu.memory_space<vmem_shared>>
      tpu.enqueue_dma source(%dma_start3A_49 : memref<120x128xf32, #tpu.memory_space<vmem_shared>>) target(%dma_start3A_47 : memref<120x128xf32, #tpu.memory_space<vmem>>) target_semaphore(%run_scoped3A : memref<!tpu.dma_semaphore, #tpu.memory_space<semaphore_mem>>)
      %dma_wait3A = arith.constant 0 : i32
      %dma_wait3A_50 = arith.constant 0 : i32
      %dma_wait3A_51 = tpu.memref_slice %arg9[%dma_wait3A, %dma_wait3A_50] : memref<128x128xf32, #tpu.memory_space<vmem>> -> memref<120x128xf32, #tpu.memory_space<vmem>>
      %dma_wait3A_52 = arith.constant 0 : i32
      %dma_wait3A_53 = tpu.memref_slice %arg15[%add3A_38, %dma_wait3A_52] : memref<10112x128xf32, #tpu.memory_space<vmem_shared>> -> memref<120x128xf32, #tpu.memory_space<vmem_shared>>
      %dma_wait3A_54 = arith.constant 0 : i32
      %dma_wait3A_55 = arith.constant 0 : i32
      %dma_wait3A_56 = tpu.memref_slice %arg9[%dma_wait3A_54, %dma_wait3A_55] : memref<128x128xf32, #tpu.memory_space<vmem>> -> memref<120x128xf32, #tpu.memory_space<vmem>>
      %dma_wait3A_57 = arith.constant 0 : i32
      %dma_wait3A_58 = tpu.memref_slice %arg15[%add3A_38, %dma_wait3A_57] : memref<10112x128xf32, #tpu.memory_space<vmem_shared>> -> memref<120x128xf32, #tpu.memory_space<vmem_shared>>
      tpu.wait_dma2 semaphore(%run_scoped3A : memref<!tpu.dma_semaphore, #tpu.memory_space<semaphore_mem>>) src(%dma_wait3A_58 : memref<120x128xf32, #tpu.memory_space<vmem_shared>>) dst(%dma_wait3A_56 : memref<120x128xf32, #tpu.memory_space<vmem>>)
      tpu.yield
    }) : () -> ()
    %add3A_39 = arith.constant 512 : i32
    %add3A_40 = arith.addi %mul3A_0, %add3A_39 : i32
    "tpu.region"() ({
      %run_scoped3A = tpu.sem_alloc : memref<!tpu.dma_semaphore, #tpu.memory_space<semaphore_mem>>
      %dma_start3A = arith.constant 0 : i32
      %dma_start3A_41 = arith.constant 0 : i32
      %dma_start3A_42 = tpu.memref_slice %arg9[%dma_start3A, %dma_start3A_41] : memref<128x128xf32, #tpu.memory_space<vmem>> -> memref<120x128xf32, #tpu.memory_space<vmem>>
      %dma_start3A_43 = arith.constant 0 : i32
      %dma_start3A_44 = tpu.memref_slice %arg6[%arg0, %add3A_40, %dma_start3A_43] : memref<2x10112x128xf32, #tpu.memory_space<hbm>> -> memref<1x120x128xf32, #tpu.memory_space<hbm>>
      %dma_start3A_45 = tpu.memref_squeeze %dma_start3A_44 : memref<1x120x128xf32, #tpu.memory_space<hbm>> -> memref<120x128xf32, #tpu.memory_space<hbm>>
      %dma_start3A_46 = arith.constant 0 : i32
      %dma_start3A_47 = tpu.memref_slice %arg6[%arg0, %add3A_40, %dma_start3A_46] : memref<2x10112x128xf32, #tpu.memory_space<hbm>> -> memref<1x120x128xf32, #tpu.memory_space<hbm>>
      %dma_start3A_48 = tpu.memref_squeeze %dma_start3A_47 : memref<1x120x128xf32, #tpu.memory_space<hbm>> -> memref<120x128xf32, #tpu.memory_space<hbm>>
      %dma_start3A_49 = arith.constant 0 : i32
      %dma_start3A_50 = arith.constant 0 : i32
      %dma_start3A_51 = tpu.memref_slice %arg9[%dma_start3A_49, %dma_start3A_50] : memref<128x128xf32, #tpu.memory_space<vmem>> -> memref<120x128xf32, #tpu.memory_space<vmem>>
      tpu.enqueue_dma source(%dma_start3A_51 : memref<120x128xf32, #tpu.memory_space<vmem>>) target(%dma_start3A_48 : memref<120x128xf32, #tpu.memory_space<hbm>>) target_semaphore(%run_scoped3A : memref<!tpu.dma_semaphore, #tpu.memory_space<semaphore_mem>>)
      %dma_wait3A = arith.constant 0 : i32
      %dma_wait3A_52 = arith.constant 0 : i32
      %dma_wait3A_53 = tpu.memref_slice %arg9[%dma_wait3A, %dma_wait3A_52] : memref<128x128xf32, #tpu.memory_space<vmem>> -> memref<120x128xf32, #tpu.memory_space<vmem>>
      %dma_wait3A_54 = arith.constant 0 : i32
      %dma_wait3A_55 = tpu.memref_slice %arg6[%arg0, %add3A_40, %dma_wait3A_54] : memref<2x10112x128xf32, #tpu.memory_space<hbm>> -> memref<1x120x128xf32, #tpu.memory_space<hbm>>
      %dma_wait3A_56 = tpu.memref_squeeze %dma_wait3A_55 : memref<1x120x128xf32, #tpu.memory_space<hbm>> -> memref<120x128xf32, #tpu.memory_space<hbm>>
      %dma_wait3A_57 = arith.constant 0 : i32
      %dma_wait3A_58 = tpu.memref_slice %arg6[%arg0, %add3A_40, %dma_wait3A_57] : memref<2x10112x128xf32, #tpu.memory_space<hbm>> -> memref<1x120x128xf32, #tpu.memory_space<hbm>>
      %dma_wait3A_59 = tpu.memref_squeeze %dma_wait3A_58 : memref<1x120x128xf32, #tpu.memory_space<hbm>> -> memref<120x128xf32, #tpu.memory_space<hbm>>
      %dma_wait3A_60 = arith.constant 0 : i32
      %dma_wait3A_61 = arith.constant 0 : i32
      %dma_wait3A_62 = tpu.memref_slice %arg9[%dma_wait3A_60, %dma_wait3A_61] : memref<128x128xf32, #tpu.memory_space<vmem>> -> memref<120x128xf32, #tpu.memory_space<vmem>>
      tpu.wait_dma2 semaphore(%run_scoped3A : memref<!tpu.dma_semaphore, #tpu.memory_space<semaphore_mem>>) src(%dma_wait3A_62 : memref<120x128xf32, #tpu.memory_space<vmem>>) dst(%dma_wait3A_59 : memref<120x128xf32, #tpu.memory_space<hbm>>)
      tpu.yield
    }) : () -> ()
    return
  }
}

module attributes {stable_mosaic.version = 14 : i64} {
  func.func @_tc_mid_body(%arg0: i32, %arg1: memref<1000x128xf32, #tpu.memory_space<vmem>>, %arg2: memref<1000x128xf32, #tpu.memory_space<vmem>>, %arg3: memref<2x1000x128xf32, #tpu.memory_space<vmem>>, %arg4: memref<1000x1xf32, #tpu.memory_space<vmem>>, %arg5: memref<128x128xf32, #tpu.memory_space<vmem>>, %arg6: memref<1x128xf32, #tpu.memory_space<vmem>>, %arg7: memref<256x128xf32, #tpu.memory_space<vmem>>, %arg8: memref<128x128xf32, #tpu.memory_space<vmem>>, %arg9: memref<1000x128xf32, #tpu.memory_space<vmem>>, %arg10: memref<1000x128xf32, #tpu.memory_space<vmem>>) attributes {dimension_semantics = [#tpu.dimension_semantics<arbitrary>], iteration_bounds = array<i64: 10>, scalar_prefetch = 0 : i64, scratch_operands = 0 : i64, tpu.core_type = #tpu.core_type<tc>, window_params = [{transform_indices = @transform_0, window_bounds = array<i64: 1000, 128>}, {transform_indices = @transform_1, window_bounds = array<i64: 1000, 128>}, {transform_indices = @transform_2, window_bounds = array<i64: 2, 1000, 128>}, {transform_indices = @transform_3, window_bounds = array<i64: 1000, 1>}, {pipeline_mode = #tpu.pipeline_mode<synchronous>, transform_indices = @transform_4, window_bounds = array<i64: 128, 128>}, {pipeline_mode = #tpu.pipeline_mode<synchronous>, transform_indices = @transform_5, window_bounds = array<i64: 1, 128>}, {pipeline_mode = #tpu.pipeline_mode<synchronous>, transform_indices = @transform_6, window_bounds = array<i64: 256, 128>}, {pipeline_mode = #tpu.pipeline_mode<synchronous>, transform_indices = @transform_7, window_bounds = array<i64: 128, 128>}, {transform_indices = @transform_8, window_bounds = array<i64: 1000, 128>}, {transform_indices = @transform_9, window_bounds = array<i64: 1000, 128>}]} {
    %get3A = arith.constant 0 : index
    %get3A_0 = arith.constant 0 : index
    %get3A_1 = vector.load %arg1[%get3A, %get3A_0] : memref<1000x128xf32, #tpu.memory_space<vmem>>, vector<1000x128xf32>
    %get3A_2 = arith.constant 0 : index
    %get3A_3 = arith.constant 0 : index
    %get3A_4 = vector.load %arg2[%get3A_2, %get3A_3] : memref<1000x128xf32, #tpu.memory_space<vmem>>, vector<1000x128xf32>
    %get3A_5 = arith.constant 0 : index
    %get3A_6 = arith.constant 0 : index
    %get3A_7 = arith.constant 0 : index
    %get3A_8 = vector.load %arg3[%get3A_5, %get3A_6, %get3A_7] : memref<2x1000x128xf32, #tpu.memory_space<vmem>>, vector<1x1000x128xf32>
    %get3A_9 = vector.shape_cast %get3A_8 : vector<1x1000x128xf32> to vector<1000x128xf32>
    %get3A_10 = arith.constant 1 : index
    %get3A_11 = arith.constant 0 : index
    %get3A_12 = arith.constant 0 : index
    %get3A_13 = vector.load %arg3[%get3A_10, %get3A_11, %get3A_12] : memref<2x1000x128xf32, #tpu.memory_space<vmem>>, vector<1x1000x128xf32>
    %get3A_14 = vector.shape_cast %get3A_13 : vector<1x1000x128xf32> to vector<1000x128xf32>
    %get3A_15 = arith.constant 0 : index
    %get3A_16 = arith.constant 0 : index
    %get3A_17 = vector.load %arg4[%get3A_15, %get3A_16] : memref<1000x1xf32, #tpu.memory_space<vmem>>, vector<1000x1xf32>
    %add3A = arith.addf %get3A_1, %get3A_9 : vector<1000x128xf32>
    %ge3A = arith.constant 0.000000e+00 : f32
    %ge3A_18 = vector.broadcast %ge3A : f32 to vector<1000x128xf32>
    %ge3A_19 = arith.cmpf oge, %add3A, %ge3A_18 : vector<1000x128xf32>
    %mul3A = arith.constant 0.00999999977 : f32
    %mul3A_20 = vector.broadcast %mul3A : f32 to vector<1000x128xf32>
    %mul3A_21 = arith.mulf %mul3A_20, %add3A : vector<1000x128xf32>
    %select_n3A = arith.select %ge3A_19, %add3A, %mul3A_21 : vector<1000x128xi1>, vector<1000x128xf32>
    %get3A_22 = arith.constant 0 : index
    %get3A_23 = arith.constant 0 : index
    %get3A_24 = vector.load %arg5[%get3A_22, %get3A_23] : memref<128x128xf32, #tpu.memory_space<vmem>>, vector<128x128xf32>
    %dot_general3A = arith.constant dense<0.000000e+00> : vector<1000x128xf32>
    %dot_general3A_25 = tpu.matmul %select_n3A, %get3A_24, %dot_general3A {dimension_numbers = #tpu.dot_dimension_numbers<[1], [0], [0], [1], [0, 0, 1, 1], [], []>, precision = #tpu.contract_precision<fp32>, transpose_lhs_hint = false} : vector<1000x128xf32>, vector<128x128xf32>, vector<1000x128xf32> -> vector<1000x128xf32>
    %add3A_26 = arith.addf %get3A_14, %get3A_4 : vector<1000x128xf32>
    %mul3A_27 = vector.broadcast %get3A_17 : vector<1000x1xf32> to vector<1000x128xf32>
    %mul3A_28 = arith.mulf %mul3A_27, %add3A_26 : vector<1000x128xf32>
    %get3A_29 = arith.constant 0 : index
    %get3A_30 = arith.constant 0 : index
    %get3A_31 = vector.load %arg6[%get3A_29, %get3A_30] : memref<1x128xf32, #tpu.memory_space<vmem>>, vector<1x128xf32>
    %add3A_32 = vector.broadcast %get3A_31 : vector<1x128xf32> to vector<1000x128xf32>
    %add3A_33 = arith.addf %mul3A_28, %add3A_32 : vector<1000x128xf32>
    %tanh3A = math.tanh %add3A_33 : vector<1000x128xf32>
    %get3A_34 = arith.constant 0 : index
    %get3A_35 = arith.constant 0 : index
    %get3A_36 = vector.load %arg7[%get3A_34, %get3A_35] : memref<256x128xf32, #tpu.memory_space<vmem>>, vector<128x128xf32>
    %dot_general3A_37 = arith.constant dense<0.000000e+00> : vector<1000x128xf32>
    %dot_general3A_38 = tpu.matmul %dot_general3A_25, %get3A_36, %dot_general3A_37 {dimension_numbers = #tpu.dot_dimension_numbers<[1], [0], [0], [1], [0, 0, 1, 1], [], []>, precision = #tpu.contract_precision<fp32>, transpose_lhs_hint = false} : vector<1000x128xf32>, vector<128x128xf32>, vector<1000x128xf32> -> vector<1000x128xf32>
    %get3A_39 = arith.constant 128 : index
    %get3A_40 = arith.constant 0 : index
    %get3A_41 = vector.load %arg7[%get3A_39, %get3A_40] : memref<256x128xf32, #tpu.memory_space<vmem>>, vector<128x128xf32>
    %dot_general3A_42 = arith.constant dense<0.000000e+00> : vector<1000x128xf32>
    %dot_general3A_43 = tpu.matmul %tanh3A, %get3A_41, %dot_general3A_42 {dimension_numbers = #tpu.dot_dimension_numbers<[1], [0], [0], [1], [0, 0, 1, 1], [], []>, precision = #tpu.contract_precision<fp32>, transpose_lhs_hint = false} : vector<1000x128xf32>, vector<128x128xf32>, vector<1000x128xf32> -> vector<1000x128xf32>
    %add3A_44 = arith.addf %dot_general3A_38, %dot_general3A_43 : vector<1000x128xf32>
    %swap3A = arith.constant 0 : index
    %swap3A_45 = arith.constant 0 : index
    %swap3A_46 = vector.load %arg9[%swap3A, %swap3A_45] : memref<1000x128xf32, #tpu.memory_space<vmem>>, vector<1000x128xf32>
    tpu.vector_store %arg9[%swap3A, %swap3A_45], %add3A_44 {strides = array<i32>} : memref<1000x128xf32, #tpu.memory_space<vmem>>, vector<1000x128xf32>,
    %get3A_47 = arith.constant 0 : index
    %get3A_48 = arith.constant 0 : index
    %get3A_49 = vector.load %arg8[%get3A_47, %get3A_48] : memref<128x128xf32, #tpu.memory_space<vmem>>, vector<128x128xf32>
    %dot_general3A_50 = arith.constant dense<0.000000e+00> : vector<1000x128xf32>
    %dot_general3A_51 = tpu.matmul %tanh3A, %get3A_49, %dot_general3A_50 {dimension_numbers = #tpu.dot_dimension_numbers<[1], [0], [0], [1], [0, 0, 1, 1], [], []>, precision = #tpu.contract_precision<fp32>, transpose_lhs_hint = false} : vector<1000x128xf32>, vector<128x128xf32>, vector<1000x128xf32> -> vector<1000x128xf32>
    %mul3A_52 = vector.broadcast %get3A_17 : vector<1000x1xf32> to vector<1000x128xf32>
    %mul3A_53 = arith.mulf %mul3A_52, %dot_general3A_51 : vector<1000x128xf32>
    %swap3A_54 = arith.constant 0 : index
    %swap3A_55 = arith.constant 0 : index
    %swap3A_56 = vector.load %arg10[%swap3A_54, %swap3A_55] : memref<1000x128xf32, #tpu.memory_space<vmem>>, vector<1000x128xf32>
    tpu.vector_store %arg10[%swap3A_54, %swap3A_55], %mul3A_53 {strides = array<i32>} : memref<1000x128xf32, #tpu.memory_space<vmem>>, vector<1000x128xf32>,
    return
  }
  func.func @transform_0(%arg0: i32) -> (i32, i32) {
    %c0_i32 = arith.constant 0 : i32
    %c0_i32_0 = arith.constant 0 : i32
    return %arg0, %c0_i32 : i32, i32
  }
  func.func @transform_1(%arg0: i32) -> (i32, i32) {
    %c0_i32 = arith.constant 0 : i32
    %c0_i32_0 = arith.constant 0 : i32
    return %arg0, %c0_i32 : i32, i32
  }
  func.func @transform_2(%arg0: i32) -> (i32, i32, i32) {
    %c0_i32 = arith.constant 0 : i32
    %c0_i32_0 = arith.constant 0 : i32
    %c0_i32_1 = arith.constant 0 : i32
    return %c0_i32, %arg0, %c0_i32_0 : i32, i32, i32
  }
  func.func @transform_3(%arg0: i32) -> (i32, i32) {
    %c0_i32 = arith.constant 0 : i32
    %c0_i32_0 = arith.constant 0 : i32
    return %arg0, %c0_i32 : i32, i32
  }
  func.func @transform_4(%arg0: i32) -> (i32, i32) {
    %c0_i32 = arith.constant 0 : i32
    %c0_i32_0 = arith.constant 0 : i32
    %c0_i32_1 = arith.constant 0 : i32
    return %c0_i32, %c0_i32_0 : i32, i32
  }
  func.func @transform_5(%arg0: i32) -> (i32, i32) {
    %c0_i32 = arith.constant 0 : i32
    %c0_i32_0 = arith.constant 0 : i32
    %c0_i32_1 = arith.constant 0 : i32
    return %c0_i32, %c0_i32_0 : i32, i32
  }
  func.func @transform_6(%arg0: i32) -> (i32, i32) {
    %c0_i32 = arith.constant 0 : i32
    %c0_i32_0 = arith.constant 0 : i32
    %c0_i32_1 = arith.constant 0 : i32
    return %c0_i32, %c0_i32_0 : i32, i32
  }
  func.func @transform_7(%arg0: i32) -> (i32, i32) {
    %c0_i32 = arith.constant 0 : i32
    %c0_i32_0 = arith.constant 0 : i32
    %c0_i32_1 = arith.constant 0 : i32
    return %c0_i32, %c0_i32_0 : i32, i32
  }
  func.func @transform_8(%arg0: i32) -> (i32, i32) {
    %c0_i32 = arith.constant 0 : i32
    %c0_i32_0 = arith.constant 0 : i32
    return %arg0, %c0_i32 : i32, i32
  }
  func.func @transform_9(%arg0: i32) -> (i32, i32) {
    %c0_i32 = arith.constant 0 : i32
    %c0_i32_0 = arith.constant 0 : i32
    return %arg0, %c0_i32 : i32, i32
  }
}

module attributes {stable_mosaic.version = 14 : i64} {
  func.func @_tc0_body(%arg0: i32, %arg1: memref<1000x128xf32, #tpu.memory_space<vmem>>, %arg2: memref<1000x128xf32, #tpu.memory_space<vmem>>, %arg3: memref<2x1000x16xf32, #tpu.memory_space<vmem>>, %arg4: memref<256x128xf32, #tpu.memory_space<vmem>>, %arg5: memref<128x128xf32, #tpu.memory_space<vmem>>, %arg6: memref<1000x128xf32, #tpu.memory_space<vmem>>, %arg7: memref<1000x128xf32, #tpu.memory_space<vmem>>, %arg8: memref<1000x1xf32, #tpu.memory_space<vmem>>) attributes {dimension_semantics = [#tpu.dimension_semantics<arbitrary>], iteration_bounds = array<i64: 10>, scalar_prefetch = 0 : i64, scratch_operands = 0 : i64, tpu.core_type = #tpu.core_type<tc>, window_params = [{transform_indices = @transform_0, window_bounds = array<i64: 1000, 128>}, {transform_indices = @transform_1, window_bounds = array<i64: 1000, 128>}, {transform_indices = @transform_2, window_bounds = array<i64: 2, 1000, 16>}, {pipeline_mode = #tpu.pipeline_mode<synchronous>, transform_indices = @transform_3, window_bounds = array<i64: 256, 128>}, {pipeline_mode = #tpu.pipeline_mode<synchronous>, transform_indices = @transform_4, window_bounds = array<i64: 128, 128>}, {transform_indices = @transform_5, window_bounds = array<i64: 1000, 128>}, {transform_indices = @transform_6, window_bounds = array<i64: 1000, 128>}, {transform_indices = @transform_7, window_bounds = array<i64: 1000, 1>}]} {
    %get3A = arith.constant 0 : index
    %get3A_0 = arith.constant 0 : index
    %get3A_1 = arith.constant 0 : index
    %get3A_2 = vector.load %arg3[%get3A, %get3A_0, %get3A_1] : memref<2x1000x16xf32, #tpu.memory_space<vmem>>, vector<1x1000x1xf32>
    %get3A_3 = vector.shape_cast %get3A_2 : vector<1x1000x1xf32> to vector<1000xf32>
    %get3A_4 = arith.constant 1 : index
    %get3A_5 = arith.constant 0 : index
    %get3A_6 = arith.constant 0 : index
    %get3A_7 = vector.load %arg3[%get3A_4, %get3A_5, %get3A_6] : memref<2x1000x16xf32, #tpu.memory_space<vmem>>, vector<1x1000x1xf32>
    %get3A_8 = vector.shape_cast %get3A_7 : vector<1x1000x1xf32> to vector<1000xf32>
    %add3A = arith.addf %get3A_3, %get3A_8 : vector<1000xf32>
    %add3A_9 = arith.constant 1.000000e+00 : f32
    %add3A_10 = vector.broadcast %add3A_9 : f32 to vector<1000xf32>
    %add3A_11 = arith.addf %add3A, %add3A_10 : vector<1000xf32>
    %rsqrt3A = math.rsqrt %add3A_11 : vector<1000xf32>
    %broadcast_in_dim3A = vector.shape_cast %rsqrt3A : vector<1000xf32> to vector<1000x1xf32>
    %get3A_12 = arith.constant 0 : index
    %get3A_13 = arith.constant 0 : index
    %get3A_14 = vector.load %arg1[%get3A_12, %get3A_13] : memref<1000x128xf32, #tpu.memory_space<vmem>>, vector<1000x128xf32>
    %get3A_15 = arith.constant 0 : index
    %get3A_16 = arith.constant 0 : index
    %get3A_17 = vector.load %arg2[%get3A_15, %get3A_16] : memref<1000x128xf32, #tpu.memory_space<vmem>>, vector<1000x128xf32>
    %get3A_18 = arith.constant 0 : index
    %get3A_19 = arith.constant 0 : index
    %get3A_20 = vector.load %arg4[%get3A_18, %get3A_19] : memref<256x128xf32, #tpu.memory_space<vmem>>, vector<128x128xf32>
    %dot_general3A = arith.constant dense<0.000000e+00> : vector<1000x128xf32>
    %dot_general3A_21 = tpu.matmul %get3A_14, %get3A_20, %dot_general3A {dimension_numbers = #tpu.dot_dimension_numbers<[1], [0], [0], [1], [0, 0, 1, 1], [], []>, precision = #tpu.contract_precision<fp32>, transpose_lhs_hint = false} : vector<1000x128xf32>, vector<128x128xf32>, vector<1000x128xf32> -> vector<1000x128xf32>
    %get3A_22 = arith.constant 128 : index
    %get3A_23 = arith.constant 0 : index
    %get3A_24 = vector.load %arg4[%get3A_22, %get3A_23] : memref<256x128xf32, #tpu.memory_space<vmem>>, vector<128x128xf32>
    %dot_general3A_25 = arith.constant dense<0.000000e+00> : vector<1000x128xf32>
    %dot_general3A_26 = tpu.matmul %get3A_17, %get3A_24, %dot_general3A_25 {dimension_numbers = #tpu.dot_dimension_numbers<[1], [0], [0], [1], [0, 0, 1, 1], [], []>, precision = #tpu.contract_precision<fp32>, transpose_lhs_hint = false} : vector<1000x128xf32>, vector<128x128xf32>, vector<1000x128xf32> -> vector<1000x128xf32>
    %add3A_27 = arith.addf %dot_general3A_21, %dot_general3A_26 : vector<1000x128xf32>
    %swap3A = arith.constant 0 : index
    %swap3A_28 = arith.constant 0 : index
    %swap3A_29 = vector.load %arg6[%swap3A, %swap3A_28] : memref<1000x128xf32, #tpu.memory_space<vmem>>, vector<1000x128xf32>
    tpu.vector_store %arg6[%swap3A, %swap3A_28], %add3A_27 {strides = array<i32>} : memref<1000x128xf32, #tpu.memory_space<vmem>>, vector<1000x128xf32>,
    %get3A_30 = arith.constant 0 : index
    %get3A_31 = arith.constant 0 : index
    %get3A_32 = vector.load %arg5[%get3A_30, %get3A_31] : memref<128x128xf32, #tpu.memory_space<vmem>>, vector<128x128xf32>
    %dot_general3A_33 = arith.constant dense<0.000000e+00> : vector<1000x128xf32>
    %dot_general3A_34 = tpu.matmul %get3A_17, %get3A_32, %dot_general3A_33 {dimension_numbers = #tpu.dot_dimension_numbers<[1], [0], [0], [1], [0, 0, 1, 1], [], []>, precision = #tpu.contract_precision<fp32>, transpose_lhs_hint = false} : vector<1000x128xf32>, vector<128x128xf32>, vector<1000x128xf32> -> vector<1000x128xf32>
    %mul3A = vector.broadcast %broadcast_in_dim3A : vector<1000x1xf32> to vector<1000x128xf32>
    %mul3A_35 = arith.mulf %mul3A, %dot_general3A_34 : vector<1000x128xf32>
    %swap3A_36 = arith.constant 0 : index
    %swap3A_37 = arith.constant 0 : index
    %swap3A_38 = vector.load %arg7[%swap3A_36, %swap3A_37] : memref<1000x128xf32, #tpu.memory_space<vmem>>, vector<1000x128xf32>
    tpu.vector_store %arg7[%swap3A_36, %swap3A_37], %mul3A_35 {strides = array<i32>} : memref<1000x128xf32, #tpu.memory_space<vmem>>, vector<1000x128xf32>,
    %swap3A_39 = arith.constant 0 : index
    %swap3A_40 = arith.constant 0 : index
    %swap3A_41 = vector.load %arg8[%swap3A_39, %swap3A_40] : memref<1000x1xf32, #tpu.memory_space<vmem>>, vector<1000x1xf32>
    tpu.vector_store %arg8[%swap3A_39, %swap3A_40], %broadcast_in_dim3A {strides = array<i32>} : memref<1000x1xf32, #tpu.memory_space<vmem>>, vector<1000x1xf32>,
    return
  }
  func.func @transform_0(%arg0: i32) -> (i32, i32) {
    %c0_i32 = arith.constant 0 : i32
    %c0_i32_0 = arith.constant 0 : i32
    return %arg0, %c0_i32 : i32, i32
  }
  func.func @transform_1(%arg0: i32) -> (i32, i32) {
    %c0_i32 = arith.constant 0 : i32
    %c0_i32_0 = arith.constant 0 : i32
    return %arg0, %c0_i32 : i32, i32
  }
  func.func @transform_2(%arg0: i32) -> (i32, i32, i32) {
    %c0_i32 = arith.constant 0 : i32
    %c0_i32_0 = arith.constant 0 : i32
    %c0_i32_1 = arith.constant 0 : i32
    return %c0_i32, %arg0, %c0_i32_0 : i32, i32, i32
  }
  func.func @transform_3(%arg0: i32) -> (i32, i32) {
    %c0_i32 = arith.constant 0 : i32
    %c0_i32_0 = arith.constant 0 : i32
    %c0_i32_1 = arith.constant 0 : i32
    return %c0_i32, %c0_i32_0 : i32, i32
  }
  func.func @transform_4(%arg0: i32) -> (i32, i32) {
    %c0_i32 = arith.constant 0 : i32
    %c0_i32_0 = arith.constant 0 : i32
    %c0_i32_1 = arith.constant 0 : i32
    return %c0_i32, %c0_i32_0 : i32, i32
  }
  func.func @transform_5(%arg0: i32) -> (i32, i32) {
    %c0_i32 = arith.constant 0 : i32
    %c0_i32_0 = arith.constant 0 : i32
    return %arg0, %c0_i32 : i32, i32
  }
  func.func @transform_6(%arg0: i32) -> (i32, i32) {
    %c0_i32 = arith.constant 0 : i32
    %c0_i32_0 = arith.constant 0 : i32
    return %arg0, %c0_i32 : i32, i32
  }
  func.func @transform_7(%arg0: i32) -> (i32, i32) {
    %c0_i32 = arith.constant 0 : i32
    %c0_i32_0 = arith.constant 0 : i32
    return %arg0, %c0_i32 : i32, i32
  }
}

module attributes {stable_mosaic.version = 14 : i64} {
  func.func @_tc_last_body(%arg0: i32, %arg1: memref<1000x128xf32, #tpu.memory_space<vmem>>, %arg2: memref<1000x128xf32, #tpu.memory_space<vmem>>, %arg3: memref<2x1000x128xf32, #tpu.memory_space<vmem>>, %arg4: memref<1000x1xf32, #tpu.memory_space<vmem>>, %arg5: memref<128x128xf32, #tpu.memory_space<vmem>>, %arg6: memref<1x128xf32, #tpu.memory_space<vmem>>, %arg7: memref<1000x128xf32, #tpu.memory_space<vmem>>, %arg8: memref<1000x128xf32, #tpu.memory_space<vmem>>, %arg9: memref<1x128xf32, #tpu.memory_space<vmem>>, %arg10: memref<1x128xf32, #tpu.memory_space<vmem>>) attributes {dimension_semantics = [#tpu.dimension_semantics<arbitrary>], iteration_bounds = array<i64: 10>, scalar_prefetch = 0 : i64, scratch_operands = 0 : i64, tpu.core_type = #tpu.core_type<tc>, window_params = [{transform_indices = @transform_0, window_bounds = array<i64: 1000, 128>}, {transform_indices = @transform_1, window_bounds = array<i64: 1000, 128>}, {transform_indices = @transform_2, window_bounds = array<i64: 2, 1000, 128>}, {transform_indices = @transform_3, window_bounds = array<i64: 1000, 1>}, {pipeline_mode = #tpu.pipeline_mode<synchronous>, transform_indices = @transform_4, window_bounds = array<i64: 128, 128>}, {pipeline_mode = #tpu.pipeline_mode<synchronous>, transform_indices = @transform_5, window_bounds = array<i64: 1, 128>}, {transform_indices = @transform_6, window_bounds = array<i64: 1000, 128>}, {transform_indices = @transform_7, window_bounds = array<i64: 1000, 128>}, {pipeline_mode = #tpu.pipeline_mode<synchronous>, transform_indices = @transform_8, window_bounds = array<i64: 1, 128>}, {pipeline_mode = #tpu.pipeline_mode<synchronous>, transform_indices = @transform_9, window_bounds = array<i64: 1, 128>}]} {
    %get3A = arith.constant 0 : index
    %get3A_0 = arith.constant 0 : index
    %get3A_1 = vector.load %arg1[%get3A, %get3A_0] : memref<1000x128xf32, #tpu.memory_space<vmem>>, vector<1000x128xf32>
    %get3A_2 = arith.constant 0 : index
    %get3A_3 = arith.constant 0 : index
    %get3A_4 = vector.load %arg2[%get3A_2, %get3A_3] : memref<1000x128xf32, #tpu.memory_space<vmem>>, vector<1000x128xf32>
    %get3A_5 = arith.constant 0 : index
    %get3A_6 = arith.constant 0 : index
    %get3A_7 = arith.constant 0 : index
    %get3A_8 = vector.load %arg3[%get3A_5, %get3A_6, %get3A_7] : memref<2x1000x128xf32, #tpu.memory_space<vmem>>, vector<1x1000x128xf32>
    %get3A_9 = vector.shape_cast %get3A_8 : vector<1x1000x128xf32> to vector<1000x128xf32>
    %add3A = arith.addf %get3A_1, %get3A_9 : vector<1000x128xf32>
    %ge3A = arith.constant 0.000000e+00 : f32
    %ge3A_10 = vector.broadcast %ge3A : f32 to vector<1000x128xf32>
    %ge3A_11 = arith.cmpf oge, %add3A, %ge3A_10 : vector<1000x128xf32>
    %mul3A = arith.constant 0.00999999977 : f32
    %mul3A_12 = vector.broadcast %mul3A : f32 to vector<1000x128xf32>
    %mul3A_13 = arith.mulf %mul3A_12, %add3A : vector<1000x128xf32>
    %select_n3A = arith.select %ge3A_11, %add3A, %mul3A_13 : vector<1000x128xi1>, vector<1000x128xf32>
    %get3A_14 = arith.constant 0 : index
    %get3A_15 = arith.constant 0 : index
    %get3A_16 = vector.load %arg5[%get3A_14, %get3A_15] : memref<128x128xf32, #tpu.memory_space<vmem>>, vector<128x128xf32>
    %dot_general3A = arith.constant dense<0.000000e+00> : vector<1000x128xf32>
    %dot_general3A_17 = tpu.matmul %select_n3A, %get3A_16, %dot_general3A {dimension_numbers = #tpu.dot_dimension_numbers<[1], [0], [0], [1], [0, 0, 1, 1], [], []>, precision = #tpu.contract_precision<fp32>, transpose_lhs_hint = false} : vector<1000x128xf32>, vector<128x128xf32>, vector<1000x128xf32> -> vector<1000x128xf32>
    %get3A_18 = arith.constant 0 : index
    %get3A_19 = arith.constant 0 : index
    %get3A_20 = vector.load %arg4[%get3A_18, %get3A_19] : memref<1000x1xf32, #tpu.memory_space<vmem>>, vector<1000x1xf32>
    %get3A_21 = arith.constant 1 : index
    %get3A_22 = arith.constant 0 : index
    %get3A_23 = arith.constant 0 : index
    %get3A_24 = vector.load %arg3[%get3A_21, %get3A_22, %get3A_23] : memref<2x1000x128xf32, #tpu.memory_space<vmem>>, vector<1x1000x128xf32>
    %get3A_25 = vector.shape_cast %get3A_24 : vector<1x1000x128xf32> to vector<1000x128xf32>
    %add3A_26 = arith.addf %get3A_25, %get3A_4 : vector<1000x128xf32>
    %mul3A_27 = vector.broadcast %get3A_20 : vector<1000x1xf32> to vector<1000x128xf32>
    %mul3A_28 = arith.mulf %mul3A_27, %add3A_26 : vector<1000x128xf32>
    %get3A_29 = arith.constant 0 : index
    %get3A_30 = arith.constant 0 : index
    %get3A_31 = vector.load %arg6[%get3A_29, %get3A_30] : memref<1x128xf32, #tpu.memory_space<vmem>>, vector<1x128xf32>
    %add3A_32 = vector.broadcast %get3A_31 : vector<1x128xf32> to vector<1000x128xf32>
    %add3A_33 = arith.addf %mul3A_28, %add3A_32 : vector<1000x128xf32>
    %tanh3A = math.tanh %add3A_33 : vector<1000x128xf32>
    %swap3A = arith.constant 0 : index
    %swap3A_34 = arith.constant 0 : index
    %swap3A_35 = vector.load %arg7[%swap3A, %swap3A_34] : memref<1000x128xf32, #tpu.memory_space<vmem>>, vector<1000x128xf32>
    tpu.vector_store %arg7[%swap3A, %swap3A_34], %dot_general3A_17 {strides = array<i32>} : memref<1000x128xf32, #tpu.memory_space<vmem>>, vector<1000x128xf32>,
    %swap3A_36 = arith.constant 0 : index
    %swap3A_37 = arith.constant 0 : index
    %swap3A_38 = vector.load %arg8[%swap3A_36, %swap3A_37] : memref<1000x128xf32, #tpu.memory_space<vmem>>, vector<1000x128xf32>
    tpu.vector_store %arg8[%swap3A_36, %swap3A_37], %tanh3A {strides = array<i32>} : memref<1000x128xf32, #tpu.memory_space<vmem>>, vector<1000x128xf32>,
    %reduce_sum3A = arith.constant dense<0.000000e+00> : vector<128xf32>
    %reduce_sum3A_39 = vector.multi_reduction <add>, %dot_general3A_17, %reduce_sum3A [0] : vector<1000x128xf32> to vector<128xf32>
    %broadcast_in_dim3A = vector.shape_cast %reduce_sum3A_39 : vector<128xf32> to vector<1x128xf32>
    %mul3A_40 = arith.mulf %dot_general3A_17, %dot_general3A_17 : vector<1000x128xf32>
    %reduce_sum3A_41 = arith.constant dense<0.000000e+00> : vector<128xf32>
    %reduce_sum3A_42 = vector.multi_reduction <add>, %mul3A_40, %reduce_sum3A_41 [0] : vector<1000x128xf32> to vector<128xf32>
    %broadcast_in_dim3A_43 = vector.shape_cast %reduce_sum3A_42 : vector<128xf32> to vector<1x128xf32>
    %eq3A = arith.constant 0 : i32
    %eq3A_44 = arith.cmpi eq, %arg0, %eq3A : i32
    %convert_element_type3A = arith.extui %eq3A_44 : i1 to i32
    %cond3A = arith.constant 0 : i32
    %cond3A_45 = arith.cmpi ne, %convert_element_type3A, %cond3A : i32
    scf.if %cond3A_45 {
      %swap3A_50 = arith.constant 0 : index
      %swap3A_51 = arith.constant 0 : index
      %swap3A_52 = vector.load %arg9[%swap3A_50, %swap3A_51] : memref<1x128xf32, #tpu.memory_space<vmem>>, vector<1x128xf32>
      tpu.vector_store %arg9[%swap3A_50, %swap3A_51], %broadcast_in_dim3A {strides = array<i32>} : memref<1x128xf32, #tpu.memory_space<vmem>>, vector<1x128xf32>,
      %swap3A_53 = arith.constant 0 : index
      %swap3A_54 = arith.constant 0 : index
      %swap3A_55 = vector.load %arg10[%swap3A_53, %swap3A_54] : memref<1x128xf32, #tpu.memory_space<vmem>>, vector<1x128xf32>
      tpu.vector_store %arg10[%swap3A_53, %swap3A_54], %broadcast_in_dim3A_43 {strides = array<i32>} : memref<1x128xf32, #tpu.memory_space<vmem>>, vector<1x128xf32>,
    } else {
    }
    %ne3A = arith.constant 0 : i32
    %ne3A_46 = arith.cmpi ne, %arg0, %ne3A : i32
    %convert_element_type3A_47 = arith.extui %ne3A_46 : i1 to i32
    %cond3A_48 = arith.constant 0 : i32
    %cond3A_49 = arith.cmpi ne, %convert_element_type3A_47, %cond3A_48 : i32
    scf.if %cond3A_49 {
      %get3A_50 = arith.constant 0 : index
      %get3A_51 = arith.constant 0 : index
      %get3A_52 = vector.load %arg9[%get3A_50, %get3A_51] : memref<1x128xf32, #tpu.memory_space<vmem>>, vector<1x128xf32>
      %add3A_53 = arith.addf %get3A_52, %broadcast_in_dim3A : vector<1x128xf32>
      %swap3A_54 = arith.constant 0 : index
      %swap3A_55 = arith.constant 0 : index
      %swap3A_56 = vector.load %arg9[%swap3A_54, %swap3A_55] : memref<1x128xf32, #tpu.memory_space<vmem>>, vector<1x128xf32>
      tpu.vector_store %arg9[%swap3A_54, %swap3A_55], %add3A_53 {strides = array<i32>} : memref<1x128xf32, #tpu.memory_space<vmem>>, vector<1x128xf32>,
      %get3A_57 = arith.constant 0 : index
      %get3A_58 = arith.constant 0 : index
      %get3A_59 = vector.load %arg10[%get3A_57, %get3A_58] : memref<1x128xf32, #tpu.memory_space<vmem>>, vector<1x128xf32>
      %add3A_60 = arith.addf %get3A_59, %broadcast_in_dim3A_43 : vector<1x128xf32>
      %swap3A_61 = arith.constant 0 : index
      %swap3A_62 = arith.constant 0 : index
      %swap3A_63 = vector.load %arg10[%swap3A_61, %swap3A_62] : memref<1x128xf32, #tpu.memory_space<vmem>>, vector<1x128xf32>
      tpu.vector_store %arg10[%swap3A_61, %swap3A_62], %add3A_60 {strides = array<i32>} : memref<1x128xf32, #tpu.memory_space<vmem>>, vector<1x128xf32>,
    } else {
    }
    return
  }
  func.func @transform_0(%arg0: i32) -> (i32, i32) {
    %c0_i32 = arith.constant 0 : i32
    %c0_i32_0 = arith.constant 0 : i32
    return %arg0, %c0_i32 : i32, i32
  }
  func.func @transform_1(%arg0: i32) -> (i32, i32) {
    %c0_i32 = arith.constant 0 : i32
    %c0_i32_0 = arith.constant 0 : i32
    return %arg0, %c0_i32 : i32, i32
  }
  func.func @transform_2(%arg0: i32) -> (i32, i32, i32) {
    %c0_i32 = arith.constant 0 : i32
    %c0_i32_0 = arith.constant 0 : i32
    %c0_i32_1 = arith.constant 0 : i32
    return %c0_i32, %arg0, %c0_i32_0 : i32, i32, i32
  }
  func.func @transform_3(%arg0: i32) -> (i32, i32) {
    %c0_i32 = arith.constant 0 : i32
    %c0_i32_0 = arith.constant 0 : i32
    return %arg0, %c0_i32 : i32, i32
  }
  func.func @transform_4(%arg0: i32) -> (i32, i32) {
    %c0_i32 = arith.constant 0 : i32
    %c0_i32_0 = arith.constant 0 : i32
    %c0_i32_1 = arith.constant 0 : i32
    return %c0_i32, %c0_i32_0 : i32, i32
  }
  func.func @transform_5(%arg0: i32) -> (i32, i32) {
    %c0_i32 = arith.constant 0 : i32
    %c0_i32_0 = arith.constant 0 : i32
    %c0_i32_1 = arith.constant 0 : i32
    return %c0_i32, %c0_i32_0 : i32, i32
  }
  func.func @transform_6(%arg0: i32) -> (i32, i32) {
    %c0_i32 = arith.constant 0 : i32
    %c0_i32_0 = arith.constant 0 : i32
    return %arg0, %c0_i32 : i32, i32
  }
  func.func @transform_7(%arg0: i32) -> (i32, i32) {
    %c0_i32 = arith.constant 0 : i32
    %c0_i32_0 = arith.constant 0 : i32
    return %arg0, %c0_i32 : i32, i32
  }
  func.func @transform_8(%arg0: i32) -> (i32, i32) {
    %c0_i32 = arith.constant 0 : i32
    %c0_i32_0 = arith.constant 0 : i32
    %c0_i32_1 = arith.constant 0 : i32
    return %c0_i32, %c0_i32_0 : i32, i32
  }
  func.func @transform_9(%arg0: i32) -> (i32, i32) {
    %c0_i32 = arith.constant 0 : i32
    %c0_i32_0 = arith.constant 0 : i32
    %c0_i32_1 = arith.constant 0 : i32
    return %c0_i32, %c0_i32_0 : i32, i32
  }
}

module attributes {stable_mosaic.version = 14 : i64} {
  func.func @_tc_final_body(%arg0: i32, %arg1: memref<1000x128xf32, #tpu.memory_space<vmem>>, %arg2: memref<1000x128xf32, #tpu.memory_space<vmem>>, %arg3: memref<1000x1xi32, #tpu.memory_space<vmem>>, %arg4: memref<1x128xf32, #tpu.memory_space<vmem>>, %arg5: memref<1x128xf32, #tpu.memory_space<vmem>>, %arg6: memref<1x128xf32, #tpu.memory_space<vmem>>, %arg7: memref<1x128xf32, #tpu.memory_space<vmem>>, %arg8: memref<256x128xf32, #tpu.memory_space<vmem>>, %arg9: memref<1x128xf32, #tpu.memory_space<vmem>>, %arg10: memref<1000x128xf32, #tpu.memory_space<vmem>>, %arg11: memref<128x128xf32, #tpu.memory_space<vmem>>) attributes {dimension_semantics = [#tpu.dimension_semantics<arbitrary>], iteration_bounds = array<i64: 10>, scalar_prefetch = 0 : i64, scratch_operands = 0 : i64, tpu.core_type = #tpu.core_type<tc>, window_params = [{transform_indices = @transform_0, window_bounds = array<i64: 1000, 128>}, {transform_indices = @transform_1, window_bounds = array<i64: 1000, 128>}, {transform_indices = @transform_2, window_bounds = array<i64: 1000, 1>}, {pipeline_mode = #tpu.pipeline_mode<synchronous>, transform_indices = @transform_3, window_bounds = array<i64: 1, 128>}, {pipeline_mode = #tpu.pipeline_mode<synchronous>, transform_indices = @transform_4, window_bounds = array<i64: 1, 128>}, {pipeline_mode = #tpu.pipeline_mode<synchronous>, transform_indices = @transform_5, window_bounds = array<i64: 1, 128>}, {pipeline_mode = #tpu.pipeline_mode<synchronous>, transform_indices = @transform_6, window_bounds = array<i64: 1, 128>}, {pipeline_mode = #tpu.pipeline_mode<synchronous>, transform_indices = @transform_7, window_bounds = array<i64: 256, 128>}, {pipeline_mode = #tpu.pipeline_mode<synchronous>, transform_indices = @transform_8, window_bounds = array<i64: 1, 128>}, {transform_indices = @transform_9, window_bounds = array<i64: 1000, 128>}, {pipeline_mode = #tpu.pipeline_mode<synchronous>, transform_indices = @transform_10, window_bounds = array<i64: 128, 128>}]} {
    %get3A = arith.constant 0 : index
    %get3A_0 = arith.constant 0 : index
    %get3A_1 = vector.load %arg4[%get3A, %get3A_0] : memref<1x128xf32, #tpu.memory_space<vmem>>, vector<1x128xf32>
    %div3A = arith.constant 1.000000e+04 : f32
    %div3A_2 = vector.broadcast %div3A : f32 to vector<1x128xf32>
    %div3A_3 = arith.divf %get3A_1, %div3A_2 : vector<1x128xf32>
    %get3A_4 = arith.constant 0 : index
    %get3A_5 = arith.constant 0 : index
    %get3A_6 = vector.load %arg5[%get3A_4, %get3A_5] : memref<1x128xf32, #tpu.memory_space<vmem>>, vector<1x128xf32>
    %div3A_7 = arith.constant 1.000000e+04 : f32
    %div3A_8 = vector.broadcast %div3A_7 : f32 to vector<1x128xf32>
    %div3A_9 = arith.divf %get3A_6, %div3A_8 : vector<1x128xf32>
    %mul3A = arith.mulf %div3A_3, %div3A_3 : vector<1x128xf32>
    %sub3A = arith.subf %div3A_9, %mul3A : vector<1x128xf32>
    %add3A = arith.constant 9.99999974E-5 : f32
    %add3A_10 = vector.broadcast %add3A : f32 to vector<1x128xf32>
    %add3A_11 = arith.addf %sub3A, %add3A_10 : vector<1x128xf32>
    %rsqrt3A = math.rsqrt %add3A_11 : vector<1x128xf32>
    %get3A_12 = arith.constant 0 : index
    %get3A_13 = arith.constant 0 : index
    %get3A_14 = vector.load %arg1[%get3A_12, %get3A_13] : memref<1000x128xf32, #tpu.memory_space<vmem>>, vector<1000x128xf32>
    %sub3A_15 = vector.broadcast %div3A_3 : vector<1x128xf32> to vector<1000x128xf32>
    %sub3A_16 = arith.subf %get3A_14, %sub3A_15 : vector<1000x128xf32>
    %mul3A_17 = vector.broadcast %rsqrt3A : vector<1x128xf32> to vector<1000x128xf32>
    %mul3A_18 = arith.mulf %sub3A_16, %mul3A_17 : vector<1000x128xf32>
    %get3A_19 = arith.constant 0 : index
    %get3A_20 = arith.constant 0 : index
    %get3A_21 = vector.load %arg6[%get3A_19, %get3A_20] : memref<1x128xf32, #tpu.memory_space<vmem>>, vector<1x128xf32>
    %mul3A_22 = vector.broadcast %get3A_21 : vector<1x128xf32> to vector<1000x128xf32>
    %mul3A_23 = arith.mulf %mul3A_18, %mul3A_22 : vector<1000x128xf32>
    %get3A_24 = arith.constant 0 : index
    %get3A_25 = arith.constant 0 : index
    %get3A_26 = vector.load %arg7[%get3A_24, %get3A_25] : memref<1x128xf32, #tpu.memory_space<vmem>>, vector<1x128xf32>
    %add3A_27 = vector.broadcast %get3A_26 : vector<1x128xf32> to vector<1000x128xf32>
    %add3A_28 = arith.addf %mul3A_23, %add3A_27 : vector<1000x128xf32>
    %swap3A = arith.constant 0 : index
    %swap3A_29 = arith.constant 0 : index
    %swap3A_30 = vector.load %arg10[%swap3A, %swap3A_29] : memref<1000x128xf32, #tpu.memory_space<vmem>>, vector<1000x128xf32>
    tpu.vector_store %arg10[%swap3A, %swap3A_29], %add3A_28 {strides = array<i32>} : memref<1000x128xf32, #tpu.memory_space<vmem>>, vector<1000x128xf32>,
    %get3A_31 = arith.constant 0 : index
    %get3A_32 = arith.constant 0 : index
    %get3A_33 = vector.load %arg8[%get3A_31, %get3A_32] : memref<256x128xf32, #tpu.memory_space<vmem>>, vector<128x128xf32>
    %dot_general3A = arith.constant dense<0.000000e+00> : vector<1000x128xf32>
    %dot_general3A_34 = tpu.matmul %add3A_28, %get3A_33, %dot_general3A {dimension_numbers = #tpu.dot_dimension_numbers<[1], [0], [0], [1], [0, 0, 1, 1], [], []>, precision = #tpu.contract_precision<fp32>, transpose_lhs_hint = false} : vector<1000x128xf32>, vector<128x128xf32>, vector<1000x128xf32> -> vector<1000x128xf32>
    %get3A_35 = arith.constant 0 : index
    %get3A_36 = arith.constant 0 : index
    %get3A_37 = vector.load %arg2[%get3A_35, %get3A_36] : memref<1000x128xf32, #tpu.memory_space<vmem>>, vector<1000x128xf32>
    %get3A_38 = arith.constant 128 : index
    %get3A_39 = arith.constant 0 : index
    %get3A_40 = vector.load %arg8[%get3A_38, %get3A_39] : memref<256x128xf32, #tpu.memory_space<vmem>>, vector<128x128xf32>
    %dot_general3A_41 = arith.constant dense<0.000000e+00> : vector<1000x128xf32>
    %dot_general3A_42 = tpu.matmul %get3A_37, %get3A_40, %dot_general3A_41 {dimension_numbers = #tpu.dot_dimension_numbers<[1], [0], [0], [1], [0, 0, 1, 1], [], []>, precision = #tpu.contract_precision<fp32>, transpose_lhs_hint = false} : vector<1000x128xf32>, vector<128x128xf32>, vector<1000x128xf32> -> vector<1000x128xf32>
    %add3A_43 = arith.addf %dot_general3A_34, %dot_general3A_42 : vector<1000x128xf32>
    %get3A_44 = arith.constant 0 : index
    %get3A_45 = arith.constant 0 : index
    %get3A_46 = vector.load %arg9[%get3A_44, %get3A_45] : memref<1x128xf32, #tpu.memory_space<vmem>>, vector<1x128xf32>
    %add3A_47 = vector.broadcast %get3A_46 : vector<1x128xf32> to vector<1000x128xf32>
    %add3A_48 = arith.addf %add3A_43, %add3A_47 : vector<1000x128xf32>
    %iota3A = tpu.iota {dimensions = array<i32: 1>} : vector<1000x128xi32>
    %get3A_49 = arith.constant 0 : index
    %get3A_50 = arith.constant 0 : index
    %get3A_51 = vector.load %arg3[%get3A_49, %get3A_50] : memref<1000x1xi32, #tpu.memory_space<vmem>>, vector<1000x1xi32>
    %eq3A = vector.broadcast %get3A_51 : vector<1000x1xi32> to vector<1000x128xi32>
    %eq3A_52 = arith.cmpi eq, %eq3A, %iota3A : vector<1000x128xi32>
    %convert_element_type3A = arith.extui %eq3A_52 : vector<1000x128xi1> to vector<1000x128xi32>
    %convert_element_type3A_53 = arith.sitofp %convert_element_type3A : vector<1000x128xi32> to vector<1000x128xf32>
    %dot_general3A_54 = arith.constant dense<0.000000e+00> : vector<128x128xf32>
    %dot_general3A_55 = tpu.matmul %convert_element_type3A_53, %add3A_48, %dot_general3A_54 {dimension_numbers = #tpu.dot_dimension_numbers<[0], [0], [1], [1], [0, 1, 1, 1], [], []>, precision = #tpu.contract_precision<fp32>, transpose_lhs_hint = false} : vector<1000x128xf32>, vector<1000x128xf32>, vector<128x128xf32> -> vector<128x128xf32>
    %eq3A_56 = arith.constant 0 : i32
    %eq3A_57 = arith.cmpi eq, %arg0, %eq3A_56 : i32
    %convert_element_type3A_58 = arith.extui %eq3A_57 : i1 to i32
    %cond3A = arith.constant 0 : i32
    %cond3A_59 = arith.cmpi ne, %convert_element_type3A_58, %cond3A : i32
    scf.if %cond3A_59 {
      %swap3A_64 = arith.constant 0 : index
      %swap3A_65 = arith.constant 0 : index
      %swap3A_66 = vector.load %arg11[%swap3A_64, %swap3A_65] : memref<128x128xf32, #tpu.memory_space<vmem>>, vector<128x128xf32>
      tpu.vector_store %arg11[%swap3A_64, %swap3A_65], %dot_general3A_55 {strides = array<i32>} : memref<128x128xf32, #tpu.memory_space<vmem>>, vector<128x128xf32>,
    } else {
    }
    %ne3A = arith.constant 0 : i32
    %ne3A_60 = arith.cmpi ne, %arg0, %ne3A : i32
    %convert_element_type3A_61 = arith.extui %ne3A_60 : i1 to i32
    %cond3A_62 = arith.constant 0 : i32
    %cond3A_63 = arith.cmpi ne, %convert_element_type3A_61, %cond3A_62 : i32
    scf.if %cond3A_63 {
      %get3A_64 = arith.constant 0 : index
      %get3A_65 = arith.constant 0 : index
      %get3A_66 = vector.load %arg11[%get3A_64, %get3A_65] : memref<128x128xf32, #tpu.memory_space<vmem>>, vector<128x128xf32>
      %add3A_67 = arith.addf %get3A_66, %dot_general3A_55 : vector<128x128xf32>
      %swap3A_68 = arith.constant 0 : index
      %swap3A_69 = arith.constant 0 : index
      %swap3A_70 = vector.load %arg11[%swap3A_68, %swap3A_69] : memref<128x128xf32, #tpu.memory_space<vmem>>, vector<128x128xf32>
      tpu.vector_store %arg11[%swap3A_68, %swap3A_69], %add3A_67 {strides = array<i32>} : memref<128x128xf32, #tpu.memory_space<vmem>>, vector<128x128xf32>,
    } else {
    }
    return
  }
  func.func @transform_0(%arg0: i32) -> (i32, i32) {
    %c0_i32 = arith.constant 0 : i32
    %c0_i32_0 = arith.constant 0 : i32
    return %arg0, %c0_i32 : i32, i32
  }
  func.func @transform_1(%arg0: i32) -> (i32, i32) {
    %c0_i32 = arith.constant 0 : i32
    %c0_i32_0 = arith.constant 0 : i32
    return %arg0, %c0_i32 : i32, i32
  }
  func.func @transform_2(%arg0: i32) -> (i32, i32) {
    %c0_i32 = arith.constant 0 : i32
    %c0_i32_0 = arith.constant 0 : i32
    return %arg0, %c0_i32 : i32, i32
  }
  func.func @transform_3(%arg0: i32) -> (i32, i32) {
    %c0_i32 = arith.constant 0 : i32
    %c0_i32_0 = arith.constant 0 : i32
    %c0_i32_1 = arith.constant 0 : i32
    return %c0_i32, %c0_i32_0 : i32, i32
  }
  func.func @transform_4(%arg0: i32) -> (i32, i32) {
    %c0_i32 = arith.constant 0 : i32
    %c0_i32_0 = arith.constant 0 : i32
    %c0_i32_1 = arith.constant 0 : i32
    return %c0_i32, %c0_i32_0 : i32, i32
  }
  func.func @transform_5(%arg0: i32) -> (i32, i32) {
    %c0_i32 = arith.constant 0 : i32
    %c0_i32_0 = arith.constant 0 : i32
    %c0_i32_1 = arith.constant 0 : i32
    return %c0_i32, %c0_i32_0 : i32, i32
  }
  func.func @transform_6(%arg0: i32) -> (i32, i32) {
    %c0_i32 = arith.constant 0 : i32
    %c0_i32_0 = arith.constant 0 : i32
    %c0_i32_1 = arith.constant 0 : i32
    return %c0_i32, %c0_i32_0 : i32, i32
  }
  func.func @transform_7(%arg0: i32) -> (i32, i32) {
    %c0_i32 = arith.constant 0 : i32
    %c0_i32_0 = arith.constant 0 : i32
    %c0_i32_1 = arith.constant 0 : i32
    return %c0_i32, %c0_i32_0 : i32, i32
  }
  func.func @transform_8(%arg0: i32) -> (i32, i32) {
    %c0_i32 = arith.constant 0 : i32
    %c0_i32_0 = arith.constant 0 : i32
    %c0_i32_1 = arith.constant 0 : i32
    return %c0_i32, %c0_i32_0 : i32, i32
  }
  func.func @transform_9(%arg0: i32) -> (i32, i32) {
    %c0_i32 = arith.constant 0 : i32
    %c0_i32_0 = arith.constant 0 : i32
    return %arg0, %c0_i32 : i32, i32
  }
  func.func @transform_10(%arg0: i32) -> (i32, i32) {
    %c0_i32 = arith.constant 0 : i32
    %c0_i32_0 = arith.constant 0 : i32
    %c0_i32_1 = arith.constant 0 : i32
    return %c0_i32, %c0_i32_0 : i32, i32
  }
}

</mosaic_0001>

<sc_bundles>
// kernel: kernel.11.cloned.1.call-start
scs
__scs_entry_jumppad:
0x0: {  	(pc) =	sbr.rel $0x88, $3  }
0x1: {  	(tag) =	ssettag $0x0;
	lr =	simm.s32 $0x1  }
0x2: {  	[smem:$0x3F95] =	sst lr;
	_ =	strace $0xD0000000  }
0x3: {  	_ = 	snop  }
0x4: {  	_ = 	snop  }
0x5: {  	_ = 	snop  }
0x6: {  	_ = 	snop  }
0x7: {  	_ = 	snop  }
__scs_overlays_trampoline_lowered:
0x8: {  	[smem:$0x3FA4] =	sst s0  }
0x9: {  	[smem:$0x3FA5] =	sst s1  }
0xa: {  	[smem:$0x3FA6] =	sst s2  }
0xb: {  	[smem:$0x3FA7] =	sst s3  }
0xc: {  	[smem:$0x3FA8] =	sst s4  }
0xd: {  	[smem:$0x3FA9] =	sst s5  }
0xe: {  	[smem:$0x3FAA] =	sst s6  }
0xf: {  	[smem:$0x3FAB] =	sst s7  }
0x10: {  	[smem:$0x3FAC] =	sst s8  }
0x11: {  	[smem:$0x3FAD] =	sst s9;
	s0 =	simm.s32 @!p0 $0x0  }
0x12: {  	s1 =	sld [smem:$0x3F93];
	s0 =	simm.s32 @p0 $0x1  }
0x13: {  	[smem:$0x3FAE] =	sst s0;
	s0 =	simm.s32 @!p1 $0x0  }
0x14: {  	s2 =	sld [smem:$0x3F92];
	s0 =	simm.s32 @p1 $0x1  }
0x15: {  	[smem:$0x3FAF] =	sst s0;
	s0 =	simm.s32 @!p2 $0x0  }
0x16: {  	s3 =	sld [smem:$0x3FDB];
	s0 =	simm.s32 @p2 $0x1  }
0x17: {  	s4 =	simm.s32 $0x1BF5;
	[smem:$0x3FB1] =	sst s0  }
0x18: {  	s0 =	sld [smem:$0x3F94];
	_ =	swait.ge [sflag:s4], $0x0  }
0x19: {  	s7 =	sld [smem:$0x3F95]  }
0x1a: {  	s8 =	sadd.s32 $0xFFFFE003, lr  }
0x1b: {  	s9 =	sadd.s32 $0xFFFFFEF7, lr;
	s5 =	simm.s32 $0xFFFFFFFF;
	p2 =	slt.u32 s8, $0xFFFFF086  }
0x1c: {  	p1 =	slt.u32 s9, $0xF7A;
	s5 =	simm.s32 @!p2 $0x0  }
0x1d: {  	s5 =	simm.s32 @p1 $0x1;
	p0 =	seq.s32 s7, s2  }
0x1e: {  	s7 =	smul.u32 @!p0 $0xF7A, s2;
	p2 =	seq.s32 @!p0 s5, $0x0  }
0x1f: {  	s9 =	smul.u32 $0xF7A, s1;
	s8 =	simm.s32 @!p0 $0x1BF5;
	p2 =	por !p2, p0  }
0x20: {  	[sflag:s8] =	ssyncset.s32 @!p0 $0xFFFFF086;
	s6 =	sadd.s32 @!p0 s3, s7;
	s7 =	simm.s32 @!p0 $0x108  }
0x21: {  	s3 =	sadd.s32 s3, s9;
	s6 =	sadd.s32 @!p0 $0x88, s6;
	s7 =	simm.s32 @p2 $0x1082  }
0x22: {  	[simem:s7], [sflag:s8] =	dma.local @!p0 [hbm:s6], $0xF7A  }
0x23: {  	s9 =	sor.u32 $0xD0000000, s2;
	s6 =	simm.s32 $0x108;
	_ =	swait.ge @!p0 [sflag:s8], $0x0  }
0x24: {  	s3 =	sadd.s32 $0x88, s3;
	s6 =	simm.s32 @!p1 $0x1082;
	[sflag:s4] =	ssyncset.s32 $0xFFFFF086  }
0x25: {  	[simem:s6], [sflag:s4] =	dma.local [hbm:s3], $0xF7A  }
0x26: {  	[smem:$0x3F95] =	sst s1;
	(tag) =	ssettag s2;
	_ =	strace s9  }
0x27: {  	s1 =	sld [smem:$0x3FA5]  }
0x28: {  	s2 =	sld [smem:$0x3FA6]  }
0x29: {  	s4 =	sld [smem:$0x3FA8]  }
0x2a: {  	p0 =	seq.s32 s5, $0x0;
	s5 =	sld [smem:$0x3FA9]  }
0x2b: {  	s6 =	sld [smem:$0x3FAA]  }
0x2c: {  	s7 =	sld [smem:$0x3FAB]  }
0x2d: {  	s3 =	simm.s32 $0x108;
	s8 =	sld [smem:$0x3FAC]  }
0x2e: {  	s3 =	simm.s32 @!p0 $0x1082;
	s9 =	sld [smem:$0x3FAD]  }
0x2f: {  	lr =	sadd.s32 s0, s3;
	s0 =	sld [smem:$0x3FA4]  }
0x30: {  	s3 =	sld [smem:$0x3FA7]  }
0x31: {  	[smem:$0x3FB0] =	sst s10  }
0x32: {  	s10 =	sld [smem:$0x3FAE];
	_ =	sdelay $0x3  }
0x33: {  	p0 =	seq.s32 s10, $0x1;
	s10 =	sld [smem:$0x3FB0];
	_ =	sdelay $0x3  }
0x34: {  	[smem:$0x3FB0] =	sst s10  }
0x35: {  	s10 =	sld [smem:$0x3FAF];
	_ =	sdelay $0x3  }
0x36: {  	p1 =	seq.s32 s10, $0x1;
	s10 =	sld [smem:$0x3FB0];
	_ =	sdelay $0x3  }
0x37: {  	[smem:$0x3FB0] =	sst s10  }
0x38: {  	s10 =	sld [smem:$0x3FB1]  }
0x39: {  	_ = 	snop;
	(pc) =	sbr.ind lr, $3  }
0x3a: {  	_ = 	snop  }
0x3b: {  	_ = 	snop  }
0x3c: {  	p2 =	seq.s32 s10, $0x1;
	s10 =	sld [smem:$0x3FB0]  }
0x3d: {  	_ =	shalt  }
0x3e: {  	_ =	shalt  }
0x3f: {  	_ =	shalt  }
0x40: {  	_ =	shalt  }
0x41: {  	_ =	shalt  }
0x42: {  	_ =	shalt  }
0x43: {  	_ =	shalt  }
0x44: {  	_ =	shalt  }
0x45: {  	_ =	shalt  }
0x46: {  	_ =	shalt  }
0x47: {  	_ =	shalt  }
0x48: {  	_ =	shalt  }
0x49: {  	_ =	shalt  }
0x4a: {  	_ =	shalt  }
0x4b: {  	_ =	shalt  }
0x4c: {  	_ =	shalt  }
0x4d: {  	_ =	shalt  }
0x4e: {  	_ =	shalt  }
0x4f: {  	_ =	shalt  }
0x50: {  	_ =	shalt  }
0x51: {  	_ =	shalt  }
0x52: {  	_ =	shalt  }
0x53: {  	_ =	shalt  }
0x54: {  	_ =	shalt  }
0x55: {  	_ =	shalt  }
0x56: {  	_ =	shalt  }
0x57: {  	_ =	shalt  }
0x58: {  	_ =	shalt  }
0x59: {  	_ =	shalt  }
0x5a: {  	_ =	shalt  }
0x5b: {  	_ =	shalt  }
0x5c: {  	_ =	shalt  }
0x5d: {  	_ =	shalt  }
0x5e: {  	_ =	shalt  }
0x5f: {  	_ =	shalt  }
0x60: {  	_ =	shalt  }
0x61: {  	_ =	shalt  }
0x62: {  	_ =	shalt  }
0x63: {  	_ =	shalt  }
0x64: {  	_ =	shalt  }
0x65: {  	_ =	shalt  }
0x66: {  	_ =	shalt  }
0x67: {  	_ =	shalt  }
0x68: {  	_ =	shalt  }
0x69: {  	_ =	shalt  }
0x6a: {  	_ =	shalt  }
0x6b: {  	_ =	shalt  }
0x6c: {  	_ =	shalt  }
0x6d: {  	_ =	shalt  }
0x6e: {  	_ =	shalt  }
0x6f: {  	_ =	shalt  }
0x70: {  	_ =	shalt  }
0x71: {  	_ =	shalt  }
0x72: {  	_ =	shalt  }
0x73: {  	_ =	shalt  }
0x74: {  	_ =	shalt  }
0x75: {  	_ =	shalt  }
0x76: {  	_ =	shalt  }
0x77: {  	_ =	shalt  }
0x78: {  	_ =	shalt  }
0x79: {  	_ =	shalt  }
0x7a: {  	_ =	shalt  }
0x7b: {  	_ =	shalt  }
0x7c: {  	_ =	shalt  }
0x7d: {  	_ =	shalt  }
0x7e: {  	_ =	shalt  }
0x7f: {  	_ =	shalt  }
0x80: {  	_ =	shalt  }
0x81: {  	_ =	shalt  }
0x82: {  	_ =	shalt  }
0x83: {  	_ =	shalt  }
0x84: {  	_ =	shalt  }
0x85: {  	_ =	shalt  }
0x86: {  	_ =	shalt  }
0x87: {  	_ =	shalt  }
.Lfunc_end0:
.L_simem_size_0:
called_computation_lowered:
.L_overlay_start_0:
0x88: {  	s2 =	sld [smem:$0x3FD9]  }
0x89: {  	s3 =	sld [smem:$0x3FFE];
	_ =	sdelay $0x1  }
0x8a: {  	s1 =	srdreg.scid  }
0x8b: {  	s0 =	sand.u32 $0x1, s1  }
0x8c: {  	s16 =	sshll.u32 s0, $0xA;
	s2 =	sadd.s32 s3, s2  }
0x8d: {  	s2 =	sadd.s32 s2, s16  }
0x8e: {  	[smem:$0x3FBC] =	sst s2  }
0x8f: {  	_ = 	snop  }
0x90: {  	(tm) =	ssettm $0x1  }
0x91: {  	s17 =	sld [smem:$0x3FFB];
	_ =	sdelay $0x3  }
0x92: {  	_ =	strace s17  }
0x93: {  	s2 =	sld [smem:$0x3FFC];
	_ =	sdelay $0x3  }
0x94: {  	_ =	strace s2  }
0x95: {  	s2 =	sld [smem:$0x3FFD];
	_ =	sdelay $0x3  }
0x96: {  	_ =	strace s2  }
0x97: {  	_ =	strace $0x8FFFFFFF  }
0x98: {  	s18 =	sld [smem:$0x3FDB];
	_ =	sdelay $0x1  }
0x99: {  	s19 =	simm.s32 $_scs_section_size  }
0x9a: {  	s4 =	simm.s32 $_size__tile_overlayer_lowered;
	s5 =	simm.s32 $_tile_overlayer_lowered  }
0x9b: {  	s22 =	simm.s32 $0x1BFF;
	s21 =	sshll.u32 s5, $0x1;
	s2 =	sadd.s32 s19, s18  }
0x9c: {  	s6 =	simm.s32 $0x0;
	s20 =	sshll.u32 s4, $0x1;
	s4 =	sadd.s32 s21, s2  }
0x9d: {  	[timem:s6], [sflag:s22] =	dma.local [hbm:s4], s20  }
0x9e: {  	_ =	swait.ge [sflag:s22], s20  }
0x9f: {  	s3 =	ssub.s32 $0x0, s20;
	[sflag:s22] =	ssyncset.done $0x0  }
0xa0: {  	[sflag:s22] =	ssyncadd.s32 s3;
	_ =	sdelay $0x1  }
0xa1: {  	s23 =	simm.s32 $0x1B8B  }
0xa2: {  	_ =	swait.ge [sflag:s23], $0x1  }
0xa3: {  	[sflag:s23] =	ssyncset.done $0x0  }
0xa4: {  	s25 =	simm.s32 $0x1B8E;
	s24 =	sld [smem:$0x3FFE];
	[sflag:s23] =	ssyncadd.s32 $0xFFFFFFFF  }
0xa5: {  	s26 =	simm.s32 $execute0_lowered;
	[smem:$0x3FD2] =	sst s25  }
0xa6: {  	s4 =	sshll.u32 s26, $0x1;
	_ =	strace $0x80000046;
	[dreg:$0x1] =	wrdreg $0xFFFFFFFF  }
0xa7: {  	s28 =	simm.s32 $_size_execute0_lowered;
	s2 =	sadd.s32 s2, s4;
	[dreg:$0x0] =	wrdreg $0x0  }
0xa8: {  	s4 =	sshll.u32 s28, $0x1;
	[dreg:$0x2] =	wrdreg s2  }
0xa9: {  	[dreg:$0x3] =	wrdreg s4  }
0xaa: {  	[dreg:$0x4] =	wrdreg $0xC0  }
0xab: {  	_ =	task [dreg:s6], $0x5FFFF  }
0xac: {  	[dreg:$0x1] =	wrdreg $0xFFFFFFFF  }
0xad: {  	[dreg:$0x0] =	wrdreg $0x60  }
0xae: {  	[dreg:$0x2] =	wrdreg s24  }
0xaf: {  	[dreg:$0x3] =	wrdreg $0xA8000  }
0xb0: {  	[dreg:$0x4] =	wrdreg $0x9  }
0xb1: {  	_ =	task.clear_ibuf [dreg:s6], $0x5FFFF;
	_ =	strace $0x90000046  }
0xb2: {  	s29 =	simm.s32 $0x9;
	_ =	strace $0x80000048  }
0xb3: {  	_ =	swait.ge [sflag:s29], $0x1  }
0xb4: {  	[sflag:s29] =	ssyncadd.s32 $0xFFFFFFFF  }
0xb5: {  	_ =	strace $0x90000048  }
0xb6: {  	_ =	sfence  }
0xb7: {  	s30 =	sld [smem:$0x0];
	_ =	sdelay $0x2  }
0xb8: {  	s31 =	sshll.u32 s1, $0xD;
	s1 =	sshrl.u32 s1, $0x2  }
0xb9: {  	s3 =	sand.u32 $0x4000, s31;
	s1 =	sadd.s32 s1, s30  }
0xba: {  	s0 =	sor.u32 s3, s0;
	s1 =	sshll.u32 s1, $0x11  }
0xbb: {  	s0 =	sor.u32 s1, s0  }
0xbc: {  	s0 =	sadd.s32 $0x8F2B, s0  }
0xbd: {  	[sflag:s0] =	ssyncadd.remote.s32 $0x1  }
0xbe: {  	_ =	sfence.sel $0xFFFF  }
0xbf: {  	[dreg:$0x0] =	wrdreg $0xFFFFFFFF;
	(pc) =	sbr.abs _section_cstart, $3  }
0xc0: {  	[dreg:$0x1] =	wrdreg $0xFFFFFFFF  }
0xc1: {  	_ =	task.clear_ibuf [dreg:s6], $0x2FFFF;
	_ =	strace $0x9FFFFFFF  }
0xc2: {  	(tm) =	ssettm $0x7FFFFFFF  }
0xc3: {  	_ =	shalt  }
tec
execute0_lowered:
.L_overlay_start_1:
0x0: {  	(tag) =	ssettag $0x1  }
0x1: {  	s4 =	rddreg [dreg:$0x0]  }
0x2: {  	s0 =	srdreg.scid;
	s2 =	rddreg [dreg:$0x1]  }
0x3: {  	s1 =	rddreg [dreg:$0x2];
	s6 =	sand.u32 $0x1, s0  }
0x4: {  	s3 =	simm.s32 $0x0;
	s0 =	stileid.u32;
	s5 =	smul.u32 $0x28000, s6  }
0x5: {  	s19 =	simm.s32 $0x2800;
	s20 =	simm.s32 $0x0;
	s7 =	smul.u32 $0x2800, s0  }
0x6: {  	[smem:$0x7FF] =	sst s3;
	s14 =	sadd.s32 $0xEC00, s4;
	s30 =	smul.u32 $0x4F000, s0  }
0x7: {  	_ =	strace $0x80000047;
	s31 =	ssub.s32 $0x2, s6;
	s9 =	smul.u32 $0x13C00, s0  }
0x8: {  	s13 =	smul.u32 $0x13C000, s6;
	s8 =	sshrl.u32 s31, $0x1;
	s5 =	sadd.s32 s7, s5  }
0x9: {  	s7 =	sshrl.u32 s30, $0x2;
	s15 =	ssub.s32 s31, s8;
	s10 =	sadd.s32 $0x4000, s9  }
0xa: {  	s12 =	sadd.s32 $0x8000, s9;
	s16 =	sadd.s32 $0xC000, s9;
	s11 =	sadd.s32 s9, s13  }
0xb: {  	s17 =	sadd.s32 $0x10000, s9;
	s5 =	sshrl.u32 s5, $0x3;
	s6 =	sadd.s32 s10, s2  }
0xc: {  	s8 =	sadd.s32 s16, s2;
	s10 =	sadd.s32 s13, s10;
	s11 =	sshrl.u32 s11, $0x3  }
0xd: {  	s9 =	sadd.s32 s17, s2;
	s16 =	sadd.s32 s13, s16;
	s15 =	smax.u32 s15, $0x1  }
0xe: {  	s5 =	sadd.s32 s5, s4;
	s18 =	sshrl.u32 s10, $0x3;
	s10 =	sadd.s32 s14, s11  }
0xf: {  	s16 =	sshrl.u32 s16, $0x3;
	s4 =	sadd.s32 $0x4C00, s5;
	s5 =	sadd.s32 s7, s2  }
0x10: {  	s7 =	sadd.s32 s12, s2;
	s11 =	sadd.s32 s14, s18;
	s12 =	sadd.s32 s13, s12  }
0x11: {  	s13 =	sadd.s32 s13, s17;
	s18 =	simm.s32 $0x80;
	s12 =	sshrl.u32 s12, $0x3  }
0x12: {  	s17 =	sshrl.u32 s13, $0x3;
	s13 =	sadd.s32 s14, s16;
	s16 =	simm.s32 $0x1  }
0x13: {  	v0 =	vimm.f32 $1.000000000e+00;
	v1 =	vimm.f32 $0.0e+00;
	s12 =	sadd.s32 s14, s12;
	s14 =	sadd.s32 s14, s17;
	s17 =	simm.s32 $0x6800  }
.LBB2_1:
0x14: {  	[tilespmem:s3], [sflag:$0x1] =	stream.linear.gather [hbm4b:s4+s3], $0x2800, $0x38;
	[tilespmem:$0xCF80] =	vst v63  }
0x15: {  	_ =	swait.ge [sflag:s16], $0x2800  }
0x16: {  	[sflag:s16] =	ssyncset.done $0x0  }
0x17: {  	s21 =	simm.s32 $0x0;
	[sflag:s16] =	ssyncadd.s32 $0xFFFFD800  }
.LBB2_2:
0x18: {  	p0 =	sne.s32 s21, $0xFE00  }
.Ltmp0:
0x19: {  	_ = 	snop;
	(pc) =	sbr.rel @p0 .LBB2_2-.Ltmp0, $3  }
0x1a: {  	_ =	sdelay $0x1  }
0x1b: {  	s22 =	sshra.s32 s21, $0x2  }
0x1c: {  	s21 =	sadd.s32 $0x200, s21;
	[tilespmem:s22+$0x2800] =	vst v0  }
0x1d: {  	s21 =	simm.s32 $0x200;
	s22 =	simm.s32 $0x0  }
.LBB2_4:
0x1e: {  	p0 =	sne.s32 s21, $0xFE00;
	[tilespmem:s22+$0x6800] =	vst v1;
	s22 =	smov.u32 s21;
	s21 =	sadd.s32 $0x200, s21  }
.Ltmp1:
0x1f: {  	(pc) =	sbr.rel @p0 .LBB2_4-.Ltmp1, $2  }
0x20: {  	_ =	sdelay $0x2  }
0x21: {  	s22 =	sshra.s32 s22, $0x2  }
0x22: {  	[tilespmem:s22+$0x6800] =	vst v1  }
0x23: {  	[spmem:s5] =	stream.linear.scatter [tilespmem:s17], [sflag:$0x1], $0x4000, $0x38;
	[tilespmem:$0xCF80] =	vst v63  }
0x24: {  	_ =	swait.ge [sflag:s16], $0x4000  }
0x25: {  	[sflag:s16] =	ssyncset.done $0x0  }
0x26: {  	[sflag:s16] =	ssyncadd.s32 $0xFFFFC000  }
0x27: {  	[spmem:s6] =	stream.linear.scatter [tilespmem:s17], [sflag:$0x1], $0x4000, $0x38;
	[tilespmem:$0xCF80] =	vst v63  }
0x28: {  	_ =	swait.ge [sflag:s16], $0x4000  }
0x29: {  	[sflag:s16] =	ssyncset.done $0x0  }
0x2a: {  	[sflag:s16] =	ssyncadd.s32 $0xFFFFC000  }
0x2b: {  	[spmem:s7] =	stream.linear.scatter [tilespmem:s17], [sflag:$0x1], $0x4000, $0x38;
	[tilespmem:$0xCF80] =	vst v63  }
0x2c: {  	_ =	swait.ge [sflag:s16], $0x4000  }
0x2d: {  	[sflag:s16] =	ssyncset.done $0x0  }
0x2e: {  	[sflag:s16] =	ssyncadd.s32 $0xFFFFC000  }
0x2f: {  	[spmem:s8] =	stream.linear.scatter [tilespmem:s17], [sflag:$0x1], $0x4000, $0x38;
	[tilespmem:$0xCF80] =	vst v63  }
0x30: {  	_ =	swait.ge [sflag:s16], $0x4000  }
0x31: {  	[sflag:s16] =	ssyncset.done $0x0  }
0x32: {  	[sflag:s16] =	ssyncadd.s32 $0xFFFFC000  }
0x33: {  	[spmem:s9] =	stream.linear.scatter [tilespmem:s17], [sflag:$0x1], $0x3C00, $0x38;
	[tilespmem:$0xCF80] =	vst v63  }
0x34: {  	_ =	swait.ge [sflag:s16], $0x3C00  }
0x35: {  	[sflag:s16] =	ssyncset.done $0x0  }
0x36: {  	[sflag:s16] =	ssyncadd.s32 $0xFFFFC400  }
0x37: {  	s21 =	simm.s32 $0x0;
	[bflag:$0x0] =	sbarrier.arrive $0xFFFF  }
0x38: {  	[spmem:s2] =	stream.indirect.scatter.add.f32 [tilespmem:s19], [sflag:$0x1], $0x10, s21, s18, $0xb8;
	[tilespmem:$0xCF80] =	vst v63  }
0x39: {  	_ =	swait.ge [sflag:s16], $0x800  }
0x3a: {  	s21 =	simm.s32 $0x200;
	[sflag:s16] =	ssyncset.done $0x0  }
.LBB2_6:
0x3b: {  	s22 =	sshra.s32 s21, $0x2;
	[sflag:s16] =	ssyncadd.s32 $0xFFFFF800;
	p0 =	sne.s32 s21, $0x9E00  }
0x3c: {  	[spmem:s2] =	stream.indirect.scatter.add.f32 [tilespmem:s19], [sflag:$0x1], $0x10, s22, s18, $0xb8;
	[tilespmem:$0xCF80] =	vst v63  }
.Ltmp2:
0x3d: {  	_ = 	snop;
	(pc) =	sbr.rel @p0 .LBB2_6-.Ltmp2, $4  }
0x3e: {  	_ = 	snop  }
0x3f: {  	s21 =	sadd.s32 $0x200, s21  }
0x40: {  	_ =	swait.ge [sflag:s16], $0x800  }
0x41: {  	[sflag:s16] =	ssyncset.done $0x0  }
0x42: {  	[sflag:s16] =	ssyncadd.s32 $0xFFFFF800  }
0x43: {  	[bflag:$0x0] =	sbarrier.arrive $0xFFFF  }
0x44: {  	[tilespmem:s17], [sflag:$0x1] =	stream.linear.gather [spmem:s5], $0x4000, $0x38;
	[tilespmem:$0xCF80] =	vst v63  }
0x45: {  	_ =	swait.ge [sflag:s16], $0x4000  }
0x46: {  	[sflag:s16] =	ssyncset.done $0x0  }
0x47: {  	[sflag:s16] =	ssyncadd.s32 $0xFFFFC000  }
0x48: {  	[hbm4b:s10+s3] =	stream.linear.scatter [tilespmem:s17], [sflag:$0x1], $0x4000, $0x38;
	[tilespmem:$0xCF80] =	vst v63  }
0x49: {  	_ =	swait.ge [sflag:s16], $0x4000  }
0x4a: {  	[sflag:s16] =	ssyncset.done $0x0  }
0x4b: {  	[sflag:s16] =	ssyncadd.s32 $0xFFFFC000  }
0x4c: {  	[tilespmem:s17], [sflag:$0x1] =	stream.linear.gather [spmem:s6], $0x4000, $0x38;
	[tilespmem:$0xCF80] =	vst v63  }
0x4d: {  	_ =	swait.ge [sflag:s16], $0x4000  }
0x4e: {  	[sflag:s16] =	ssyncset.done $0x0  }
0x4f: {  	[sflag:s16] =	ssyncadd.s32 $0xFFFFC000  }
0x50: {  	[hbm4b:s11+s3] =	stream.linear.scatter [tilespmem:s17], [sflag:$0x1], $0x4000, $0x38;
	[tilespmem:$0xCF80] =	vst v63  }
0x51: {  	_ =	swait.ge [sflag:s16], $0x4000  }
0x52: {  	[sflag:s16] =	ssyncset.done $0x0  }
0x53: {  	[sflag:s16] =	ssyncadd.s32 $0xFFFFC000  }
0x54: {  	[tilespmem:s17], [sflag:$0x1] =	stream.linear.gather [spmem:s7], $0x4000, $0x38;
	[tilespmem:$0xCF80] =	vst v63  }
0x55: {  	_ =	swait.ge [sflag:s16], $0x4000  }
0x56: {  	[sflag:s16] =	ssyncset.done $0x0  }
0x57: {  	[sflag:s16] =	ssyncadd.s32 $0xFFFFC000  }
0x58: {  	[hbm4b:s12+s3] =	stream.linear.scatter [tilespmem:s17], [sflag:$0x1], $0x4000, $0x38;
	[tilespmem:$0xCF80] =	vst v63  }
0x59: {  	_ =	swait.ge [sflag:s16], $0x4000  }
0x5a: {  	[sflag:s16] =	ssyncset.done $0x0  }
0x5b: {  	[sflag:s16] =	ssyncadd.s32 $0xFFFFC000  }
0x5c: {  	[tilespmem:s17], [sflag:$0x1] =	stream.linear.gather [spmem:s8], $0x4000, $0x38;
	[tilespmem:$0xCF80] =	vst v63  }
0x5d: {  	_ =	swait.ge [sflag:s16], $0x4000  }
0x5e: {  	[sflag:s16] =	ssyncset.done $0x0  }
0x5f: {  	[sflag:s16] =	ssyncadd.s32 $0xFFFFC000  }
0x60: {  	[hbm4b:s13+s3] =	stream.linear.scatter [tilespmem:s17], [sflag:$0x1], $0x4000, $0x38;
	[tilespmem:$0xCF80] =	vst v63  }
0x61: {  	_ =	swait.ge [sflag:s16], $0x4000  }
0x62: {  	[sflag:s16] =	ssyncset.done $0x0  }
0x63: {  	[sflag:s16] =	ssyncadd.s32 $0xFFFFC000  }
0x64: {  	[tilespmem:s17], [sflag:$0x1] =	stream.linear.gather [spmem:s9], $0x3C00, $0x38;
	[tilespmem:$0xCF80] =	vst v63  }
0x65: {  	s20 =	sadd.s32 $0x1, s20;
	_ =	swait.ge [sflag:s16], $0x3C00  }
0x66: {  	p0 =	sne.s32 s20, s15;
	[sflag:s16] =	ssyncset.done $0x0  }
.Ltmp3:
0x67: {  	[sflag:s16] =	ssyncadd.s32 $0xFFFFC400;
	(pc) =	sbr.rel @p0 .LBB2_1-.Ltmp3, $4  }
0x68: {  	[hbm4b:s14+s3] =	stream.linear.scatter [tilespmem:s17], [sflag:$0x1], $0x3C00, $0x38;
	[tilespmem:$0xCF80] =	vst v63  }
0x69: {  	_ =	swait.ge [sflag:s16], $0x3C00  }
0x6a: {  	[sflag:s16] =	ssyncset.done $0x0  }
0x6b: {  	[sflag:s16] =	ssyncadd.s32 $0xFFFFC400  }
0x6c: {  	_ =	sfence.sel $0x180000  }
0x6d: {  	[bflag:$0x0] =	sbarrier.arrive $0xFFFF  }
0x6e: {  	p0 =	sne.s32 s0, $0x0;
	_ =	strace $0x90000047  }
0x6f: {  	s0 =	sadd.s32 @!p0 $0x100000, s1;
	[bflag:$0x2] =	sbarrier.arrive $0xFFFF  }
0x70: {  	[sflag:s0] =	ssyncadd.tile.s32 @!p0 $0x1;
	_ =	shalt  }
.Lfunc_end2:
_tile_overlayer_lowered:
.L_overlay_start_2:
0x71: {  	(tag) =	ssettag $0x2  }
0x72: {  	s0 =	rddreg [dreg:$0x0];
	s2 =	stileid.u32  }
0x73: {  	s1 =	rddreg [dreg:$0x1];
	p0 =	sne.s32 s2, $0x0  }
0x74: {  	s3 =	rddreg [dreg:$0x2];
	[bflag:$0x3] =	sbarrier.arrive $0xFFFF;
	s2 =	simm.s32 @!p0 $0x1C01  }
0x75: {  	[timem:s3], [sflag:s2] =	dma.local @!p0 [hbm:s0], s1  }
0x76: {  	s0 =	simm.s32 @!p0 $0x1  }
0x77: {  	_ =	swait.ge @!p0 [sflag:s0], s1  }
0x78: {  	s1 =	ssub.s32 @!p0 $0x0, s1;
	[sflag:s0] =	ssyncset.done @!p0 $0x0  }
0x79: {  	[sflag:s0] =	ssyncadd.s32 @!p0 s1  }
0x7a: {  	[bflag:$0x3] =	sbarrier.arrive $0xFFFF  }
0x7b: {  	_ =	shalt  }

// kernel: kernel.14.cloned.1.call-start
scs
__scs_entry_jumppad:
0x0: {  	(pc) =	sbr.rel $0x88, $3  }
0x1: {  	(tag) =	ssettag $0x0;
	lr =	simm.s32 $0x1  }
0x2: {  	[smem:$0x3F95] =	sst lr;
	_ =	strace $0xD0000000  }
0x3: {  	_ = 	snop  }
0x4: {  	_ = 	snop  }
0x5: {  	_ = 	snop  }
0x6: {  	_ = 	snop  }
0x7: {  	_ = 	snop  }
__scs_overlays_trampoline_lowered:
0x8: {  	[smem:$0x3FA4] =	sst s0  }
0x9: {  	[smem:$0x3FA5] =	sst s1  }
0xa: {  	[smem:$0x3FA6] =	sst s2  }
0xb: {  	[smem:$0x3FA7] =	sst s3  }
0xc: {  	[smem:$0x3FA8] =	sst s4  }
0xd: {  	[smem:$0x3FA9] =	sst s5  }
0xe: {  	[smem:$0x3FAA] =	sst s6  }
0xf: {  	[smem:$0x3FAB] =	sst s7  }
0x10: {  	[smem:$0x3FAC] =	sst s8  }
0x11: {  	[smem:$0x3FAD] =	sst s9;
	s0 =	simm.s32 @!p0 $0x0  }
0x12: {  	s1 =	sld [smem:$0x3F93];
	s0 =	simm.s32 @p0 $0x1  }
0x13: {  	[smem:$0x3FAE] =	sst s0;
	s0 =	simm.s32 @!p1 $0x0  }
0x14: {  	s2 =	sld [smem:$0x3F92];
	s0 =	simm.s32 @p1 $0x1  }
0x15: {  	[smem:$0x3FAF] =	sst s0;
	s0 =	simm.s32 @!p2 $0x0  }
0x16: {  	s3 =	sld [smem:$0x3FDB];
	s0 =	simm.s32 @p2 $0x1  }
0x17: {  	s4 =	simm.s32 $0x1BF5;
	[smem:$0x3FB1] =	sst s0  }
0x18: {  	s0 =	sld [smem:$0x3F94];
	_ =	swait.ge [sflag:s4], $0x0  }
0x19: {  	s7 =	sld [smem:$0x3F95]  }
0x1a: {  	s8 =	sadd.s32 $0xFFFFE003, lr  }
0x1b: {  	s9 =	sadd.s32 $0xFFFFFEF7, lr;
	s5 =	simm.s32 $0xFFFFFFFF;
	p2 =	slt.u32 s8, $0xFFFFF086  }
0x1c: {  	p1 =	slt.u32 s9, $0xF7A;
	s5 =	simm.s32 @!p2 $0x0  }
0x1d: {  	s5 =	simm.s32 @p1 $0x1;
	p0 =	seq.s32 s7, s2  }
0x1e: {  	s7 =	smul.u32 @!p0 $0xF7A, s2;
	p2 =	seq.s32 @!p0 s5, $0x0  }
0x1f: {  	s9 =	smul.u32 $0xF7A, s1;
	s8 =	simm.s32 @!p0 $0x1BF5;
	p2 =	por !p2, p0  }
0x20: {  	[sflag:s8] =	ssyncset.s32 @!p0 $0xFFFFF086;
	s6 =	sadd.s32 @!p0 s3, s7;
	s7 =	simm.s32 @!p0 $0x108  }
0x21: {  	s3 =	sadd.s32 s3, s9;
	s6 =	sadd.s32 @!p0 $0x88, s6;
	s7 =	simm.s32 @p2 $0x1082  }
0x22: {  	[simem:s7], [sflag:s8] =	dma.local @!p0 [hbm:s6], $0xF7A  }
0x23: {  	s9 =	sor.u32 $0xD0000000, s2;
	s6 =	simm.s32 $0x108;
	_ =	swait.ge @!p0 [sflag:s8], $0x0  }
0x24: {  	s3 =	sadd.s32 $0x88, s3;
	s6 =	simm.s32 @!p1 $0x1082;
	[sflag:s4] =	ssyncset.s32 $0xFFFFF086  }
0x25: {  	[simem:s6], [sflag:s4] =	dma.local [hbm:s3], $0xF7A  }
0x26: {  	[smem:$0x3F95] =	sst s1;
	(tag) =	ssettag s2;
	_ =	strace s9  }
0x27: {  	s1 =	sld [smem:$0x3FA5]  }
0x28: {  	s2 =	sld [smem:$0x3FA6]  }
0x29: {  	s4 =	sld [smem:$0x3FA8]  }
0x2a: {  	p0 =	seq.s32 s5, $0x0;
	s5 =	sld [smem:$0x3FA9]  }
0x2b: {  	s6 =	sld [smem:$0x3FAA]  }
0x2c: {  	s7 =	sld [smem:$0x3FAB]  }
0x2d: {  	s3 =	simm.s32 $0x108;
	s8 =	sld [smem:$0x3FAC]  }
0x2e: {  	s3 =	simm.s32 @!p0 $0x1082;
	s9 =	sld [smem:$0x3FAD]  }
0x2f: {  	lr =	sadd.s32 s0, s3;
	s0 =	sld [smem:$0x3FA4]  }
0x30: {  	s3 =	sld [smem:$0x3FA7]  }
0x31: {  	[smem:$0x3FB0] =	sst s10  }
0x32: {  	s10 =	sld [smem:$0x3FAE];
	_ =	sdelay $0x3  }
0x33: {  	p0 =	seq.s32 s10, $0x1;
	s10 =	sld [smem:$0x3FB0];
	_ =	sdelay $0x3  }
0x34: {  	[smem:$0x3FB0] =	sst s10  }
0x35: {  	s10 =	sld [smem:$0x3FAF];
	_ =	sdelay $0x3  }
0x36: {  	p1 =	seq.s32 s10, $0x1;
	s10 =	sld [smem:$0x3FB0];
	_ =	sdelay $0x3  }
0x37: {  	[smem:$0x3FB0] =	sst s10  }
0x38: {  	s10 =	sld [smem:$0x3FB1]  }
0x39: {  	_ = 	snop;
	(pc) =	sbr.ind lr, $3  }
0x3a: {  	_ = 	snop  }
0x3b: {  	_ = 	snop  }
0x3c: {  	p2 =	seq.s32 s10, $0x1;
	s10 =	sld [smem:$0x3FB0]  }
0x3d: {  	_ =	shalt  }
0x3e: {  	_ =	shalt  }
0x3f: {  	_ =	shalt  }
0x40: {  	_ =	shalt  }
0x41: {  	_ =	shalt  }
0x42: {  	_ =	shalt  }
0x43: {  	_ =	shalt  }
0x44: {  	_ =	shalt  }
0x45: {  	_ =	shalt  }
0x46: {  	_ =	shalt  }
0x47: {  	_ =	shalt  }
0x48: {  	_ =	shalt  }
0x49: {  	_ =	shalt  }
0x4a: {  	_ =	shalt  }
0x4b: {  	_ =	shalt  }
0x4c: {  	_ =	shalt  }
0x4d: {  	_ =	shalt  }
0x4e: {  	_ =	shalt  }
0x4f: {  	_ =	shalt  }
0x50: {  	_ =	shalt  }
0x51: {  	_ =	shalt  }
0x52: {  	_ =	shalt  }
0x53: {  	_ =	shalt  }
0x54: {  	_ =	shalt  }
0x55: {  	_ =	shalt  }
0x56: {  	_ =	shalt  }
0x57: {  	_ =	shalt  }
0x58: {  	_ =	shalt  }
0x59: {  	_ =	shalt  }
0x5a: {  	_ =	shalt  }
0x5b: {  	_ =	shalt  }
0x5c: {  	_ =	shalt  }
0x5d: {  	_ =	shalt  }
0x5e: {  	_ =	shalt  }
0x5f: {  	_ =	shalt  }
0x60: {  	_ =	shalt  }
0x61: {  	_ =	shalt  }
0x62: {  	_ =	shalt  }
0x63: {  	_ =	shalt  }
0x64: {  	_ =	shalt  }
0x65: {  	_ =	shalt  }
0x66: {  	_ =	shalt  }
0x67: {  	_ =	shalt  }
0x68: {  	_ =	shalt  }
0x69: {  	_ =	shalt  }
0x6a: {  	_ =	shalt  }
0x6b: {  	_ =	shalt  }
0x6c: {  	_ =	shalt  }
0x6d: {  	_ =	shalt  }
0x6e: {  	_ =	shalt  }
0x6f: {  	_ =	shalt  }
0x70: {  	_ =	shalt  }
0x71: {  	_ =	shalt  }
0x72: {  	_ =	shalt  }
0x73: {  	_ =	shalt  }
0x74: {  	_ =	shalt  }
0x75: {  	_ =	shalt  }
0x76: {  	_ =	shalt  }
0x77: {  	_ =	shalt  }
0x78: {  	_ =	shalt  }
0x79: {  	_ =	shalt  }
0x7a: {  	_ =	shalt  }
0x7b: {  	_ =	shalt  }
0x7c: {  	_ =	shalt  }
0x7d: {  	_ =	shalt  }
0x7e: {  	_ =	shalt  }
0x7f: {  	_ =	shalt  }
0x80: {  	_ =	shalt  }
0x81: {  	_ =	shalt  }
0x82: {  	_ =	shalt  }
0x83: {  	_ =	shalt  }
0x84: {  	_ =	shalt  }
0x85: {  	_ =	shalt  }
0x86: {  	_ =	shalt  }
0x87: {  	_ =	shalt  }
.Lfunc_end0:
.L_simem_size_0:
called_computation.1_lowered:
.L_overlay_start_0:
0x88: {  	s2 =	sld [smem:$0x3FD9]  }
0x89: {  	s3 =	sld [smem:$0x3FFE];
	_ =	sdelay $0x1  }
0x8a: {  	s1 =	srdreg.scid  }
0x8b: {  	s0 =	sand.u32 $0x1, s1  }
0x8c: {  	s14 =	sshll.u32 s0, $0xA;
	s2 =	sadd.s32 s3, s2  }
0x8d: {  	s2 =	sadd.s32 s2, s14  }
0x8e: {  	[smem:$0x3FBC] =	sst s2  }
0x8f: {  	_ = 	snop  }
0x90: {  	s2 =	sld [smem:$0x3FD0];
	_ =	sdelay $0x2  }
0x91: {  	s15 =	simm.s32 $0xA;
	s4 =	simm.s32 $0x10  }
0x92: {  	[smem:s4], [sflag:s15] =	dma.local [hbm:s2], $0x1  }
0x93: {  	_ =	swait.eq [sflag:s15], $0x1  }
0x94: {  	[sflag:s15] =	ssyncset.done $0x0  }
0x95: {  	[sflag:s15] =	ssyncadd.s32 $0xFFFFFFFF  }
0x96: {  	s16 =	sld [smem:$0x11];
	(tm) =	ssettm $0x1  }
0x97: {  	s17 =	sld [smem:$0x3FFB];
	_ =	sdelay $0x3  }
0x98: {  	_ =	strace s17  }
0x99: {  	s3 =	sld [smem:$0x3FFC];
	_ =	sdelay $0x3  }
0x9a: {  	_ =	strace s3  }
0x9b: {  	s3 =	sld [smem:$0x3FFD];
	_ =	sdelay $0x3  }
0x9c: {  	_ =	strace s3  }
0x9d: {  	_ =	strace $0x8FFFFFFF  }
0x9e: {  	s18 =	sld [smem:$0x3FDB];
	_ =	sdelay $0x1  }
0x9f: {  	s19 =	simm.s32 $_scs_section_size  }
0xa0: {  	s5 =	simm.s32 $_size__tile_overlayer_lowered;
	s6 =	simm.s32 $_tile_overlayer_lowered  }
0xa1: {  	s22 =	simm.s32 $0x1BFF;
	s21 =	sshll.u32 s6, $0x1;
	s3 =	sadd.s32 s19, s18  }
0xa2: {  	s7 =	simm.s32 $0x0;
	s20 =	sshll.u32 s5, $0x1;
	s5 =	sadd.s32 s21, s3  }
0xa3: {  	[timem:s7], [sflag:s22] =	dma.local [hbm:s5], s20  }
0xa4: {  	_ =	swait.ge [sflag:s22], s20  }
0xa5: {  	s4 =	ssub.s32 $0x0, s20;
	[sflag:s22] =	ssyncset.done $0x0  }
0xa6: {  	[sflag:s22] =	ssyncadd.s32 s4;
	_ =	sdelay $0x1  }
0xa7: {  	s23 =	simm.s32 $0x1B8B  }
0xa8: {  	_ =	swait.ge [sflag:s23], $0x1  }
0xa9: {  	[sflag:s23] =	ssyncset.done $0x0  }
0xaa: {  	s25 =	simm.s32 $0x1B8E;
	s24 =	sld [smem:$0x3FFE];
	[sflag:s23] =	ssyncadd.s32 $0xFFFFFFFF  }
0xab: {  	s26 =	simm.s32 $execute0_lowered;
	[smem:$0x3FD2] =	sst s25  }
0xac: {  	s5 =	sshll.u32 s26, $0x1;
	_ =	strace $0x80000049;
	[dreg:$0x1] =	wrdreg $0xFFFFFFFF  }
0xad: {  	s28 =	simm.s32 $_size_execute0_lowered;
	s3 =	sadd.s32 s3, s5;
	[dreg:$0x0] =	wrdreg $0x0  }
0xae: {  	s5 =	sshll.u32 s28, $0x1;
	[dreg:$0x2] =	wrdreg s3  }
0xaf: {  	[dreg:$0x3] =	wrdreg s5  }
0xb0: {  	[dreg:$0x4] =	wrdreg $0xC0  }
0xb1: {  	_ =	task [dreg:s7], $0x5FFFF  }
0xb2: {  	[dreg:$0x1] =	wrdreg $0xFFFFFFFF  }
0xb3: {  	[dreg:$0x0] =	wrdreg $0x60  }
0xb4: {  	[dreg:$0x2] =	wrdreg s16  }
0xb5: {  	[dreg:$0x3] =	wrdreg s24  }
0xb6: {  	[dreg:$0x4] =	wrdreg $0xA8000  }
0xb7: {  	[dreg:$0x5] =	wrdreg $0x9  }
0xb8: {  	_ =	task.clear_ibuf [dreg:s7], $0x6FFFF;
	_ =	strace $0x90000049  }
0xb9: {  	s29 =	simm.s32 $0x9;
	_ =	strace $0x8000004B  }
0xba: {  	_ =	swait.ge [sflag:s29], $0x1  }
0xbb: {  	[sflag:s29] =	ssyncadd.s32 $0xFFFFFFFF  }
0xbc: {  	_ =	strace $0x9000004B  }
0xbd: {  	_ =	sfence  }
0xbe: {  	s30 =	sld [smem:$0x0];
	_ =	sdelay $0x2  }
0xbf: {  	s31 =	sshll.u32 s1, $0xD;
	s1 =	sshrl.u32 s1, $0x2  }
0xc0: {  	s3 =	sand.u32 $0x4000, s31;
	s1 =	sadd.s32 s1, s30  }
0xc1: {  	s0 =	sor.u32 s3, s0;
	s1 =	sshll.u32 s1, $0x11  }
0xc2: {  	s0 =	sor.u32 s1, s0  }
0xc3: {  	s0 =	sadd.s32 $0x8F2B, s0  }
0xc4: {  	[sflag:s0] =	ssyncadd.remote.s32 $0x1  }
0xc5: {  	_ =	sfence.sel $0xFFFF  }
0xc6: {  	[dreg:$0x0] =	wrdreg $0xFFFFFFFF;
	(pc) =	sbr.abs _section_cstart, $3  }
0xc7: {  	[dreg:$0x1] =	wrdreg $0xFFFFFFFF  }
0xc8: {  	_ =	task.clear_ibuf [dreg:s7], $0x2FFFF;
	_ =	strace $0x9FFFFFFF  }
0xc9: {  	(tm) =	ssettm $0x7FFFFFFF  }
tec
execute0_lowered:
.L_overlay_start_1:
0x0: {  	(tag) =	ssettag $0x1  }
0x1: {  	s0 =	rddreg [dreg:$0x0]  }
0x2: {  	s3 =	rddreg [dreg:$0x1]  }
0x3: {  	s1 =	rddreg [dreg:$0x2]  }
0x4: {  	s2 =	simm.s32 $0x0;
	s6 =	srdreg.scid;
	s21 =	stileid.u32  }
0x5: {  	s28 =	simm.s32 $0x4;
	s29 =	simm.s32 $0x2700;
	s30 =	simm.s32 $0x2780  }
0x6: {  	s31 =	simm.s32 $0x0;
	[smem:$0x7FF] =	sst s2;
	s4 =	sadd.s32 $0xEC00, s3  }
0x7: {  	s5 =	sadd.s32 $0x5DC00, s3;
	s13 =	sand.u32 $0x1, s6;
	s7 =	smul.u32 $0x4F000, s21  }
0x8: {  	s6 =	sadd.s32 $0x4C00, s3;
	s12 =	smul.u32 $0x13C00, s21;
	s3 =	sadd.s32 $0x67C00, s3  }
0x9: {  	_ =	strace $0x8000004A;
	s8 =	ssub.s32 $0x2, s13;
	s17 =	smul.u32 $0x13C000, s13  }
0xa: {  	p0 =	seq.s32 s13, $0x0;
	s9 =	sshrl.u32 s8, $0x1;
	s7 =	sshrl.u32 s7, $0x2  }
0xb: {  	s15 =	sadd.s32 $0x4000, s12;
	s16 =	sadd.s32 $0x8000, s12;
	s18 =	sadd.s32 $0xC000, s12  }
0xc: {  	s19 =	sadd.s32 $0x10000, s12;
	s4 =	smov.u32 @p0 s0;
	s14 =	ssub.s32 s8, s9  }
0xd: {  	s7 =	sadd.s32 s7, s1;
	s8 =	sadd.s32 s15, s1;
	s9 =	sadd.s32 s16, s1  }
0xe: {  	s10 =	sadd.s32 s18, s1;
	s11 =	sadd.s32 s19, s1;
	s20 =	sadd.s32 s12, s17  }
0xf: {  	s12 =	smul.u32 $0x5000, s21;
	s15 =	sadd.s32 s17, s15;
	s23 =	sadd.s32 s17, s16  }
0x10: {  	s24 =	sadd.s32 s17, s18;
	s17 =	sadd.s32 s17, s19;
	s19 =	simm.s32 $0x2800  }
0x11: {  	s20 =	sshrl.u32 s20, $0x3;
	s22 =	sshrl.u32 s15, $0x3;
	s25 =	sshrl.u32 s24, $0x3  }
0x12: {  	s26 =	sshrl.u32 s17, $0x3;
	s18 =	smax.u32 s14, $0x1;
	s24 =	simm.s32 $0x1  }
0x13: {  	s21 =	sadd.s32 s3, s20;
	s13 =	sadd.s32 s3, s22;
	s16 =	sadd.s32 s3, s25  }
0x14: {  	s17 =	sadd.s32 s3, s26;
	s20 =	simm.s32 $0x5;
	s22 =	simm.s32 $0x80  }
0x15: {  	s25 =	simm.s32 $0x2;
	[dreg:$0x5] =	wrdreg s13;
	s13 =	sshrl.u32 s23, $0x3  }
0x16: {  	s26 =	simm.s32 $0x3;
	[dreg:$0x4] =	wrdreg s21;
	s13 =	sadd.s32 s3, s13  }
0x17: {  	v0 =	vimm.f32 $0.0e+00;
	s21 =	simm.s32 $0x1400;
	s23 =	simm.s32 $0x6800;
	[dreg:$0x6] =	wrdreg s13  }
.LBB2_1:
0x18: {  	s0 =	simm.s32 $0x0;
	s3 =	simm.s32 $0x200  }
.LBB2_2:
0x19: {  	p0 =	sne.s32 s3, $0xFE00;
	[tilespmem:s0+$0x2870] =	vst v0  }
0x1a: {  	[tilespmem:s0+$0x2800] =	vst v0  }
0x1b: {  	[tilespmem:s0+$0x2810] =	vst v0  }
.Ltmp0:
0x1c: {  	[tilespmem:s0+$0x2820] =	vst v0;
	(pc) =	sbr.rel @p0 .LBB2_2-.Ltmp0, $4  }
0x1d: {  	[tilespmem:s0+$0x2830] =	vst v0  }
0x1e: {  	[tilespmem:s0+$0x2840] =	vst v0  }
0x1f: {  	[tilespmem:s0+$0x2850] =	vst v0  }
0x20: {  	[tilespmem:s0+$0x2860] =	vst v0;
	s0 =	sshra.s32 s3, $0x2;
	s3 =	sadd.s32 $0x200, s3  }
0x21: {  	[tilespmem:s0+$0x2870] =	vst v0  }
0x22: {  	[tilespmem:s0+$0x2800] =	vst v0  }
0x23: {  	[tilespmem:s0+$0x2810] =	vst v0  }
0x24: {  	[tilespmem:s0+$0x2820] =	vst v0  }
0x25: {  	[tilespmem:s0+$0x2830] =	vst v0  }
0x26: {  	[tilespmem:s0+$0x2840] =	vst v0  }
0x27: {  	[tilespmem:s0+$0x2850] =	vst v0  }
0x28: {  	[tilespmem:s0+$0x2860] =	vst v0  }
0x29: {  	[spmem:s7] =	stream.linear.scatter [tilespmem:s19], [sflag:$0x5], $0x4000, $0x38;
	[tilespmem:$0x1E400] =	vst v63  }
0x2a: {  	_ =	swait.ge [sflag:s20], $0x4000  }
0x2b: {  	[sflag:s20] =	ssyncset.done $0x0  }
0x2c: {  	[sflag:s20] =	ssyncadd.s32 $0xFFFFC000  }
0x2d: {  	[spmem:s8] =	stream.linear.scatter [tilespmem:s19], [sflag:$0x5], $0x4000, $0x38;
	[tilespmem:$0x1E400] =	vst v63  }
0x2e: {  	_ =	swait.ge [sflag:s20], $0x4000  }
0x2f: {  	[sflag:s20] =	ssyncset.done $0x0  }
0x30: {  	[sflag:s20] =	ssyncadd.s32 $0xFFFFC000  }
0x31: {  	[spmem:s9] =	stream.linear.scatter [tilespmem:s19], [sflag:$0x5], $0x4000, $0x38;
	[tilespmem:$0x1E400] =	vst v63  }
0x32: {  	_ =	swait.ge [sflag:s20], $0x4000  }
0x33: {  	[sflag:s20] =	ssyncset.done $0x0  }
0x34: {  	[sflag:s20] =	ssyncadd.s32 $0xFFFFC000  }
0x35: {  	[spmem:s10] =	stream.linear.scatter [tilespmem:s19], [sflag:$0x5], $0x4000, $0x38;
	[tilespmem:$0x1E400] =	vst v63  }
0x36: {  	_ =	swait.ge [sflag:s20], $0x4000  }
0x37: {  	[sflag:s20] =	ssyncset.done $0x0  }
0x38: {  	[sflag:s20] =	ssyncadd.s32 $0xFFFFC000  }
0x39: {  	[spmem:s11] =	stream.linear.scatter [tilespmem:s19], [sflag:$0x5], $0x3C00, $0x38;
	[tilespmem:$0x1E400] =	vst v63  }
0x3a: {  	_ =	swait.ge [sflag:s20], $0x3C00  }
0x3b: {  	[sflag:s20] =	ssyncset.done $0x0  }
0x3c: {  	[sflag:s20] =	ssyncadd.s32 $0xFFFFC400  }
0x3d: {  	s0 =	simm.s32 $0x0;
	s3 =	simm.s32 $0x0;
	[bflag:$0x0] =	sbarrier.arrive $0xFFFF  }
.LBB2_4:
0x3e: {  	s13 =	smul.u32 $0x1400, s3;
	_ =	sdelay $0x1  }
0x3f: {  	s13 =	sadd.s32 s12, s13  }
0x40: {  	s13 =	sshrl.u32 s13, $0x3  }
0x41: {  	s14 =	sadd.s32 s5, s13  }
0x42: {  	[tilespmem:s0], [sflag:$0x5] =	stream.linear.gather [hbm4b:s14+s0], $0x1400, $0x38;
	[tilespmem:$0x1E400] =	vst v63  }
0x43: {  	_ =	swait.ge [sflag:s20], $0x1400  }
0x44: {  	[sflag:s20] =	ssyncset.done $0x0  }
0x45: {  	s13 =	sadd.s32 s6, s13;
	[sflag:s20] =	ssyncadd.s32 $0xFFFFEC00  }
0x46: {  	[tilespmem:s21], [sflag:$0x5] =	stream.linear.gather [hbm4b:s13+s0], $0x1400, $0x38;
	[tilespmem:$0x1E400] =	vst v63  }
0x47: {  	_ =	swait.ge [sflag:s20], $0x1400  }
0x48: {  	[sflag:s20] =	ssyncset.done $0x0  }
0x49: {  	[sflag:s20] =	ssyncadd.s32 $0xFFFFEC00  }
0x4a: {  	[tilespmem:s19], [sflag:$0x1] =	stream.indirect.gather [hbm4b:s4+s22], $0x80, s0, s22, $0xb8;
	[tilespmem:$0x1E400] =	vst v63  }
0x4b: {  	_ = 	snop  }
0x4c: {  	[tilespmem:s23], [sflag:$0x2] =	stream.indirect.gather [hbm4b:s4+s22], $0x80, s22, s22, $0xb8;
	[tilespmem:$0x1E400] =	vst v63  }
0x4d: {  	_ =	swait.ge [sflag:s24], $0x4000  }
0x4e: {  	[sflag:s24] =	ssyncset.done $0x0  }
0x4f: {  	s15 =	simm.s32 $0x1400;
	[sflag:s24] =	ssyncadd.s32 $0xFFFFC000  }
0x50: {  	[spmem:s1] =	stream.indirect.scatter.add.f32 [tilespmem:s19], [sflag:$0x3], $0x80, s15, s22, $0xb8;
	[tilespmem:$0x1E400] =	vst v63  }
0x51: {  	_ =	swait.ge [sflag:s25], $0x4000  }
0x52: {  	[sflag:s25] =	ssyncset.done $0x0  }
0x53: {  	s14 =	simm.s32 $0x1480;
	[sflag:s25] =	ssyncadd.s32 $0xFFFFC000  }
0x54: {  	[spmem:s1] =	stream.indirect.scatter.add.f32 [tilespmem:s23], [sflag:$0x4], $0x80, s14, s22, $0xb8;
	[tilespmem:$0x1E400] =	vst v63  }
0x55: {  	_ =	swait.ge [sflag:s26], $0x4000  }
0x56: {  	[sflag:s26] =	ssyncset.done $0x0  }
0x57: {  	s15 =	simm.s32 $0x100;
	[sflag:s26] =	ssyncadd.s32 $0xFFFFC000  }
0x58: {  	[tilespmem:s19], [sflag:$0x1] =	stream.indirect.gather [hbm4b:s4+s22], $0x80, s15, s22, $0xb8;
	[tilespmem:$0x1E400] =	vst v63  }
0x59: {  	_ =	swait.ge [sflag:s28], $0x4000  }
0x5a: {  	[sflag:s28] =	ssyncset.done $0x0  }
0x5b: {  	s13 =	simm.s32 $0x400;
	s14 =	simm.s32 $0x180;
	[sflag:s28] =	ssyncadd.s32 $0xFFFFC000  }
.LBB2_5:
0x5c: {  	[tilespmem:s23], [sflag:$0x2] =	stream.indirect.gather [hbm4b:s4+s22], $0x80, s14, s22, $0xb8;
	[tilespmem:$0x1E400] =	vst v63  }
0x5d: {  	s14 =	smov.u32 s13  }
0x5e: {  	p0 =	sne.s32 s13, $0x4800;
	s13 =	sadd.s32 $0x400, s13;
	_ =	swait.ge [sflag:s24], $0x4000  }
0x5f: {  	s14 =	sshra.s32 s14, $0x2;
	[sflag:s24] =	ssyncset.done $0x0  }
0x60: {  	s15 =	sadd.s32 $0x1400, s14;
	[sflag:s24] =	ssyncadd.s32 $0xFFFFC000  }
0x61: {  	[spmem:s1] =	stream.indirect.scatter.add.f32 [tilespmem:s19], [sflag:$0x3], $0x80, s15, s22, $0xb8;
	[tilespmem:$0x1E400] =	vst v63  }
0x62: {  	_ =	swait.ge [sflag:s25], $0x4000  }
0x63: {  	[sflag:s25] =	ssyncset.done $0x0  }
0x64: {  	s15 =	sadd.s32 $0x1480, s14;
	[sflag:s25] =	ssyncadd.s32 $0xFFFFC000  }
0x65: {  	[spmem:s1] =	stream.indirect.scatter.add.f32 [tilespmem:s23], [sflag:$0x4], $0x80, s15, s22, $0xb8;
	[tilespmem:$0x1E400] =	vst v63  }
0x66: {  	_ =	swait.ge [sflag:s26], $0x4000  }
0x67: {  	[sflag:s26] =	ssyncset.done $0x0  }
.Ltmp1:
0x68: {  	s15 =	sadd.s32 $0x100, s14;
	[sflag:s26] =	ssyncadd.s32 $0xFFFFC000;
	(pc) =	sbr.rel @p0 .LBB2_5-.Ltmp1, $4  }
0x69: {  	[tilespmem:s19], [sflag:$0x1] =	stream.indirect.gather [hbm4b:s4+s22], $0x80, s15, s22, $0xb8;
	[tilespmem:$0x1E400] =	vst v63  }
0x6a: {  	_ =	swait.ge [sflag:s28], $0x4000  }
0x6b: {  	[sflag:s28] =	ssyncset.done $0x0  }
0x6c: {  	s14 =	sadd.s32 $0x180, s14;
	[sflag:s28] =	ssyncadd.s32 $0xFFFFC000  }
0x6d: {  	[tilespmem:s23], [sflag:$0x2] =	stream.indirect.gather [hbm4b:s4+s22], $0x80, s14, s22, $0xb8;
	[tilespmem:$0x1E400] =	vst v63  }
0x6e: {  	_ =	swait.ge [sflag:s24], $0x4000  }
0x6f: {  	[sflag:s24] =	ssyncset.done $0x0  }
0x70: {  	[sflag:s24] =	ssyncadd.s32 $0xFFFFC000  }
0x71: {  	[spmem:s1] =	stream.indirect.scatter.add.f32 [tilespmem:s19], [sflag:$0x3], $0x80, s29, s22, $0xb8;
	[tilespmem:$0x1E400] =	vst v63  }
0x72: {  	_ =	swait.ge [sflag:s25], $0x4000  }
0x73: {  	[sflag:s25] =	ssyncset.done $0x0  }
0x74: {  	s3 =	sadd.s32 $0x1, s3;
	[sflag:s25] =	ssyncadd.s32 $0xFFFFC000  }
0x75: {  	[spmem:s1] =	stream.indirect.scatter.add.f32 [tilespmem:s23], [sflag:$0x4], $0x80, s30, s22, $0xb8;
	[tilespmem:$0x1E400] =	vst v63  }
0x76: {  	p0 =	sne.s32 s3, $0x4;
	_ =	swait.ge [sflag:s26], $0x4000  }
.Ltmp2:
0x77: {  	[sflag:s26] =	ssyncset.done $0x0;
	(pc) =	sbr.rel @p0 .LBB2_4-.Ltmp2, $4  }
0x78: {  	[sflag:s26] =	ssyncadd.s32 $0xFFFFC000  }
0x79: {  	_ =	swait.ge [sflag:s28], $0x4000  }
0x7a: {  	[sflag:s28] =	ssyncset.done $0x0  }
0x7b: {  	[sflag:s28] =	ssyncadd.s32 $0xFFFFC000  }
0x7c: {  	[bflag:$0x0] =	sbarrier.arrive $0xFFFF  }
0x7d: {  	[tilespmem:s19], [sflag:$0x5] =	stream.linear.gather [spmem:s7], $0x4000, $0x38;
	[tilespmem:$0x1E400] =	vst v63  }
0x7e: {  	_ =	swait.ge [sflag:s20], $0x4000  }
0x7f: {  	[sflag:s20] =	ssyncset.done $0x0  }
0x80: {  	s0 =	rddreg [dreg:$0x4];
	[sflag:s20] =	ssyncadd.s32 $0xFFFFC000  }
0x81: {  	[hbm4b:s0+s2] =	stream.linear.scatter [tilespmem:s19], [sflag:$0x5], $0x4000, $0x38;
	[tilespmem:$0x1E400] =	vst v63  }
0x82: {  	_ =	swait.ge [sflag:s20], $0x4000  }
0x83: {  	[sflag:s20] =	ssyncset.done $0x0  }
0x84: {  	[sflag:s20] =	ssyncadd.s32 $0xFFFFC000  }
0x85: {  	[tilespmem:s19], [sflag:$0x5] =	stream.linear.gather [spmem:s8], $0x4000, $0x38;
	[tilespmem:$0x1E400] =	vst v63  }
0x86: {  	_ =	swait.ge [sflag:s20], $0x4000  }
0x87: {  	[sflag:s20] =	ssyncset.done $0x0  }
0x88: {  	s14 =	rddreg [dreg:$0x5];
	[sflag:s20] =	ssyncadd.s32 $0xFFFFC000  }
0x89: {  	[hbm4b:s14+s2] =	stream.linear.scatter [tilespmem:s19], [sflag:$0x5], $0x4000, $0x38;
	[tilespmem:$0x1E400] =	vst v63  }
0x8a: {  	_ =	swait.ge [sflag:s20], $0x4000  }
0x8b: {  	[sflag:s20] =	ssyncset.done $0x0  }
0x8c: {  	[sflag:s20] =	ssyncadd.s32 $0xFFFFC000  }
0x8d: {  	[tilespmem:s19], [sflag:$0x5] =	stream.linear.gather [spmem:s9], $0x4000, $0x38;
	[tilespmem:$0x1E400] =	vst v63  }
0x8e: {  	_ =	swait.ge [sflag:s20], $0x4000  }
0x8f: {  	[sflag:s20] =	ssyncset.done $0x0  }
0x90: {  	s15 =	rddreg [dreg:$0x6];
	[sflag:s20] =	ssyncadd.s32 $0xFFFFC000  }
0x91: {  	[hbm4b:s15+s2] =	stream.linear.scatter [tilespmem:s19], [sflag:$0x5], $0x4000, $0x38;
	[tilespmem:$0x1E400] =	vst v63  }
0x92: {  	_ =	swait.ge [sflag:s20], $0x4000  }
0x93: {  	[sflag:s20] =	ssyncset.done $0x0  }
0x94: {  	[sflag:s20] =	ssyncadd.s32 $0xFFFFC000  }
0x95: {  	[tilespmem:s19], [sflag:$0x5] =	stream.linear.gather [spmem:s10], $0x4000, $0x38;
	[tilespmem:$0x1E400] =	vst v63  }
0x96: {  	_ =	swait.ge [sflag:s20], $0x4000  }
0x97: {  	[sflag:s20] =	ssyncset.done $0x0  }
0x98: {  	[sflag:s20] =	ssyncadd.s32 $0xFFFFC000  }
0x99: {  	[hbm4b:s16+s2] =	stream.linear.scatter [tilespmem:s19], [sflag:$0x5], $0x4000, $0x38;
	[tilespmem:$0x1E400] =	vst v63  }
0x9a: {  	_ =	swait.ge [sflag:s20], $0x4000  }
0x9b: {  	[sflag:s20] =	ssyncset.done $0x0  }
0x9c: {  	[sflag:s20] =	ssyncadd.s32 $0xFFFFC000  }
0x9d: {  	[tilespmem:s19], [sflag:$0x5] =	stream.linear.gather [spmem:s11], $0x3C00, $0x38;
	[tilespmem:$0x1E400] =	vst v63  }
0x9e: {  	s31 =	sadd.s32 $0x1, s31;
	_ =	swait.ge [sflag:s20], $0x3C00  }
0x9f: {  	p0 =	sne.s32 s31, s18;
	[sflag:s20] =	ssyncset.done $0x0  }
.Ltmp3:
0xa0: {  	[sflag:s20] =	ssyncadd.s32 $0xFFFFC400;
	(pc) =	sbr.rel @p0 .LBB2_1-.Ltmp3, $4  }
0xa1: {  	[hbm4b:s17+s2] =	stream.linear.scatter [tilespmem:s19], [sflag:$0x5], $0x3C00, $0x38;
	[tilespmem:$0x1E400] =	vst v63  }
0xa2: {  	_ =	swait.ge [sflag:s20], $0x3C00  }
0xa3: {  	[sflag:s20] =	ssyncset.done $0x0  }
0xa4: {  	[sflag:s20] =	ssyncadd.s32 $0xFFFFC400  }
0xa5: {  	_ =	sfence.sel $0x180000  }
0xa6: {  	[bflag:$0x0] =	sbarrier.arrive $0xFFFF  }
0xa7: {  	_ =	strace $0x9000004A  }
0xa8: {  	s0 =	stileid.u32;
	[bflag:$0x2] =	sbarrier.arrive $0xFFFF  }
0xa9: {  	p0 =	sne.s32 s0, $0x0;
	s0 =	rddreg [dreg:$0x3]  }
0xaa: {  	s0 =	sadd.s32 @!p0 $0x100000, s0  }
0xab: {  	[sflag:s0] =	ssyncadd.tile.s32 @!p0 $0x1;
	_ =	shalt  }
.Lfunc_end2:
_tile_overlayer_lowered:
.L_overlay_start_2:
0xac: {  	(tag) =	ssettag $0x2  }
0xad: {  	s0 =	rddreg [dreg:$0x0];
	s2 =	stileid.u32  }
0xae: {  	s1 =	rddreg [dreg:$0x1];
	p0 =	sne.s32 s2, $0x0  }
0xaf: {  	s3 =	rddreg [dreg:$0x2];
	[bflag:$0x3] =	sbarrier.arrive $0xFFFF;
	s2 =	simm.s32 @!p0 $0x1C05  }
0xb0: {  	[timem:s3], [sflag:s2] =	dma.local @!p0 [hbm:s0], s1  }
0xb1: {  	s0 =	simm.s32 @!p0 $0x5  }
0xb2: {  	_ =	swait.ge @!p0 [sflag:s0], s1  }
0xb3: {  	s1 =	ssub.s32 @!p0 $0x0, s1;
	[sflag:s0] =	ssyncset.done @!p0 $0x0  }
0xb4: {  	[sflag:s0] =	ssyncadd.s32 @!p0 s1  }
0xb5: {  	[bflag:$0x3] =	sbarrier.arrive $0xFFFF  }
0xb6: {  	_ =	shalt  }

// kernel: kernel.17.cloned.1.call-start
scs
__scs_entry_jumppad:
0x0: {  	(pc) =	sbr.rel $0x88, $3  }
0x1: {  	(tag) =	ssettag $0x0;
	lr =	simm.s32 $0x1  }
0x2: {  	[smem:$0x3F95] =	sst lr;
	_ =	strace $0xD0000000  }
0x3: {  	_ = 	snop  }
0x4: {  	_ = 	snop  }
0x5: {  	_ = 	snop  }
0x6: {  	_ = 	snop  }
0x7: {  	_ = 	snop  }
__scs_overlays_trampoline_lowered:
0x8: {  	[smem:$0x3FA4] =	sst s0  }
0x9: {  	[smem:$0x3FA5] =	sst s1  }
0xa: {  	[smem:$0x3FA6] =	sst s2  }
0xb: {  	[smem:$0x3FA7] =	sst s3  }
0xc: {  	[smem:$0x3FA8] =	sst s4  }
0xd: {  	[smem:$0x3FA9] =	sst s5  }
0xe: {  	[smem:$0x3FAA] =	sst s6  }
0xf: {  	[smem:$0x3FAB] =	sst s7  }
0x10: {  	[smem:$0x3FAC] =	sst s8  }
0x11: {  	[smem:$0x3FAD] =	sst s9;
	s0 =	simm.s32 @!p0 $0x0  }
0x12: {  	s1 =	sld [smem:$0x3F93];
	s0 =	simm.s32 @p0 $0x1  }
0x13: {  	[smem:$0x3FAE] =	sst s0;
	s0 =	simm.s32 @!p1 $0x0  }
0x14: {  	s2 =	sld [smem:$0x3F92];
	s0 =	simm.s32 @p1 $0x1  }
0x15: {  	[smem:$0x3FAF] =	sst s0;
	s0 =	simm.s32 @!p2 $0x0  }
0x16: {  	s3 =	sld [smem:$0x3FDB];
	s0 =	simm.s32 @p2 $0x1  }
0x17: {  	s4 =	simm.s32 $0x1BF5;
	[smem:$0x3FB1] =	sst s0  }
0x18: {  	s0 =	sld [smem:$0x3F94];
	_ =	swait.ge [sflag:s4], $0x0  }
0x19: {  	s7 =	sld [smem:$0x3F95]  }
0x1a: {  	s8 =	sadd.s32 $0xFFFFE003, lr  }
0x1b: {  	s9 =	sadd.s32 $0xFFFFFEF7, lr;
	s5 =	simm.s32 $0xFFFFFFFF;
	p2 =	slt.u32 s8, $0xFFFFF086  }
0x1c: {  	p1 =	slt.u32 s9, $0xF7A;
	s5 =	simm.s32 @!p2 $0x0  }
0x1d: {  	s5 =	simm.s32 @p1 $0x1;
	p0 =	seq.s32 s7, s2  }
0x1e: {  	s7 =	smul.u32 @!p0 $0xF7A, s2;
	p2 =	seq.s32 @!p0 s5, $0x0  }
0x1f: {  	s9 =	smul.u32 $0xF7A, s1;
	s8 =	simm.s32 @!p0 $0x1BF5;
	p2 =	por !p2, p0  }
0x20: {  	[sflag:s8] =	ssyncset.s32 @!p0 $0xFFFFF086;
	s6 =	sadd.s32 @!p0 s3, s7;
	s7 =	simm.s32 @!p0 $0x108  }
0x21: {  	s3 =	sadd.s32 s3, s9;
	s6 =	sadd.s32 @!p0 $0x88, s6;
	s7 =	simm.s32 @p2 $0x1082  }
0x22: {  	[simem:s7], [sflag:s8] =	dma.local @!p0 [hbm:s6], $0xF7A  }
0x23: {  	s9 =	sor.u32 $0xD0000000, s2;
	s6 =	simm.s32 $0x108;
	_ =	swait.ge @!p0 [sflag:s8], $0x0  }
0x24: {  	s3 =	sadd.s32 $0x88, s3;
	s6 =	simm.s32 @!p1 $0x1082;
	[sflag:s4] =	ssyncset.s32 $0xFFFFF086  }
0x25: {  	[simem:s6], [sflag:s4] =	dma.local [hbm:s3], $0xF7A  }
0x26: {  	[smem:$0x3F95] =	sst s1;
	(tag) =	ssettag s2;
	_ =	strace s9  }
0x27: {  	s1 =	sld [smem:$0x3FA5]  }
0x28: {  	s2 =	sld [smem:$0x3FA6]  }
0x29: {  	s4 =	sld [smem:$0x3FA8]  }
0x2a: {  	p0 =	seq.s32 s5, $0x0;
	s5 =	sld [smem:$0x3FA9]  }
0x2b: {  	s6 =	sld [smem:$0x3FAA]  }
0x2c: {  	s7 =	sld [smem:$0x3FAB]  }
0x2d: {  	s3 =	simm.s32 $0x108;
	s8 =	sld [smem:$0x3FAC]  }
0x2e: {  	s3 =	simm.s32 @!p0 $0x1082;
	s9 =	sld [smem:$0x3FAD]  }
0x2f: {  	lr =	sadd.s32 s0, s3;
	s0 =	sld [smem:$0x3FA4]  }
0x30: {  	s3 =	sld [smem:$0x3FA7]  }
0x31: {  	[smem:$0x3FB0] =	sst s10  }
0x32: {  	s10 =	sld [smem:$0x3FAE];
	_ =	sdelay $0x3  }
0x33: {  	p0 =	seq.s32 s10, $0x1;
	s10 =	sld [smem:$0x3FB0];
	_ =	sdelay $0x3  }
0x34: {  	[smem:$0x3FB0] =	sst s10  }
0x35: {  	s10 =	sld [smem:$0x3FAF];
	_ =	sdelay $0x3  }
0x36: {  	p1 =	seq.s32 s10, $0x1;
	s10 =	sld [smem:$0x3FB0];
	_ =	sdelay $0x3  }
0x37: {  	[smem:$0x3FB0] =	sst s10  }
0x38: {  	s10 =	sld [smem:$0x3FB1]  }
0x39: {  	_ = 	snop;
	(pc) =	sbr.ind lr, $3  }
0x3a: {  	_ = 	snop  }
0x3b: {  	_ = 	snop  }
0x3c: {  	p2 =	seq.s32 s10, $0x1;
	s10 =	sld [smem:$0x3FB0]  }
0x3d: {  	_ =	shalt  }
0x3e: {  	_ =	shalt  }
0x3f: {  	_ =	shalt  }
0x40: {  	_ =	shalt  }
0x41: {  	_ =	shalt  }
0x42: {  	_ =	shalt  }
0x43: {  	_ =	shalt  }
0x44: {  	_ =	shalt  }
0x45: {  	_ =	shalt  }
0x46: {  	_ =	shalt  }
0x47: {  	_ =	shalt  }
0x48: {  	_ =	shalt  }
0x49: {  	_ =	shalt  }
0x4a: {  	_ =	shalt  }
0x4b: {  	_ =	shalt  }
0x4c: {  	_ =	shalt  }
0x4d: {  	_ =	shalt  }
0x4e: {  	_ =	shalt  }
0x4f: {  	_ =	shalt  }
0x50: {  	_ =	shalt  }
0x51: {  	_ =	shalt  }
0x52: {  	_ =	shalt  }
0x53: {  	_ =	shalt  }
0x54: {  	_ =	shalt  }
0x55: {  	_ =	shalt  }
0x56: {  	_ =	shalt  }
0x57: {  	_ =	shalt  }
0x58: {  	_ =	shalt  }
0x59: {  	_ =	shalt  }
0x5a: {  	_ =	shalt  }
0x5b: {  	_ =	shalt  }
0x5c: {  	_ =	shalt  }
0x5d: {  	_ =	shalt  }
0x5e: {  	_ =	shalt  }
0x5f: {  	_ =	shalt  }
0x60: {  	_ =	shalt  }
0x61: {  	_ =	shalt  }
0x62: {  	_ =	shalt  }
0x63: {  	_ =	shalt  }
0x64: {  	_ =	shalt  }
0x65: {  	_ =	shalt  }
0x66: {  	_ =	shalt  }
0x67: {  	_ =	shalt  }
0x68: {  	_ =	shalt  }
0x69: {  	_ =	shalt  }
0x6a: {  	_ =	shalt  }
0x6b: {  	_ =	shalt  }
0x6c: {  	_ =	shalt  }
0x6d: {  	_ =	shalt  }
0x6e: {  	_ =	shalt  }
0x6f: {  	_ =	shalt  }
0x70: {  	_ =	shalt  }
0x71: {  	_ =	shalt  }
0x72: {  	_ =	shalt  }
0x73: {  	_ =	shalt  }
0x74: {  	_ =	shalt  }
0x75: {  	_ =	shalt  }
0x76: {  	_ =	shalt  }
0x77: {  	_ =	shalt  }
0x78: {  	_ =	shalt  }
0x79: {  	_ =	shalt  }
0x7a: {  	_ =	shalt  }
0x7b: {  	_ =	shalt  }
0x7c: {  	_ =	shalt  }
0x7d: {  	_ =	shalt  }
0x7e: {  	_ =	shalt  }
0x7f: {  	_ =	shalt  }
0x80: {  	_ =	shalt  }
0x81: {  	_ =	shalt  }
0x82: {  	_ =	shalt  }
0x83: {  	_ =	shalt  }
0x84: {  	_ =	shalt  }
0x85: {  	_ =	shalt  }
0x86: {  	_ =	shalt  }
0x87: {  	_ =	shalt  }
.Lfunc_end0:
.L_simem_size_0:
called_computation.2_lowered:
.L_overlay_start_0:
0x88: {  	s2 =	sld [smem:$0x3FD9]  }
0x89: {  	s3 =	sld [smem:$0x3FFE];
	_ =	sdelay $0x1  }
0x8a: {  	s1 =	srdreg.scid  }
0x8b: {  	s0 =	sand.u32 $0x1, s1  }
0x8c: {  	s14 =	sshll.u32 s0, $0xA;
	s2 =	sadd.s32 s3, s2  }
0x8d: {  	s2 =	sadd.s32 s2, s14  }
0x8e: {  	[smem:$0x3FBC] =	sst s2  }
0x8f: {  	_ = 	snop  }
0x90: {  	s2 =	sld [smem:$0x3FD0];
	_ =	sdelay $0x2  }
0x91: {  	s15 =	simm.s32 $0xA;
	s4 =	simm.s32 $0x10  }
0x92: {  	[smem:s4], [sflag:s15] =	dma.local [hbm:s2], $0x1  }
0x93: {  	_ =	swait.eq [sflag:s15], $0x1  }
0x94: {  	[sflag:s15] =	ssyncset.done $0x0  }
0x95: {  	[sflag:s15] =	ssyncadd.s32 $0xFFFFFFFF  }
0x96: {  	s16 =	sld [smem:$0x11];
	(tm) =	ssettm $0x1  }
0x97: {  	s17 =	sld [smem:$0x3FFB];
	_ =	sdelay $0x3  }
0x98: {  	_ =	strace s17  }
0x99: {  	s3 =	sld [smem:$0x3FFC];
	_ =	sdelay $0x3  }
0x9a: {  	_ =	strace s3  }
0x9b: {  	s3 =	sld [smem:$0x3FFD];
	_ =	sdelay $0x3  }
0x9c: {  	_ =	strace s3  }
0x9d: {  	_ =	strace $0x8FFFFFFF  }
0x9e: {  	s18 =	sld [smem:$0x3FDB];
	_ =	sdelay $0x1  }
0x9f: {  	s19 =	simm.s32 $_scs_section_size  }
0xa0: {  	s5 =	simm.s32 $_size__tile_overlayer_lowered;
	s6 =	simm.s32 $_tile_overlayer_lowered  }
0xa1: {  	s22 =	simm.s32 $0x1BFF;
	s21 =	sshll.u32 s6, $0x1;
	s3 =	sadd.s32 s19, s18  }
0xa2: {  	s7 =	simm.s32 $0x0;
	s20 =	sshll.u32 s5, $0x1;
	s5 =	sadd.s32 s21, s3  }
0xa3: {  	[timem:s7], [sflag:s22] =	dma.local [hbm:s5], s20  }
0xa4: {  	_ =	swait.ge [sflag:s22], s20  }
0xa5: {  	s4 =	ssub.s32 $0x0, s20;
	[sflag:s22] =	ssyncset.done $0x0  }
0xa6: {  	[sflag:s22] =	ssyncadd.s32 s4;
	_ =	sdelay $0x1  }
0xa7: {  	s23 =	simm.s32 $0x1B8B  }
0xa8: {  	_ =	swait.ge [sflag:s23], $0x1  }
0xa9: {  	[sflag:s23] =	ssyncset.done $0x0  }
0xaa: {  	s25 =	simm.s32 $0x1B8E;
	s24 =	sld [smem:$0x3FFE];
	[sflag:s23] =	ssyncadd.s32 $0xFFFFFFFF  }
0xab: {  	s26 =	simm.s32 $execute0_lowered;
	[smem:$0x3FD2] =	sst s25  }
0xac: {  	s5 =	sshll.u32 s26, $0x1;
	_ =	strace $0x8000004C;
	[dreg:$0x1] =	wrdreg $0xFFFFFFFF  }
0xad: {  	s28 =	simm.s32 $_size_execute0_lowered;
	s3 =	sadd.s32 s3, s5;
	[dreg:$0x0] =	wrdreg $0x0  }
0xae: {  	s5 =	sshll.u32 s28, $0x1;
	[dreg:$0x2] =	wrdreg s3  }
0xaf: {  	[dreg:$0x3] =	wrdreg s5  }
0xb0: {  	[dreg:$0x4] =	wrdreg $0xC0  }
0xb1: {  	_ =	task [dreg:s7], $0x5FFFF  }
0xb2: {  	[dreg:$0x1] =	wrdreg $0xFFFFFFFF  }
0xb3: {  	[dreg:$0x0] =	wrdreg $0x60  }
0xb4: {  	[dreg:$0x2] =	wrdreg s16  }
0xb5: {  	[dreg:$0x3] =	wrdreg s24  }
0xb6: {  	[dreg:$0x4] =	wrdreg $0xA8000  }
0xb7: {  	[dreg:$0x5] =	wrdreg $0x9  }
0xb8: {  	_ =	task.clear_ibuf [dreg:s7], $0x6FFFF;
	_ =	strace $0x9000004C  }
0xb9: {  	s29 =	simm.s32 $0x9;
	_ =	strace $0x8000004E  }
0xba: {  	_ =	swait.ge [sflag:s29], $0x1  }
0xbb: {  	[sflag:s29] =	ssyncadd.s32 $0xFFFFFFFF  }
0xbc: {  	_ =	strace $0x9000004E  }
0xbd: {  	_ =	sfence  }
0xbe: {  	s30 =	sld [smem:$0x0];
	_ =	sdelay $0x2  }
0xbf: {  	s31 =	sshll.u32 s1, $0xD;
	s1 =	sshrl.u32 s1, $0x2  }
0xc0: {  	s3 =	sand.u32 $0x4000, s31;
	s1 =	sadd.s32 s1, s30  }
0xc1: {  	s0 =	sor.u32 s3, s0;
	s1 =	sshll.u32 s1, $0x11  }
0xc2: {  	s0 =	sor.u32 s1, s0  }
0xc3: {  	s0 =	sadd.s32 $0x8F2B, s0  }
0xc4: {  	[sflag:s0] =	ssyncadd.remote.s32 $0x1  }
0xc5: {  	_ =	sfence.sel $0xFFFF  }
0xc6: {  	[dreg:$0x0] =	wrdreg $0xFFFFFFFF;
	(pc) =	sbr.abs _section_cstart, $3  }
0xc7: {  	[dreg:$0x1] =	wrdreg $0xFFFFFFFF  }
0xc8: {  	_ =	task.clear_ibuf [dreg:s7], $0x2FFFF;
	_ =	strace $0x9FFFFFFF  }
0xc9: {  	(tm) =	ssettm $0x7FFFFFFF  }
tec
execute0_lowered:
.L_overlay_start_1:
0x0: {  	(tag) =	ssettag $0x1  }
0x1: {  	s0 =	rddreg [dreg:$0x0]  }
0x2: {  	s3 =	rddreg [dreg:$0x1]  }
0x3: {  	s1 =	rddreg [dreg:$0x2]  }
0x4: {  	s2 =	simm.s32 $0x0;
	s6 =	srdreg.scid;
	s21 =	stileid.u32  }
0x5: {  	s28 =	simm.s32 $0x4;
	s29 =	simm.s32 $0x2700;
	s30 =	simm.s32 $0x2780  }
0x6: {  	s31 =	simm.s32 $0x0;
	[smem:$0x7FF] =	sst s2;
	s4 =	sadd.s32 $0xEC00, s3  }
0x7: {  	s5 =	sadd.s32 $0x5DC00, s3;
	s13 =	sand.u32 $0x1, s6;
	s7 =	smul.u32 $0x4F000, s21  }
0x8: {  	s6 =	sadd.s32 $0x4C00, s3;
	s12 =	smul.u32 $0x13C00, s21;
	s3 =	sadd.s32 $0x67C00, s3  }
0x9: {  	_ =	strace $0x8000004D;
	s8 =	ssub.s32 $0x2, s13;
	s17 =	smul.u32 $0x13C000, s13  }
0xa: {  	p0 =	seq.s32 s13, $0x0;
	s9 =	sshrl.u32 s8, $0x1;
	s7 =	sshrl.u32 s7, $0x2  }
0xb: {  	s15 =	sadd.s32 $0x4000, s12;
	s16 =	sadd.s32 $0x8000, s12;
	s18 =	sadd.s32 $0xC000, s12  }
0xc: {  	s19 =	sadd.s32 $0x10000, s12;
	s4 =	smov.u32 @p0 s0;
	s14 =	ssub.s32 s8, s9  }
0xd: {  	s7 =	sadd.s32 s7, s1;
	s8 =	sadd.s32 s15, s1;
	s9 =	sadd.s32 s16, s1  }
0xe: {  	s10 =	sadd.s32 s18, s1;
	s11 =	sadd.s32 s19, s1;
	s20 =	sadd.s32 s12, s17  }
0xf: {  	s12 =	smul.u32 $0x5000, s21;
	s15 =	sadd.s32 s17, s15;
	s23 =	sadd.s32 s17, s16  }
0x10: {  	s24 =	sadd.s32 s17, s18;
	s17 =	sadd.s32 s17, s19;
	s19 =	simm.s32 $0x2800  }
0x11: {  	s20 =	sshrl.u32 s20, $0x3;
	s22 =	sshrl.u32 s15, $0x3;
	s25 =	sshrl.u32 s24, $0x3  }
0x12: {  	s26 =	sshrl.u32 s17, $0x3;
	s18 =	smax.u32 s14, $0x1;
	s24 =	simm.s32 $0x1  }
0x13: {  	s21 =	sadd.s32 s3, s20;
	s13 =	sadd.s32 s3, s22;
	s16 =	sadd.s32 s3, s25  }
0x14: {  	s17 =	sadd.s32 s3, s26;
	s20 =	simm.s32 $0x5;
	s22 =	simm.s32 $0x80  }
0x15: {  	s25 =	simm.s32 $0x2;
	[dreg:$0x5] =	wrdreg s13;
	s13 =	sshrl.u32 s23, $0x3  }
0x16: {  	s26 =	simm.s32 $0x3;
	[dreg:$0x4] =	wrdreg s21;
	s13 =	sadd.s32 s3, s13  }
0x17: {  	v0 =	vimm.f32 $0.0e+00;
	s21 =	simm.s32 $0x1400;
	s23 =	simm.s32 $0x6800;
	[dreg:$0x6] =	wrdreg s13  }
.LBB2_1:
0x18: {  	s0 =	simm.s32 $0x0;
	s3 =	simm.s32 $0x200  }
.LBB2_2:
0x19: {  	p0 =	sne.s32 s3, $0xFE00;
	[tilespmem:s0+$0x2870] =	vst v0  }
0x1a: {  	[tilespmem:s0+$0x2800] =	vst v0  }
0x1b: {  	[tilespmem:s0+$0x2810] =	vst v0  }
.Ltmp0:
0x1c: {  	[tilespmem:s0+$0x2820] =	vst v0;
	(pc) =	sbr.rel @p0 .LBB2_2-.Ltmp0, $4  }
0x1d: {  	[tilespmem:s0+$0x2830] =	vst v0  }
0x1e: {  	[tilespmem:s0+$0x2840] =	vst v0  }
0x1f: {  	[tilespmem:s0+$0x2850] =	vst v0  }
0x20: {  	[tilespmem:s0+$0x2860] =	vst v0;
	s0 =	sshra.s32 s3, $0x2;
	s3 =	sadd.s32 $0x200, s3  }
0x21: {  	[tilespmem:s0+$0x2870] =	vst v0  }
0x22: {  	[tilespmem:s0+$0x2800] =	vst v0  }
0x23: {  	[tilespmem:s0+$0x2810] =	vst v0  }
0x24: {  	[tilespmem:s0+$0x2820] =	vst v0  }
0x25: {  	[tilespmem:s0+$0x2830] =	vst v0  }
0x26: {  	[tilespmem:s0+$0x2840] =	vst v0  }
0x27: {  	[tilespmem:s0+$0x2850] =	vst v0  }
0x28: {  	[tilespmem:s0+$0x2860] =	vst v0  }
0x29: {  	[spmem:s7] =	stream.linear.scatter [tilespmem:s19], [sflag:$0x5], $0x4000, $0x38;
	[tilespmem:$0x1E400] =	vst v63  }
0x2a: {  	_ =	swait.ge [sflag:s20], $0x4000  }
0x2b: {  	[sflag:s20] =	ssyncset.done $0x0  }
0x2c: {  	[sflag:s20] =	ssyncadd.s32 $0xFFFFC000  }
0x2d: {  	[spmem:s8] =	stream.linear.scatter [tilespmem:s19], [sflag:$0x5], $0x4000, $0x38;
	[tilespmem:$0x1E400] =	vst v63  }
0x2e: {  	_ =	swait.ge [sflag:s20], $0x4000  }
0x2f: {  	[sflag:s20] =	ssyncset.done $0x0  }
0x30: {  	[sflag:s20] =	ssyncadd.s32 $0xFFFFC000  }
0x31: {  	[spmem:s9] =	stream.linear.scatter [tilespmem:s19], [sflag:$0x5], $0x4000, $0x38;
	[tilespmem:$0x1E400] =	vst v63  }
0x32: {  	_ =	swait.ge [sflag:s20], $0x4000  }
0x33: {  	[sflag:s20] =	ssyncset.done $0x0  }
0x34: {  	[sflag:s20] =	ssyncadd.s32 $0xFFFFC000  }
0x35: {  	[spmem:s10] =	stream.linear.scatter [tilespmem:s19], [sflag:$0x5], $0x4000, $0x38;
	[tilespmem:$0x1E400] =	vst v63  }
0x36: {  	_ =	swait.ge [sflag:s20], $0x4000  }
0x37: {  	[sflag:s20] =	ssyncset.done $0x0  }
0x38: {  	[sflag:s20] =	ssyncadd.s32 $0xFFFFC000  }
0x39: {  	[spmem:s11] =	stream.linear.scatter [tilespmem:s19], [sflag:$0x5], $0x3C00, $0x38;
	[tilespmem:$0x1E400] =	vst v63  }
0x3a: {  	_ =	swait.ge [sflag:s20], $0x3C00  }
0x3b: {  	[sflag:s20] =	ssyncset.done $0x0  }
0x3c: {  	[sflag:s20] =	ssyncadd.s32 $0xFFFFC400  }
0x3d: {  	s0 =	simm.s32 $0x0;
	s3 =	simm.s32 $0x0;
	[bflag:$0x0] =	sbarrier.arrive $0xFFFF  }
.LBB2_4:
0x3e: {  	s13 =	smul.u32 $0x1400, s3;
	_ =	sdelay $0x1  }
0x3f: {  	s13 =	sadd.s32 s12, s13  }
0x40: {  	s13 =	sshrl.u32 s13, $0x3  }
0x41: {  	s14 =	sadd.s32 s5, s13  }
0x42: {  	[tilespmem:s0], [sflag:$0x5] =	stream.linear.gather [hbm4b:s14+s0], $0x1400, $0x38;
	[tilespmem:$0x1E400] =	vst v63  }
0x43: {  	_ =	swait.ge [sflag:s20], $0x1400  }
0x44: {  	[sflag:s20] =	ssyncset.done $0x0  }
0x45: {  	s13 =	sadd.s32 s6, s13;
	[sflag:s20] =	ssyncadd.s32 $0xFFFFEC00  }
0x46: {  	[tilespmem:s21], [sflag:$0x5] =	stream.linear.gather [hbm4b:s13+s0], $0x1400, $0x38;
	[tilespmem:$0x1E400] =	vst v63  }
0x47: {  	_ =	swait.ge [sflag:s20], $0x1400  }
0x48: {  	[sflag:s20] =	ssyncset.done $0x0  }
0x49: {  	[sflag:s20] =	ssyncadd.s32 $0xFFFFEC00  }
0x4a: {  	[tilespmem:s19], [sflag:$0x1] =	stream.indirect.gather [hbm4b:s4+s22], $0x80, s0, s22, $0xb8;
	[tilespmem:$0x1E400] =	vst v63  }
0x4b: {  	_ = 	snop  }
0x4c: {  	[tilespmem:s23], [sflag:$0x2] =	stream.indirect.gather [hbm4b:s4+s22], $0x80, s22, s22, $0xb8;
	[tilespmem:$0x1E400] =	vst v63  }
0x4d: {  	_ =	swait.ge [sflag:s24], $0x4000  }
0x4e: {  	[sflag:s24] =	ssyncset.done $0x0  }
0x4f: {  	s15 =	simm.s32 $0x1400;
	[sflag:s24] =	ssyncadd.s32 $0xFFFFC000  }
0x50: {  	[spmem:s1] =	stream.indirect.scatter.add.f32 [tilespmem:s19], [sflag:$0x3], $0x80, s15, s22, $0xb8;
	[tilespmem:$0x1E400] =	vst v63  }
0x51: {  	_ =	swait.ge [sflag:s25], $0x4000  }
0x52: {  	[sflag:s25] =	ssyncset.done $0x0  }
0x53: {  	s14 =	simm.s32 $0x1480;
	[sflag:s25] =	ssyncadd.s32 $0xFFFFC000  }
0x54: {  	[spmem:s1] =	stream.indirect.scatter.add.f32 [tilespmem:s23], [sflag:$0x4], $0x80, s14, s22, $0xb8;
	[tilespmem:$0x1E400] =	vst v63  }
0x55: {  	_ =	swait.ge [sflag:s26], $0x4000  }
0x56: {  	[sflag:s26] =	ssyncset.done $0x0  }
0x57: {  	s15 =	simm.s32 $0x100;
	[sflag:s26] =	ssyncadd.s32 $0xFFFFC000  }
0x58: {  	[tilespmem:s19], [sflag:$0x1] =	stream.indirect.gather [hbm4b:s4+s22], $0x80, s15, s22, $0xb8;
	[tilespmem:$0x1E400] =	vst v63  }
0x59: {  	_ =	swait.ge [sflag:s28], $0x4000  }
0x5a: {  	[sflag:s28] =	ssyncset.done $0x0  }
0x5b: {  	s13 =	simm.s32 $0x400;
	s14 =	simm.s32 $0x180;
	[sflag:s28] =	ssyncadd.s32 $0xFFFFC000  }
.LBB2_5:
0x5c: {  	[tilespmem:s23], [sflag:$0x2] =	stream.indirect.gather [hbm4b:s4+s22], $0x80, s14, s22, $0xb8;
	[tilespmem:$0x1E400] =	vst v63  }
0x5d: {  	s14 =	smov.u32 s13  }
0x5e: {  	p0 =	sne.s32 s13, $0x4800;
	s13 =	sadd.s32 $0x400, s13;
	_ =	swait.ge [sflag:s24], $0x4000  }
0x5f: {  	s14 =	sshra.s32 s14, $0x2;
	[sflag:s24] =	ssyncset.done $0x0  }
0x60: {  	s15 =	sadd.s32 $0x1400, s14;
	[sflag:s24] =	ssyncadd.s32 $0xFFFFC000  }
0x61: {  	[spmem:s1] =	stream.indirect.scatter.add.f32 [tilespmem:s19], [sflag:$0x3], $0x80, s15, s22, $0xb8;
	[tilespmem:$0x1E400] =	vst v63  }
0x62: {  	_ =	swait.ge [sflag:s25], $0x4000  }
0x63: {  	[sflag:s25] =	ssyncset.done $0x0  }
0x64: {  	s15 =	sadd.s32 $0x1480, s14;
	[sflag:s25] =	ssyncadd.s32 $0xFFFFC000  }
0x65: {  	[spmem:s1] =	stream.indirect.scatter.add.f32 [tilespmem:s23], [sflag:$0x4], $0x80, s15, s22, $0xb8;
	[tilespmem:$0x1E400] =	vst v63  }
0x66: {  	_ =	swait.ge [sflag:s26], $0x4000  }
0x67: {  	[sflag:s26] =	ssyncset.done $0x0  }
.Ltmp1:
0x68: {  	s15 =	sadd.s32 $0x100, s14;
	[sflag:s26] =	ssyncadd.s32 $0xFFFFC000;
	(pc) =	sbr.rel @p0 .LBB2_5-.Ltmp1, $4  }
0x69: {  	[tilespmem:s19], [sflag:$0x1] =	stream.indirect.gather [hbm4b:s4+s22], $0x80, s15, s22, $0xb8;
	[tilespmem:$0x1E400] =	vst v63  }
0x6a: {  	_ =	swait.ge [sflag:s28], $0x4000  }
0x6b: {  	[sflag:s28] =	ssyncset.done $0x0  }
0x6c: {  	s14 =	sadd.s32 $0x180, s14;
	[sflag:s28] =	ssyncadd.s32 $0xFFFFC000  }
0x6d: {  	[tilespmem:s23], [sflag:$0x2] =	stream.indirect.gather [hbm4b:s4+s22], $0x80, s14, s22, $0xb8;
	[tilespmem:$0x1E400] =	vst v63  }
0x6e: {  	_ =	swait.ge [sflag:s24], $0x4000  }
0x6f: {  	[sflag:s24] =	ssyncset.done $0x0  }
0x70: {  	[sflag:s24] =	ssyncadd.s32 $0xFFFFC000  }
0x71: {  	[spmem:s1] =	stream.indirect.scatter.add.f32 [tilespmem:s19], [sflag:$0x3], $0x80, s29, s22, $0xb8;
	[tilespmem:$0x1E400] =	vst v63  }
0x72: {  	_ =	swait.ge [sflag:s25], $0x4000  }
0x73: {  	[sflag:s25] =	ssyncset.done $0x0  }
0x74: {  	s3 =	sadd.s32 $0x1, s3;
	[sflag:s25] =	ssyncadd.s32 $0xFFFFC000  }
0x75: {  	[spmem:s1] =	stream.indirect.scatter.add.f32 [tilespmem:s23], [sflag:$0x4], $0x80, s30, s22, $0xb8;
	[tilespmem:$0x1E400] =	vst v63  }
0x76: {  	p0 =	sne.s32 s3, $0x4;
	_ =	swait.ge [sflag:s26], $0x4000  }
.Ltmp2:
0x77: {  	[sflag:s26] =	ssyncset.done $0x0;
	(pc) =	sbr.rel @p0 .LBB2_4-.Ltmp2, $4  }
0x78: {  	[sflag:s26] =	ssyncadd.s32 $0xFFFFC000  }
0x79: {  	_ =	swait.ge [sflag:s28], $0x4000  }
0x7a: {  	[sflag:s28] =	ssyncset.done $0x0  }
0x7b: {  	[sflag:s28] =	ssyncadd.s32 $0xFFFFC000  }
0x7c: {  	[bflag:$0x0] =	sbarrier.arrive $0xFFFF  }
0x7d: {  	[tilespmem:s19], [sflag:$0x5] =	stream.linear.gather [spmem:s7], $0x4000, $0x38;
	[tilespmem:$0x1E400] =	vst v63  }
0x7e: {  	_ =	swait.ge [sflag:s20], $0x4000  }
0x7f: {  	[sflag:s20] =	ssyncset.done $0x0  }
0x80: {  	s0 =	rddreg [dreg:$0x4];
	[sflag:s20] =	ssyncadd.s32 $0xFFFFC000  }
0x81: {  	[hbm4b:s0+s2] =	stream.linear.scatter [tilespmem:s19], [sflag:$0x5], $0x4000, $0x38;
	[tilespmem:$0x1E400] =	vst v63  }
0x82: {  	_ =	swait.ge [sflag:s20], $0x4000  }
0x83: {  	[sflag:s20] =	ssyncset.done $0x0  }
0x84: {  	[sflag:s20] =	ssyncadd.s32 $0xFFFFC000  }
0x85: {  	[tilespmem:s19], [sflag:$0x5] =	stream.linear.gather [spmem:s8], $0x4000, $0x38;
	[tilespmem:$0x1E400] =	vst v63  }
0x86: {  	_ =	swait.ge [sflag:s20], $0x4000  }
0x87: {  	[sflag:s20] =	ssyncset.done $0x0  }
0x88: {  	s14 =	rddreg [dreg:$0x5];
	[sflag:s20] =	ssyncadd.s32 $0xFFFFC000  }
0x89: {  	[hbm4b:s14+s2] =	stream.linear.scatter [tilespmem:s19], [sflag:$0x5], $0x4000, $0x38;
	[tilespmem:$0x1E400] =	vst v63  }
0x8a: {  	_ =	swait.ge [sflag:s20], $0x4000  }
0x8b: {  	[sflag:s20] =	ssyncset.done $0x0  }
0x8c: {  	[sflag:s20] =	ssyncadd.s32 $0xFFFFC000  }
0x8d: {  	[tilespmem:s19], [sflag:$0x5] =	stream.linear.gather [spmem:s9], $0x4000, $0x38;
	[tilespmem:$0x1E400] =	vst v63  }
0x8e: {  	_ =	swait.ge [sflag:s20], $0x4000  }
0x8f: {  	[sflag:s20] =	ssyncset.done $0x0  }
0x90: {  	s15 =	rddreg [dreg:$0x6];
	[sflag:s20] =	ssyncadd.s32 $0xFFFFC000  }
0x91: {  	[hbm4b:s15+s2] =	stream.linear.scatter [tilespmem:s19], [sflag:$0x5], $0x4000, $0x38;
	[tilespmem:$0x1E400] =	vst v63  }
0x92: {  	_ =	swait.ge [sflag:s20], $0x4000  }
0x93: {  	[sflag:s20] =	ssyncset.done $0x0  }
0x94: {  	[sflag:s20] =	ssyncadd.s32 $0xFFFFC000  }
0x95: {  	[tilespmem:s19], [sflag:$0x5] =	stream.linear.gather [spmem:s10], $0x4000, $0x38;
	[tilespmem:$0x1E400] =	vst v63  }
0x96: {  	_ =	swait.ge [sflag:s20], $0x4000  }
0x97: {  	[sflag:s20] =	ssyncset.done $0x0  }
0x98: {  	[sflag:s20] =	ssyncadd.s32 $0xFFFFC000  }
0x99: {  	[hbm4b:s16+s2] =	stream.linear.scatter [tilespmem:s19], [sflag:$0x5], $0x4000, $0x38;
	[tilespmem:$0x1E400] =	vst v63  }
0x9a: {  	_ =	swait.ge [sflag:s20], $0x4000  }
0x9b: {  	[sflag:s20] =	ssyncset.done $0x0  }
0x9c: {  	[sflag:s20] =	ssyncadd.s32 $0xFFFFC000  }
0x9d: {  	[tilespmem:s19], [sflag:$0x5] =	stream.linear.gather [spmem:s11], $0x3C00, $0x38;
	[tilespmem:$0x1E400] =	vst v63  }
0x9e: {  	s31 =	sadd.s32 $0x1, s31;
	_ =	swait.ge [sflag:s20], $0x3C00  }
0x9f: {  	p0 =	sne.s32 s31, s18;
	[sflag:s20] =	ssyncset.done $0x0  }
.Ltmp3:
0xa0: {  	[sflag:s20] =	ssyncadd.s32 $0xFFFFC400;
	(pc) =	sbr.rel @p0 .LBB2_1-.Ltmp3, $4  }
0xa1: {  	[hbm4b:s17+s2] =	stream.linear.scatter [tilespmem:s19], [sflag:$0x5], $0x3C00, $0x38;
	[tilespmem:$0x1E400] =	vst v63  }
0xa2: {  	_ =	swait.ge [sflag:s20], $0x3C00  }
0xa3: {  	[sflag:s20] =	ssyncset.done $0x0  }
0xa4: {  	[sflag:s20] =	ssyncadd.s32 $0xFFFFC400  }
0xa5: {  	_ =	sfence.sel $0x180000  }
0xa6: {  	[bflag:$0x0] =	sbarrier.arrive $0xFFFF  }
0xa7: {  	_ =	strace $0x9000004D  }
0xa8: {  	s0 =	stileid.u32;
	[bflag:$0x2] =	sbarrier.arrive $0xFFFF  }
0xa9: {  	p0 =	sne.s32 s0, $0x0;
	s0 =	rddreg [dreg:$0x3]  }
0xaa: {  	s0 =	sadd.s32 @!p0 $0x100000, s0  }
0xab: {  	[sflag:s0] =	ssyncadd.tile.s32 @!p0 $0x1;
	_ =	shalt  }
.Lfunc_end2:
_tile_overlayer_lowered:
.L_overlay_start_2:
0xac: {  	(tag) =	ssettag $0x2  }
0xad: {  	s0 =	rddreg [dreg:$0x0];
	s2 =	stileid.u32  }
0xae: {  	s1 =	rddreg [dreg:$0x1];
	p0 =	sne.s32 s2, $0x0  }
0xaf: {  	s3 =	rddreg [dreg:$0x2];
	[bflag:$0x3] =	sbarrier.arrive $0xFFFF;
	s2 =	simm.s32 @!p0 $0x1C05  }
0xb0: {  	[timem:s3], [sflag:s2] =	dma.local @!p0 [hbm:s0], s1  }
0xb1: {  	s0 =	simm.s32 @!p0 $0x5  }
0xb2: {  	_ =	swait.ge @!p0 [sflag:s0], s1  }
0xb3: {  	s1 =	ssub.s32 @!p0 $0x0, s1;
	[sflag:s0] =	ssyncset.done @!p0 $0x0  }
0xb4: {  	[sflag:s0] =	ssyncadd.s32 @!p0 s1  }
0xb5: {  	[bflag:$0x3] =	sbarrier.arrive $0xFFFF  }
0xb6: {  	_ =	shalt  }

// kernel: kernel.20.cloned.1.call-start
scs
__scs_entry_jumppad:
0x0: {  	(pc) =	sbr.rel $0x88, $3  }
0x1: {  	(tag) =	ssettag $0x0;
	lr =	simm.s32 $0x1  }
0x2: {  	[smem:$0x3F95] =	sst lr;
	_ =	strace $0xD0000000  }
0x3: {  	_ = 	snop  }
0x4: {  	_ = 	snop  }
0x5: {  	_ = 	snop  }
0x6: {  	_ = 	snop  }
0x7: {  	_ = 	snop  }
__scs_overlays_trampoline_lowered:
0x8: {  	[smem:$0x3FA4] =	sst s0  }
0x9: {  	[smem:$0x3FA5] =	sst s1  }
0xa: {  	[smem:$0x3FA6] =	sst s2  }
0xb: {  	[smem:$0x3FA7] =	sst s3  }
0xc: {  	[smem:$0x3FA8] =	sst s4  }
0xd: {  	[smem:$0x3FA9] =	sst s5  }
0xe: {  	[smem:$0x3FAA] =	sst s6  }
0xf: {  	[smem:$0x3FAB] =	sst s7  }
0x10: {  	[smem:$0x3FAC] =	sst s8  }
0x11: {  	[smem:$0x3FAD] =	sst s9;
	s0 =	simm.s32 @!p0 $0x0  }
0x12: {  	s1 =	sld [smem:$0x3F93];
	s0 =	simm.s32 @p0 $0x1  }
0x13: {  	[smem:$0x3FAE] =	sst s0;
	s0 =	simm.s32 @!p1 $0x0  }
0x14: {  	s2 =	sld [smem:$0x3F92];
	s0 =	simm.s32 @p1 $0x1  }
0x15: {  	[smem:$0x3FAF] =	sst s0;
	s0 =	simm.s32 @!p2 $0x0  }
0x16: {  	s3 =	sld [smem:$0x3FDB];
	s0 =	simm.s32 @p2 $0x1  }
0x17: {  	s4 =	simm.s32 $0x1BF5;
	[smem:$0x3FB1] =	sst s0  }
0x18: {  	s0 =	sld [smem:$0x3F94];
	_ =	swait.ge [sflag:s4], $0x0  }
0x19: {  	s7 =	sld [smem:$0x3F95]  }
0x1a: {  	s8 =	sadd.s32 $0xFFFFE003, lr  }
0x1b: {  	s9 =	sadd.s32 $0xFFFFFEF7, lr;
	s5 =	simm.s32 $0xFFFFFFFF;
	p2 =	slt.u32 s8, $0xFFFFF086  }
0x1c: {  	p1 =	slt.u32 s9, $0xF7A;
	s5 =	simm.s32 @!p2 $0x0  }
0x1d: {  	s5 =	simm.s32 @p1 $0x1;
	p0 =	seq.s32 s7, s2  }
0x1e: {  	s7 =	smul.u32 @!p0 $0xF7A, s2;
	p2 =	seq.s32 @!p0 s5, $0x0  }
0x1f: {  	s9 =	smul.u32 $0xF7A, s1;
	s8 =	simm.s32 @!p0 $0x1BF5;
	p2 =	por !p2, p0  }
0x20: {  	[sflag:s8] =	ssyncset.s32 @!p0 $0xFFFFF086;
	s6 =	sadd.s32 @!p0 s3, s7;
	s7 =	simm.s32 @!p0 $0x108  }
0x21: {  	s3 =	sadd.s32 s3, s9;
	s6 =	sadd.s32 @!p0 $0x88, s6;
	s7 =	simm.s32 @p2 $0x1082  }
0x22: {  	[simem:s7], [sflag:s8] =	dma.local @!p0 [hbm:s6], $0xF7A  }
0x23: {  	s9 =	sor.u32 $0xD0000000, s2;
	s6 =	simm.s32 $0x108;
	_ =	swait.ge @!p0 [sflag:s8], $0x0  }
0x24: {  	s3 =	sadd.s32 $0x88, s3;
	s6 =	simm.s32 @!p1 $0x1082;
	[sflag:s4] =	ssyncset.s32 $0xFFFFF086  }
0x25: {  	[simem:s6], [sflag:s4] =	dma.local [hbm:s3], $0xF7A  }
0x26: {  	[smem:$0x3F95] =	sst s1;
	(tag) =	ssettag s2;
	_ =	strace s9  }
0x27: {  	s1 =	sld [smem:$0x3FA5]  }
0x28: {  	s2 =	sld [smem:$0x3FA6]  }
0x29: {  	s4 =	sld [smem:$0x3FA8]  }
0x2a: {  	p0 =	seq.s32 s5, $0x0;
	s5 =	sld [smem:$0x3FA9]  }
0x2b: {  	s6 =	sld [smem:$0x3FAA]  }
0x2c: {  	s7 =	sld [smem:$0x3FAB]  }
0x2d: {  	s3 =	simm.s32 $0x108;
	s8 =	sld [smem:$0x3FAC]  }
0x2e: {  	s3 =	simm.s32 @!p0 $0x1082;
	s9 =	sld [smem:$0x3FAD]  }
0x2f: {  	lr =	sadd.s32 s0, s3;
	s0 =	sld [smem:$0x3FA4]  }
0x30: {  	s3 =	sld [smem:$0x3FA7]  }
0x31: {  	[smem:$0x3FB0] =	sst s10  }
0x32: {  	s10 =	sld [smem:$0x3FAE];
	_ =	sdelay $0x3  }
0x33: {  	p0 =	seq.s32 s10, $0x1;
	s10 =	sld [smem:$0x3FB0];
	_ =	sdelay $0x3  }
0x34: {  	[smem:$0x3FB0] =	sst s10  }
0x35: {  	s10 =	sld [smem:$0x3FAF];
	_ =	sdelay $0x3  }
0x36: {  	p1 =	seq.s32 s10, $0x1;
	s10 =	sld [smem:$0x3FB0];
	_ =	sdelay $0x3  }
0x37: {  	[smem:$0x3FB0] =	sst s10  }
0x38: {  	s10 =	sld [smem:$0x3FB1]  }
0x39: {  	_ = 	snop;
	(pc) =	sbr.ind lr, $3  }
0x3a: {  	_ = 	snop  }
0x3b: {  	_ = 	snop  }
0x3c: {  	p2 =	seq.s32 s10, $0x1;
	s10 =	sld [smem:$0x3FB0]  }
0x3d: {  	_ =	shalt  }
0x3e: {  	_ =	shalt  }
0x3f: {  	_ =	shalt  }
0x40: {  	_ =	shalt  }
0x41: {  	_ =	shalt  }
0x42: {  	_ =	shalt  }
0x43: {  	_ =	shalt  }
0x44: {  	_ =	shalt  }
0x45: {  	_ =	shalt  }
0x46: {  	_ =	shalt  }
0x47: {  	_ =	shalt  }
0x48: {  	_ =	shalt  }
0x49: {  	_ =	shalt  }
0x4a: {  	_ =	shalt  }
0x4b: {  	_ =	shalt  }
0x4c: {  	_ =	shalt  }
0x4d: {  	_ =	shalt  }
0x4e: {  	_ =	shalt  }
0x4f: {  	_ =	shalt  }
0x50: {  	_ =	shalt  }
0x51: {  	_ =	shalt  }
0x52: {  	_ =	shalt  }
0x53: {  	_ =	shalt  }
0x54: {  	_ =	shalt  }
0x55: {  	_ =	shalt  }
0x56: {  	_ =	shalt  }
0x57: {  	_ =	shalt  }
0x58: {  	_ =	shalt  }
0x59: {  	_ =	shalt  }
0x5a: {  	_ =	shalt  }
0x5b: {  	_ =	shalt  }
0x5c: {  	_ =	shalt  }
0x5d: {  	_ =	shalt  }
0x5e: {  	_ =	shalt  }
0x5f: {  	_ =	shalt  }
0x60: {  	_ =	shalt  }
0x61: {  	_ =	shalt  }
0x62: {  	_ =	shalt  }
0x63: {  	_ =	shalt  }
0x64: {  	_ =	shalt  }
0x65: {  	_ =	shalt  }
0x66: {  	_ =	shalt  }
0x67: {  	_ =	shalt  }
0x68: {  	_ =	shalt  }
0x69: {  	_ =	shalt  }
0x6a: {  	_ =	shalt  }
0x6b: {  	_ =	shalt  }
0x6c: {  	_ =	shalt  }
0x6d: {  	_ =	shalt  }
0x6e: {  	_ =	shalt  }
0x6f: {  	_ =	shalt  }
0x70: {  	_ =	shalt  }
0x71: {  	_ =	shalt  }
0x72: {  	_ =	shalt  }
0x73: {  	_ =	shalt  }
0x74: {  	_ =	shalt  }
0x75: {  	_ =	shalt  }
0x76: {  	_ =	shalt  }
0x77: {  	_ =	shalt  }
0x78: {  	_ =	shalt  }
0x79: {  	_ =	shalt  }
0x7a: {  	_ =	shalt  }
0x7b: {  	_ =	shalt  }
0x7c: {  	_ =	shalt  }
0x7d: {  	_ =	shalt  }
0x7e: {  	_ =	shalt  }
0x7f: {  	_ =	shalt  }
0x80: {  	_ =	shalt  }
0x81: {  	_ =	shalt  }
0x82: {  	_ =	shalt  }
0x83: {  	_ =	shalt  }
0x84: {  	_ =	shalt  }
0x85: {  	_ =	shalt  }
0x86: {  	_ =	shalt  }
0x87: {  	_ =	shalt  }
.Lfunc_end0:
.L_simem_size_0:
called_computation.3_lowered:
.L_overlay_start_0:
0x88: {  	s2 =	sld [smem:$0x3FD9]  }
0x89: {  	s3 =	sld [smem:$0x3FFE];
	_ =	sdelay $0x1  }
0x8a: {  	s1 =	srdreg.scid  }
0x8b: {  	s0 =	sand.u32 $0x1, s1  }
0x8c: {  	s14 =	sshll.u32 s0, $0xA;
	s2 =	sadd.s32 s3, s2  }
0x8d: {  	s2 =	sadd.s32 s2, s14  }
0x8e: {  	[smem:$0x3FBC] =	sst s2  }
0x8f: {  	_ = 	snop  }
0x90: {  	s2 =	sld [smem:$0x3FD0];
	_ =	sdelay $0x2  }
0x91: {  	s15 =	simm.s32 $0xA;
	s4 =	simm.s32 $0x10  }
0x92: {  	[smem:s4], [sflag:s15] =	dma.local [hbm:s2], $0x1  }
0x93: {  	_ =	swait.eq [sflag:s15], $0x1  }
0x94: {  	[sflag:s15] =	ssyncset.done $0x0  }
0x95: {  	[sflag:s15] =	ssyncadd.s32 $0xFFFFFFFF  }
0x96: {  	s16 =	sld [smem:$0x11];
	(tm) =	ssettm $0x1  }
0x97: {  	s17 =	sld [smem:$0x3FFB];
	_ =	sdelay $0x3  }
0x98: {  	_ =	strace s17  }
0x99: {  	s3 =	sld [smem:$0x3FFC];
	_ =	sdelay $0x3  }
0x9a: {  	_ =	strace s3  }
0x9b: {  	s3 =	sld [smem:$0x3FFD];
	_ =	sdelay $0x3  }
0x9c: {  	_ =	strace s3  }
0x9d: {  	_ =	strace $0x8FFFFFFF  }
0x9e: {  	s18 =	sld [smem:$0x3FDB];
	_ =	sdelay $0x1  }
0x9f: {  	s19 =	simm.s32 $_scs_section_size  }
0xa0: {  	s5 =	simm.s32 $_size__tile_overlayer_lowered;
	s6 =	simm.s32 $_tile_overlayer_lowered  }
0xa1: {  	s22 =	simm.s32 $0x1BFF;
	s21 =	sshll.u32 s6, $0x1;
	s3 =	sadd.s32 s19, s18  }
0xa2: {  	s7 =	simm.s32 $0x0;
	s20 =	sshll.u32 s5, $0x1;
	s5 =	sadd.s32 s21, s3  }
0xa3: {  	[timem:s7], [sflag:s22] =	dma.local [hbm:s5], s20  }
0xa4: {  	_ =	swait.ge [sflag:s22], s20  }
0xa5: {  	s4 =	ssub.s32 $0x0, s20;
	[sflag:s22] =	ssyncset.done $0x0  }
0xa6: {  	[sflag:s22] =	ssyncadd.s32 s4;
	_ =	sdelay $0x1  }
0xa7: {  	s23 =	simm.s32 $0x1B8B  }
0xa8: {  	_ =	swait.ge [sflag:s23], $0x1  }
0xa9: {  	[sflag:s23] =	ssyncset.done $0x0  }
0xaa: {  	s25 =	simm.s32 $0x1B8E;
	s24 =	sld [smem:$0x3FFE];
	[sflag:s23] =	ssyncadd.s32 $0xFFFFFFFF  }
0xab: {  	s26 =	simm.s32 $execute0_lowered;
	[smem:$0x3FD2] =	sst s25  }
0xac: {  	s5 =	sshll.u32 s26, $0x1;
	_ =	strace $0x8000004F;
	[dreg:$0x1] =	wrdreg $0xFFFFFFFF  }
0xad: {  	s28 =	simm.s32 $_size_execute0_lowered;
	s3 =	sadd.s32 s3, s5;
	[dreg:$0x0] =	wrdreg $0x0  }
0xae: {  	s5 =	sshll.u32 s28, $0x1;
	[dreg:$0x2] =	wrdreg s3  }
0xaf: {  	[dreg:$0x3] =	wrdreg s5  }
0xb0: {  	[dreg:$0x4] =	wrdreg $0xC0  }
0xb1: {  	_ =	task [dreg:s7], $0x5FFFF  }
0xb2: {  	[dreg:$0x1] =	wrdreg $0xFFFFFFFF  }
0xb3: {  	[dreg:$0x0] =	wrdreg $0x60  }
0xb4: {  	[dreg:$0x2] =	wrdreg s16  }
0xb5: {  	[dreg:$0x3] =	wrdreg s24  }
0xb6: {  	[dreg:$0x4] =	wrdreg $0xA8000  }
0xb7: {  	[dreg:$0x5] =	wrdreg $0x9  }
0xb8: {  	_ =	task.clear_ibuf [dreg:s7], $0x6FFFF;
	_ =	strace $0x9000004F  }
0xb9: {  	s29 =	simm.s32 $0x9;
	_ =	strace $0x80000051  }
0xba: {  	_ =	swait.ge [sflag:s29], $0x1  }
0xbb: {  	[sflag:s29] =	ssyncadd.s32 $0xFFFFFFFF  }
0xbc: {  	_ =	strace $0x90000051  }
0xbd: {  	_ =	sfence  }
0xbe: {  	s30 =	sld [smem:$0x0];
	_ =	sdelay $0x2  }
0xbf: {  	s31 =	sshll.u32 s1, $0xD;
	s1 =	sshrl.u32 s1, $0x2  }
0xc0: {  	s3 =	sand.u32 $0x4000, s31;
	s1 =	sadd.s32 s1, s30  }
0xc1: {  	s0 =	sor.u32 s3, s0;
	s1 =	sshll.u32 s1, $0x11  }
0xc2: {  	s0 =	sor.u32 s1, s0  }
0xc3: {  	s0 =	sadd.s32 $0x8F2B, s0  }
0xc4: {  	[sflag:s0] =	ssyncadd.remote.s32 $0x1  }
0xc5: {  	_ =	sfence.sel $0xFFFF  }
0xc6: {  	[dreg:$0x0] =	wrdreg $0xFFFFFFFF;
	(pc) =	sbr.abs _section_cstart, $3  }
0xc7: {  	[dreg:$0x1] =	wrdreg $0xFFFFFFFF  }
0xc8: {  	_ =	task.clear_ibuf [dreg:s7], $0x2FFFF;
	_ =	strace $0x9FFFFFFF  }
0xc9: {  	(tm) =	ssettm $0x7FFFFFFF  }
tec
execute0_lowered:
.L_overlay_start_1:
0x0: {  	(tag) =	ssettag $0x1  }
0x1: {  	s0 =	rddreg [dreg:$0x0]  }
0x2: {  	s3 =	rddreg [dreg:$0x1]  }
0x3: {  	s1 =	rddreg [dreg:$0x2]  }
0x4: {  	s2 =	simm.s32 $0x0;
	s6 =	srdreg.scid;
	s21 =	stileid.u32  }
0x5: {  	s28 =	simm.s32 $0x4;
	s29 =	simm.s32 $0x2700;
	s30 =	simm.s32 $0x2780  }
0x6: {  	s31 =	simm.s32 $0x0;
	[smem:$0x7FF] =	sst s2;
	s4 =	sadd.s32 $0xEC00, s3  }
0x7: {  	s5 =	sadd.s32 $0x5DC00, s3;
	s13 =	sand.u32 $0x1, s6;
	s7 =	smul.u32 $0x4F000, s21  }
0x8: {  	s6 =	sadd.s32 $0x4C00, s3;
	s12 =	smul.u32 $0x13C00, s21;
	s3 =	sadd.s32 $0x67C00, s3  }
0x9: {  	_ =	strace $0x80000050;
	s8 =	ssub.s32 $0x2, s13;
	s17 =	smul.u32 $0x13C000, s13  }
0xa: {  	p0 =	seq.s32 s13, $0x0;
	s9 =	sshrl.u32 s8, $0x1;
	s7 =	sshrl.u32 s7, $0x2  }
0xb: {  	s15 =	sadd.s32 $0x4000, s12;
	s16 =	sadd.s32 $0x8000, s12;
	s18 =	sadd.s32 $0xC000, s12  }
0xc: {  	s19 =	sadd.s32 $0x10000, s12;
	s4 =	smov.u32 @p0 s0;
	s14 =	ssub.s32 s8, s9  }
0xd: {  	s7 =	sadd.s32 s7, s1;
	s8 =	sadd.s32 s15, s1;
	s9 =	sadd.s32 s16, s1  }
0xe: {  	s10 =	sadd.s32 s18, s1;
	s11 =	sadd.s32 s19, s1;
	s20 =	sadd.s32 s12, s17  }
0xf: {  	s12 =	smul.u32 $0x5000, s21;
	s15 =	sadd.s32 s17, s15;
	s23 =	sadd.s32 s17, s16  }
0x10: {  	s24 =	sadd.s32 s17, s18;
	s17 =	sadd.s32 s17, s19;
	s19 =	simm.s32 $0x2800  }
0x11: {  	s20 =	sshrl.u32 s20, $0x3;
	s22 =	sshrl.u32 s15, $0x3;
	s25 =	sshrl.u32 s24, $0x3  }
0x12: {  	s26 =	sshrl.u32 s17, $0x3;
	s18 =	smax.u32 s14, $0x1;
	s24 =	simm.s32 $0x1  }
0x13: {  	s21 =	sadd.s32 s3, s20;
	s13 =	sadd.s32 s3, s22;
	s16 =	sadd.s32 s3, s25  }
0x14: {  	s17 =	sadd.s32 s3, s26;
	s20 =	simm.s32 $0x5;
	s22 =	simm.s32 $0x80  }
0x15: {  	s25 =	simm.s32 $0x2;
	[dreg:$0x5] =	wrdreg s13;
	s13 =	sshrl.u32 s23, $0x3  }
0x16: {  	s26 =	simm.s32 $0x3;
	[dreg:$0x4] =	wrdreg s21;
	s13 =	sadd.s32 s3, s13  }
0x17: {  	v0 =	vimm.f32 $0.0e+00;
	s21 =	simm.s32 $0x1400;
	s23 =	simm.s32 $0x6800;
	[dreg:$0x6] =	wrdreg s13  }
.LBB2_1:
0x18: {  	s0 =	simm.s32 $0x0;
	s3 =	simm.s32 $0x200  }
.LBB2_2:
0x19: {  	p0 =	sne.s32 s3, $0xFE00;
	[tilespmem:s0+$0x2870] =	vst v0  }
0x1a: {  	[tilespmem:s0+$0x2800] =	vst v0  }
0x1b: {  	[tilespmem:s0+$0x2810] =	vst v0  }
.Ltmp0:
0x1c: {  	[tilespmem:s0+$0x2820] =	vst v0;
	(pc) =	sbr.rel @p0 .LBB2_2-.Ltmp0, $4  }
0x1d: {  	[tilespmem:s0+$0x2830] =	vst v0  }
0x1e: {  	[tilespmem:s0+$0x2840] =	vst v0  }
0x1f: {  	[tilespmem:s0+$0x2850] =	vst v0  }
0x20: {  	[tilespmem:s0+$0x2860] =	vst v0;
	s0 =	sshra.s32 s3, $0x2;
	s3 =	sadd.s32 $0x200, s3  }
0x21: {  	[tilespmem:s0+$0x2870] =	vst v0  }
0x22: {  	[tilespmem:s0+$0x2800] =	vst v0  }
0x23: {  	[tilespmem:s0+$0x2810] =	vst v0  }
0x24: {  	[tilespmem:s0+$0x2820] =	vst v0  }
0x25: {  	[tilespmem:s0+$0x2830] =	vst v0  }
0x26: {  	[tilespmem:s0+$0x2840] =	vst v0  }
0x27: {  	[tilespmem:s0+$0x2850] =	vst v0  }
0x28: {  	[tilespmem:s0+$0x2860] =	vst v0  }
0x29: {  	[spmem:s7] =	stream.linear.scatter [tilespmem:s19], [sflag:$0x5], $0x4000, $0x38;
	[tilespmem:$0x1E400] =	vst v63  }
0x2a: {  	_ =	swait.ge [sflag:s20], $0x4000  }
0x2b: {  	[sflag:s20] =	ssyncset.done $0x0  }
0x2c: {  	[sflag:s20] =	ssyncadd.s32 $0xFFFFC000  }
0x2d: {  	[spmem:s8] =	stream.linear.scatter [tilespmem:s19], [sflag:$0x5], $0x4000, $0x38;
	[tilespmem:$0x1E400] =	vst v63  }
0x2e: {  	_ =	swait.ge [sflag:s20], $0x4000  }
0x2f: {  	[sflag:s20] =	ssyncset.done $0x0  }
0x30: {  	[sflag:s20] =	ssyncadd.s32 $0xFFFFC000  }
0x31: {  	[spmem:s9] =	stream.linear.scatter [tilespmem:s19], [sflag:$0x5], $0x4000, $0x38;
	[tilespmem:$0x1E400] =	vst v63  }
0x32: {  	_ =	swait.ge [sflag:s20], $0x4000  }
0x33: {  	[sflag:s20] =	ssyncset.done $0x0  }
0x34: {  	[sflag:s20] =	ssyncadd.s32 $0xFFFFC000  }
0x35: {  	[spmem:s10] =	stream.linear.scatter [tilespmem:s19], [sflag:$0x5], $0x4000, $0x38;
	[tilespmem:$0x1E400] =	vst v63  }
0x36: {  	_ =	swait.ge [sflag:s20], $0x4000  }
0x37: {  	[sflag:s20] =	ssyncset.done $0x0  }
0x38: {  	[sflag:s20] =	ssyncadd.s32 $0xFFFFC000  }
0x39: {  	[spmem:s11] =	stream.linear.scatter [tilespmem:s19], [sflag:$0x5], $0x3C00, $0x38;
	[tilespmem:$0x1E400] =	vst v63  }
0x3a: {  	_ =	swait.ge [sflag:s20], $0x3C00  }
0x3b: {  	[sflag:s20] =	ssyncset.done $0x0  }
0x3c: {  	[sflag:s20] =	ssyncadd.s32 $0xFFFFC400  }
0x3d: {  	s0 =	simm.s32 $0x0;
	s3 =	simm.s32 $0x0;
	[bflag:$0x0] =	sbarrier.arrive $0xFFFF  }
.LBB2_4:
0x3e: {  	s13 =	smul.u32 $0x1400, s3;
	_ =	sdelay $0x1  }
0x3f: {  	s13 =	sadd.s32 s12, s13  }
0x40: {  	s13 =	sshrl.u32 s13, $0x3  }
0x41: {  	s14 =	sadd.s32 s5, s13  }
0x42: {  	[tilespmem:s0], [sflag:$0x5] =	stream.linear.gather [hbm4b:s14+s0], $0x1400, $0x38;
	[tilespmem:$0x1E400] =	vst v63  }
0x43: {  	_ =	swait.ge [sflag:s20], $0x1400  }
0x44: {  	[sflag:s20] =	ssyncset.done $0x0  }
0x45: {  	s13 =	sadd.s32 s6, s13;
	[sflag:s20] =	ssyncadd.s32 $0xFFFFEC00  }
0x46: {  	[tilespmem:s21], [sflag:$0x5] =	stream.linear.gather [hbm4b:s13+s0], $0x1400, $0x38;
	[tilespmem:$0x1E400] =	vst v63  }
0x47: {  	_ =	swait.ge [sflag:s20], $0x1400  }
0x48: {  	[sflag:s20] =	ssyncset.done $0x0  }
0x49: {  	[sflag:s20] =	ssyncadd.s32 $0xFFFFEC00  }
0x4a: {  	[tilespmem:s19], [sflag:$0x1] =	stream.indirect.gather [hbm4b:s4+s22], $0x80, s0, s22, $0xb8;
	[tilespmem:$0x1E400] =	vst v63  }
0x4b: {  	_ = 	snop  }
0x4c: {  	[tilespmem:s23], [sflag:$0x2] =	stream.indirect.gather [hbm4b:s4+s22], $0x80, s22, s22, $0xb8;
	[tilespmem:$0x1E400] =	vst v63  }
0x4d: {  	_ =	swait.ge [sflag:s24], $0x4000  }
0x4e: {  	[sflag:s24] =	ssyncset.done $0x0  }
0x4f: {  	s15 =	simm.s32 $0x1400;
	[sflag:s24] =	ssyncadd.s32 $0xFFFFC000  }
0x50: {  	[spmem:s1] =	stream.indirect.scatter.add.f32 [tilespmem:s19], [sflag:$0x3], $0x80, s15, s22, $0xb8;
	[tilespmem:$0x1E400] =	vst v63  }
0x51: {  	_ =	swait.ge [sflag:s25], $0x4000  }
0x52: {  	[sflag:s25] =	ssyncset.done $0x0  }
0x53: {  	s14 =	simm.s32 $0x1480;
	[sflag:s25] =	ssyncadd.s32 $0xFFFFC000  }
0x54: {  	[spmem:s1] =	stream.indirect.scatter.add.f32 [tilespmem:s23], [sflag:$0x4], $0x80, s14, s22, $0xb8;
	[tilespmem:$0x1E400] =	vst v63  }
0x55: {  	_ =	swait.ge [sflag:s26], $0x4000  }
0x56: {  	[sflag:s26] =	ssyncset.done $0x0  }
0x57: {  	s15 =	simm.s32 $0x100;
	[sflag:s26] =	ssyncadd.s32 $0xFFFFC000  }
0x58: {  	[tilespmem:s19], [sflag:$0x1] =	stream.indirect.gather [hbm4b:s4+s22], $0x80, s15, s22, $0xb8;
	[tilespmem:$0x1E400] =	vst v63  }
0x59: {  	_ =	swait.ge [sflag:s28], $0x4000  }
0x5a: {  	[sflag:s28] =	ssyncset.done $0x0  }
0x5b: {  	s13 =	simm.s32 $0x400;
	s14 =	simm.s32 $0x180;
	[sflag:s28] =	ssyncadd.s32 $0xFFFFC000  }
.LBB2_5:
0x5c: {  	[tilespmem:s23], [sflag:$0x2] =	stream.indirect.gather [hbm4b:s4+s22], $0x80, s14, s22, $0xb8;
	[tilespmem:$0x1E400] =	vst v63  }
0x5d: {  	s14 =	smov.u32 s13  }
0x5e: {  	p0 =	sne.s32 s13, $0x4800;
	s13 =	sadd.s32 $0x400, s13;
	_ =	swait.ge [sflag:s24], $0x4000  }
0x5f: {  	s14 =	sshra.s32 s14, $0x2;
	[sflag:s24] =	ssyncset.done $0x0  }
0x60: {  	s15 =	sadd.s32 $0x1400, s14;
	[sflag:s24] =	ssyncadd.s32 $0xFFFFC000  }
0x61: {  	[spmem:s1] =	stream.indirect.scatter.add.f32 [tilespmem:s19], [sflag:$0x3], $0x80, s15, s22, $0xb8;
	[tilespmem:$0x1E400] =	vst v63  }
0x62: {  	_ =	swait.ge [sflag:s25], $0x4000  }
0x63: {  	[sflag:s25] =	ssyncset.done $0x0  }
0x64: {  	s15 =	sadd.s32 $0x1480, s14;
	[sflag:s25] =	ssyncadd.s32 $0xFFFFC000  }
0x65: {  	[spmem:s1] =	stream.indirect.scatter.add.f32 [tilespmem:s23], [sflag:$0x4], $0x80, s15, s22, $0xb8;
	[tilespmem:$0x1E400] =	vst v63  }
0x66: {  	_ =	swait.ge [sflag:s26], $0x4000  }
0x67: {  	[sflag:s26] =	ssyncset.done $0x0  }
.Ltmp1:
0x68: {  	s15 =	sadd.s32 $0x100, s14;
	[sflag:s26] =	ssyncadd.s32 $0xFFFFC000;
	(pc) =	sbr.rel @p0 .LBB2_5-.Ltmp1, $4  }
0x69: {  	[tilespmem:s19], [sflag:$0x1] =	stream.indirect.gather [hbm4b:s4+s22], $0x80, s15, s22, $0xb8;
	[tilespmem:$0x1E400] =	vst v63  }
0x6a: {  	_ =	swait.ge [sflag:s28], $0x4000  }
0x6b: {  	[sflag:s28] =	ssyncset.done $0x0  }
0x6c: {  	s14 =	sadd.s32 $0x180, s14;
	[sflag:s28] =	ssyncadd.s32 $0xFFFFC000  }
0x6d: {  	[tilespmem:s23], [sflag:$0x2] =	stream.indirect.gather [hbm4b:s4+s22], $0x80, s14, s22, $0xb8;
	[tilespmem:$0x1E400] =	vst v63  }
0x6e: {  	_ =	swait.ge [sflag:s24], $0x4000  }
0x6f: {  	[sflag:s24] =	ssyncset.done $0x0  }
0x70: {  	[sflag:s24] =	ssyncadd.s32 $0xFFFFC000  }
0x71: {  	[spmem:s1] =	stream.indirect.scatter.add.f32 [tilespmem:s19], [sflag:$0x3], $0x80, s29, s22, $0xb8;
	[tilespmem:$0x1E400] =	vst v63  }
0x72: {  	_ =	swait.ge [sflag:s25], $0x4000  }
0x73: {  	[sflag:s25] =	ssyncset.done $0x0  }
0x74: {  	s3 =	sadd.s32 $0x1, s3;
	[sflag:s25] =	ssyncadd.s32 $0xFFFFC000  }
0x75: {  	[spmem:s1] =	stream.indirect.scatter.add.f32 [tilespmem:s23], [sflag:$0x4], $0x80, s30, s22, $0xb8;
	[tilespmem:$0x1E400] =	vst v63  }
0x76: {  	p0 =	sne.s32 s3, $0x4;
	_ =	swait.ge [sflag:s26], $0x4000  }
.Ltmp2:
0x77: {  	[sflag:s26] =	ssyncset.done $0x0;
	(pc) =	sbr.rel @p0 .LBB2_4-.Ltmp2, $4  }
0x78: {  	[sflag:s26] =	ssyncadd.s32 $0xFFFFC000  }
0x79: {  	_ =	swait.ge [sflag:s28], $0x4000  }
0x7a: {  	[sflag:s28] =	ssyncset.done $0x0  }
0x7b: {  	[sflag:s28] =	ssyncadd.s32 $0xFFFFC000  }
0x7c: {  	[bflag:$0x0] =	sbarrier.arrive $0xFFFF  }
0x7d: {  	[tilespmem:s19], [sflag:$0x5] =	stream.linear.gather [spmem:s7], $0x4000, $0x38;
	[tilespmem:$0x1E400] =	vst v63  }
0x7e: {  	_ =	swait.ge [sflag:s20], $0x4000  }
0x7f: {  	[sflag:s20] =	ssyncset.done $0x0  }
0x80: {  	s0 =	rddreg [dreg:$0x4];
	[sflag:s20] =	ssyncadd.s32 $0xFFFFC000  }
0x81: {  	[hbm4b:s0+s2] =	stream.linear.scatter [tilespmem:s19], [sflag:$0x5], $0x4000, $0x38;
	[tilespmem:$0x1E400] =	vst v63  }
0x82: {  	_ =	swait.ge [sflag:s20], $0x4000  }
0x83: {  	[sflag:s20] =	ssyncset.done $0x0  }
0x84: {  	[sflag:s20] =	ssyncadd.s32 $0xFFFFC000  }
0x85: {  	[tilespmem:s19], [sflag:$0x5] =	stream.linear.gather [spmem:s8], $0x4000, $0x38;
	[tilespmem:$0x1E400] =	vst v63  }
0x86: {  	_ =	swait.ge [sflag:s20], $0x4000  }
0x87: {  	[sflag:s20] =	ssyncset.done $0x0  }
0x88: {  	s14 =	rddreg [dreg:$0x5];
	[sflag:s20] =	ssyncadd.s32 $0xFFFFC000  }
0x89: {  	[hbm4b:s14+s2] =	stream.linear.scatter [tilespmem:s19], [sflag:$0x5], $0x4000, $0x38;
	[tilespmem:$0x1E400] =	vst v63  }
0x8a: {  	_ =	swait.ge [sflag:s20], $0x4000  }
0x8b: {  	[sflag:s20] =	ssyncset.done $0x0  }
0x8c: {  	[sflag:s20] =	ssyncadd.s32 $0xFFFFC000  }
0x8d: {  	[tilespmem:s19], [sflag:$0x5] =	stream.linear.gather [spmem:s9], $0x4000, $0x38;
	[tilespmem:$0x1E400] =	vst v63  }
0x8e: {  	_ =	swait.ge [sflag:s20], $0x4000  }
0x8f: {  	[sflag:s20] =	ssyncset.done $0x0  }
0x90: {  	s15 =	rddreg [dreg:$0x6];
	[sflag:s20] =	ssyncadd.s32 $0xFFFFC000  }
0x91: {  	[hbm4b:s15+s2] =	stream.linear.scatter [tilespmem:s19], [sflag:$0x5], $0x4000, $0x38;
	[tilespmem:$0x1E400] =	vst v63  }
0x92: {  	_ =	swait.ge [sflag:s20], $0x4000  }
0x93: {  	[sflag:s20] =	ssyncset.done $0x0  }
0x94: {  	[sflag:s20] =	ssyncadd.s32 $0xFFFFC000  }
0x95: {  	[tilespmem:s19], [sflag:$0x5] =	stream.linear.gather [spmem:s10], $0x4000, $0x38;
	[tilespmem:$0x1E400] =	vst v63  }
0x96: {  	_ =	swait.ge [sflag:s20], $0x4000  }
0x97: {  	[sflag:s20] =	ssyncset.done $0x0  }
0x98: {  	[sflag:s20] =	ssyncadd.s32 $0xFFFFC000  }
0x99: {  	[hbm4b:s16+s2] =	stream.linear.scatter [tilespmem:s19], [sflag:$0x5], $0x4000, $0x38;
	[tilespmem:$0x1E400] =	vst v63  }
0x9a: {  	_ =	swait.ge [sflag:s20], $0x4000  }
0x9b: {  	[sflag:s20] =	ssyncset.done $0x0  }
0x9c: {  	[sflag:s20] =	ssyncadd.s32 $0xFFFFC000  }
0x9d: {  	[tilespmem:s19], [sflag:$0x5] =	stream.linear.gather [spmem:s11], $0x3C00, $0x38;
	[tilespmem:$0x1E400] =	vst v63  }
0x9e: {  	s31 =	sadd.s32 $0x1, s31;
	_ =	swait.ge [sflag:s20], $0x3C00  }
0x9f: {  	p0 =	sne.s32 s31, s18;
	[sflag:s20] =	ssyncset.done $0x0  }
.Ltmp3:
0xa0: {  	[sflag:s20] =	ssyncadd.s32 $0xFFFFC400;
	(pc) =	sbr.rel @p0 .LBB2_1-.Ltmp3, $4  }
0xa1: {  	[hbm4b:s17+s2] =	stream.linear.scatter [tilespmem:s19], [sflag:$0x5], $0x3C00, $0x38;
	[tilespmem:$0x1E400] =	vst v63  }
0xa2: {  	_ =	swait.ge [sflag:s20], $0x3C00  }
0xa3: {  	[sflag:s20] =	ssyncset.done $0x0  }
0xa4: {  	[sflag:s20] =	ssyncadd.s32 $0xFFFFC400  }
0xa5: {  	_ =	sfence.sel $0x180000  }
0xa6: {  	[bflag:$0x0] =	sbarrier.arrive $0xFFFF  }
0xa7: {  	_ =	strace $0x90000050  }
0xa8: {  	s0 =	stileid.u32;
	[bflag:$0x2] =	sbarrier.arrive $0xFFFF  }
0xa9: {  	p0 =	sne.s32 s0, $0x0;
	s0 =	rddreg [dreg:$0x3]  }
0xaa: {  	s0 =	sadd.s32 @!p0 $0x100000, s0  }
0xab: {  	[sflag:s0] =	ssyncadd.tile.s32 @!p0 $0x1;
	_ =	shalt  }
.Lfunc_end2:
_tile_overlayer_lowered:
.L_overlay_start_2:
0xac: {  	(tag) =	ssettag $0x2  }
0xad: {  	s0 =	rddreg [dreg:$0x0];
	s2 =	stileid.u32  }
0xae: {  	s1 =	rddreg [dreg:$0x1];
	p0 =	sne.s32 s2, $0x0  }
0xaf: {  	s3 =	rddreg [dreg:$0x2];
	[bflag:$0x3] =	sbarrier.arrive $0xFFFF;
	s2 =	simm.s32 @!p0 $0x1C05  }
0xb0: {  	[timem:s3], [sflag:s2] =	dma.local @!p0 [hbm:s0], s1  }
0xb1: {  	s0 =	simm.s32 @!p0 $0x5  }
0xb2: {  	_ =	swait.ge @!p0 [sflag:s0], s1  }
0xb3: {  	s1 =	ssub.s32 @!p0 $0x0, s1;
	[sflag:s0] =	ssyncset.done @!p0 $0x0  }
0xb4: {  	[sflag:s0] =	ssyncadd.s32 @!p0 s1  }
0xb5: {  	[bflag:$0x3] =	sbarrier.arrive $0xFFFF  }
0xb6: {  	_ =	shalt  }

</sc_bundles>
